<compile_context>
chip_gen: v7x
topology: tpu7x:2x2x1
jax: 0.10.2.dev20260603
libtpu: 0.0.44.dev20260713+nightly
codegen_flags: <defaults>
</compile_context>

<pallas_src>
import functools

import jax
import jax.numpy as jnp
from jax import lax
from jax.experimental import pallas as pl
from jax.experimental.pallas import tpu as pltpu
from jax.experimental.pallas import tpu_sc as plsc

NC, NS, L = 2, 16, 16
NW = NC * NS
B, S, H = 4, 2048, 768
TOK = B * S
TPW = TOK // NW
C = 16
NCH = TPW // C
NJ = H // L
EPS = 1e-12


_DNUMS = lax.GatherDimensionNumbers(
    offset_dims=(), collapsed_slice_dims=(0,), start_index_map=(0,))


def _lane_broadcast(vec, t):
    idxv = jnp.full((L,), t, jnp.int32)
    return lax.gather(vec, idxv[:, None], _DNUMS, slice_sizes=(1,),
                      mode=lax.GatherScatterMode.PROMISE_IN_BOUNDS)


def _body(ids, tts, word, pos, typ, gamma, beta, out,
          idx_v, tt_v, tybuf, wbuf, pbuf, obuf, g_v, b_v, sbuf, qbuf,
          sem_g, sem_o):
    wid = lax.axis_index("s") * NC + lax.axis_index("c")
    base = wid * TPW
    s_base = lax.rem(base, S)

    pltpu.sync_copy(gamma, g_v)
    pltpu.sync_copy(beta, b_v)
    pltpu.sync_copy(typ, tybuf)
    pltpu.sync_copy(ids.at[pl.ds(base, TPW)], idx_v)
    pltpu.sync_copy(tts.at[pl.ds(base, TPW)], tt_v)

    def issue(cc, b):
        s0 = s_base + cc * C
        pltpu.async_copy(word.at[idx_v.at[pl.ds(cc * C, C)]], wbuf[b], sem_g[b])
        pltpu.async_copy(pos.at[pl.ds(s0, C)], pbuf[b], sem_g[b])

    def wait_gathers(b):
        pltpu.make_async_copy(word.at[idx_v.at[pl.ds(0, C)]], wbuf[b],
                              sem_g[b]).wait()
        pltpu.make_async_copy(pos.at[pl.ds(0, C)], pbuf[b], sem_g[b]).wait()

    def wait_scatter(cc, b):
        tok0 = base + cc * C
        pltpu.make_async_copy(obuf[b], out.at[pl.ds(tok0, C)], sem_o[b]).wait()

    def compute(cc, b):
        w, p, o = wbuf[b], pbuf[b], obuf[b]
        z = jnp.zeros((L,), jnp.float32)

        ttv = tt_v[pl.ds(cc * C, L)]
        rowv = [_lane_broadcast(ttv, t) for t in range(C)]
        lanes = lax.iota(jnp.int32, L)

        @plsc.parallel_loop(0, NJ, step=1, carry=(z,) * (2 * C))
        def p1(j, acc):
            acc = list(acc)
            sl = pl.ds(j * L, L)
            cols = lanes + j * L
            for t in range(C):
                tyv = plsc.load_gather(tybuf, [rowv[t], cols])
                x = w[t, sl] + p[t, sl] + tyv
                o[t, sl] = x
                acc[t] = acc[t] + x
                acc[C + t] = acc[C + t] + x * x
            return tuple(acc)

        for t in range(C):
            sbuf[t, :] = p1[t]
            qbuf[t, :] = p1[C + t]
        rows = lax.iota(jnp.int32, L)
        tot_s = z
        tot_q = z
        for l in range(L):
            col = jnp.full((L,), l, jnp.int32)
            tot_s = tot_s + plsc.load_gather(sbuf, [rows, col])
            tot_q = tot_q + plsc.load_gather(qbuf, [rows, col])
        means = tot_s * (1.0 / H)
        varis = tot_q * (1.0 / H) - means * means
        v = varis + EPS
        i = lax.bitcast_convert_type(v, jnp.int32)
        i = 0x5F3759DF - lax.shift_right_logical(i, 1)
        r = lax.bitcast_convert_type(i, jnp.float32)
        for _ in range(4):
            r = r * (1.5 - 0.5 * v * r * r)
        cs = -means * r
        rvs = [_lane_broadcast(r, t) for t in range(C)]
        cvs = [_lane_broadcast(cs, t) for t in range(C)]

        @plsc.parallel_loop(0, NJ, step=1)
        def p2(j):
            sl = pl.ds(j * L, L)
            g = g_v[sl]
            bb = b_v[sl]
            for t in range(C):
                o[t, sl] = (o[t, sl] * rvs[t] + cvs[t]) * g + bb

    issue(0, 0)
    issue(1, 1)

    def pair_body(i, carry):
        for b in range(2):
            cc = 2 * i + b
            wait_gathers(b)

            @pl.when(cc >= 2)
            def _():
                wait_scatter(cc - 2, b)

            compute(cc, b)
            tok0 = base + cc * C
            pltpu.async_copy(obuf[b], out.at[pl.ds(tok0, C)], sem_o[b])

            @pl.when(cc + 2 < NCH)
            def _():
                issue(cc + 2, b)
        return carry

    lax.fori_loop(0, NCH // 2, pair_body, 0)
    wait_scatter(NCH - 2, 0)
    wait_scatter(NCH - 1, 1)


_sc_embed = functools.partial(
    pl.kernel,
    mesh=plsc.VectorSubcoreMesh(core_axis_name="c", subcore_axis_name="s"),
    out_type=jax.ShapeDtypeStruct((TOK, H), jnp.float32),
    scratch_types=[
        pltpu.VMEM((TPW,), jnp.int32),
        pltpu.VMEM((TPW,), jnp.int32),
        pltpu.VMEM((2, H), jnp.float32),
        [pltpu.VMEM((C, H), jnp.float32) for _ in range(2)],
        [pltpu.VMEM((C, H), jnp.float32) for _ in range(2)],
        [pltpu.VMEM((C, H), jnp.float32) for _ in range(2)],
        pltpu.VMEM((H,), jnp.float32),
        pltpu.VMEM((H,), jnp.float32),
        pltpu.VMEM((C, L), jnp.float32),
        pltpu.VMEM((C, L), jnp.float32),
        [pltpu.SemaphoreType.DMA for _ in range(2)],
        [pltpu.SemaphoreType.DMA for _ in range(2)],
    ],
    compiler_params=pltpu.CompilerParams(needs_layout_passes=False),
)(_body)


@jax.jit
def kernel(input_ids, token_type_ids, word_emb, pos_emb, type_emb, gamma, beta):
    ids = input_ids.reshape(-1).astype(jnp.int32)
    tts = token_type_ids.reshape(-1).astype(jnp.int32)
    out = _sc_embed(ids, tts, word_emb, pos_emb, type_emb, gamma, beta)
    return out.reshape(B, S, H)

# --- scband reference (transcript-rebuilt; emitter-appended) ---
"""Pipeline reference for scband-embedder-for-bert-2267742732439 (READ-ONLY COPY).

The authoritative reference and input builder live on the scoring server;
editing this copy changes nothing except your own understanding.
"""

import jax, jax.numpy as jnp
import numpy as np

VOCAB = 100000
HIDDEN = 768
MAX_POS = 2048
TYPE_VOCAB = 2
BATCH = 4
SEQ = 2048
EPS = 1e-12

def setup_inputs(seed: int = 0) -> dict:
    key = jax.random.key(seed)
    k1, k2, k3, k4, k5 = jax.random.split(key, 5)
    input_ids = jax.random.randint(k1, (BATCH, SEQ), 0, VOCAB, dtype=jnp.int64 if jax.config.jax_enable_x64 else jnp.int32)
    token_type_ids = jax.random.randint(k2, (BATCH, SEQ), 0, TYPE_VOCAB, dtype=jnp.int64 if jax.config.jax_enable_x64 else jnp.int32)
    word_emb = jax.random.normal(k3, (VOCAB, HIDDEN), dtype=jnp.float32) * 0.02
    word_emb = word_emb.at[0].set(0.0)  # padding_idx=0
    pos_emb = jax.random.normal(k4, (MAX_POS, HIDDEN), dtype=jnp.float32) * 0.02
    type_emb = jax.random.normal(k5, (TYPE_VOCAB, HIDDEN), dtype=jnp.float32) * 0.02
    gamma = jnp.ones((HIDDEN,), dtype=jnp.float32)
    beta = jnp.zeros((HIDDEN,), dtype=jnp.float32)
    return {"input_ids": input_ids, "token_type_ids": token_type_ids,
            "word_emb": word_emb, "pos_emb": pos_emb, "type_emb": type_emb,
            "gamma": gamma, "beta": beta}

def _layer_norm(x, gamma, beta):
    mean = jnp.mean(x, axis=-1, keepdims=True)
    var = jnp.mean((x - mean) ** 2, axis=-1, keepdims=True)
    return gamma * (x - mean) / jnp.sqrt(var + EPS) + beta

def reference(input_ids, token_type_ids, word_emb, pos_emb, type_emb, gamma, beta):
    embed = jnp.take(word_emb, input_ids, axis=0)                   # (B, S, H)
    type_e = jnp.take(type_emb, token_type_ids, axis=0)             # (B, S, H)
    n_token = input_ids.shape[1]
    pos_ids = jnp.broadcast_to(jnp.arange(n_token)[None, :], input_ids.shape)
    pos_e = jnp.take(pos_emb, pos_ids, axis=0)                      # (B, S, H)
    embeddings = embed + type_e + pos_e
    embeddings = _layer_norm(embeddings, gamma, beta)
    # dropout is identity in eval mode
    return embeddings

if __name__ == "__main__":
    import jax
    _d = setup_inputs()
    print(jax.jit(kernel)(*tuple(_d.values())))

</pallas_src>

<mosaic_0001>
#map = affine_map<(d0, d1) -> (0)>
#map1 = affine_map<(d0, d1) -> (0, 0)>
module attributes {stable_mosaic.version = 14 : i64} {
  func.func @_body(%arg0: i32, %arg1: i32, %arg2: memref<8192xi32, #tpu.memory_space<hbm>>, %arg3: memref<8192xi32, #tpu.memory_space<hbm>>, %arg4: memref<100000x768xf32, #tpu.memory_space<hbm>>, %arg5: memref<2048x768xf32, #tpu.memory_space<hbm>>, %arg6: memref<2x768xf32, #tpu.memory_space<hbm>>, %arg7: memref<768xf32, #tpu.memory_space<hbm>>, %arg8: memref<768xf32, #tpu.memory_space<hbm>>, %arg9: memref<8192x768xf32, #tpu.memory_space<hbm>>, %arg10: memref<256xi32, #tpu.memory_space<vmem>>, %arg11: memref<256xi32, #tpu.memory_space<vmem>>, %arg12: memref<2x768xf32, #tpu.memory_space<vmem>>, %arg13: memref<16x768xf32, #tpu.memory_space<vmem>>, %arg14: memref<16x768xf32, #tpu.memory_space<vmem>>, %arg15: memref<16x768xf32, #tpu.memory_space<vmem>>, %arg16: memref<16x768xf32, #tpu.memory_space<vmem>>, %arg17: memref<16x768xf32, #tpu.memory_space<vmem>>, %arg18: memref<16x768xf32, #tpu.memory_space<vmem>>, %arg19: memref<768xf32, #tpu.memory_space<vmem>>, %arg20: memref<768xf32, #tpu.memory_space<vmem>>, %arg21: memref<16x16xf32, #tpu.memory_space<vmem>>, %arg22: memref<16x16xf32, #tpu.memory_space<vmem>>, %arg23: memref<!tpu.dma_semaphore, #tpu.memory_space<semaphore_mem>>, %arg24: memref<!tpu.dma_semaphore, #tpu.memory_space<semaphore_mem>>, %arg25: memref<!tpu.dma_semaphore, #tpu.memory_space<semaphore_mem>>, %arg26: memref<!tpu.dma_semaphore, #tpu.memory_space<semaphore_mem>>) attributes {dimension_semantics = [#tpu.dimension_semantics<core_parallel>, #tpu.dimension_semantics<subcore_parallel>], iteration_bounds = array<i64: 2, 16>, scalar_prefetch = 0 : i64, scratch_operands = 17 : i64, tpu.core_type = #tpu.core_type<sc_vector_subcore>, window_params = [{transform_indices = #map}, {transform_indices = #map}, {transform_indices = #map1}, {transform_indices = #map1}, {transform_indices = #map1}, {transform_indices = #map}, {transform_indices = #map}, {transform_indices = #map1}]} {
    %mul3A = arith.constant 2 : i32
    %mul3A_0 = arith.muli %arg1, %mul3A : i32
    %add3A = arith.addi %mul3A_0, %arg0 : i32
    %mul3A_1 = arith.constant 256 : i32
    %mul3A_2 = arith.muli %add3A, %mul3A_1 : i32
    %rem3A = arith.constant 2048 : i32
    %rem3A_3 = arith.remsi %mul3A_2, %rem3A : i32
    "tpu.region"() ({
      %run_scoped3A = tpu.sem_alloc : memref<!tpu.dma_semaphore, #tpu.memory_space<semaphore_mem>>
      tpu.enqueue_dma source(%arg7 : memref<768xf32, #tpu.memory_space<hbm>>) target(%arg19 : memref<768xf32, #tpu.memory_space<vmem>>) target_semaphore(%run_scoped3A : memref<!tpu.dma_semaphore, #tpu.memory_space<semaphore_mem>>)
      tpu.wait_dma2 semaphore(%run_scoped3A : memref<!tpu.dma_semaphore, #tpu.memory_space<semaphore_mem>>) src(%arg7 : memref<768xf32, #tpu.memory_space<hbm>>) dst(%arg19 : memref<768xf32, #tpu.memory_space<vmem>>)
      tpu.yield
    }) : () -> ()
    "tpu.region"() ({
      %run_scoped3A = tpu.sem_alloc : memref<!tpu.dma_semaphore, #tpu.memory_space<semaphore_mem>>
      tpu.enqueue_dma source(%arg8 : memref<768xf32, #tpu.memory_space<hbm>>) target(%arg20 : memref<768xf32, #tpu.memory_space<vmem>>) target_semaphore(%run_scoped3A : memref<!tpu.dma_semaphore, #tpu.memory_space<semaphore_mem>>)
      tpu.wait_dma2 semaphore(%run_scoped3A : memref<!tpu.dma_semaphore, #tpu.memory_space<semaphore_mem>>) src(%arg8 : memref<768xf32, #tpu.memory_space<hbm>>) dst(%arg20 : memref<768xf32, #tpu.memory_space<vmem>>)
      tpu.yield
    }) : () -> ()
    "tpu.region"() ({
      %run_scoped3A = tpu.sem_alloc : memref<!tpu.dma_semaphore, #tpu.memory_space<semaphore_mem>>
      tpu.enqueue_dma source(%arg6 : memref<2x768xf32, #tpu.memory_space<hbm>>) target(%arg12 : memref<2x768xf32, #tpu.memory_space<vmem>>) target_semaphore(%run_scoped3A : memref<!tpu.dma_semaphore, #tpu.memory_space<semaphore_mem>>)
      tpu.wait_dma2 semaphore(%run_scoped3A : memref<!tpu.dma_semaphore, #tpu.memory_space<semaphore_mem>>) src(%arg6 : memref<2x768xf32, #tpu.memory_space<hbm>>) dst(%arg12 : memref<2x768xf32, #tpu.memory_space<vmem>>)
      tpu.yield
    }) : () -> ()
    "tpu.region"() ({
      %run_scoped3A = tpu.sem_alloc : memref<!tpu.dma_semaphore, #tpu.memory_space<semaphore_mem>>
      %dma_start3A_41 = tpu.memref_slice %arg2[%mul3A_2] : memref<8192xi32, #tpu.memory_space<hbm>> -> memref<256xi32, #tpu.memory_space<hbm>>
      %dma_start3A_42 = tpu.memref_slice %arg2[%mul3A_2] : memref<8192xi32, #tpu.memory_space<hbm>> -> memref<256xi32, #tpu.memory_space<hbm>>
      tpu.enqueue_dma source(%dma_start3A_42 : memref<256xi32, #tpu.memory_space<hbm>>) target(%arg10 : memref<256xi32, #tpu.memory_space<vmem>>) target_semaphore(%run_scoped3A : memref<!tpu.dma_semaphore, #tpu.memory_space<semaphore_mem>>)
      %dma_wait3A_43 = tpu.memref_slice %arg2[%mul3A_2] : memref<8192xi32, #tpu.memory_space<hbm>> -> memref<256xi32, #tpu.memory_space<hbm>>
      %dma_wait3A_44 = tpu.memref_slice %arg2[%mul3A_2] : memref<8192xi32, #tpu.memory_space<hbm>> -> memref<256xi32, #tpu.memory_space<hbm>>
      tpu.wait_dma2 semaphore(%run_scoped3A : memref<!tpu.dma_semaphore, #tpu.memory_space<semaphore_mem>>) src(%dma_wait3A_44 : memref<256xi32, #tpu.memory_space<hbm>>) dst(%arg10 : memref<256xi32, #tpu.memory_space<vmem>>)
      tpu.yield
    }) : () -> ()
    "tpu.region"() ({
      %run_scoped3A = tpu.sem_alloc : memref<!tpu.dma_semaphore, #tpu.memory_space<semaphore_mem>>
      %dma_start3A_41 = tpu.memref_slice %arg3[%mul3A_2] : memref<8192xi32, #tpu.memory_space<hbm>> -> memref<256xi32, #tpu.memory_space<hbm>>
      %dma_start3A_42 = tpu.memref_slice %arg3[%mul3A_2] : memref<8192xi32, #tpu.memory_space<hbm>> -> memref<256xi32, #tpu.memory_space<hbm>>
      tpu.enqueue_dma source(%dma_start3A_42 : memref<256xi32, #tpu.memory_space<hbm>>) target(%arg11 : memref<256xi32, #tpu.memory_space<vmem>>) target_semaphore(%run_scoped3A : memref<!tpu.dma_semaphore, #tpu.memory_space<semaphore_mem>>)
      %dma_wait3A_43 = tpu.memref_slice %arg3[%mul3A_2] : memref<8192xi32, #tpu.memory_space<hbm>> -> memref<256xi32, #tpu.memory_space<hbm>>
      %dma_wait3A_44 = tpu.memref_slice %arg3[%mul3A_2] : memref<8192xi32, #tpu.memory_space<hbm>> -> memref<256xi32, #tpu.memory_space<hbm>>
      tpu.wait_dma2 semaphore(%run_scoped3A : memref<!tpu.dma_semaphore, #tpu.memory_space<semaphore_mem>>) src(%dma_wait3A_44 : memref<256xi32, #tpu.memory_space<hbm>>) dst(%arg11 : memref<256xi32, #tpu.memory_space<vmem>>)
      tpu.yield
    }) : () -> ()
    %add3A_4 = arith.constant 0 : i32
    %add3A_5 = arith.addi %rem3A_3, %add3A_4 : i32
    %dma_start3A = arith.constant 0 : i32
    %dma_start3A_6 = tpu.memref_slice %arg10[%dma_start3A] : memref<256xi32, #tpu.memory_space<vmem>> -> memref<16xi32, #tpu.memory_space<vmem>>
    %dma_start3A_7 = arith.constant 0 : i32
    %dma_start3A_8 = arith.constant 0 : i32
    %dma_start3A_9 = tpu.memref_slice %arg4[%dma_start3A_7, %dma_start3A_8] : memref<100000x768xf32, #tpu.memory_space<hbm>> -> memref<100000x768xf32, #tpu.memory_space<hbm>>
    tpu.enqueue_indirect_dma source(%dma_start3A_9 : memref<100000x768xf32, #tpu.memory_space<hbm>>) target(%arg13 : memref<16x768xf32, #tpu.memory_space<vmem>>) offsets(%dma_start3A_6 : memref<16xi32, #tpu.memory_space<vmem>>) semaphore(%arg23 : memref<!tpu.dma_semaphore, #tpu.memory_space<semaphore_mem>>)
    %dma_start3A_10 = arith.constant 0 : i32
    %dma_start3A_11 = tpu.memref_slice %arg5[%add3A_5, %dma_start3A_10] : memref<2048x768xf32, #tpu.memory_space<hbm>> -> memref<16x768xf32, #tpu.memory_space<hbm>>
    %dma_start3A_12 = arith.constant 0 : i32
    %dma_start3A_13 = tpu.memref_slice %arg5[%add3A_5, %dma_start3A_12] : memref<2048x768xf32, #tpu.memory_space<hbm>> -> memref<16x768xf32, #tpu.memory_space<hbm>>
    tpu.enqueue_dma source(%dma_start3A_13 : memref<16x768xf32, #tpu.memory_space<hbm>>) target(%arg15 : memref<16x768xf32, #tpu.memory_space<vmem>>) target_semaphore(%arg23 : memref<!tpu.dma_semaphore, #tpu.memory_space<semaphore_mem>>)
    %add3A_14 = arith.constant 16 : i32
    %add3A_15 = arith.addi %rem3A_3, %add3A_14 : i32
    %dma_start3A_16 = arith.constant 16 : i32
    %dma_start3A_17 = tpu.memref_slice %arg10[%dma_start3A_16] : memref<256xi32, #tpu.memory_space<vmem>> -> memref<16xi32, #tpu.memory_space<vmem>>
    %dma_start3A_18 = arith.constant 0 : i32
    %dma_start3A_19 = arith.constant 0 : i32
    %dma_start3A_20 = tpu.memref_slice %arg4[%dma_start3A_18, %dma_start3A_19] : memref<100000x768xf32, #tpu.memory_space<hbm>> -> memref<100000x768xf32, #tpu.memory_space<hbm>>
    tpu.enqueue_indirect_dma source(%dma_start3A_20 : memref<100000x768xf32, #tpu.memory_space<hbm>>) target(%arg14 : memref<16x768xf32, #tpu.memory_space<vmem>>) offsets(%dma_start3A_17 : memref<16xi32, #tpu.memory_space<vmem>>) semaphore(%arg24 : memref<!tpu.dma_semaphore, #tpu.memory_space<semaphore_mem>>)
    %dma_start3A_21 = arith.constant 0 : i32
    %dma_start3A_22 = tpu.memref_slice %arg5[%add3A_15, %dma_start3A_21] : memref<2048x768xf32, #tpu.memory_space<hbm>> -> memref<16x768xf32, #tpu.memory_space<hbm>>
    %dma_start3A_23 = arith.constant 0 : i32
    %dma_start3A_24 = tpu.memref_slice %arg5[%add3A_15, %dma_start3A_23] : memref<2048x768xf32, #tpu.memory_space<hbm>> -> memref<16x768xf32, #tpu.memory_space<hbm>>
    tpu.enqueue_dma source(%dma_start3A_24 : memref<16x768xf32, #tpu.memory_space<hbm>>) target(%arg16 : memref<16x768xf32, #tpu.memory_space<vmem>>) target_semaphore(%arg24 : memref<!tpu.dma_semaphore, #tpu.memory_space<semaphore_mem>>)
    %scan3A = arith.constant 0 : i32
    %scan3A_25 = arith.constant 0 : i32
    %scan3A_26 = arith.constant 8 : i32
    %scan3A_27 = arith.addi %scan3A_25, %scan3A_26 : i32
    %scan3A_28 = arith.constant 1 : i32
    scf.for %scan3A_41 = %scan3A_25 to %scan3A_27 step %scan3A_28  : i32 {
      %mul3A_42 = arith.constant 2 : i32
      %mul3A_43 = arith.muli %mul3A_42, %scan3A_41 : i32
      %add3A_44 = arith.constant 0 : i32
      %add3A_45 = arith.addi %mul3A_43, %add3A_44 : i32
      %dma_wait3A_46 = arith.constant 0 : i32
      %dma_wait3A_47 = tpu.memref_slice %arg10[%dma_wait3A_46] : memref<256xi32, #tpu.memory_space<vmem>> -> memref<16xi32, #tpu.memory_space<vmem>>
      %dma_wait3A_48 = arith.constant 0 : i32
      %dma_wait3A_49 = arith.constant 0 : i32
      %dma_wait3A_50 = tpu.memref_slice %arg4[%dma_wait3A_48, %dma_wait3A_49] : memref<100000x768xf32, #tpu.memory_space<hbm>> -> memref<100000x768xf32, #tpu.memory_space<hbm>>
      tpu.wait_indirect_dma semaphore(%arg23 : memref<!tpu.dma_semaphore, #tpu.memory_space<semaphore_mem>>) src(%dma_wait3A_50 : memref<100000x768xf32, #tpu.memory_space<hbm>>) dst(%arg13 : memref<16x768xf32, #tpu.memory_space<vmem>>)
      %dma_wait3A_51 = arith.constant 0 : i32
      %dma_wait3A_52 = arith.constant 0 : i32
      %dma_wait3A_53 = tpu.memref_slice %arg5[%dma_wait3A_51, %dma_wait3A_52] : memref<2048x768xf32, #tpu.memory_space<hbm>> -> memref<16x768xf32, #tpu.memory_space<hbm>>
      %dma_wait3A_54 = arith.constant 0 : i32
      %dma_wait3A_55 = arith.constant 0 : i32
      %dma_wait3A_56 = tpu.memref_slice %arg5[%dma_wait3A_54, %dma_wait3A_55] : memref<2048x768xf32, #tpu.memory_space<hbm>> -> memref<16x768xf32, #tpu.memory_space<hbm>>
      tpu.wait_dma2 semaphore(%arg23 : memref<!tpu.dma_semaphore, #tpu.memory_space<semaphore_mem>>) src(%dma_wait3A_56 : memref<16x768xf32, #tpu.memory_space<hbm>>) dst(%arg15 : memref<16x768xf32, #tpu.memory_space<vmem>>)
      %ge3A = arith.constant 2 : i32
      %ge3A_57 = arith.cmpi sge, %add3A_45, %ge3A : i32
      %convert_element_type3A = arith.extui %ge3A_57 : i1 to i32
      %cond3A = arith.constant 0 : i32
      %cond3A_58 = arith.cmpi ne, %convert_element_type3A, %cond3A : i32
      scf.if %cond3A_58 {
        %sub3A_1172 = arith.constant 2 : i32
        %sub3A_1173 = arith.subi %add3A_45, %sub3A_1172 : i32
        %mul3A_1174 = arith.constant 16 : i32
        %mul3A_1175 = arith.muli %sub3A_1173, %mul3A_1174 : i32
        %add3A_1176 = arith.addi %mul3A_2, %mul3A_1175 : i32
        %dma_wait3A_1177 = arith.constant 0 : i32
        %dma_wait3A_1178 = tpu.memref_slice %arg9[%add3A_1176, %dma_wait3A_1177] : memref<8192x768xf32, #tpu.memory_space<hbm>> -> memref<16x768xf32, #tpu.memory_space<hbm>>
        %dma_wait3A_1179 = arith.constant 0 : i32
        %dma_wait3A_1180 = tpu.memref_slice %arg9[%add3A_1176, %dma_wait3A_1179] : memref<8192x768xf32, #tpu.memory_space<hbm>> -> memref<16x768xf32, #tpu.memory_space<hbm>>
        tpu.wait_dma2 semaphore(%arg25 : memref<!tpu.dma_semaphore, #tpu.memory_space<semaphore_mem>>) src(%arg17 : memref<16x768xf32, #tpu.memory_space<vmem>>) dst(%dma_wait3A_1180 : memref<16x768xf32, #tpu.memory_space<hbm>>)
      } else {
      }
      %broadcast_in_dim3A = arith.constant 0.000000e+00 : f32
      %broadcast_in_dim3A_59 = vector.broadcast %broadcast_in_dim3A : f32 to vector<16xf32>
      %mul3A_60 = arith.constant 16 : i32
      %mul3A_61 = arith.muli %add3A_45, %mul3A_60 : i32
      %get3A = arith.index_cast %mul3A_61 : i32 to index
      %get3A_62 = tpu.vector_load %arg11[%get3A] {strides = array<i32>} : memref<256xi32, #tpu.memory_space<vmem>>, vector<16xi32>,
      %broadcast_in_dim3A_63 = arith.constant 0 : i32
      %broadcast_in_dim3A_64 = vector.broadcast %broadcast_in_dim3A_63 : i32 to vector<16xi32>
      %broadcast_in_dim3A_65 = vector.shape_cast %broadcast_in_dim3A_64 : vector<16xi32> to vector<16x1xi32>
      %gather3A = vector.shape_cast %broadcast_in_dim3A_65 : vector<16x1xi32> to vector<16xi32>
      %gather3A_66 = tpu.dynamic_gather %get3A_62[%gather3A] in [0] : vector<16xi32>, vector<16xi32> -> vector<16xi32>
      %broadcast_in_dim3A_67 = arith.constant 1 : i32
      %broadcast_in_dim3A_68 = vector.broadcast %broadcast_in_dim3A_67 : i32 to vector<16xi32>
      %broadcast_in_dim3A_69 = vector.shape_cast %broadcast_in_dim3A_68 : vector<16xi32> to vector<16x1xi32>
      %gather3A_70 = vector.shape_cast %broadcast_in_dim3A_69 : vector<16x1xi32> to vector<16xi32>
      %gather3A_71 = tpu.dynamic_gather %get3A_62[%gather3A_70] in [0] : vector<16xi32>, vector<16xi32> -> vector<16xi32>
      %broadcast_in_dim3A_72 = arith.constant 2 : i32
      %broadcast_in_dim3A_73 = vector.broadcast %broadcast_in_dim3A_72 : i32 to vector<16xi32>
      %broadcast_in_dim3A_74 = vector.shape_cast %broadcast_in_dim3A_73 : vector<16xi32> to vector<16x1xi32>
      %gather3A_75 = vector.shape_cast %broadcast_in_dim3A_74 : vector<16x1xi32> to vector<16xi32>
      %gather3A_76 = tpu.dynamic_gather %get3A_62[%gather3A_75] in [0] : vector<16xi32>, vector<16xi32> -> vector<16xi32>
      %broadcast_in_dim3A_77 = arith.constant 3 : i32
      %broadcast_in_dim3A_78 = vector.broadcast %broadcast_in_dim3A_77 : i32 to vector<16xi32>
      %broadcast_in_dim3A_79 = vector.shape_cast %broadcast_in_dim3A_78 : vector<16xi32> to vector<16x1xi32>
      %gather3A_80 = vector.shape_cast %broadcast_in_dim3A_79 : vector<16x1xi32> to vector<16xi32>
      %gather3A_81 = tpu.dynamic_gather %get3A_62[%gather3A_80] in [0] : vector<16xi32>, vector<16xi32> -> vector<16xi32>
      %broadcast_in_dim3A_82 = arith.constant 4 : i32
      %broadcast_in_dim3A_83 = vector.broadcast %broadcast_in_dim3A_82 : i32 to vector<16xi32>
      %broadcast_in_dim3A_84 = vector.shape_cast %broadcast_in_dim3A_83 : vector<16xi32> to vector<16x1xi32>
      %gather3A_85 = vector.shape_cast %broadcast_in_dim3A_84 : vector<16x1xi32> to vector<16xi32>
      %gather3A_86 = tpu.dynamic_gather %get3A_62[%gather3A_85] in [0] : vector<16xi32>, vector<16xi32> -> vector<16xi32>
      %broadcast_in_dim3A_87 = arith.constant 5 : i32
      %broadcast_in_dim3A_88 = vector.broadcast %broadcast_in_dim3A_87 : i32 to vector<16xi32>
      %broadcast_in_dim3A_89 = vector.shape_cast %broadcast_in_dim3A_88 : vector<16xi32> to vector<16x1xi32>
      %gather3A_90 = vector.shape_cast %broadcast_in_dim3A_89 : vector<16x1xi32> to vector<16xi32>
      %gather3A_91 = tpu.dynamic_gather %get3A_62[%gather3A_90] in [0] : vector<16xi32>, vector<16xi32> -> vector<16xi32>
      %broadcast_in_dim3A_92 = arith.constant 6 : i32
      %broadcast_in_dim3A_93 = vector.broadcast %broadcast_in_dim3A_92 : i32 to vector<16xi32>
      %broadcast_in_dim3A_94 = vector.shape_cast %broadcast_in_dim3A_93 : vector<16xi32> to vector<16x1xi32>
      %gather3A_95 = vector.shape_cast %broadcast_in_dim3A_94 : vector<16x1xi32> to vector<16xi32>
      %gather3A_96 = tpu.dynamic_gather %get3A_62[%gather3A_95] in [0] : vector<16xi32>, vector<16xi32> -> vector<16xi32>
      %broadcast_in_dim3A_97 = arith.constant 7 : i32
      %broadcast_in_dim3A_98 = vector.broadcast %broadcast_in_dim3A_97 : i32 to vector<16xi32>
      %broadcast_in_dim3A_99 = vector.shape_cast %broadcast_in_dim3A_98 : vector<16xi32> to vector<16x1xi32>
      %gather3A_100 = vector.shape_cast %broadcast_in_dim3A_99 : vector<16x1xi32> to vector<16xi32>
      %gather3A_101 = tpu.dynamic_gather %get3A_62[%gather3A_100] in [0] : vector<16xi32>, vector<16xi32> -> vector<16xi32>
      %broadcast_in_dim3A_102 = arith.constant 8 : i32
      %broadcast_in_dim3A_103 = vector.broadcast %broadcast_in_dim3A_102 : i32 to vector<16xi32>
      %broadcast_in_dim3A_104 = vector.shape_cast %broadcast_in_dim3A_103 : vector<16xi32> to vector<16x1xi32>
      %gather3A_105 = vector.shape_cast %broadcast_in_dim3A_104 : vector<16x1xi32> to vector<16xi32>
      %gather3A_106 = tpu.dynamic_gather %get3A_62[%gather3A_105] in [0] : vector<16xi32>, vector<16xi32> -> vector<16xi32>
      %broadcast_in_dim3A_107 = arith.constant 9 : i32
      %broadcast_in_dim3A_108 = vector.broadcast %broadcast_in_dim3A_107 : i32 to vector<16xi32>
      %broadcast_in_dim3A_109 = vector.shape_cast %broadcast_in_dim3A_108 : vector<16xi32> to vector<16x1xi32>
      %gather3A_110 = vector.shape_cast %broadcast_in_dim3A_109 : vector<16x1xi32> to vector<16xi32>
      %gather3A_111 = tpu.dynamic_gather %get3A_62[%gather3A_110] in [0] : vector<16xi32>, vector<16xi32> -> vector<16xi32>
      %broadcast_in_dim3A_112 = arith.constant 10 : i32
      %broadcast_in_dim3A_113 = vector.broadcast %broadcast_in_dim3A_112 : i32 to vector<16xi32>
      %broadcast_in_dim3A_114 = vector.shape_cast %broadcast_in_dim3A_113 : vector<16xi32> to vector<16x1xi32>
      %gather3A_115 = vector.shape_cast %broadcast_in_dim3A_114 : vector<16x1xi32> to vector<16xi32>
      %gather3A_116 = tpu.dynamic_gather %get3A_62[%gather3A_115] in [0] : vector<16xi32>, vector<16xi32> -> vector<16xi32>
      %broadcast_in_dim3A_117 = arith.constant 11 : i32
      %broadcast_in_dim3A_118 = vector.broadcast %broadcast_in_dim3A_117 : i32 to vector<16xi32>
      %broadcast_in_dim3A_119 = vector.shape_cast %broadcast_in_dim3A_118 : vector<16xi32> to vector<16x1xi32>
      %gather3A_120 = vector.shape_cast %broadcast_in_dim3A_119 : vector<16x1xi32> to vector<16xi32>
      %gather3A_121 = tpu.dynamic_gather %get3A_62[%gather3A_120] in [0] : vector<16xi32>, vector<16xi32> -> vector<16xi32>
      %broadcast_in_dim3A_122 = arith.constant 12 : i32
      %broadcast_in_dim3A_123 = vector.broadcast %broadcast_in_dim3A_122 : i32 to vector<16xi32>
      %broadcast_in_dim3A_124 = vector.shape_cast %broadcast_in_dim3A_123 : vector<16xi32> to vector<16x1xi32>
      %gather3A_125 = vector.shape_cast %broadcast_in_dim3A_124 : vector<16x1xi32> to vector<16xi32>
      %gather3A_126 = tpu.dynamic_gather %get3A_62[%gather3A_125] in [0] : vector<16xi32>, vector<16xi32> -> vector<16xi32>
      %broadcast_in_dim3A_127 = arith.constant 13 : i32
      %broadcast_in_dim3A_128 = vector.broadcast %broadcast_in_dim3A_127 : i32 to vector<16xi32>
      %broadcast_in_dim3A_129 = vector.shape_cast %broadcast_in_dim3A_128 : vector<16xi32> to vector<16x1xi32>
      %gather3A_130 = vector.shape_cast %broadcast_in_dim3A_129 : vector<16x1xi32> to vector<16xi32>
      %gather3A_131 = tpu.dynamic_gather %get3A_62[%gather3A_130] in [0] : vector<16xi32>, vector<16xi32> -> vector<16xi32>
      %broadcast_in_dim3A_132 = arith.constant 14 : i32
      %broadcast_in_dim3A_133 = vector.broadcast %broadcast_in_dim3A_132 : i32 to vector<16xi32>
      %broadcast_in_dim3A_134 = vector.shape_cast %broadcast_in_dim3A_133 : vector<16xi32> to vector<16x1xi32>
      %gather3A_135 = vector.shape_cast %broadcast_in_dim3A_134 : vector<16x1xi32> to vector<16xi32>
      %gather3A_136 = tpu.dynamic_gather %get3A_62[%gather3A_135] in [0] : vector<16xi32>, vector<16xi32> -> vector<16xi32>
      %broadcast_in_dim3A_137 = arith.constant 15 : i32
      %broadcast_in_dim3A_138 = vector.broadcast %broadcast_in_dim3A_137 : i32 to vector<16xi32>
      %broadcast_in_dim3A_139 = vector.shape_cast %broadcast_in_dim3A_138 : vector<16xi32> to vector<16x1xi32>
      %gather3A_140 = vector.shape_cast %broadcast_in_dim3A_139 : vector<16x1xi32> to vector<16xi32>
      %gather3A_141 = tpu.dynamic_gather %get3A_62[%gather3A_140] in [0] : vector<16xi32>, vector<16xi32> -> vector<16xi32>
      %iota3A = tpu.iota {dimensions = array<i32: 0>} : vector<16xi32>
      %parallel_loop3A = arith.constant 0 : i32
      %parallel_loop3A_142 = arith.constant 48 : i32
      %parallel_loop3A_143 = arith.constant 1 : i32
      %parallel_loop3A_144:32 = scf.for %parallel_loop3A_1172 = %parallel_loop3A to %parallel_loop3A_142 step %parallel_loop3A_143 iter_args(%parallel_loop3A_1173 = %broadcast_in_dim3A_59, %parallel_loop3A_1174 = %broadcast_in_dim3A_59, %parallel_loop3A_1175 = %broadcast_in_dim3A_59, %parallel_loop3A_1176 = %broadcast_in_dim3A_59, %parallel_loop3A_1177 = %broadcast_in_dim3A_59, %parallel_loop3A_1178 = %broadcast_in_dim3A_59, %parallel_loop3A_1179 = %broadcast_in_dim3A_59, %parallel_loop3A_1180 = %broadcast_in_dim3A_59, %parallel_loop3A_1181 = %broadcast_in_dim3A_59, %parallel_loop3A_1182 = %broadcast_in_dim3A_59, %parallel_loop3A_1183 = %broadcast_in_dim3A_59, %parallel_loop3A_1184 = %broadcast_in_dim3A_59, %parallel_loop3A_1185 = %broadcast_in_dim3A_59, %parallel_loop3A_1186 = %broadcast_in_dim3A_59, %parallel_loop3A_1187 = %broadcast_in_dim3A_59, %parallel_loop3A_1188 = %broadcast_in_dim3A_59, %parallel_loop3A_1189 = %broadcast_in_dim3A_59, %parallel_loop3A_1190 = %broadcast_in_dim3A_59, %parallel_loop3A_1191 = %broadcast_in_dim3A_59, %parallel_loop3A_1192 = %broadcast_in_dim3A_59, %parallel_loop3A_1193 = %broadcast_in_dim3A_59, %parallel_loop3A_1194 = %broadcast_in_dim3A_59, %parallel_loop3A_1195 = %broadcast_in_dim3A_59, %parallel_loop3A_1196 = %broadcast_in_dim3A_59, %parallel_loop3A_1197 = %broadcast_in_dim3A_59, %parallel_loop3A_1198 = %broadcast_in_dim3A_59, %parallel_loop3A_1199 = %broadcast_in_dim3A_59, %parallel_loop3A_1200 = %broadcast_in_dim3A_59, %parallel_loop3A_1201 = %broadcast_in_dim3A_59, %parallel_loop3A_1202 = %broadcast_in_dim3A_59, %parallel_loop3A_1203 = %broadcast_in_dim3A_59, %parallel_loop3A_1204 = %broadcast_in_dim3A_59) -> (vector<16xf32>, vector<16xf32>, vector<16xf32>, vector<16xf32>, vector<16xf32>, vector<16xf32>, vector<16xf32>, vector<16xf32>, vector<16xf32>, vector<16xf32>, vector<16xf32>, vector<16xf32>, vector<16xf32>, vector<16xf32>, vector<16xf32>, vector<16xf32>, vector<16xf32>, vector<16xf32>, vector<16xf32>, vector<16xf32>, vector<16xf32>, vector<16xf32>, vector<16xf32>, vector<16xf32>, vector<16xf32>, vector<16xf32>, vector<16xf32>, vector<16xf32>, vector<16xf32>, vector<16xf32>, vector<16xf32>, vector<16xf32>)  : i32 {
        %parallel_loop3A_1205 = arith.constant 16 : i32
        %parallel_loop3A_1206 = arith.muli %parallel_loop3A_1172, %parallel_loop3A_1205 : i32
        %parallel_loop3A_1207 = arith.constant 16 : i32
        %parallel_loop3A_1208 = arith.muli %parallel_loop3A_1172, %parallel_loop3A_1207 : i32
        %parallel_loop3A_1209 = vector.broadcast %parallel_loop3A_1208 : i32 to vector<16xi32>
        %parallel_loop3A_1210 = arith.addi %iota3A, %parallel_loop3A_1209 : vector<16xi32>
        %parallel_loop3A_1211 = tpu.vector_load_idx %arg12[%gather3A_66, %parallel_loop3A_1210] : memref<2x768xf32, #tpu.memory_space<vmem>>[vector<16xi32>, vector<16xi32>], vector<16xf32>,
        %parallel_loop3A_1212 = arith.constant 0 : i32
        %parallel_loop3A_1213 = arith.index_cast %parallel_loop3A_1212 : i32 to index
        %parallel_loop3A_1214 = arith.index_cast %parallel_loop3A_1206 : i32 to index
        %parallel_loop3A_1215 = tpu.vector_load %arg13[%parallel_loop3A_1213, %parallel_loop3A_1214] {strides = array<i32>} : memref<16x768xf32, #tpu.memory_space<vmem>>, vector<16xf32>,
        %parallel_loop3A_1216 = arith.constant 0 : i32
        %parallel_loop3A_1217 = arith.index_cast %parallel_loop3A_1216 : i32 to index
        %parallel_loop3A_1218 = arith.index_cast %parallel_loop3A_1206 : i32 to index
        %parallel_loop3A_1219 = tpu.vector_load %arg15[%parallel_loop3A_1217, %parallel_loop3A_1218] {strides = array<i32>} : memref<16x768xf32, #tpu.memory_space<vmem>>, vector<16xf32>,
        %parallel_loop3A_1220 = arith.addf %parallel_loop3A_1215, %parallel_loop3A_1219 : vector<16xf32>
        %parallel_loop3A_1221 = arith.addf %parallel_loop3A_1220, %parallel_loop3A_1211 : vector<16xf32>
        %parallel_loop3A_1222 = arith.constant 0 : i32
        %parallel_loop3A_1223 = arith.index_cast %parallel_loop3A_1222 : i32 to index
        %parallel_loop3A_1224 = arith.index_cast %parallel_loop3A_1206 : i32 to index
        %parallel_loop3A_1225 = tpu.vector_load %arg17[%parallel_loop3A_1223, %parallel_loop3A_1224] {strides = array<i32>} : memref<16x768xf32, #tpu.memory_space<vmem>>, vector<16xf32>,
        tpu.vector_store %arg17[%parallel_loop3A_1223, %parallel_loop3A_1224], %parallel_loop3A_1221 {strides = array<i32>} : memref<16x768xf32, #tpu.memory_space<vmem>>, vector<16xf32>,
        %parallel_loop3A_1226 = arith.addf %parallel_loop3A_1173, %parallel_loop3A_1221 : vector<16xf32>
        %parallel_loop3A_1227 = arith.mulf %parallel_loop3A_1221, %parallel_loop3A_1221 : vector<16xf32>
        %parallel_loop3A_1228 = arith.addf %parallel_loop3A_1189, %parallel_loop3A_1227 : vector<16xf32>
        %parallel_loop3A_1229 = tpu.vector_load_idx %arg12[%gather3A_71, %parallel_loop3A_1210] : memref<2x768xf32, #tpu.memory_space<vmem>>[vector<16xi32>, vector<16xi32>], vector<16xf32>,
        %parallel_loop3A_1230 = arith.constant 1 : i32
        %parallel_loop3A_1231 = arith.index_cast %parallel_loop3A_1230 : i32 to index
        %parallel_loop3A_1232 = arith.index_cast %parallel_loop3A_1206 : i32 to index
        %parallel_loop3A_1233 = tpu.vector_load %arg13[%parallel_loop3A_1231, %parallel_loop3A_1232] {strides = array<i32>} : memref<16x768xf32, #tpu.memory_space<vmem>>, vector<16xf32>,
        %parallel_loop3A_1234 = arith.constant 1 : i32
        %parallel_loop3A_1235 = arith.index_cast %parallel_loop3A_1234 : i32 to index
        %parallel_loop3A_1236 = arith.index_cast %parallel_loop3A_1206 : i32 to index
        %parallel_loop3A_1237 = tpu.vector_load %arg15[%parallel_loop3A_1235, %parallel_loop3A_1236] {strides = array<i32>} : memref<16x768xf32, #tpu.memory_space<vmem>>, vector<16xf32>,
        %parallel_loop3A_1238 = arith.addf %parallel_loop3A_1233, %parallel_loop3A_1237 : vector<16xf32>
        %parallel_loop3A_1239 = arith.addf %parallel_loop3A_1238, %parallel_loop3A_1229 : vector<16xf32>
        %parallel_loop3A_1240 = arith.constant 1 : i32
        %parallel_loop3A_1241 = arith.index_cast %parallel_loop3A_1240 : i32 to index
        %parallel_loop3A_1242 = arith.index_cast %parallel_loop3A_1206 : i32 to index
        %parallel_loop3A_1243 = tpu.vector_load %arg17[%parallel_loop3A_1241, %parallel_loop3A_1242] {strides = array<i32>} : memref<16x768xf32, #tpu.memory_space<vmem>>, vector<16xf32>,
        tpu.vector_store %arg17[%parallel_loop3A_1241, %parallel_loop3A_1242], %parallel_loop3A_1239 {strides = array<i32>} : memref<16x768xf32, #tpu.memory_space<vmem>>, vector<16xf32>,
        %parallel_loop3A_1244 = arith.addf %parallel_loop3A_1174, %parallel_loop3A_1239 : vector<16xf32>
        %parallel_loop3A_1245 = arith.mulf %parallel_loop3A_1239, %parallel_loop3A_1239 : vector<16xf32>
        %parallel_loop3A_1246 = arith.addf %parallel_loop3A_1190, %parallel_loop3A_1245 : vector<16xf32>
        %parallel_loop3A_1247 = tpu.vector_load_idx %arg12[%gather3A_76, %parallel_loop3A_1210] : memref<2x768xf32, #tpu.memory_space<vmem>>[vector<16xi32>, vector<16xi32>], vector<16xf32>,
        %parallel_loop3A_1248 = arith.constant 2 : i32
        %parallel_loop3A_1249 = arith.index_cast %parallel_loop3A_1248 : i32 to index
        %parallel_loop3A_1250 = arith.index_cast %parallel_loop3A_1206 : i32 to index
        %parallel_loop3A_1251 = tpu.vector_load %arg13[%parallel_loop3A_1249, %parallel_loop3A_1250] {strides = array<i32>} : memref<16x768xf32, #tpu.memory_space<vmem>>, vector<16xf32>,
        %parallel_loop3A_1252 = arith.constant 2 : i32
        %parallel_loop3A_1253 = arith.index_cast %parallel_loop3A_1252 : i32 to index
        %parallel_loop3A_1254 = arith.index_cast %parallel_loop3A_1206 : i32 to index
        %parallel_loop3A_1255 = tpu.vector_load %arg15[%parallel_loop3A_1253, %parallel_loop3A_1254] {strides = array<i32>} : memref<16x768xf32, #tpu.memory_space<vmem>>, vector<16xf32>,
        %parallel_loop3A_1256 = arith.addf %parallel_loop3A_1251, %parallel_loop3A_1255 : vector<16xf32>
        %parallel_loop3A_1257 = arith.addf %parallel_loop3A_1256, %parallel_loop3A_1247 : vector<16xf32>
        %parallel_loop3A_1258 = arith.constant 2 : i32
        %parallel_loop3A_1259 = arith.index_cast %parallel_loop3A_1258 : i32 to index
        %parallel_loop3A_1260 = arith.index_cast %parallel_loop3A_1206 : i32 to index
        %parallel_loop3A_1261 = tpu.vector_load %arg17[%parallel_loop3A_1259, %parallel_loop3A_1260] {strides = array<i32>} : memref<16x768xf32, #tpu.memory_space<vmem>>, vector<16xf32>,
        tpu.vector_store %arg17[%parallel_loop3A_1259, %parallel_loop3A_1260], %parallel_loop3A_1257 {strides = array<i32>} : memref<16x768xf32, #tpu.memory_space<vmem>>, vector<16xf32>,
        %parallel_loop3A_1262 = arith.addf %parallel_loop3A_1175, %parallel_loop3A_1257 : vector<16xf32>
        %parallel_loop3A_1263 = arith.mulf %parallel_loop3A_1257, %parallel_loop3A_1257 : vector<16xf32>
        %parallel_loop3A_1264 = arith.addf %parallel_loop3A_1191, %parallel_loop3A_1263 : vector<16xf32>
        %parallel_loop3A_1265 = tpu.vector_load_idx %arg12[%gather3A_81, %parallel_loop3A_1210] : memref<2x768xf32, #tpu.memory_space<vmem>>[vector<16xi32>, vector<16xi32>], vector<16xf32>,
        %parallel_loop3A_1266 = arith.constant 3 : i32
        %parallel_loop3A_1267 = arith.index_cast %parallel_loop3A_1266 : i32 to index
        %parallel_loop3A_1268 = arith.index_cast %parallel_loop3A_1206 : i32 to index
        %parallel_loop3A_1269 = tpu.vector_load %arg13[%parallel_loop3A_1267, %parallel_loop3A_1268] {strides = array<i32>} : memref<16x768xf32, #tpu.memory_space<vmem>>, vector<16xf32>,
        %parallel_loop3A_1270 = arith.constant 3 : i32
        %parallel_loop3A_1271 = arith.index_cast %parallel_loop3A_1270 : i32 to index
        %parallel_loop3A_1272 = arith.index_cast %parallel_loop3A_1206 : i32 to index
        %parallel_loop3A_1273 = tpu.vector_load %arg15[%parallel_loop3A_1271, %parallel_loop3A_1272] {strides = array<i32>} : memref<16x768xf32, #tpu.memory_space<vmem>>, vector<16xf32>,
        %parallel_loop3A_1274 = arith.addf %parallel_loop3A_1269, %parallel_loop3A_1273 : vector<16xf32>
        %parallel_loop3A_1275 = arith.addf %parallel_loop3A_1274, %parallel_loop3A_1265 : vector<16xf32>
        %parallel_loop3A_1276 = arith.constant 3 : i32
        %parallel_loop3A_1277 = arith.index_cast %parallel_loop3A_1276 : i32 to index
        %parallel_loop3A_1278 = arith.index_cast %parallel_loop3A_1206 : i32 to index
        %parallel_loop3A_1279 = tpu.vector_load %arg17[%parallel_loop3A_1277, %parallel_loop3A_1278] {strides = array<i32>} : memref<16x768xf32, #tpu.memory_space<vmem>>, vector<16xf32>,
        tpu.vector_store %arg17[%parallel_loop3A_1277, %parallel_loop3A_1278], %parallel_loop3A_1275 {strides = array<i32>} : memref<16x768xf32, #tpu.memory_space<vmem>>, vector<16xf32>,
        %parallel_loop3A_1280 = arith.addf %parallel_loop3A_1176, %parallel_loop3A_1275 : vector<16xf32>
        %parallel_loop3A_1281 = arith.mulf %parallel_loop3A_1275, %parallel_loop3A_1275 : vector<16xf32>
        %parallel_loop3A_1282 = arith.addf %parallel_loop3A_1192, %parallel_loop3A_1281 : vector<16xf32>
        %parallel_loop3A_1283 = tpu.vector_load_idx %arg12[%gather3A_86, %parallel_loop3A_1210] : memref<2x768xf32, #tpu.memory_space<vmem>>[vector<16xi32>, vector<16xi32>], vector<16xf32>,
        %parallel_loop3A_1284 = arith.constant 4 : i32
        %parallel_loop3A_1285 = arith.index_cast %parallel_loop3A_1284 : i32 to index
        %parallel_loop3A_1286 = arith.index_cast %parallel_loop3A_1206 : i32 to index
        %parallel_loop3A_1287 = tpu.vector_load %arg13[%parallel_loop3A_1285, %parallel_loop3A_1286] {strides = array<i32>} : memref<16x768xf32, #tpu.memory_space<vmem>>, vector<16xf32>,
        %parallel_loop3A_1288 = arith.constant 4 : i32
        %parallel_loop3A_1289 = arith.index_cast %parallel_loop3A_1288 : i32 to index
        %parallel_loop3A_1290 = arith.index_cast %parallel_loop3A_1206 : i32 to index
        %parallel_loop3A_1291 = tpu.vector_load %arg15[%parallel_loop3A_1289, %parallel_loop3A_1290] {strides = array<i32>} : memref<16x768xf32, #tpu.memory_space<vmem>>, vector<16xf32>,
        %parallel_loop3A_1292 = arith.addf %parallel_loop3A_1287, %parallel_loop3A_1291 : vector<16xf32>
        %parallel_loop3A_1293 = arith.addf %parallel_loop3A_1292, %parallel_loop3A_1283 : vector<16xf32>
        %parallel_loop3A_1294 = arith.constant 4 : i32
        %parallel_loop3A_1295 = arith.index_cast %parallel_loop3A_1294 : i32 to index
        %parallel_loop3A_1296 = arith.index_cast %parallel_loop3A_1206 : i32 to index
        %parallel_loop3A_1297 = tpu.vector_load %arg17[%parallel_loop3A_1295, %parallel_loop3A_1296] {strides = array<i32>} : memref<16x768xf32, #tpu.memory_space<vmem>>, vector<16xf32>,
        tpu.vector_store %arg17[%parallel_loop3A_1295, %parallel_loop3A_1296], %parallel_loop3A_1293 {strides = array<i32>} : memref<16x768xf32, #tpu.memory_space<vmem>>, vector<16xf32>,
        %parallel_loop3A_1298 = arith.addf %parallel_loop3A_1177, %parallel_loop3A_1293 : vector<16xf32>
        %parallel_loop3A_1299 = arith.mulf %parallel_loop3A_1293, %parallel_loop3A_1293 : vector<16xf32>
        %parallel_loop3A_1300 = arith.addf %parallel_loop3A_1193, %parallel_loop3A_1299 : vector<16xf32>
        %parallel_loop3A_1301 = tpu.vector_load_idx %arg12[%gather3A_91, %parallel_loop3A_1210] : memref<2x768xf32, #tpu.memory_space<vmem>>[vector<16xi32>, vector<16xi32>], vector<16xf32>,
        %parallel_loop3A_1302 = arith.constant 5 : i32
        %parallel_loop3A_1303 = arith.index_cast %parallel_loop3A_1302 : i32 to index
        %parallel_loop3A_1304 = arith.index_cast %parallel_loop3A_1206 : i32 to index
        %parallel_loop3A_1305 = tpu.vector_load %arg13[%parallel_loop3A_1303, %parallel_loop3A_1304] {strides = array<i32>} : memref<16x768xf32, #tpu.memory_space<vmem>>, vector<16xf32>,
        %parallel_loop3A_1306 = arith.constant 5 : i32
        %parallel_loop3A_1307 = arith.index_cast %parallel_loop3A_1306 : i32 to index
        %parallel_loop3A_1308 = arith.index_cast %parallel_loop3A_1206 : i32 to index
        %parallel_loop3A_1309 = tpu.vector_load %arg15[%parallel_loop3A_1307, %parallel_loop3A_1308] {strides = array<i32>} : memref<16x768xf32, #tpu.memory_space<vmem>>, vector<16xf32>,
        %parallel_loop3A_1310 = arith.addf %parallel_loop3A_1305, %parallel_loop3A_1309 : vector<16xf32>
        %parallel_loop3A_1311 = arith.addf %parallel_loop3A_1310, %parallel_loop3A_1301 : vector<16xf32>
        %parallel_loop3A_1312 = arith.constant 5 : i32
        %parallel_loop3A_1313 = arith.index_cast %parallel_loop3A_1312 : i32 to index
        %parallel_loop3A_1314 = arith.index_cast %parallel_loop3A_1206 : i32 to index
        %parallel_loop3A_1315 = tpu.vector_load %arg17[%parallel_loop3A_1313, %parallel_loop3A_1314] {strides = array<i32>} : memref<16x768xf32, #tpu.memory_space<vmem>>, vector<16xf32>,
        tpu.vector_store %arg17[%parallel_loop3A_1313, %parallel_loop3A_1314], %parallel_loop3A_1311 {strides = array<i32>} : memref<16x768xf32, #tpu.memory_space<vmem>>, vector<16xf32>,
        %parallel_loop3A_1316 = arith.addf %parallel_loop3A_1178, %parallel_loop3A_1311 : vector<16xf32>
        %parallel_loop3A_1317 = arith.mulf %parallel_loop3A_1311, %parallel_loop3A_1311 : vector<16xf32>
        %parallel_loop3A_1318 = arith.addf %parallel_loop3A_1194, %parallel_loop3A_1317 : vector<16xf32>
        %parallel_loop3A_1319 = tpu.vector_load_idx %arg12[%gather3A_96, %parallel_loop3A_1210] : memref<2x768xf32, #tpu.memory_space<vmem>>[vector<16xi32>, vector<16xi32>], vector<16xf32>,
        %parallel_loop3A_1320 = arith.constant 6 : i32
        %parallel_loop3A_1321 = arith.index_cast %parallel_loop3A_1320 : i32 to index
        %parallel_loop3A_1322 = arith.index_cast %parallel_loop3A_1206 : i32 to index
        %parallel_loop3A_1323 = tpu.vector_load %arg13[%parallel_loop3A_1321, %parallel_loop3A_1322] {strides = array<i32>} : memref<16x768xf32, #tpu.memory_space<vmem>>, vector<16xf32>,
        %parallel_loop3A_1324 = arith.constant 6 : i32
        %parallel_loop3A_1325 = arith.index_cast %parallel_loop3A_1324 : i32 to index
        %parallel_loop3A_1326 = arith.index_cast %parallel_loop3A_1206 : i32 to index
        %parallel_loop3A_1327 = tpu.vector_load %arg15[%parallel_loop3A_1325, %parallel_loop3A_1326] {strides = array<i32>} : memref<16x768xf32, #tpu.memory_space<vmem>>, vector<16xf32>,
        %parallel_loop3A_1328 = arith.addf %parallel_loop3A_1323, %parallel_loop3A_1327 : vector<16xf32>
        %parallel_loop3A_1329 = arith.addf %parallel_loop3A_1328, %parallel_loop3A_1319 : vector<16xf32>
        %parallel_loop3A_1330 = arith.constant 6 : i32
        %parallel_loop3A_1331 = arith.index_cast %parallel_loop3A_1330 : i32 to index
        %parallel_loop3A_1332 = arith.index_cast %parallel_loop3A_1206 : i32 to index
        %parallel_loop3A_1333 = tpu.vector_load %arg17[%parallel_loop3A_1331, %parallel_loop3A_1332] {strides = array<i32>} : memref<16x768xf32, #tpu.memory_space<vmem>>, vector<16xf32>,
        tpu.vector_store %arg17[%parallel_loop3A_1331, %parallel_loop3A_1332], %parallel_loop3A_1329 {strides = array<i32>} : memref<16x768xf32, #tpu.memory_space<vmem>>, vector<16xf32>,
        %parallel_loop3A_1334 = arith.addf %parallel_loop3A_1179, %parallel_loop3A_1329 : vector<16xf32>
        %parallel_loop3A_1335 = arith.mulf %parallel_loop3A_1329, %parallel_loop3A_1329 : vector<16xf32>
        %parallel_loop3A_1336 = arith.addf %parallel_loop3A_1195, %parallel_loop3A_1335 : vector<16xf32>
        %parallel_loop3A_1337 = tpu.vector_load_idx %arg12[%gather3A_101, %parallel_loop3A_1210] : memref<2x768xf32, #tpu.memory_space<vmem>>[vector<16xi32>, vector<16xi32>], vector<16xf32>,
        %parallel_loop3A_1338 = arith.constant 7 : i32
        %parallel_loop3A_1339 = arith.index_cast %parallel_loop3A_1338 : i32 to index
        %parallel_loop3A_1340 = arith.index_cast %parallel_loop3A_1206 : i32 to index
        %parallel_loop3A_1341 = tpu.vector_load %arg13[%parallel_loop3A_1339, %parallel_loop3A_1340] {strides = array<i32>} : memref<16x768xf32, #tpu.memory_space<vmem>>, vector<16xf32>,
        %parallel_loop3A_1342 = arith.constant 7 : i32
        %parallel_loop3A_1343 = arith.index_cast %parallel_loop3A_1342 : i32 to index
        %parallel_loop3A_1344 = arith.index_cast %parallel_loop3A_1206 : i32 to index
        %parallel_loop3A_1345 = tpu.vector_load %arg15[%parallel_loop3A_1343, %parallel_loop3A_1344] {strides = array<i32>} : memref<16x768xf32, #tpu.memory_space<vmem>>, vector<16xf32>,
        %parallel_loop3A_1346 = arith.addf %parallel_loop3A_1341, %parallel_loop3A_1345 : vector<16xf32>
        %parallel_loop3A_1347 = arith.addf %parallel_loop3A_1346, %parallel_loop3A_1337 : vector<16xf32>
        %parallel_loop3A_1348 = arith.constant 7 : i32
        %parallel_loop3A_1349 = arith.index_cast %parallel_loop3A_1348 : i32 to index
        %parallel_loop3A_1350 = arith.index_cast %parallel_loop3A_1206 : i32 to index
        %parallel_loop3A_1351 = tpu.vector_load %arg17[%parallel_loop3A_1349, %parallel_loop3A_1350] {strides = array<i32>} : memref<16x768xf32, #tpu.memory_space<vmem>>, vector<16xf32>,
        tpu.vector_store %arg17[%parallel_loop3A_1349, %parallel_loop3A_1350], %parallel_loop3A_1347 {strides = array<i32>} : memref<16x768xf32, #tpu.memory_space<vmem>>, vector<16xf32>,
        %parallel_loop3A_1352 = arith.addf %parallel_loop3A_1180, %parallel_loop3A_1347 : vector<16xf32>
        %parallel_loop3A_1353 = arith.mulf %parallel_loop3A_1347, %parallel_loop3A_1347 : vector<16xf32>
        %parallel_loop3A_1354 = arith.addf %parallel_loop3A_1196, %parallel_loop3A_1353 : vector<16xf32>
        %parallel_loop3A_1355 = tpu.vector_load_idx %arg12[%gather3A_106, %parallel_loop3A_1210] : memref<2x768xf32, #tpu.memory_space<vmem>>[vector<16xi32>, vector<16xi32>], vector<16xf32>,
        %parallel_loop3A_1356 = arith.constant 8 : i32
        %parallel_loop3A_1357 = arith.index_cast %parallel_loop3A_1356 : i32 to index
        %parallel_loop3A_1358 = arith.index_cast %parallel_loop3A_1206 : i32 to index
        %parallel_loop3A_1359 = tpu.vector_load %arg13[%parallel_loop3A_1357, %parallel_loop3A_1358] {strides = array<i32>} : memref<16x768xf32, #tpu.memory_space<vmem>>, vector<16xf32>,
        %parallel_loop3A_1360 = arith.constant 8 : i32
        %parallel_loop3A_1361 = arith.index_cast %parallel_loop3A_1360 : i32 to index
        %parallel_loop3A_1362 = arith.index_cast %parallel_loop3A_1206 : i32 to index
        %parallel_loop3A_1363 = tpu.vector_load %arg15[%parallel_loop3A_1361, %parallel_loop3A_1362] {strides = array<i32>} : memref<16x768xf32, #tpu.memory_space<vmem>>, vector<16xf32>,
        %parallel_loop3A_1364 = arith.addf %parallel_loop3A_1359, %parallel_loop3A_1363 : vector<16xf32>
        %parallel_loop3A_1365 = arith.addf %parallel_loop3A_1364, %parallel_loop3A_1355 : vector<16xf32>
        %parallel_loop3A_1366 = arith.constant 8 : i32
        %parallel_loop3A_1367 = arith.index_cast %parallel_loop3A_1366 : i32 to index
        %parallel_loop3A_1368 = arith.index_cast %parallel_loop3A_1206 : i32 to index
        %parallel_loop3A_1369 = tpu.vector_load %arg17[%parallel_loop3A_1367, %parallel_loop3A_1368] {strides = array<i32>} : memref<16x768xf32, #tpu.memory_space<vmem>>, vector<16xf32>,
        tpu.vector_store %arg17[%parallel_loop3A_1367, %parallel_loop3A_1368], %parallel_loop3A_1365 {strides = array<i32>} : memref<16x768xf32, #tpu.memory_space<vmem>>, vector<16xf32>,
        %parallel_loop3A_1370 = arith.addf %parallel_loop3A_1181, %parallel_loop3A_1365 : vector<16xf32>
        %parallel_loop3A_1371 = arith.mulf %parallel_loop3A_1365, %parallel_loop3A_1365 : vector<16xf32>
        %parallel_loop3A_1372 = arith.addf %parallel_loop3A_1197, %parallel_loop3A_1371 : vector<16xf32>
        %parallel_loop3A_1373 = tpu.vector_load_idx %arg12[%gather3A_111, %parallel_loop3A_1210] : memref<2x768xf32, #tpu.memory_space<vmem>>[vector<16xi32>, vector<16xi32>], vector<16xf32>,
        %parallel_loop3A_1374 = arith.constant 9 : i32
        %parallel_loop3A_1375 = arith.index_cast %parallel_loop3A_1374 : i32 to index
        %parallel_loop3A_1376 = arith.index_cast %parallel_loop3A_1206 : i32 to index
        %parallel_loop3A_1377 = tpu.vector_load %arg13[%parallel_loop3A_1375, %parallel_loop3A_1376] {strides = array<i32>} : memref<16x768xf32, #tpu.memory_space<vmem>>, vector<16xf32>,
        %parallel_loop3A_1378 = arith.constant 9 : i32
        %parallel_loop3A_1379 = arith.index_cast %parallel_loop3A_1378 : i32 to index
        %parallel_loop3A_1380 = arith.index_cast %parallel_loop3A_1206 : i32 to index
        %parallel_loop3A_1381 = tpu.vector_load %arg15[%parallel_loop3A_1379, %parallel_loop3A_1380] {strides = array<i32>} : memref<16x768xf32, #tpu.memory_space<vmem>>, vector<16xf32>,
        %parallel_loop3A_1382 = arith.addf %parallel_loop3A_1377, %parallel_loop3A_1381 : vector<16xf32>
        %parallel_loop3A_1383 = arith.addf %parallel_loop3A_1382, %parallel_loop3A_1373 : vector<16xf32>
        %parallel_loop3A_1384 = arith.constant 9 : i32
        %parallel_loop3A_1385 = arith.index_cast %parallel_loop3A_1384 : i32 to index
        %parallel_loop3A_1386 = arith.index_cast %parallel_loop3A_1206 : i32 to index
        %parallel_loop3A_1387 = tpu.vector_load %arg17[%parallel_loop3A_1385, %parallel_loop3A_1386] {strides = array<i32>} : memref<16x768xf32, #tpu.memory_space<vmem>>, vector<16xf32>,
        tpu.vector_store %arg17[%parallel_loop3A_1385, %parallel_loop3A_1386], %parallel_loop3A_1383 {strides = array<i32>} : memref<16x768xf32, #tpu.memory_space<vmem>>, vector<16xf32>,
        %parallel_loop3A_1388 = arith.addf %parallel_loop3A_1182, %parallel_loop3A_1383 : vector<16xf32>
        %parallel_loop3A_1389 = arith.mulf %parallel_loop3A_1383, %parallel_loop3A_1383 : vector<16xf32>
        %parallel_loop3A_1390 = arith.addf %parallel_loop3A_1198, %parallel_loop3A_1389 : vector<16xf32>
        %parallel_loop3A_1391 = tpu.vector_load_idx %arg12[%gather3A_116, %parallel_loop3A_1210] : memref<2x768xf32, #tpu.memory_space<vmem>>[vector<16xi32>, vector<16xi32>], vector<16xf32>,
        %parallel_loop3A_1392 = arith.constant 10 : i32
        %parallel_loop3A_1393 = arith.index_cast %parallel_loop3A_1392 : i32 to index
        %parallel_loop3A_1394 = arith.index_cast %parallel_loop3A_1206 : i32 to index
        %parallel_loop3A_1395 = tpu.vector_load %arg13[%parallel_loop3A_1393, %parallel_loop3A_1394] {strides = array<i32>} : memref<16x768xf32, #tpu.memory_space<vmem>>, vector<16xf32>,
        %parallel_loop3A_1396 = arith.constant 10 : i32
        %parallel_loop3A_1397 = arith.index_cast %parallel_loop3A_1396 : i32 to index
        %parallel_loop3A_1398 = arith.index_cast %parallel_loop3A_1206 : i32 to index
        %parallel_loop3A_1399 = tpu.vector_load %arg15[%parallel_loop3A_1397, %parallel_loop3A_1398] {strides = array<i32>} : memref<16x768xf32, #tpu.memory_space<vmem>>, vector<16xf32>,
        %parallel_loop3A_1400 = arith.addf %parallel_loop3A_1395, %parallel_loop3A_1399 : vector<16xf32>
        %parallel_loop3A_1401 = arith.addf %parallel_loop3A_1400, %parallel_loop3A_1391 : vector<16xf32>
        %parallel_loop3A_1402 = arith.constant 10 : i32
        %parallel_loop3A_1403 = arith.index_cast %parallel_loop3A_1402 : i32 to index
        %parallel_loop3A_1404 = arith.index_cast %parallel_loop3A_1206 : i32 to index
        %parallel_loop3A_1405 = tpu.vector_load %arg17[%parallel_loop3A_1403, %parallel_loop3A_1404] {strides = array<i32>} : memref<16x768xf32, #tpu.memory_space<vmem>>, vector<16xf32>,
        tpu.vector_store %arg17[%parallel_loop3A_1403, %parallel_loop3A_1404], %parallel_loop3A_1401 {strides = array<i32>} : memref<16x768xf32, #tpu.memory_space<vmem>>, vector<16xf32>,
        %parallel_loop3A_1406 = arith.addf %parallel_loop3A_1183, %parallel_loop3A_1401 : vector<16xf32>
        %parallel_loop3A_1407 = arith.mulf %parallel_loop3A_1401, %parallel_loop3A_1401 : vector<16xf32>
        %parallel_loop3A_1408 = arith.addf %parallel_loop3A_1199, %parallel_loop3A_1407 : vector<16xf32>
        %parallel_loop3A_1409 = tpu.vector_load_idx %arg12[%gather3A_121, %parallel_loop3A_1210] : memref<2x768xf32, #tpu.memory_space<vmem>>[vector<16xi32>, vector<16xi32>], vector<16xf32>,
        %parallel_loop3A_1410 = arith.constant 11 : i32
        %parallel_loop3A_1411 = arith.index_cast %parallel_loop3A_1410 : i32 to index
        %parallel_loop3A_1412 = arith.index_cast %parallel_loop3A_1206 : i32 to index
        %parallel_loop3A_1413 = tpu.vector_load %arg13[%parallel_loop3A_1411, %parallel_loop3A_1412] {strides = array<i32>} : memref<16x768xf32, #tpu.memory_space<vmem>>, vector<16xf32>,
        %parallel_loop3A_1414 = arith.constant 11 : i32
        %parallel_loop3A_1415 = arith.index_cast %parallel_loop3A_1414 : i32 to index
        %parallel_loop3A_1416 = arith.index_cast %parallel_loop3A_1206 : i32 to index
        %parallel_loop3A_1417 = tpu.vector_load %arg15[%parallel_loop3A_1415, %parallel_loop3A_1416] {strides = array<i32>} : memref<16x768xf32, #tpu.memory_space<vmem>>, vector<16xf32>,
        %parallel_loop3A_1418 = arith.addf %parallel_loop3A_1413, %parallel_loop3A_1417 : vector<16xf32>
        %parallel_loop3A_1419 = arith.addf %parallel_loop3A_1418, %parallel_loop3A_1409 : vector<16xf32>
        %parallel_loop3A_1420 = arith.constant 11 : i32
        %parallel_loop3A_1421 = arith.index_cast %parallel_loop3A_1420 : i32 to index
        %parallel_loop3A_1422 = arith.index_cast %parallel_loop3A_1206 : i32 to index
        %parallel_loop3A_1423 = tpu.vector_load %arg17[%parallel_loop3A_1421, %parallel_loop3A_1422] {strides = array<i32>} : memref<16x768xf32, #tpu.memory_space<vmem>>, vector<16xf32>,
        tpu.vector_store %arg17[%parallel_loop3A_1421, %parallel_loop3A_1422], %parallel_loop3A_1419 {strides = array<i32>} : memref<16x768xf32, #tpu.memory_space<vmem>>, vector<16xf32>,
        %parallel_loop3A_1424 = arith.addf %parallel_loop3A_1184, %parallel_loop3A_1419 : vector<16xf32>
        %parallel_loop3A_1425 = arith.mulf %parallel_loop3A_1419, %parallel_loop3A_1419 : vector<16xf32>
        %parallel_loop3A_1426 = arith.addf %parallel_loop3A_1200, %parallel_loop3A_1425 : vector<16xf32>
        %parallel_loop3A_1427 = tpu.vector_load_idx %arg12[%gather3A_126, %parallel_loop3A_1210] : memref<2x768xf32, #tpu.memory_space<vmem>>[vector<16xi32>, vector<16xi32>], vector<16xf32>,
        %parallel_loop3A_1428 = arith.constant 12 : i32
        %parallel_loop3A_1429 = arith.index_cast %parallel_loop3A_1428 : i32 to index
        %parallel_loop3A_1430 = arith.index_cast %parallel_loop3A_1206 : i32 to index
        %parallel_loop3A_1431 = tpu.vector_load %arg13[%parallel_loop3A_1429, %parallel_loop3A_1430] {strides = array<i32>} : memref<16x768xf32, #tpu.memory_space<vmem>>, vector<16xf32>,
        %parallel_loop3A_1432 = arith.constant 12 : i32
        %parallel_loop3A_1433 = arith.index_cast %parallel_loop3A_1432 : i32 to index
        %parallel_loop3A_1434 = arith.index_cast %parallel_loop3A_1206 : i32 to index
        %parallel_loop3A_1435 = tpu.vector_load %arg15[%parallel_loop3A_1433, %parallel_loop3A_1434] {strides = array<i32>} : memref<16x768xf32, #tpu.memory_space<vmem>>, vector<16xf32>,
        %parallel_loop3A_1436 = arith.addf %parallel_loop3A_1431, %parallel_loop3A_1435 : vector<16xf32>
        %parallel_loop3A_1437 = arith.addf %parallel_loop3A_1436, %parallel_loop3A_1427 : vector<16xf32>
        %parallel_loop3A_1438 = arith.constant 12 : i32
        %parallel_loop3A_1439 = arith.index_cast %parallel_loop3A_1438 : i32 to index
        %parallel_loop3A_1440 = arith.index_cast %parallel_loop3A_1206 : i32 to index
        %parallel_loop3A_1441 = tpu.vector_load %arg17[%parallel_loop3A_1439, %parallel_loop3A_1440] {strides = array<i32>} : memref<16x768xf32, #tpu.memory_space<vmem>>, vector<16xf32>,
        tpu.vector_store %arg17[%parallel_loop3A_1439, %parallel_loop3A_1440], %parallel_loop3A_1437 {strides = array<i32>} : memref<16x768xf32, #tpu.memory_space<vmem>>, vector<16xf32>,
        %parallel_loop3A_1442 = arith.addf %parallel_loop3A_1185, %parallel_loop3A_1437 : vector<16xf32>
        %parallel_loop3A_1443 = arith.mulf %parallel_loop3A_1437, %parallel_loop3A_1437 : vector<16xf32>
        %parallel_loop3A_1444 = arith.addf %parallel_loop3A_1201, %parallel_loop3A_1443 : vector<16xf32>
        %parallel_loop3A_1445 = tpu.vector_load_idx %arg12[%gather3A_131, %parallel_loop3A_1210] : memref<2x768xf32, #tpu.memory_space<vmem>>[vector<16xi32>, vector<16xi32>], vector<16xf32>,
        %parallel_loop3A_1446 = arith.constant 13 : i32
        %parallel_loop3A_1447 = arith.index_cast %parallel_loop3A_1446 : i32 to index
        %parallel_loop3A_1448 = arith.index_cast %parallel_loop3A_1206 : i32 to index
        %parallel_loop3A_1449 = tpu.vector_load %arg13[%parallel_loop3A_1447, %parallel_loop3A_1448] {strides = array<i32>} : memref<16x768xf32, #tpu.memory_space<vmem>>, vector<16xf32>,
        %parallel_loop3A_1450 = arith.constant 13 : i32
        %parallel_loop3A_1451 = arith.index_cast %parallel_loop3A_1450 : i32 to index
        %parallel_loop3A_1452 = arith.index_cast %parallel_loop3A_1206 : i32 to index
        %parallel_loop3A_1453 = tpu.vector_load %arg15[%parallel_loop3A_1451, %parallel_loop3A_1452] {strides = array<i32>} : memref<16x768xf32, #tpu.memory_space<vmem>>, vector<16xf32>,
        %parallel_loop3A_1454 = arith.addf %parallel_loop3A_1449, %parallel_loop3A_1453 : vector<16xf32>
        %parallel_loop3A_1455 = arith.addf %parallel_loop3A_1454, %parallel_loop3A_1445 : vector<16xf32>
        %parallel_loop3A_1456 = arith.constant 13 : i32
        %parallel_loop3A_1457 = arith.index_cast %parallel_loop3A_1456 : i32 to index
        %parallel_loop3A_1458 = arith.index_cast %parallel_loop3A_1206 : i32 to index
        %parallel_loop3A_1459 = tpu.vector_load %arg17[%parallel_loop3A_1457, %parallel_loop3A_1458] {strides = array<i32>} : memref<16x768xf32, #tpu.memory_space<vmem>>, vector<16xf32>,
        tpu.vector_store %arg17[%parallel_loop3A_1457, %parallel_loop3A_1458], %parallel_loop3A_1455 {strides = array<i32>} : memref<16x768xf32, #tpu.memory_space<vmem>>, vector<16xf32>,
        %parallel_loop3A_1460 = arith.addf %parallel_loop3A_1186, %parallel_loop3A_1455 : vector<16xf32>
        %parallel_loop3A_1461 = arith.mulf %parallel_loop3A_1455, %parallel_loop3A_1455 : vector<16xf32>
        %parallel_loop3A_1462 = arith.addf %parallel_loop3A_1202, %parallel_loop3A_1461 : vector<16xf32>
        %parallel_loop3A_1463 = tpu.vector_load_idx %arg12[%gather3A_136, %parallel_loop3A_1210] : memref<2x768xf32, #tpu.memory_space<vmem>>[vector<16xi32>, vector<16xi32>], vector<16xf32>,
        %parallel_loop3A_1464 = arith.constant 14 : i32
        %parallel_loop3A_1465 = arith.index_cast %parallel_loop3A_1464 : i32 to index
        %parallel_loop3A_1466 = arith.index_cast %parallel_loop3A_1206 : i32 to index
        %parallel_loop3A_1467 = tpu.vector_load %arg13[%parallel_loop3A_1465, %parallel_loop3A_1466] {strides = array<i32>} : memref<16x768xf32, #tpu.memory_space<vmem>>, vector<16xf32>,
        %parallel_loop3A_1468 = arith.constant 14 : i32
        %parallel_loop3A_1469 = arith.index_cast %parallel_loop3A_1468 : i32 to index
        %parallel_loop3A_1470 = arith.index_cast %parallel_loop3A_1206 : i32 to index
        %parallel_loop3A_1471 = tpu.vector_load %arg15[%parallel_loop3A_1469, %parallel_loop3A_1470] {strides = array<i32>} : memref<16x768xf32, #tpu.memory_space<vmem>>, vector<16xf32>,
        %parallel_loop3A_1472 = arith.addf %parallel_loop3A_1467, %parallel_loop3A_1471 : vector<16xf32>
        %parallel_loop3A_1473 = arith.addf %parallel_loop3A_1472, %parallel_loop3A_1463 : vector<16xf32>
        %parallel_loop3A_1474 = arith.constant 14 : i32
        %parallel_loop3A_1475 = arith.index_cast %parallel_loop3A_1474 : i32 to index
        %parallel_loop3A_1476 = arith.index_cast %parallel_loop3A_1206 : i32 to index
        %parallel_loop3A_1477 = tpu.vector_load %arg17[%parallel_loop3A_1475, %parallel_loop3A_1476] {strides = array<i32>} : memref<16x768xf32, #tpu.memory_space<vmem>>, vector<16xf32>,
        tpu.vector_store %arg17[%parallel_loop3A_1475, %parallel_loop3A_1476], %parallel_loop3A_1473 {strides = array<i32>} : memref<16x768xf32, #tpu.memory_space<vmem>>, vector<16xf32>,
        %parallel_loop3A_1478 = arith.addf %parallel_loop3A_1187, %parallel_loop3A_1473 : vector<16xf32>
        %parallel_loop3A_1479 = arith.mulf %parallel_loop3A_1473, %parallel_loop3A_1473 : vector<16xf32>
        %parallel_loop3A_1480 = arith.addf %parallel_loop3A_1203, %parallel_loop3A_1479 : vector<16xf32>
        %parallel_loop3A_1481 = tpu.vector_load_idx %arg12[%gather3A_141, %parallel_loop3A_1210] : memref<2x768xf32, #tpu.memory_space<vmem>>[vector<16xi32>, vector<16xi32>], vector<16xf32>,
        %parallel_loop3A_1482 = arith.constant 15 : i32
        %parallel_loop3A_1483 = arith.index_cast %parallel_loop3A_1482 : i32 to index
        %parallel_loop3A_1484 = arith.index_cast %parallel_loop3A_1206 : i32 to index
        %parallel_loop3A_1485 = tpu.vector_load %arg13[%parallel_loop3A_1483, %parallel_loop3A_1484] {strides = array<i32>} : memref<16x768xf32, #tpu.memory_space<vmem>>, vector<16xf32>,
        %parallel_loop3A_1486 = arith.constant 15 : i32
        %parallel_loop3A_1487 = arith.index_cast %parallel_loop3A_1486 : i32 to index
        %parallel_loop3A_1488 = arith.index_cast %parallel_loop3A_1206 : i32 to index
        %parallel_loop3A_1489 = tpu.vector_load %arg15[%parallel_loop3A_1487, %parallel_loop3A_1488] {strides = array<i32>} : memref<16x768xf32, #tpu.memory_space<vmem>>, vector<16xf32>,
        %parallel_loop3A_1490 = arith.addf %parallel_loop3A_1485, %parallel_loop3A_1489 : vector<16xf32>
        %parallel_loop3A_1491 = arith.addf %parallel_loop3A_1490, %parallel_loop3A_1481 : vector<16xf32>
        %parallel_loop3A_1492 = arith.constant 15 : i32
        %parallel_loop3A_1493 = arith.index_cast %parallel_loop3A_1492 : i32 to index
        %parallel_loop3A_1494 = arith.index_cast %parallel_loop3A_1206 : i32 to index
        %parallel_loop3A_1495 = tpu.vector_load %arg17[%parallel_loop3A_1493, %parallel_loop3A_1494] {strides = array<i32>} : memref<16x768xf32, #tpu.memory_space<vmem>>, vector<16xf32>,
        tpu.vector_store %arg17[%parallel_loop3A_1493, %parallel_loop3A_1494], %parallel_loop3A_1491 {strides = array<i32>} : memref<16x768xf32, #tpu.memory_space<vmem>>, vector<16xf32>,
        %parallel_loop3A_1496 = arith.addf %parallel_loop3A_1188, %parallel_loop3A_1491 : vector<16xf32>
        %parallel_loop3A_1497 = arith.mulf %parallel_loop3A_1491, %parallel_loop3A_1491 : vector<16xf32>
        %parallel_loop3A_1498 = arith.addf %parallel_loop3A_1204, %parallel_loop3A_1497 : vector<16xf32>
        scf.yield %parallel_loop3A_1226, %parallel_loop3A_1244, %parallel_loop3A_1262, %parallel_loop3A_1280, %parallel_loop3A_1298, %parallel_loop3A_1316, %parallel_loop3A_1334, %parallel_loop3A_1352, %parallel_loop3A_1370, %parallel_loop3A_1388, %parallel_loop3A_1406, %parallel_loop3A_1424, %parallel_loop3A_1442, %parallel_loop3A_1460, %parallel_loop3A_1478, %parallel_loop3A_1496, %parallel_loop3A_1228, %parallel_loop3A_1246, %parallel_loop3A_1264, %parallel_loop3A_1282, %parallel_loop3A_1300, %parallel_loop3A_1318, %parallel_loop3A_1336, %parallel_loop3A_1354, %parallel_loop3A_1372, %parallel_loop3A_1390, %parallel_loop3A_1408, %parallel_loop3A_1426, %parallel_loop3A_1444, %parallel_loop3A_1462, %parallel_loop3A_1480, %parallel_loop3A_1498 : vector<16xf32>, vector<16xf32>, vector<16xf32>, vector<16xf32>, vector<16xf32>, vector<16xf32>, vector<16xf32>, vector<16xf32>, vector<16xf32>, vector<16xf32>, vector<16xf32>, vector<16xf32>, vector<16xf32>, vector<16xf32>, vector<16xf32>, vector<16xf32>, vector<16xf32>, vector<16xf32>, vector<16xf32>, vector<16xf32>, vector<16xf32>, vector<16xf32>, vector<16xf32>, vector<16xf32>, vector<16xf32>, vector<16xf32>, vector<16xf32>, vector<16xf32>, vector<16xf32>, vector<16xf32>, vector<16xf32>, vector<16xf32>
      } {sc.loop_unroll_factor = 1 : i64, sc.parallel_access}
      %swap3A = arith.constant 0 : i32
      %swap3A_145 = arith.index_cast %swap3A : i32 to index
      %swap3A_146 = arith.constant 0 : index
      %swap3A_147 = tpu.vector_load %arg21[%swap3A_145, %swap3A_146] {strides = array<i32>} : memref<16x16xf32, #tpu.memory_space<vmem>>, vector<16xf32>,
      tpu.vector_store %arg21[%swap3A_145, %swap3A_146], %parallel_loop3A_144#0 {strides = array<i32>} : memref<16x16xf32, #tpu.memory_space<vmem>>, vector<16xf32>,
      %swap3A_148 = arith.constant 0 : i32
      %swap3A_149 = arith.index_cast %swap3A_148 : i32 to index
      %swap3A_150 = arith.constant 0 : index
      %swap3A_151 = tpu.vector_load %arg22[%swap3A_149, %swap3A_150] {strides = array<i32>} : memref<16x16xf32, #tpu.memory_space<vmem>>, vector<16xf32>,
      tpu.vector_store %arg22[%swap3A_149, %swap3A_150], %parallel_loop3A_144#16 {strides = array<i32>} : memref<16x16xf32, #tpu.memory_space<vmem>>, vector<16xf32>,
      %swap3A_152 = arith.constant 1 : i32
      %swap3A_153 = arith.index_cast %swap3A_152 : i32 to index
      %swap3A_154 = arith.constant 0 : index
      %swap3A_155 = tpu.vector_load %arg21[%swap3A_153, %swap3A_154] {strides = array<i32>} : memref<16x16xf32, #tpu.memory_space<vmem>>, vector<16xf32>,
      tpu.vector_store %arg21[%swap3A_153, %swap3A_154], %parallel_loop3A_144#1 {strides = array<i32>} : memref<16x16xf32, #tpu.memory_space<vmem>>, vector<16xf32>,
      %swap3A_156 = arith.constant 1 : i32
      %swap3A_157 = arith.index_cast %swap3A_156 : i32 to index
      %swap3A_158 = arith.constant 0 : index
      %swap3A_159 = tpu.vector_load %arg22[%swap3A_157, %swap3A_158] {strides = array<i32>} : memref<16x16xf32, #tpu.memory_space<vmem>>, vector<16xf32>,
      tpu.vector_store %arg22[%swap3A_157, %swap3A_158], %parallel_loop3A_144#17 {strides = array<i32>} : memref<16x16xf32, #tpu.memory_space<vmem>>, vector<16xf32>,
      %swap3A_160 = arith.constant 2 : i32
      %swap3A_161 = arith.index_cast %swap3A_160 : i32 to index
      %swap3A_162 = arith.constant 0 : index
      %swap3A_163 = tpu.vector_load %arg21[%swap3A_161, %swap3A_162] {strides = array<i32>} : memref<16x16xf32, #tpu.memory_space<vmem>>, vector<16xf32>,
      tpu.vector_store %arg21[%swap3A_161, %swap3A_162], %parallel_loop3A_144#2 {strides = array<i32>} : memref<16x16xf32, #tpu.memory_space<vmem>>, vector<16xf32>,
      %swap3A_164 = arith.constant 2 : i32
      %swap3A_165 = arith.index_cast %swap3A_164 : i32 to index
      %swap3A_166 = arith.constant 0 : index
      %swap3A_167 = tpu.vector_load %arg22[%swap3A_165, %swap3A_166] {strides = array<i32>} : memref<16x16xf32, #tpu.memory_space<vmem>>, vector<16xf32>,
      tpu.vector_store %arg22[%swap3A_165, %swap3A_166], %parallel_loop3A_144#18 {strides = array<i32>} : memref<16x16xf32, #tpu.memory_space<vmem>>, vector<16xf32>,
      %swap3A_168 = arith.constant 3 : i32
      %swap3A_169 = arith.index_cast %swap3A_168 : i32 to index
      %swap3A_170 = arith.constant 0 : index
      %swap3A_171 = tpu.vector_load %arg21[%swap3A_169, %swap3A_170] {strides = array<i32>} : memref<16x16xf32, #tpu.memory_space<vmem>>, vector<16xf32>,
      tpu.vector_store %arg21[%swap3A_169, %swap3A_170], %parallel_loop3A_144#3 {strides = array<i32>} : memref<16x16xf32, #tpu.memory_space<vmem>>, vector<16xf32>,
      %swap3A_172 = arith.constant 3 : i32
      %swap3A_173 = arith.index_cast %swap3A_172 : i32 to index
      %swap3A_174 = arith.constant 0 : index
      %swap3A_175 = tpu.vector_load %arg22[%swap3A_173, %swap3A_174] {strides = array<i32>} : memref<16x16xf32, #tpu.memory_space<vmem>>, vector<16xf32>,
      tpu.vector_store %arg22[%swap3A_173, %swap3A_174], %parallel_loop3A_144#19 {strides = array<i32>} : memref<16x16xf32, #tpu.memory_space<vmem>>, vector<16xf32>,
      %swap3A_176 = arith.constant 4 : i32
      %swap3A_177 = arith.index_cast %swap3A_176 : i32 to index
      %swap3A_178 = arith.constant 0 : index
      %swap3A_179 = tpu.vector_load %arg21[%swap3A_177, %swap3A_178] {strides = array<i32>} : memref<16x16xf32, #tpu.memory_space<vmem>>, vector<16xf32>,
      tpu.vector_store %arg21[%swap3A_177, %swap3A_178], %parallel_loop3A_144#4 {strides = array<i32>} : memref<16x16xf32, #tpu.memory_space<vmem>>, vector<16xf32>,
      %swap3A_180 = arith.constant 4 : i32
      %swap3A_181 = arith.index_cast %swap3A_180 : i32 to index
      %swap3A_182 = arith.constant 0 : index
      %swap3A_183 = tpu.vector_load %arg22[%swap3A_181, %swap3A_182] {strides = array<i32>} : memref<16x16xf32, #tpu.memory_space<vmem>>, vector<16xf32>,
      tpu.vector_store %arg22[%swap3A_181, %swap3A_182], %parallel_loop3A_144#20 {strides = array<i32>} : memref<16x16xf32, #tpu.memory_space<vmem>>, vector<16xf32>,
      %swap3A_184 = arith.constant 5 : i32
      %swap3A_185 = arith.index_cast %swap3A_184 : i32 to index
      %swap3A_186 = arith.constant 0 : index
      %swap3A_187 = tpu.vector_load %arg21[%swap3A_185, %swap3A_186] {strides = array<i32>} : memref<16x16xf32, #tpu.memory_space<vmem>>, vector<16xf32>,
      tpu.vector_store %arg21[%swap3A_185, %swap3A_186], %parallel_loop3A_144#5 {strides = array<i32>} : memref<16x16xf32, #tpu.memory_space<vmem>>, vector<16xf32>,
      %swap3A_188 = arith.constant 5 : i32
      %swap3A_189 = arith.index_cast %swap3A_188 : i32 to index
      %swap3A_190 = arith.constant 0 : index
      %swap3A_191 = tpu.vector_load %arg22[%swap3A_189, %swap3A_190] {strides = array<i32>} : memref<16x16xf32, #tpu.memory_space<vmem>>, vector<16xf32>,
      tpu.vector_store %arg22[%swap3A_189, %swap3A_190], %parallel_loop3A_144#21 {strides = array<i32>} : memref<16x16xf32, #tpu.memory_space<vmem>>, vector<16xf32>,
      %swap3A_192 = arith.constant 6 : i32
      %swap3A_193 = arith.index_cast %swap3A_192 : i32 to index
      %swap3A_194 = arith.constant 0 : index
      %swap3A_195 = tpu.vector_load %arg21[%swap3A_193, %swap3A_194] {strides = array<i32>} : memref<16x16xf32, #tpu.memory_space<vmem>>, vector<16xf32>,
      tpu.vector_store %arg21[%swap3A_193, %swap3A_194], %parallel_loop3A_144#6 {strides = array<i32>} : memref<16x16xf32, #tpu.memory_space<vmem>>, vector<16xf32>,
      %swap3A_196 = arith.constant 6 : i32
      %swap3A_197 = arith.index_cast %swap3A_196 : i32 to index
      %swap3A_198 = arith.constant 0 : index
      %swap3A_199 = tpu.vector_load %arg22[%swap3A_197, %swap3A_198] {strides = array<i32>} : memref<16x16xf32, #tpu.memory_space<vmem>>, vector<16xf32>,
      tpu.vector_store %arg22[%swap3A_197, %swap3A_198], %parallel_loop3A_144#22 {strides = array<i32>} : memref<16x16xf32, #tpu.memory_space<vmem>>, vector<16xf32>,
      %swap3A_200 = arith.constant 7 : i32
      %swap3A_201 = arith.index_cast %swap3A_200 : i32 to index
      %swap3A_202 = arith.constant 0 : index
      %swap3A_203 = tpu.vector_load %arg21[%swap3A_201, %swap3A_202] {strides = array<i32>} : memref<16x16xf32, #tpu.memory_space<vmem>>, vector<16xf32>,
      tpu.vector_store %arg21[%swap3A_201, %swap3A_202], %parallel_loop3A_144#7 {strides = array<i32>} : memref<16x16xf32, #tpu.memory_space<vmem>>, vector<16xf32>,
      %swap3A_204 = arith.constant 7 : i32
      %swap3A_205 = arith.index_cast %swap3A_204 : i32 to index
      %swap3A_206 = arith.constant 0 : index
      %swap3A_207 = tpu.vector_load %arg22[%swap3A_205, %swap3A_206] {strides = array<i32>} : memref<16x16xf32, #tpu.memory_space<vmem>>, vector<16xf32>,
      tpu.vector_store %arg22[%swap3A_205, %swap3A_206], %parallel_loop3A_144#23 {strides = array<i32>} : memref<16x16xf32, #tpu.memory_space<vmem>>, vector<16xf32>,
      %swap3A_208 = arith.constant 8 : i32
      %swap3A_209 = arith.index_cast %swap3A_208 : i32 to index
      %swap3A_210 = arith.constant 0 : index
      %swap3A_211 = tpu.vector_load %arg21[%swap3A_209, %swap3A_210] {strides = array<i32>} : memref<16x16xf32, #tpu.memory_space<vmem>>, vector<16xf32>,
      tpu.vector_store %arg21[%swap3A_209, %swap3A_210], %parallel_loop3A_144#8 {strides = array<i32>} : memref<16x16xf32, #tpu.memory_space<vmem>>, vector<16xf32>,
      %swap3A_212 = arith.constant 8 : i32
      %swap3A_213 = arith.index_cast %swap3A_212 : i32 to index
      %swap3A_214 = arith.constant 0 : index
      %swap3A_215 = tpu.vector_load %arg22[%swap3A_213, %swap3A_214] {strides = array<i32>} : memref<16x16xf32, #tpu.memory_space<vmem>>, vector<16xf32>,
      tpu.vector_store %arg22[%swap3A_213, %swap3A_214], %parallel_loop3A_144#24 {strides = array<i32>} : memref<16x16xf32, #tpu.memory_space<vmem>>, vector<16xf32>,
      %swap3A_216 = arith.constant 9 : i32
      %swap3A_217 = arith.index_cast %swap3A_216 : i32 to index
      %swap3A_218 = arith.constant 0 : index
      %swap3A_219 = tpu.vector_load %arg21[%swap3A_217, %swap3A_218] {strides = array<i32>} : memref<16x16xf32, #tpu.memory_space<vmem>>, vector<16xf32>,
      tpu.vector_store %arg21[%swap3A_217, %swap3A_218], %parallel_loop3A_144#9 {strides = array<i32>} : memref<16x16xf32, #tpu.memory_space<vmem>>, vector<16xf32>,
      %swap3A_220 = arith.constant 9 : i32
      %swap3A_221 = arith.index_cast %swap3A_220 : i32 to index
      %swap3A_222 = arith.constant 0 : index
      %swap3A_223 = tpu.vector_load %arg22[%swap3A_221, %swap3A_222] {strides = array<i32>} : memref<16x16xf32, #tpu.memory_space<vmem>>, vector<16xf32>,
      tpu.vector_store %arg22[%swap3A_221, %swap3A_222], %parallel_loop3A_144#25 {strides = array<i32>} : memref<16x16xf32, #tpu.memory_space<vmem>>, vector<16xf32>,
      %swap3A_224 = arith.constant 10 : i32
      %swap3A_225 = arith.index_cast %swap3A_224 : i32 to index
      %swap3A_226 = arith.constant 0 : index
      %swap3A_227 = tpu.vector_load %arg21[%swap3A_225, %swap3A_226] {strides = array<i32>} : memref<16x16xf32, #tpu.memory_space<vmem>>, vector<16xf32>,
      tpu.vector_store %arg21[%swap3A_225, %swap3A_226], %parallel_loop3A_144#10 {strides = array<i32>} : memref<16x16xf32, #tpu.memory_space<vmem>>, vector<16xf32>,
      %swap3A_228 = arith.constant 10 : i32
      %swap3A_229 = arith.index_cast %swap3A_228 : i32 to index
      %swap3A_230 = arith.constant 0 : index
      %swap3A_231 = tpu.vector_load %arg22[%swap3A_229, %swap3A_230] {strides = array<i32>} : memref<16x16xf32, #tpu.memory_space<vmem>>, vector<16xf32>,
      tpu.vector_store %arg22[%swap3A_229, %swap3A_230], %parallel_loop3A_144#26 {strides = array<i32>} : memref<16x16xf32, #tpu.memory_space<vmem>>, vector<16xf32>,
      %swap3A_232 = arith.constant 11 : i32
      %swap3A_233 = arith.index_cast %swap3A_232 : i32 to index
      %swap3A_234 = arith.constant 0 : index
      %swap3A_235 = tpu.vector_load %arg21[%swap3A_233, %swap3A_234] {strides = array<i32>} : memref<16x16xf32, #tpu.memory_space<vmem>>, vector<16xf32>,
      tpu.vector_store %arg21[%swap3A_233, %swap3A_234], %parallel_loop3A_144#11 {strides = array<i32>} : memref<16x16xf32, #tpu.memory_space<vmem>>, vector<16xf32>,
      %swap3A_236 = arith.constant 11 : i32
      %swap3A_237 = arith.index_cast %swap3A_236 : i32 to index
      %swap3A_238 = arith.constant 0 : index
      %swap3A_239 = tpu.vector_load %arg22[%swap3A_237, %swap3A_238] {strides = array<i32>} : memref<16x16xf32, #tpu.memory_space<vmem>>, vector<16xf32>,
      tpu.vector_store %arg22[%swap3A_237, %swap3A_238], %parallel_loop3A_144#27 {strides = array<i32>} : memref<16x16xf32, #tpu.memory_space<vmem>>, vector<16xf32>,
      %swap3A_240 = arith.constant 12 : i32
      %swap3A_241 = arith.index_cast %swap3A_240 : i32 to index
      %swap3A_242 = arith.constant 0 : index
      %swap3A_243 = tpu.vector_load %arg21[%swap3A_241, %swap3A_242] {strides = array<i32>} : memref<16x16xf32, #tpu.memory_space<vmem>>, vector<16xf32>,
      tpu.vector_store %arg21[%swap3A_241, %swap3A_242], %parallel_loop3A_144#12 {strides = array<i32>} : memref<16x16xf32, #tpu.memory_space<vmem>>, vector<16xf32>,
      %swap3A_244 = arith.constant 12 : i32
      %swap3A_245 = arith.index_cast %swap3A_244 : i32 to index
      %swap3A_246 = arith.constant 0 : index
      %swap3A_247 = tpu.vector_load %arg22[%swap3A_245, %swap3A_246] {strides = array<i32>} : memref<16x16xf32, #tpu.memory_space<vmem>>, vector<16xf32>,
      tpu.vector_store %arg22[%swap3A_245, %swap3A_246], %parallel_loop3A_144#28 {strides = array<i32>} : memref<16x16xf32, #tpu.memory_space<vmem>>, vector<16xf32>,
      %swap3A_248 = arith.constant 13 : i32
      %swap3A_249 = arith.index_cast %swap3A_248 : i32 to index
      %swap3A_250 = arith.constant 0 : index
      %swap3A_251 = tpu.vector_load %arg21[%swap3A_249, %swap3A_250] {strides = array<i32>} : memref<16x16xf32, #tpu.memory_space<vmem>>, vector<16xf32>,
      tpu.vector_store %arg21[%swap3A_249, %swap3A_250], %parallel_loop3A_144#13 {strides = array<i32>} : memref<16x16xf32, #tpu.memory_space<vmem>>, vector<16xf32>,
      %swap3A_252 = arith.constant 13 : i32
      %swap3A_253 = arith.index_cast %swap3A_252 : i32 to index
      %swap3A_254 = arith.constant 0 : index
      %swap3A_255 = tpu.vector_load %arg22[%swap3A_253, %swap3A_254] {strides = array<i32>} : memref<16x16xf32, #tpu.memory_space<vmem>>, vector<16xf32>,
      tpu.vector_store %arg22[%swap3A_253, %swap3A_254], %parallel_loop3A_144#29 {strides = array<i32>} : memref<16x16xf32, #tpu.memory_space<vmem>>, vector<16xf32>,
      %swap3A_256 = arith.constant 14 : i32
      %swap3A_257 = arith.index_cast %swap3A_256 : i32 to index
      %swap3A_258 = arith.constant 0 : index
      %swap3A_259 = tpu.vector_load %arg21[%swap3A_257, %swap3A_258] {strides = array<i32>} : memref<16x16xf32, #tpu.memory_space<vmem>>, vector<16xf32>,
      tpu.vector_store %arg21[%swap3A_257, %swap3A_258], %parallel_loop3A_144#14 {strides = array<i32>} : memref<16x16xf32, #tpu.memory_space<vmem>>, vector<16xf32>,
      %swap3A_260 = arith.constant 14 : i32
      %swap3A_261 = arith.index_cast %swap3A_260 : i32 to index
      %swap3A_262 = arith.constant 0 : index
      %swap3A_263 = tpu.vector_load %arg22[%swap3A_261, %swap3A_262] {strides = array<i32>} : memref<16x16xf32, #tpu.memory_space<vmem>>, vector<16xf32>,
      tpu.vector_store %arg22[%swap3A_261, %swap3A_262], %parallel_loop3A_144#30 {strides = array<i32>} : memref<16x16xf32, #tpu.memory_space<vmem>>, vector<16xf32>,
      %swap3A_264 = arith.constant 15 : i32
      %swap3A_265 = arith.index_cast %swap3A_264 : i32 to index
      %swap3A_266 = arith.constant 0 : index
      %swap3A_267 = tpu.vector_load %arg21[%swap3A_265, %swap3A_266] {strides = array<i32>} : memref<16x16xf32, #tpu.memory_space<vmem>>, vector<16xf32>,
      tpu.vector_store %arg21[%swap3A_265, %swap3A_266], %parallel_loop3A_144#15 {strides = array<i32>} : memref<16x16xf32, #tpu.memory_space<vmem>>, vector<16xf32>,
      %swap3A_268 = arith.constant 15 : i32
      %swap3A_269 = arith.index_cast %swap3A_268 : i32 to index
      %swap3A_270 = arith.constant 0 : index
      %swap3A_271 = tpu.vector_load %arg22[%swap3A_269, %swap3A_270] {strides = array<i32>} : memref<16x16xf32, #tpu.memory_space<vmem>>, vector<16xf32>,
      tpu.vector_store %arg22[%swap3A_269, %swap3A_270], %parallel_loop3A_144#31 {strides = array<i32>} : memref<16x16xf32, #tpu.memory_space<vmem>>, vector<16xf32>,
      %iota3A_272 = tpu.iota {dimensions = array<i32: 0>} : vector<16xi32>
      %broadcast_in_dim3A_273 = arith.constant 0 : i32
      %broadcast_in_dim3A_274 = vector.broadcast %broadcast_in_dim3A_273 : i32 to vector<16xi32>
      %gather3A_275 = tpu.vector_load_idx %arg21[%iota3A_272, %broadcast_in_dim3A_274] : memref<16x16xf32, #tpu.memory_space<vmem>>[vector<16xi32>, vector<16xi32>], vector<16xf32>,
      %add3A_276 = arith.addf %broadcast_in_dim3A_59, %gather3A_275 : vector<16xf32>
      %gather3A_277 = tpu.vector_load_idx %arg22[%iota3A_272, %broadcast_in_dim3A_274] : memref<16x16xf32, #tpu.memory_space<vmem>>[vector<16xi32>, vector<16xi32>], vector<16xf32>,
      %add3A_278 = arith.addf %broadcast_in_dim3A_59, %gather3A_277 : vector<16xf32>
      %broadcast_in_dim3A_279 = arith.constant 1 : i32
      %broadcast_in_dim3A_280 = vector.broadcast %broadcast_in_dim3A_279 : i32 to vector<16xi32>
      %gather3A_281 = tpu.vector_load_idx %arg21[%iota3A_272, %broadcast_in_dim3A_280] : memref<16x16xf32, #tpu.memory_space<vmem>>[vector<16xi32>, vector<16xi32>], vector<16xf32>,
      %add3A_282 = arith.addf %add3A_276, %gather3A_281 : vector<16xf32>
      %gather3A_283 = tpu.vector_load_idx %arg22[%iota3A_272, %broadcast_in_dim3A_280] : memref<16x16xf32, #tpu.memory_space<vmem>>[vector<16xi32>, vector<16xi32>], vector<16xf32>,
      %add3A_284 = arith.addf %add3A_278, %gather3A_283 : vector<16xf32>
      %broadcast_in_dim3A_285 = arith.constant 2 : i32
      %broadcast_in_dim3A_286 = vector.broadcast %broadcast_in_dim3A_285 : i32 to vector<16xi32>
      %gather3A_287 = tpu.vector_load_idx %arg21[%iota3A_272, %broadcast_in_dim3A_286] : memref<16x16xf32, #tpu.memory_space<vmem>>[vector<16xi32>, vector<16xi32>], vector<16xf32>,
      %add3A_288 = arith.addf %add3A_282, %gather3A_287 : vector<16xf32>
      %gather3A_289 = tpu.vector_load_idx %arg22[%iota3A_272, %broadcast_in_dim3A_286] : memref<16x16xf32, #tpu.memory_space<vmem>>[vector<16xi32>, vector<16xi32>], vector<16xf32>,
      %add3A_290 = arith.addf %add3A_284, %gather3A_289 : vector<16xf32>
      %broadcast_in_dim3A_291 = arith.constant 3 : i32
      %broadcast_in_dim3A_292 = vector.broadcast %broadcast_in_dim3A_291 : i32 to vector<16xi32>
      %gather3A_293 = tpu.vector_load_idx %arg21[%iota3A_272, %broadcast_in_dim3A_292] : memref<16x16xf32, #tpu.memory_space<vmem>>[vector<16xi32>, vector<16xi32>], vector<16xf32>,
      %add3A_294 = arith.addf %add3A_288, %gather3A_293 : vector<16xf32>
      %gather3A_295 = tpu.vector_load_idx %arg22[%iota3A_272, %broadcast_in_dim3A_292] : memref<16x16xf32, #tpu.memory_space<vmem>>[vector<16xi32>, vector<16xi32>], vector<16xf32>,
      %add3A_296 = arith.addf %add3A_290, %gather3A_295 : vector<16xf32>
      %broadcast_in_dim3A_297 = arith.constant 4 : i32
      %broadcast_in_dim3A_298 = vector.broadcast %broadcast_in_dim3A_297 : i32 to vector<16xi32>
      %gather3A_299 = tpu.vector_load_idx %arg21[%iota3A_272, %broadcast_in_dim3A_298] : memref<16x16xf32, #tpu.memory_space<vmem>>[vector<16xi32>, vector<16xi32>], vector<16xf32>,
      %add3A_300 = arith.addf %add3A_294, %gather3A_299 : vector<16xf32>
      %gather3A_301 = tpu.vector_load_idx %arg22[%iota3A_272, %broadcast_in_dim3A_298] : memref<16x16xf32, #tpu.memory_space<vmem>>[vector<16xi32>, vector<16xi32>], vector<16xf32>,
      %add3A_302 = arith.addf %add3A_296, %gather3A_301 : vector<16xf32>
      %broadcast_in_dim3A_303 = arith.constant 5 : i32
      %broadcast_in_dim3A_304 = vector.broadcast %broadcast_in_dim3A_303 : i32 to vector<16xi32>
      %gather3A_305 = tpu.vector_load_idx %arg21[%iota3A_272, %broadcast_in_dim3A_304] : memref<16x16xf32, #tpu.memory_space<vmem>>[vector<16xi32>, vector<16xi32>], vector<16xf32>,
      %add3A_306 = arith.addf %add3A_300, %gather3A_305 : vector<16xf32>
      %gather3A_307 = tpu.vector_load_idx %arg22[%iota3A_272, %broadcast_in_dim3A_304] : memref<16x16xf32, #tpu.memory_space<vmem>>[vector<16xi32>, vector<16xi32>], vector<16xf32>,
      %add3A_308 = arith.addf %add3A_302, %gather3A_307 : vector<16xf32>
      %broadcast_in_dim3A_309 = arith.constant 6 : i32
      %broadcast_in_dim3A_310 = vector.broadcast %broadcast_in_dim3A_309 : i32 to vector<16xi32>
      %gather3A_311 = tpu.vector_load_idx %arg21[%iota3A_272, %broadcast_in_dim3A_310] : memref<16x16xf32, #tpu.memory_space<vmem>>[vector<16xi32>, vector<16xi32>], vector<16xf32>,
      %add3A_312 = arith.addf %add3A_306, %gather3A_311 : vector<16xf32>
      %gather3A_313 = tpu.vector_load_idx %arg22[%iota3A_272, %broadcast_in_dim3A_310] : memref<16x16xf32, #tpu.memory_space<vmem>>[vector<16xi32>, vector<16xi32>], vector<16xf32>,
      %add3A_314 = arith.addf %add3A_308, %gather3A_313 : vector<16xf32>
      %broadcast_in_dim3A_315 = arith.constant 7 : i32
      %broadcast_in_dim3A_316 = vector.broadcast %broadcast_in_dim3A_315 : i32 to vector<16xi32>
      %gather3A_317 = tpu.vector_load_idx %arg21[%iota3A_272, %broadcast_in_dim3A_316] : memref<16x16xf32, #tpu.memory_space<vmem>>[vector<16xi32>, vector<16xi32>], vector<16xf32>,
      %add3A_318 = arith.addf %add3A_312, %gather3A_317 : vector<16xf32>
      %gather3A_319 = tpu.vector_load_idx %arg22[%iota3A_272, %broadcast_in_dim3A_316] : memref<16x16xf32, #tpu.memory_space<vmem>>[vector<16xi32>, vector<16xi32>], vector<16xf32>,
      %add3A_320 = arith.addf %add3A_314, %gather3A_319 : vector<16xf32>
      %broadcast_in_dim3A_321 = arith.constant 8 : i32
      %broadcast_in_dim3A_322 = vector.broadcast %broadcast_in_dim3A_321 : i32 to vector<16xi32>
      %gather3A_323 = tpu.vector_load_idx %arg21[%iota3A_272, %broadcast_in_dim3A_322] : memref<16x16xf32, #tpu.memory_space<vmem>>[vector<16xi32>, vector<16xi32>], vector<16xf32>,
      %add3A_324 = arith.addf %add3A_318, %gather3A_323 : vector<16xf32>
      %gather3A_325 = tpu.vector_load_idx %arg22[%iota3A_272, %broadcast_in_dim3A_322] : memref<16x16xf32, #tpu.memory_space<vmem>>[vector<16xi32>, vector<16xi32>], vector<16xf32>,
      %add3A_326 = arith.addf %add3A_320, %gather3A_325 : vector<16xf32>
      %broadcast_in_dim3A_327 = arith.constant 9 : i32
      %broadcast_in_dim3A_328 = vector.broadcast %broadcast_in_dim3A_327 : i32 to vector<16xi32>
      %gather3A_329 = tpu.vector_load_idx %arg21[%iota3A_272, %broadcast_in_dim3A_328] : memref<16x16xf32, #tpu.memory_space<vmem>>[vector<16xi32>, vector<16xi32>], vector<16xf32>,
      %add3A_330 = arith.addf %add3A_324, %gather3A_329 : vector<16xf32>
      %gather3A_331 = tpu.vector_load_idx %arg22[%iota3A_272, %broadcast_in_dim3A_328] : memref<16x16xf32, #tpu.memory_space<vmem>>[vector<16xi32>, vector<16xi32>], vector<16xf32>,
      %add3A_332 = arith.addf %add3A_326, %gather3A_331 : vector<16xf32>
      %broadcast_in_dim3A_333 = arith.constant 10 : i32
      %broadcast_in_dim3A_334 = vector.broadcast %broadcast_in_dim3A_333 : i32 to vector<16xi32>
      %gather3A_335 = tpu.vector_load_idx %arg21[%iota3A_272, %broadcast_in_dim3A_334] : memref<16x16xf32, #tpu.memory_space<vmem>>[vector<16xi32>, vector<16xi32>], vector<16xf32>,
      %add3A_336 = arith.addf %add3A_330, %gather3A_335 : vector<16xf32>
      %gather3A_337 = tpu.vector_load_idx %arg22[%iota3A_272, %broadcast_in_dim3A_334] : memref<16x16xf32, #tpu.memory_space<vmem>>[vector<16xi32>, vector<16xi32>], vector<16xf32>,
      %add3A_338 = arith.addf %add3A_332, %gather3A_337 : vector<16xf32>
      %broadcast_in_dim3A_339 = arith.constant 11 : i32
      %broadcast_in_dim3A_340 = vector.broadcast %broadcast_in_dim3A_339 : i32 to vector<16xi32>
      %gather3A_341 = tpu.vector_load_idx %arg21[%iota3A_272, %broadcast_in_dim3A_340] : memref<16x16xf32, #tpu.memory_space<vmem>>[vector<16xi32>, vector<16xi32>], vector<16xf32>,
      %add3A_342 = arith.addf %add3A_336, %gather3A_341 : vector<16xf32>
      %gather3A_343 = tpu.vector_load_idx %arg22[%iota3A_272, %broadcast_in_dim3A_340] : memref<16x16xf32, #tpu.memory_space<vmem>>[vector<16xi32>, vector<16xi32>], vector<16xf32>,
      %add3A_344 = arith.addf %add3A_338, %gather3A_343 : vector<16xf32>
      %broadcast_in_dim3A_345 = arith.constant 12 : i32
      %broadcast_in_dim3A_346 = vector.broadcast %broadcast_in_dim3A_345 : i32 to vector<16xi32>
      %gather3A_347 = tpu.vector_load_idx %arg21[%iota3A_272, %broadcast_in_dim3A_346] : memref<16x16xf32, #tpu.memory_space<vmem>>[vector<16xi32>, vector<16xi32>], vector<16xf32>,
      %add3A_348 = arith.addf %add3A_342, %gather3A_347 : vector<16xf32>
      %gather3A_349 = tpu.vector_load_idx %arg22[%iota3A_272, %broadcast_in_dim3A_346] : memref<16x16xf32, #tpu.memory_space<vmem>>[vector<16xi32>, vector<16xi32>], vector<16xf32>,
      %add3A_350 = arith.addf %add3A_344, %gather3A_349 : vector<16xf32>
      %broadcast_in_dim3A_351 = arith.constant 13 : i32
      %broadcast_in_dim3A_352 = vector.broadcast %broadcast_in_dim3A_351 : i32 to vector<16xi32>
      %gather3A_353 = tpu.vector_load_idx %arg21[%iota3A_272, %broadcast_in_dim3A_352] : memref<16x16xf32, #tpu.memory_space<vmem>>[vector<16xi32>, vector<16xi32>], vector<16xf32>,
      %add3A_354 = arith.addf %add3A_348, %gather3A_353 : vector<16xf32>
      %gather3A_355 = tpu.vector_load_idx %arg22[%iota3A_272, %broadcast_in_dim3A_352] : memref<16x16xf32, #tpu.memory_space<vmem>>[vector<16xi32>, vector<16xi32>], vector<16xf32>,
      %add3A_356 = arith.addf %add3A_350, %gather3A_355 : vector<16xf32>
      %broadcast_in_dim3A_357 = arith.constant 14 : i32
      %broadcast_in_dim3A_358 = vector.broadcast %broadcast_in_dim3A_357 : i32 to vector<16xi32>
      %gather3A_359 = tpu.vector_load_idx %arg21[%iota3A_272, %broadcast_in_dim3A_358] : memref<16x16xf32, #tpu.memory_space<vmem>>[vector<16xi32>, vector<16xi32>], vector<16xf32>,
      %add3A_360 = arith.addf %add3A_354, %gather3A_359 : vector<16xf32>
      %gather3A_361 = tpu.vector_load_idx %arg22[%iota3A_272, %broadcast_in_dim3A_358] : memref<16x16xf32, #tpu.memory_space<vmem>>[vector<16xi32>, vector<16xi32>], vector<16xf32>,
      %add3A_362 = arith.addf %add3A_356, %gather3A_361 : vector<16xf32>
      %broadcast_in_dim3A_363 = arith.constant 15 : i32
      %broadcast_in_dim3A_364 = vector.broadcast %broadcast_in_dim3A_363 : i32 to vector<16xi32>
      %gather3A_365 = tpu.vector_load_idx %arg21[%iota3A_272, %broadcast_in_dim3A_364] : memref<16x16xf32, #tpu.memory_space<vmem>>[vector<16xi32>, vector<16xi32>], vector<16xf32>,
      %add3A_366 = arith.addf %add3A_360, %gather3A_365 : vector<16xf32>
      %gather3A_367 = tpu.vector_load_idx %arg22[%iota3A_272, %broadcast_in_dim3A_364] : memref<16x16xf32, #tpu.memory_space<vmem>>[vector<16xi32>, vector<16xi32>], vector<16xf32>,
      %add3A_368 = arith.addf %add3A_362, %gather3A_367 : vector<16xf32>
      %mul3A_369 = arith.constant 0.00130208337 : f32
      %mul3A_370 = vector.broadcast %mul3A_369 : f32 to vector<16xf32>
      %mul3A_371 = arith.mulf %add3A_366, %mul3A_370 : vector<16xf32>
      %mul3A_372 = arith.constant 0.00130208337 : f32
      %mul3A_373 = vector.broadcast %mul3A_372 : f32 to vector<16xf32>
      %mul3A_374 = arith.mulf %add3A_368, %mul3A_373 : vector<16xf32>
      %mul3A_375 = arith.mulf %mul3A_371, %mul3A_371 : vector<16xf32>
      %sub3A = arith.subf %mul3A_374, %mul3A_375 : vector<16xf32>
      %add3A_376 = arith.constant 9.99999996E-13 : f32
      %add3A_377 = vector.broadcast %add3A_376 : f32 to vector<16xf32>
      %add3A_378 = arith.addf %sub3A, %add3A_377 : vector<16xf32>
      %bitcast_convert_type3A = tpu.bitcast %add3A_378 : vector<16xf32> -> vector<16xi32>
      %shift_right_logical3A = arith.constant 1 : i32
      %shift_right_logical3A_379 = vector.broadcast %shift_right_logical3A : i32 to vector<16xi32>
      %shift_right_logical3A_380 = arith.shrui %bitcast_convert_type3A, %shift_right_logical3A_379 : vector<16xi32>
      %sub3A_381 = arith.constant 1597463007 : i32
      %sub3A_382 = vector.broadcast %sub3A_381 : i32 to vector<16xi32>
      %sub3A_383 = arith.subi %sub3A_382, %shift_right_logical3A_380 : vector<16xi32>
      %bitcast_convert_type3A_384 = tpu.bitcast %sub3A_383 : vector<16xi32> -> vector<16xf32>
      %mul3A_385 = arith.constant 5.000000e-01 : f32
      %mul3A_386 = vector.broadcast %mul3A_385 : f32 to vector<16xf32>
      %mul3A_387 = arith.mulf %mul3A_386, %add3A_378 : vector<16xf32>
      %mul3A_388 = arith.mulf %mul3A_387, %bitcast_convert_type3A_384 : vector<16xf32>
      %mul3A_389 = arith.mulf %mul3A_388, %bitcast_convert_type3A_384 : vector<16xf32>
      %sub3A_390 = arith.constant 1.500000e+00 : f32
      %sub3A_391 = vector.broadcast %sub3A_390 : f32 to vector<16xf32>
      %sub3A_392 = arith.subf %sub3A_391, %mul3A_389 : vector<16xf32>
      %mul3A_393 = arith.mulf %bitcast_convert_type3A_384, %sub3A_392 : vector<16xf32>
      %mul3A_394 = arith.constant 5.000000e-01 : f32
      %mul3A_395 = vector.broadcast %mul3A_394 : f32 to vector<16xf32>
      %mul3A_396 = arith.mulf %mul3A_395, %add3A_378 : vector<16xf32>
      %mul3A_397 = arith.mulf %mul3A_396, %mul3A_393 : vector<16xf32>
      %mul3A_398 = arith.mulf %mul3A_397, %mul3A_393 : vector<16xf32>
      %sub3A_399 = arith.constant 1.500000e+00 : f32
      %sub3A_400 = vector.broadcast %sub3A_399 : f32 to vector<16xf32>
      %sub3A_401 = arith.subf %sub3A_400, %mul3A_398 : vector<16xf32>
      %mul3A_402 = arith.mulf %mul3A_393, %sub3A_401 : vector<16xf32>
      %mul3A_403 = arith.constant 5.000000e-01 : f32
      %mul3A_404 = vector.broadcast %mul3A_403 : f32 to vector<16xf32>
      %mul3A_405 = arith.mulf %mul3A_404, %add3A_378 : vector<16xf32>
      %mul3A_406 = arith.mulf %mul3A_405, %mul3A_402 : vector<16xf32>
      %mul3A_407 = arith.mulf %mul3A_406, %mul3A_402 : vector<16xf32>
      %sub3A_408 = arith.constant 1.500000e+00 : f32
      %sub3A_409 = vector.broadcast %sub3A_408 : f32 to vector<16xf32>
      %sub3A_410 = arith.subf %sub3A_409, %mul3A_407 : vector<16xf32>
      %mul3A_411 = arith.mulf %mul3A_402, %sub3A_410 : vector<16xf32>
      %mul3A_412 = arith.constant 5.000000e-01 : f32
      %mul3A_413 = vector.broadcast %mul3A_412 : f32 to vector<16xf32>
      %mul3A_414 = arith.mulf %mul3A_413, %add3A_378 : vector<16xf32>
      %mul3A_415 = arith.mulf %mul3A_414, %mul3A_411 : vector<16xf32>
      %mul3A_416 = arith.mulf %mul3A_415, %mul3A_411 : vector<16xf32>
      %sub3A_417 = arith.constant 1.500000e+00 : f32
      %sub3A_418 = vector.broadcast %sub3A_417 : f32 to vector<16xf32>
      %sub3A_419 = arith.subf %sub3A_418, %mul3A_416 : vector<16xf32>
      %mul3A_420 = arith.mulf %mul3A_411, %sub3A_419 : vector<16xf32>
      %neg3A = arith.constant 0.000000e+00 : f32
      %neg3A_421 = vector.broadcast %neg3A : f32 to vector<16xf32>
      %neg3A_422 = arith.subf %neg3A_421, %mul3A_371 : vector<16xf32>
      %mul3A_423 = arith.mulf %neg3A_422, %mul3A_420 : vector<16xf32>
      %broadcast_in_dim3A_424 = arith.constant 0 : i32
      %broadcast_in_dim3A_425 = vector.broadcast %broadcast_in_dim3A_424 : i32 to vector<16xi32>
      %broadcast_in_dim3A_426 = vector.shape_cast %broadcast_in_dim3A_425 : vector<16xi32> to vector<16x1xi32>
      %gather3A_427 = vector.shape_cast %broadcast_in_dim3A_426 : vector<16x1xi32> to vector<16xi32>
      %gather3A_428 = tpu.dynamic_gather %mul3A_420[%gather3A_427] in [0] : vector<16xf32>, vector<16xi32> -> vector<16xf32>
      %broadcast_in_dim3A_429 = arith.constant 1 : i32
      %broadcast_in_dim3A_430 = vector.broadcast %broadcast_in_dim3A_429 : i32 to vector<16xi32>
      %broadcast_in_dim3A_431 = vector.shape_cast %broadcast_in_dim3A_430 : vector<16xi32> to vector<16x1xi32>
      %gather3A_432 = vector.shape_cast %broadcast_in_dim3A_431 : vector<16x1xi32> to vector<16xi32>
      %gather3A_433 = tpu.dynamic_gather %mul3A_420[%gather3A_432] in [0] : vector<16xf32>, vector<16xi32> -> vector<16xf32>
      %broadcast_in_dim3A_434 = arith.constant 2 : i32
      %broadcast_in_dim3A_435 = vector.broadcast %broadcast_in_dim3A_434 : i32 to vector<16xi32>
      %broadcast_in_dim3A_436 = vector.shape_cast %broadcast_in_dim3A_435 : vector<16xi32> to vector<16x1xi32>
      %gather3A_437 = vector.shape_cast %broadcast_in_dim3A_436 : vector<16x1xi32> to vector<16xi32>
      %gather3A_438 = tpu.dynamic_gather %mul3A_420[%gather3A_437] in [0] : vector<16xf32>, vector<16xi32> -> vector<16xf32>
      %broadcast_in_dim3A_439 = arith.constant 3 : i32
      %broadcast_in_dim3A_440 = vector.broadcast %broadcast_in_dim3A_439 : i32 to vector<16xi32>
      %broadcast_in_dim3A_441 = vector.shape_cast %broadcast_in_dim3A_440 : vector<16xi32> to vector<16x1xi32>
      %gather3A_442 = vector.shape_cast %broadcast_in_dim3A_441 : vector<16x1xi32> to vector<16xi32>
      %gather3A_443 = tpu.dynamic_gather %mul3A_420[%gather3A_442] in [0] : vector<16xf32>, vector<16xi32> -> vector<16xf32>
      %broadcast_in_dim3A_444 = arith.constant 4 : i32
      %broadcast_in_dim3A_445 = vector.broadcast %broadcast_in_dim3A_444 : i32 to vector<16xi32>
      %broadcast_in_dim3A_446 = vector.shape_cast %broadcast_in_dim3A_445 : vector<16xi32> to vector<16x1xi32>
      %gather3A_447 = vector.shape_cast %broadcast_in_dim3A_446 : vector<16x1xi32> to vector<16xi32>
      %gather3A_448 = tpu.dynamic_gather %mul3A_420[%gather3A_447] in [0] : vector<16xf32>, vector<16xi32> -> vector<16xf32>
      %broadcast_in_dim3A_449 = arith.constant 5 : i32
      %broadcast_in_dim3A_450 = vector.broadcast %broadcast_in_dim3A_449 : i32 to vector<16xi32>
      %broadcast_in_dim3A_451 = vector.shape_cast %broadcast_in_dim3A_450 : vector<16xi32> to vector<16x1xi32>
      %gather3A_452 = vector.shape_cast %broadcast_in_dim3A_451 : vector<16x1xi32> to vector<16xi32>
      %gather3A_453 = tpu.dynamic_gather %mul3A_420[%gather3A_452] in [0] : vector<16xf32>, vector<16xi32> -> vector<16xf32>
      %broadcast_in_dim3A_454 = arith.constant 6 : i32
      %broadcast_in_dim3A_455 = vector.broadcast %broadcast_in_dim3A_454 : i32 to vector<16xi32>
      %broadcast_in_dim3A_456 = vector.shape_cast %broadcast_in_dim3A_455 : vector<16xi32> to vector<16x1xi32>
      %gather3A_457 = vector.shape_cast %broadcast_in_dim3A_456 : vector<16x1xi32> to vector<16xi32>
      %gather3A_458 = tpu.dynamic_gather %mul3A_420[%gather3A_457] in [0] : vector<16xf32>, vector<16xi32> -> vector<16xf32>
      %broadcast_in_dim3A_459 = arith.constant 7 : i32
      %broadcast_in_dim3A_460 = vector.broadcast %broadcast_in_dim3A_459 : i32 to vector<16xi32>
      %broadcast_in_dim3A_461 = vector.shape_cast %broadcast_in_dim3A_460 : vector<16xi32> to vector<16x1xi32>
      %gather3A_462 = vector.shape_cast %broadcast_in_dim3A_461 : vector<16x1xi32> to vector<16xi32>
      %gather3A_463 = tpu.dynamic_gather %mul3A_420[%gather3A_462] in [0] : vector<16xf32>, vector<16xi32> -> vector<16xf32>
      %broadcast_in_dim3A_464 = arith.constant 8 : i32
      %broadcast_in_dim3A_465 = vector.broadcast %broadcast_in_dim3A_464 : i32 to vector<16xi32>
      %broadcast_in_dim3A_466 = vector.shape_cast %broadcast_in_dim3A_465 : vector<16xi32> to vector<16x1xi32>
      %gather3A_467 = vector.shape_cast %broadcast_in_dim3A_466 : vector<16x1xi32> to vector<16xi32>
      %gather3A_468 = tpu.dynamic_gather %mul3A_420[%gather3A_467] in [0] : vector<16xf32>, vector<16xi32> -> vector<16xf32>
      %broadcast_in_dim3A_469 = arith.constant 9 : i32
      %broadcast_in_dim3A_470 = vector.broadcast %broadcast_in_dim3A_469 : i32 to vector<16xi32>
      %broadcast_in_dim3A_471 = vector.shape_cast %broadcast_in_dim3A_470 : vector<16xi32> to vector<16x1xi32>
      %gather3A_472 = vector.shape_cast %broadcast_in_dim3A_471 : vector<16x1xi32> to vector<16xi32>
      %gather3A_473 = tpu.dynamic_gather %mul3A_420[%gather3A_472] in [0] : vector<16xf32>, vector<16xi32> -> vector<16xf32>
      %broadcast_in_dim3A_474 = arith.constant 10 : i32
      %broadcast_in_dim3A_475 = vector.broadcast %broadcast_in_dim3A_474 : i32 to vector<16xi32>
      %broadcast_in_dim3A_476 = vector.shape_cast %broadcast_in_dim3A_475 : vector<16xi32> to vector<16x1xi32>
      %gather3A_477 = vector.shape_cast %broadcast_in_dim3A_476 : vector<16x1xi32> to vector<16xi32>
      %gather3A_478 = tpu.dynamic_gather %mul3A_420[%gather3A_477] in [0] : vector<16xf32>, vector<16xi32> -> vector<16xf32>
      %broadcast_in_dim3A_479 = arith.constant 11 : i32
      %broadcast_in_dim3A_480 = vector.broadcast %broadcast_in_dim3A_479 : i32 to vector<16xi32>
      %broadcast_in_dim3A_481 = vector.shape_cast %broadcast_in_dim3A_480 : vector<16xi32> to vector<16x1xi32>
      %gather3A_482 = vector.shape_cast %broadcast_in_dim3A_481 : vector<16x1xi32> to vector<16xi32>
      %gather3A_483 = tpu.dynamic_gather %mul3A_420[%gather3A_482] in [0] : vector<16xf32>, vector<16xi32> -> vector<16xf32>
      %broadcast_in_dim3A_484 = arith.constant 12 : i32
      %broadcast_in_dim3A_485 = vector.broadcast %broadcast_in_dim3A_484 : i32 to vector<16xi32>
      %broadcast_in_dim3A_486 = vector.shape_cast %broadcast_in_dim3A_485 : vector<16xi32> to vector<16x1xi32>
      %gather3A_487 = vector.shape_cast %broadcast_in_dim3A_486 : vector<16x1xi32> to vector<16xi32>
      %gather3A_488 = tpu.dynamic_gather %mul3A_420[%gather3A_487] in [0] : vector<16xf32>, vector<16xi32> -> vector<16xf32>
      %broadcast_in_dim3A_489 = arith.constant 13 : i32
      %broadcast_in_dim3A_490 = vector.broadcast %broadcast_in_dim3A_489 : i32 to vector<16xi32>
      %broadcast_in_dim3A_491 = vector.shape_cast %broadcast_in_dim3A_490 : vector<16xi32> to vector<16x1xi32>
      %gather3A_492 = vector.shape_cast %broadcast_in_dim3A_491 : vector<16x1xi32> to vector<16xi32>
      %gather3A_493 = tpu.dynamic_gather %mul3A_420[%gather3A_492] in [0] : vector<16xf32>, vector<16xi32> -> vector<16xf32>
      %broadcast_in_dim3A_494 = arith.constant 14 : i32
      %broadcast_in_dim3A_495 = vector.broadcast %broadcast_in_dim3A_494 : i32 to vector<16xi32>
      %broadcast_in_dim3A_496 = vector.shape_cast %broadcast_in_dim3A_495 : vector<16xi32> to vector<16x1xi32>
      %gather3A_497 = vector.shape_cast %broadcast_in_dim3A_496 : vector<16x1xi32> to vector<16xi32>
      %gather3A_498 = tpu.dynamic_gather %mul3A_420[%gather3A_497] in [0] : vector<16xf32>, vector<16xi32> -> vector<16xf32>
      %broadcast_in_dim3A_499 = arith.constant 15 : i32
      %broadcast_in_dim3A_500 = vector.broadcast %broadcast_in_dim3A_499 : i32 to vector<16xi32>
      %broadcast_in_dim3A_501 = vector.shape_cast %broadcast_in_dim3A_500 : vector<16xi32> to vector<16x1xi32>
      %gather3A_502 = vector.shape_cast %broadcast_in_dim3A_501 : vector<16x1xi32> to vector<16xi32>
      %gather3A_503 = tpu.dynamic_gather %mul3A_420[%gather3A_502] in [0] : vector<16xf32>, vector<16xi32> -> vector<16xf32>
      %broadcast_in_dim3A_504 = arith.constant 0 : i32
      %broadcast_in_dim3A_505 = vector.broadcast %broadcast_in_dim3A_504 : i32 to vector<16xi32>
      %broadcast_in_dim3A_506 = vector.shape_cast %broadcast_in_dim3A_505 : vector<16xi32> to vector<16x1xi32>
      %gather3A_507 = vector.shape_cast %broadcast_in_dim3A_506 : vector<16x1xi32> to vector<16xi32>
      %gather3A_508 = tpu.dynamic_gather %mul3A_423[%gather3A_507] in [0] : vector<16xf32>, vector<16xi32> -> vector<16xf32>
      %broadcast_in_dim3A_509 = arith.constant 1 : i32
      %broadcast_in_dim3A_510 = vector.broadcast %broadcast_in_dim3A_509 : i32 to vector<16xi32>
      %broadcast_in_dim3A_511 = vector.shape_cast %broadcast_in_dim3A_510 : vector<16xi32> to vector<16x1xi32>
      %gather3A_512 = vector.shape_cast %broadcast_in_dim3A_511 : vector<16x1xi32> to vector<16xi32>
      %gather3A_513 = tpu.dynamic_gather %mul3A_423[%gather3A_512] in [0] : vector<16xf32>, vector<16xi32> -> vector<16xf32>
      %broadcast_in_dim3A_514 = arith.constant 2 : i32
      %broadcast_in_dim3A_515 = vector.broadcast %broadcast_in_dim3A_514 : i32 to vector<16xi32>
      %broadcast_in_dim3A_516 = vector.shape_cast %broadcast_in_dim3A_515 : vector<16xi32> to vector<16x1xi32>
      %gather3A_517 = vector.shape_cast %broadcast_in_dim3A_516 : vector<16x1xi32> to vector<16xi32>
      %gather3A_518 = tpu.dynamic_gather %mul3A_423[%gather3A_517] in [0] : vector<16xf32>, vector<16xi32> -> vector<16xf32>
      %broadcast_in_dim3A_519 = arith.constant 3 : i32
      %broadcast_in_dim3A_520 = vector.broadcast %broadcast_in_dim3A_519 : i32 to vector<16xi32>
      %broadcast_in_dim3A_521 = vector.shape_cast %broadcast_in_dim3A_520 : vector<16xi32> to vector<16x1xi32>
      %gather3A_522 = vector.shape_cast %broadcast_in_dim3A_521 : vector<16x1xi32> to vector<16xi32>
      %gather3A_523 = tpu.dynamic_gather %mul3A_423[%gather3A_522] in [0] : vector<16xf32>, vector<16xi32> -> vector<16xf32>
      %broadcast_in_dim3A_524 = arith.constant 4 : i32
      %broadcast_in_dim3A_525 = vector.broadcast %broadcast_in_dim3A_524 : i32 to vector<16xi32>
      %broadcast_in_dim3A_526 = vector.shape_cast %broadcast_in_dim3A_525 : vector<16xi32> to vector<16x1xi32>
      %gather3A_527 = vector.shape_cast %broadcast_in_dim3A_526 : vector<16x1xi32> to vector<16xi32>
      %gather3A_528 = tpu.dynamic_gather %mul3A_423[%gather3A_527] in [0] : vector<16xf32>, vector<16xi32> -> vector<16xf32>
      %broadcast_in_dim3A_529 = arith.constant 5 : i32
      %broadcast_in_dim3A_530 = vector.broadcast %broadcast_in_dim3A_529 : i32 to vector<16xi32>
      %broadcast_in_dim3A_531 = vector.shape_cast %broadcast_in_dim3A_530 : vector<16xi32> to vector<16x1xi32>
      %gather3A_532 = vector.shape_cast %broadcast_in_dim3A_531 : vector<16x1xi32> to vector<16xi32>
      %gather3A_533 = tpu.dynamic_gather %mul3A_423[%gather3A_532] in [0] : vector<16xf32>, vector<16xi32> -> vector<16xf32>
      %broadcast_in_dim3A_534 = arith.constant 6 : i32
      %broadcast_in_dim3A_535 = vector.broadcast %broadcast_in_dim3A_534 : i32 to vector<16xi32>
      %broadcast_in_dim3A_536 = vector.shape_cast %broadcast_in_dim3A_535 : vector<16xi32> to vector<16x1xi32>
      %gather3A_537 = vector.shape_cast %broadcast_in_dim3A_536 : vector<16x1xi32> to vector<16xi32>
      %gather3A_538 = tpu.dynamic_gather %mul3A_423[%gather3A_537] in [0] : vector<16xf32>, vector<16xi32> -> vector<16xf32>
      %broadcast_in_dim3A_539 = arith.constant 7 : i32
      %broadcast_in_dim3A_540 = vector.broadcast %broadcast_in_dim3A_539 : i32 to vector<16xi32>
      %broadcast_in_dim3A_541 = vector.shape_cast %broadcast_in_dim3A_540 : vector<16xi32> to vector<16x1xi32>
      %gather3A_542 = vector.shape_cast %broadcast_in_dim3A_541 : vector<16x1xi32> to vector<16xi32>
      %gather3A_543 = tpu.dynamic_gather %mul3A_423[%gather3A_542] in [0] : vector<16xf32>, vector<16xi32> -> vector<16xf32>
      %broadcast_in_dim3A_544 = arith.constant 8 : i32
      %broadcast_in_dim3A_545 = vector.broadcast %broadcast_in_dim3A_544 : i32 to vector<16xi32>
      %broadcast_in_dim3A_546 = vector.shape_cast %broadcast_in_dim3A_545 : vector<16xi32> to vector<16x1xi32>
      %gather3A_547 = vector.shape_cast %broadcast_in_dim3A_546 : vector<16x1xi32> to vector<16xi32>
      %gather3A_548 = tpu.dynamic_gather %mul3A_423[%gather3A_547] in [0] : vector<16xf32>, vector<16xi32> -> vector<16xf32>
      %broadcast_in_dim3A_549 = arith.constant 9 : i32
      %broadcast_in_dim3A_550 = vector.broadcast %broadcast_in_dim3A_549 : i32 to vector<16xi32>
      %broadcast_in_dim3A_551 = vector.shape_cast %broadcast_in_dim3A_550 : vector<16xi32> to vector<16x1xi32>
      %gather3A_552 = vector.shape_cast %broadcast_in_dim3A_551 : vector<16x1xi32> to vector<16xi32>
      %gather3A_553 = tpu.dynamic_gather %mul3A_423[%gather3A_552] in [0] : vector<16xf32>, vector<16xi32> -> vector<16xf32>
      %broadcast_in_dim3A_554 = arith.constant 10 : i32
      %broadcast_in_dim3A_555 = vector.broadcast %broadcast_in_dim3A_554 : i32 to vector<16xi32>
      %broadcast_in_dim3A_556 = vector.shape_cast %broadcast_in_dim3A_555 : vector<16xi32> to vector<16x1xi32>
      %gather3A_557 = vector.shape_cast %broadcast_in_dim3A_556 : vector<16x1xi32> to vector<16xi32>
      %gather3A_558 = tpu.dynamic_gather %mul3A_423[%gather3A_557] in [0] : vector<16xf32>, vector<16xi32> -> vector<16xf32>
      %broadcast_in_dim3A_559 = arith.constant 11 : i32
      %broadcast_in_dim3A_560 = vector.broadcast %broadcast_in_dim3A_559 : i32 to vector<16xi32>
      %broadcast_in_dim3A_561 = vector.shape_cast %broadcast_in_dim3A_560 : vector<16xi32> to vector<16x1xi32>
      %gather3A_562 = vector.shape_cast %broadcast_in_dim3A_561 : vector<16x1xi32> to vector<16xi32>
      %gather3A_563 = tpu.dynamic_gather %mul3A_423[%gather3A_562] in [0] : vector<16xf32>, vector<16xi32> -> vector<16xf32>
      %broadcast_in_dim3A_564 = arith.constant 12 : i32
      %broadcast_in_dim3A_565 = vector.broadcast %broadcast_in_dim3A_564 : i32 to vector<16xi32>
      %broadcast_in_dim3A_566 = vector.shape_cast %broadcast_in_dim3A_565 : vector<16xi32> to vector<16x1xi32>
      %gather3A_567 = vector.shape_cast %broadcast_in_dim3A_566 : vector<16x1xi32> to vector<16xi32>
      %gather3A_568 = tpu.dynamic_gather %mul3A_423[%gather3A_567] in [0] : vector<16xf32>, vector<16xi32> -> vector<16xf32>
      %broadcast_in_dim3A_569 = arith.constant 13 : i32
      %broadcast_in_dim3A_570 = vector.broadcast %broadcast_in_dim3A_569 : i32 to vector<16xi32>
      %broadcast_in_dim3A_571 = vector.shape_cast %broadcast_in_dim3A_570 : vector<16xi32> to vector<16x1xi32>
      %gather3A_572 = vector.shape_cast %broadcast_in_dim3A_571 : vector<16x1xi32> to vector<16xi32>
      %gather3A_573 = tpu.dynamic_gather %mul3A_423[%gather3A_572] in [0] : vector<16xf32>, vector<16xi32> -> vector<16xf32>
      %broadcast_in_dim3A_574 = arith.constant 14 : i32
      %broadcast_in_dim3A_575 = vector.broadcast %broadcast_in_dim3A_574 : i32 to vector<16xi32>
      %broadcast_in_dim3A_576 = vector.shape_cast %broadcast_in_dim3A_575 : vector<16xi32> to vector<16x1xi32>
      %gather3A_577 = vector.shape_cast %broadcast_in_dim3A_576 : vector<16x1xi32> to vector<16xi32>
      %gather3A_578 = tpu.dynamic_gather %mul3A_423[%gather3A_577] in [0] : vector<16xf32>, vector<16xi32> -> vector<16xf32>
      %broadcast_in_dim3A_579 = arith.constant 15 : i32
      %broadcast_in_dim3A_580 = vector.broadcast %broadcast_in_dim3A_579 : i32 to vector<16xi32>
      %broadcast_in_dim3A_581 = vector.shape_cast %broadcast_in_dim3A_580 : vector<16xi32> to vector<16x1xi32>
      %gather3A_582 = vector.shape_cast %broadcast_in_dim3A_581 : vector<16x1xi32> to vector<16xi32>
      %gather3A_583 = tpu.dynamic_gather %mul3A_423[%gather3A_582] in [0] : vector<16xf32>, vector<16xi32> -> vector<16xf32>
      %parallel_loop3A_584 = arith.constant 0 : i32
      %parallel_loop3A_585 = arith.constant 48 : i32
      %parallel_loop3A_586 = arith.constant 1 : i32
      scf.for %parallel_loop3A_1172 = %parallel_loop3A_584 to %parallel_loop3A_585 step %parallel_loop3A_586  : i32 {
        %parallel_loop3A_1173 = arith.constant 16 : i32
        %parallel_loop3A_1174 = arith.muli %parallel_loop3A_1172, %parallel_loop3A_1173 : i32
        %parallel_loop3A_1175 = arith.index_cast %parallel_loop3A_1174 : i32 to index
        %parallel_loop3A_1176 = tpu.vector_load %arg19[%parallel_loop3A_1175] {strides = array<i32>} : memref<768xf32, #tpu.memory_space<vmem>>, vector<16xf32>,
        %parallel_loop3A_1177 = arith.index_cast %parallel_loop3A_1174 : i32 to index
        %parallel_loop3A_1178 = tpu.vector_load %arg20[%parallel_loop3A_1177] {strides = array<i32>} : memref<768xf32, #tpu.memory_space<vmem>>, vector<16xf32>,
        %parallel_loop3A_1179 = arith.constant 0 : i32
        %parallel_loop3A_1180 = arith.index_cast %parallel_loop3A_1179 : i32 to index
        %parallel_loop3A_1181 = arith.index_cast %parallel_loop3A_1174 : i32 to index
        %parallel_loop3A_1182 = tpu.vector_load %arg17[%parallel_loop3A_1180, %parallel_loop3A_1181] {strides = array<i32>} : memref<16x768xf32, #tpu.memory_space<vmem>>, vector<16xf32>,
        %parallel_loop3A_1183 = arith.mulf %parallel_loop3A_1182, %gather3A_428 : vector<16xf32>
        %parallel_loop3A_1184 = arith.addf %parallel_loop3A_1183, %gather3A_508 : vector<16xf32>
        %parallel_loop3A_1185 = arith.mulf %parallel_loop3A_1184, %parallel_loop3A_1176 : vector<16xf32>
        %parallel_loop3A_1186 = arith.addf %parallel_loop3A_1185, %parallel_loop3A_1178 : vector<16xf32>
        %parallel_loop3A_1187 = arith.constant 0 : i32
        %parallel_loop3A_1188 = arith.index_cast %parallel_loop3A_1187 : i32 to index
        %parallel_loop3A_1189 = arith.index_cast %parallel_loop3A_1174 : i32 to index
        %parallel_loop3A_1190 = tpu.vector_load %arg17[%parallel_loop3A_1188, %parallel_loop3A_1189] {strides = array<i32>} : memref<16x768xf32, #tpu.memory_space<vmem>>, vector<16xf32>,
        tpu.vector_store %arg17[%parallel_loop3A_1188, %parallel_loop3A_1189], %parallel_loop3A_1186 {strides = array<i32>} : memref<16x768xf32, #tpu.memory_space<vmem>>, vector<16xf32>,
        %parallel_loop3A_1191 = arith.constant 1 : i32
        %parallel_loop3A_1192 = arith.index_cast %parallel_loop3A_1191 : i32 to index
        %parallel_loop3A_1193 = arith.index_cast %parallel_loop3A_1174 : i32 to index
        %parallel_loop3A_1194 = tpu.vector_load %arg17[%parallel_loop3A_1192, %parallel_loop3A_1193] {strides = array<i32>} : memref<16x768xf32, #tpu.memory_space<vmem>>, vector<16xf32>,
        %parallel_loop3A_1195 = arith.mulf %parallel_loop3A_1194, %gather3A_433 : vector<16xf32>
        %parallel_loop3A_1196 = arith.addf %parallel_loop3A_1195, %gather3A_513 : vector<16xf32>
        %parallel_loop3A_1197 = arith.mulf %parallel_loop3A_1196, %parallel_loop3A_1176 : vector<16xf32>
        %parallel_loop3A_1198 = arith.addf %parallel_loop3A_1197, %parallel_loop3A_1178 : vector<16xf32>
        %parallel_loop3A_1199 = arith.constant 1 : i32
        %parallel_loop3A_1200 = arith.index_cast %parallel_loop3A_1199 : i32 to index
        %parallel_loop3A_1201 = arith.index_cast %parallel_loop3A_1174 : i32 to index
        %parallel_loop3A_1202 = tpu.vector_load %arg17[%parallel_loop3A_1200, %parallel_loop3A_1201] {strides = array<i32>} : memref<16x768xf32, #tpu.memory_space<vmem>>, vector<16xf32>,
        tpu.vector_store %arg17[%parallel_loop3A_1200, %parallel_loop3A_1201], %parallel_loop3A_1198 {strides = array<i32>} : memref<16x768xf32, #tpu.memory_space<vmem>>, vector<16xf32>,
        %parallel_loop3A_1203 = arith.constant 2 : i32
        %parallel_loop3A_1204 = arith.index_cast %parallel_loop3A_1203 : i32 to index
        %parallel_loop3A_1205 = arith.index_cast %parallel_loop3A_1174 : i32 to index
        %parallel_loop3A_1206 = tpu.vector_load %arg17[%parallel_loop3A_1204, %parallel_loop3A_1205] {strides = array<i32>} : memref<16x768xf32, #tpu.memory_space<vmem>>, vector<16xf32>,
        %parallel_loop3A_1207 = arith.mulf %parallel_loop3A_1206, %gather3A_438 : vector<16xf32>
        %parallel_loop3A_1208 = arith.addf %parallel_loop3A_1207, %gather3A_518 : vector<16xf32>
        %parallel_loop3A_1209 = arith.mulf %parallel_loop3A_1208, %parallel_loop3A_1176 : vector<16xf32>
        %parallel_loop3A_1210 = arith.addf %parallel_loop3A_1209, %parallel_loop3A_1178 : vector<16xf32>
        %parallel_loop3A_1211 = arith.constant 2 : i32
        %parallel_loop3A_1212 = arith.index_cast %parallel_loop3A_1211 : i32 to index
        %parallel_loop3A_1213 = arith.index_cast %parallel_loop3A_1174 : i32 to index
        %parallel_loop3A_1214 = tpu.vector_load %arg17[%parallel_loop3A_1212, %parallel_loop3A_1213] {strides = array<i32>} : memref<16x768xf32, #tpu.memory_space<vmem>>, vector<16xf32>,
        tpu.vector_store %arg17[%parallel_loop3A_1212, %parallel_loop3A_1213], %parallel_loop3A_1210 {strides = array<i32>} : memref<16x768xf32, #tpu.memory_space<vmem>>, vector<16xf32>,
        %parallel_loop3A_1215 = arith.constant 3 : i32
        %parallel_loop3A_1216 = arith.index_cast %parallel_loop3A_1215 : i32 to index
        %parallel_loop3A_1217 = arith.index_cast %parallel_loop3A_1174 : i32 to index
        %parallel_loop3A_1218 = tpu.vector_load %arg17[%parallel_loop3A_1216, %parallel_loop3A_1217] {strides = array<i32>} : memref<16x768xf32, #tpu.memory_space<vmem>>, vector<16xf32>,
        %parallel_loop3A_1219 = arith.mulf %parallel_loop3A_1218, %gather3A_443 : vector<16xf32>
        %parallel_loop3A_1220 = arith.addf %parallel_loop3A_1219, %gather3A_523 : vector<16xf32>
        %parallel_loop3A_1221 = arith.mulf %parallel_loop3A_1220, %parallel_loop3A_1176 : vector<16xf32>
        %parallel_loop3A_1222 = arith.addf %parallel_loop3A_1221, %parallel_loop3A_1178 : vector<16xf32>
        %parallel_loop3A_1223 = arith.constant 3 : i32
        %parallel_loop3A_1224 = arith.index_cast %parallel_loop3A_1223 : i32 to index
        %parallel_loop3A_1225 = arith.index_cast %parallel_loop3A_1174 : i32 to index
        %parallel_loop3A_1226 = tpu.vector_load %arg17[%parallel_loop3A_1224, %parallel_loop3A_1225] {strides = array<i32>} : memref<16x768xf32, #tpu.memory_space<vmem>>, vector<16xf32>,
        tpu.vector_store %arg17[%parallel_loop3A_1224, %parallel_loop3A_1225], %parallel_loop3A_1222 {strides = array<i32>} : memref<16x768xf32, #tpu.memory_space<vmem>>, vector<16xf32>,
        %parallel_loop3A_1227 = arith.constant 4 : i32
        %parallel_loop3A_1228 = arith.index_cast %parallel_loop3A_1227 : i32 to index
        %parallel_loop3A_1229 = arith.index_cast %parallel_loop3A_1174 : i32 to index
        %parallel_loop3A_1230 = tpu.vector_load %arg17[%parallel_loop3A_1228, %parallel_loop3A_1229] {strides = array<i32>} : memref<16x768xf32, #tpu.memory_space<vmem>>, vector<16xf32>,
        %parallel_loop3A_1231 = arith.mulf %parallel_loop3A_1230, %gather3A_448 : vector<16xf32>
        %parallel_loop3A_1232 = arith.addf %parallel_loop3A_1231, %gather3A_528 : vector<16xf32>
        %parallel_loop3A_1233 = arith.mulf %parallel_loop3A_1232, %parallel_loop3A_1176 : vector<16xf32>
        %parallel_loop3A_1234 = arith.addf %parallel_loop3A_1233, %parallel_loop3A_1178 : vector<16xf32>
        %parallel_loop3A_1235 = arith.constant 4 : i32
        %parallel_loop3A_1236 = arith.index_cast %parallel_loop3A_1235 : i32 to index
        %parallel_loop3A_1237 = arith.index_cast %parallel_loop3A_1174 : i32 to index
        %parallel_loop3A_1238 = tpu.vector_load %arg17[%parallel_loop3A_1236, %parallel_loop3A_1237] {strides = array<i32>} : memref<16x768xf32, #tpu.memory_space<vmem>>, vector<16xf32>,
        tpu.vector_store %arg17[%parallel_loop3A_1236, %parallel_loop3A_1237], %parallel_loop3A_1234 {strides = array<i32>} : memref<16x768xf32, #tpu.memory_space<vmem>>, vector<16xf32>,
        %parallel_loop3A_1239 = arith.constant 5 : i32
        %parallel_loop3A_1240 = arith.index_cast %parallel_loop3A_1239 : i32 to index
        %parallel_loop3A_1241 = arith.index_cast %parallel_loop3A_1174 : i32 to index
        %parallel_loop3A_1242 = tpu.vector_load %arg17[%parallel_loop3A_1240, %parallel_loop3A_1241] {strides = array<i32>} : memref<16x768xf32, #tpu.memory_space<vmem>>, vector<16xf32>,
        %parallel_loop3A_1243 = arith.mulf %parallel_loop3A_1242, %gather3A_453 : vector<16xf32>
        %parallel_loop3A_1244 = arith.addf %parallel_loop3A_1243, %gather3A_533 : vector<16xf32>
        %parallel_loop3A_1245 = arith.mulf %parallel_loop3A_1244, %parallel_loop3A_1176 : vector<16xf32>
        %parallel_loop3A_1246 = arith.addf %parallel_loop3A_1245, %parallel_loop3A_1178 : vector<16xf32>
        %parallel_loop3A_1247 = arith.constant 5 : i32
        %parallel_loop3A_1248 = arith.index_cast %parallel_loop3A_1247 : i32 to index
        %parallel_loop3A_1249 = arith.index_cast %parallel_loop3A_1174 : i32 to index
        %parallel_loop3A_1250 = tpu.vector_load %arg17[%parallel_loop3A_1248, %parallel_loop3A_1249] {strides = array<i32>} : memref<16x768xf32, #tpu.memory_space<vmem>>, vector<16xf32>,
        tpu.vector_store %arg17[%parallel_loop3A_1248, %parallel_loop3A_1249], %parallel_loop3A_1246 {strides = array<i32>} : memref<16x768xf32, #tpu.memory_space<vmem>>, vector<16xf32>,
        %parallel_loop3A_1251 = arith.constant 6 : i32
        %parallel_loop3A_1252 = arith.index_cast %parallel_loop3A_1251 : i32 to index
        %parallel_loop3A_1253 = arith.index_cast %parallel_loop3A_1174 : i32 to index
        %parallel_loop3A_1254 = tpu.vector_load %arg17[%parallel_loop3A_1252, %parallel_loop3A_1253] {strides = array<i32>} : memref<16x768xf32, #tpu.memory_space<vmem>>, vector<16xf32>,
        %parallel_loop3A_1255 = arith.mulf %parallel_loop3A_1254, %gather3A_458 : vector<16xf32>
        %parallel_loop3A_1256 = arith.addf %parallel_loop3A_1255, %gather3A_538 : vector<16xf32>
        %parallel_loop3A_1257 = arith.mulf %parallel_loop3A_1256, %parallel_loop3A_1176 : vector<16xf32>
        %parallel_loop3A_1258 = arith.addf %parallel_loop3A_1257, %parallel_loop3A_1178 : vector<16xf32>
        %parallel_loop3A_1259 = arith.constant 6 : i32
        %parallel_loop3A_1260 = arith.index_cast %parallel_loop3A_1259 : i32 to index
        %parallel_loop3A_1261 = arith.index_cast %parallel_loop3A_1174 : i32 to index
        %parallel_loop3A_1262 = tpu.vector_load %arg17[%parallel_loop3A_1260, %parallel_loop3A_1261] {strides = array<i32>} : memref<16x768xf32, #tpu.memory_space<vmem>>, vector<16xf32>,
        tpu.vector_store %arg17[%parallel_loop3A_1260, %parallel_loop3A_1261], %parallel_loop3A_1258 {strides = array<i32>} : memref<16x768xf32, #tpu.memory_space<vmem>>, vector<16xf32>,
        %parallel_loop3A_1263 = arith.constant 7 : i32
        %parallel_loop3A_1264 = arith.index_cast %parallel_loop3A_1263 : i32 to index
        %parallel_loop3A_1265 = arith.index_cast %parallel_loop3A_1174 : i32 to index
        %parallel_loop3A_1266 = tpu.vector_load %arg17[%parallel_loop3A_1264, %parallel_loop3A_1265] {strides = array<i32>} : memref<16x768xf32, #tpu.memory_space<vmem>>, vector<16xf32>,
        %parallel_loop3A_1267 = arith.mulf %parallel_loop3A_1266, %gather3A_463 : vector<16xf32>
        %parallel_loop3A_1268 = arith.addf %parallel_loop3A_1267, %gather3A_543 : vector<16xf32>
        %parallel_loop3A_1269 = arith.mulf %parallel_loop3A_1268, %parallel_loop3A_1176 : vector<16xf32>
        %parallel_loop3A_1270 = arith.addf %parallel_loop3A_1269, %parallel_loop3A_1178 : vector<16xf32>
        %parallel_loop3A_1271 = arith.constant 7 : i32
        %parallel_loop3A_1272 = arith.index_cast %parallel_loop3A_1271 : i32 to index
        %parallel_loop3A_1273 = arith.index_cast %parallel_loop3A_1174 : i32 to index
        %parallel_loop3A_1274 = tpu.vector_load %arg17[%parallel_loop3A_1272, %parallel_loop3A_1273] {strides = array<i32>} : memref<16x768xf32, #tpu.memory_space<vmem>>, vector<16xf32>,
        tpu.vector_store %arg17[%parallel_loop3A_1272, %parallel_loop3A_1273], %parallel_loop3A_1270 {strides = array<i32>} : memref<16x768xf32, #tpu.memory_space<vmem>>, vector<16xf32>,
        %parallel_loop3A_1275 = arith.constant 8 : i32
        %parallel_loop3A_1276 = arith.index_cast %parallel_loop3A_1275 : i32 to index
        %parallel_loop3A_1277 = arith.index_cast %parallel_loop3A_1174 : i32 to index
        %parallel_loop3A_1278 = tpu.vector_load %arg17[%parallel_loop3A_1276, %parallel_loop3A_1277] {strides = array<i32>} : memref<16x768xf32, #tpu.memory_space<vmem>>, vector<16xf32>,
        %parallel_loop3A_1279 = arith.mulf %parallel_loop3A_1278, %gather3A_468 : vector<16xf32>
        %parallel_loop3A_1280 = arith.addf %parallel_loop3A_1279, %gather3A_548 : vector<16xf32>
        %parallel_loop3A_1281 = arith.mulf %parallel_loop3A_1280, %parallel_loop3A_1176 : vector<16xf32>
        %parallel_loop3A_1282 = arith.addf %parallel_loop3A_1281, %parallel_loop3A_1178 : vector<16xf32>
        %parallel_loop3A_1283 = arith.constant 8 : i32
        %parallel_loop3A_1284 = arith.index_cast %parallel_loop3A_1283 : i32 to index
        %parallel_loop3A_1285 = arith.index_cast %parallel_loop3A_1174 : i32 to index
        %parallel_loop3A_1286 = tpu.vector_load %arg17[%parallel_loop3A_1284, %parallel_loop3A_1285] {strides = array<i32>} : memref<16x768xf32, #tpu.memory_space<vmem>>, vector<16xf32>,
        tpu.vector_store %arg17[%parallel_loop3A_1284, %parallel_loop3A_1285], %parallel_loop3A_1282 {strides = array<i32>} : memref<16x768xf32, #tpu.memory_space<vmem>>, vector<16xf32>,
        %parallel_loop3A_1287 = arith.constant 9 : i32
        %parallel_loop3A_1288 = arith.index_cast %parallel_loop3A_1287 : i32 to index
        %parallel_loop3A_1289 = arith.index_cast %parallel_loop3A_1174 : i32 to index
        %parallel_loop3A_1290 = tpu.vector_load %arg17[%parallel_loop3A_1288, %parallel_loop3A_1289] {strides = array<i32>} : memref<16x768xf32, #tpu.memory_space<vmem>>, vector<16xf32>,
        %parallel_loop3A_1291 = arith.mulf %parallel_loop3A_1290, %gather3A_473 : vector<16xf32>
        %parallel_loop3A_1292 = arith.addf %parallel_loop3A_1291, %gather3A_553 : vector<16xf32>
        %parallel_loop3A_1293 = arith.mulf %parallel_loop3A_1292, %parallel_loop3A_1176 : vector<16xf32>
        %parallel_loop3A_1294 = arith.addf %parallel_loop3A_1293, %parallel_loop3A_1178 : vector<16xf32>
        %parallel_loop3A_1295 = arith.constant 9 : i32
        %parallel_loop3A_1296 = arith.index_cast %parallel_loop3A_1295 : i32 to index
        %parallel_loop3A_1297 = arith.index_cast %parallel_loop3A_1174 : i32 to index
        %parallel_loop3A_1298 = tpu.vector_load %arg17[%parallel_loop3A_1296, %parallel_loop3A_1297] {strides = array<i32>} : memref<16x768xf32, #tpu.memory_space<vmem>>, vector<16xf32>,
        tpu.vector_store %arg17[%parallel_loop3A_1296, %parallel_loop3A_1297], %parallel_loop3A_1294 {strides = array<i32>} : memref<16x768xf32, #tpu.memory_space<vmem>>, vector<16xf32>,
        %parallel_loop3A_1299 = arith.constant 10 : i32
        %parallel_loop3A_1300 = arith.index_cast %parallel_loop3A_1299 : i32 to index
        %parallel_loop3A_1301 = arith.index_cast %parallel_loop3A_1174 : i32 to index
        %parallel_loop3A_1302 = tpu.vector_load %arg17[%parallel_loop3A_1300, %parallel_loop3A_1301] {strides = array<i32>} : memref<16x768xf32, #tpu.memory_space<vmem>>, vector<16xf32>,
        %parallel_loop3A_1303 = arith.mulf %parallel_loop3A_1302, %gather3A_478 : vector<16xf32>
        %parallel_loop3A_1304 = arith.addf %parallel_loop3A_1303, %gather3A_558 : vector<16xf32>
        %parallel_loop3A_1305 = arith.mulf %parallel_loop3A_1304, %parallel_loop3A_1176 : vector<16xf32>
        %parallel_loop3A_1306 = arith.addf %parallel_loop3A_1305, %parallel_loop3A_1178 : vector<16xf32>
        %parallel_loop3A_1307 = arith.constant 10 : i32
        %parallel_loop3A_1308 = arith.index_cast %parallel_loop3A_1307 : i32 to index
        %parallel_loop3A_1309 = arith.index_cast %parallel_loop3A_1174 : i32 to index
        %parallel_loop3A_1310 = tpu.vector_load %arg17[%parallel_loop3A_1308, %parallel_loop3A_1309] {strides = array<i32>} : memref<16x768xf32, #tpu.memory_space<vmem>>, vector<16xf32>,
        tpu.vector_store %arg17[%parallel_loop3A_1308, %parallel_loop3A_1309], %parallel_loop3A_1306 {strides = array<i32>} : memref<16x768xf32, #tpu.memory_space<vmem>>, vector<16xf32>,
        %parallel_loop3A_1311 = arith.constant 11 : i32
        %parallel_loop3A_1312 = arith.index_cast %parallel_loop3A_1311 : i32 to index
        %parallel_loop3A_1313 = arith.index_cast %parallel_loop3A_1174 : i32 to index
        %parallel_loop3A_1314 = tpu.vector_load %arg17[%parallel_loop3A_1312, %parallel_loop3A_1313] {strides = array<i32>} : memref<16x768xf32, #tpu.memory_space<vmem>>, vector<16xf32>,
        %parallel_loop3A_1315 = arith.mulf %parallel_loop3A_1314, %gather3A_483 : vector<16xf32>
        %parallel_loop3A_1316 = arith.addf %parallel_loop3A_1315, %gather3A_563 : vector<16xf32>
        %parallel_loop3A_1317 = arith.mulf %parallel_loop3A_1316, %parallel_loop3A_1176 : vector<16xf32>
        %parallel_loop3A_1318 = arith.addf %parallel_loop3A_1317, %parallel_loop3A_1178 : vector<16xf32>
        %parallel_loop3A_1319 = arith.constant 11 : i32
        %parallel_loop3A_1320 = arith.index_cast %parallel_loop3A_1319 : i32 to index
        %parallel_loop3A_1321 = arith.index_cast %parallel_loop3A_1174 : i32 to index
        %parallel_loop3A_1322 = tpu.vector_load %arg17[%parallel_loop3A_1320, %parallel_loop3A_1321] {strides = array<i32>} : memref<16x768xf32, #tpu.memory_space<vmem>>, vector<16xf32>,
        tpu.vector_store %arg17[%parallel_loop3A_1320, %parallel_loop3A_1321], %parallel_loop3A_1318 {strides = array<i32>} : memref<16x768xf32, #tpu.memory_space<vmem>>, vector<16xf32>,
        %parallel_loop3A_1323 = arith.constant 12 : i32
        %parallel_loop3A_1324 = arith.index_cast %parallel_loop3A_1323 : i32 to index
        %parallel_loop3A_1325 = arith.index_cast %parallel_loop3A_1174 : i32 to index
        %parallel_loop3A_1326 = tpu.vector_load %arg17[%parallel_loop3A_1324, %parallel_loop3A_1325] {strides = array<i32>} : memref<16x768xf32, #tpu.memory_space<vmem>>, vector<16xf32>,
        %parallel_loop3A_1327 = arith.mulf %parallel_loop3A_1326, %gather3A_488 : vector<16xf32>
        %parallel_loop3A_1328 = arith.addf %parallel_loop3A_1327, %gather3A_568 : vector<16xf32>
        %parallel_loop3A_1329 = arith.mulf %parallel_loop3A_1328, %parallel_loop3A_1176 : vector<16xf32>
        %parallel_loop3A_1330 = arith.addf %parallel_loop3A_1329, %parallel_loop3A_1178 : vector<16xf32>
        %parallel_loop3A_1331 = arith.constant 12 : i32
        %parallel_loop3A_1332 = arith.index_cast %parallel_loop3A_1331 : i32 to index
        %parallel_loop3A_1333 = arith.index_cast %parallel_loop3A_1174 : i32 to index
        %parallel_loop3A_1334 = tpu.vector_load %arg17[%parallel_loop3A_1332, %parallel_loop3A_1333] {strides = array<i32>} : memref<16x768xf32, #tpu.memory_space<vmem>>, vector<16xf32>,
        tpu.vector_store %arg17[%parallel_loop3A_1332, %parallel_loop3A_1333], %parallel_loop3A_1330 {strides = array<i32>} : memref<16x768xf32, #tpu.memory_space<vmem>>, vector<16xf32>,
        %parallel_loop3A_1335 = arith.constant 13 : i32
        %parallel_loop3A_1336 = arith.index_cast %parallel_loop3A_1335 : i32 to index
        %parallel_loop3A_1337 = arith.index_cast %parallel_loop3A_1174 : i32 to index
        %parallel_loop3A_1338 = tpu.vector_load %arg17[%parallel_loop3A_1336, %parallel_loop3A_1337] {strides = array<i32>} : memref<16x768xf32, #tpu.memory_space<vmem>>, vector<16xf32>,
        %parallel_loop3A_1339 = arith.mulf %parallel_loop3A_1338, %gather3A_493 : vector<16xf32>
        %parallel_loop3A_1340 = arith.addf %parallel_loop3A_1339, %gather3A_573 : vector<16xf32>
        %parallel_loop3A_1341 = arith.mulf %parallel_loop3A_1340, %parallel_loop3A_1176 : vector<16xf32>
        %parallel_loop3A_1342 = arith.addf %parallel_loop3A_1341, %parallel_loop3A_1178 : vector<16xf32>
        %parallel_loop3A_1343 = arith.constant 13 : i32
        %parallel_loop3A_1344 = arith.index_cast %parallel_loop3A_1343 : i32 to index
        %parallel_loop3A_1345 = arith.index_cast %parallel_loop3A_1174 : i32 to index
        %parallel_loop3A_1346 = tpu.vector_load %arg17[%parallel_loop3A_1344, %parallel_loop3A_1345] {strides = array<i32>} : memref<16x768xf32, #tpu.memory_space<vmem>>, vector<16xf32>,
        tpu.vector_store %arg17[%parallel_loop3A_1344, %parallel_loop3A_1345], %parallel_loop3A_1342 {strides = array<i32>} : memref<16x768xf32, #tpu.memory_space<vmem>>, vector<16xf32>,
        %parallel_loop3A_1347 = arith.constant 14 : i32
        %parallel_loop3A_1348 = arith.index_cast %parallel_loop3A_1347 : i32 to index
        %parallel_loop3A_1349 = arith.index_cast %parallel_loop3A_1174 : i32 to index
        %parallel_loop3A_1350 = tpu.vector_load %arg17[%parallel_loop3A_1348, %parallel_loop3A_1349] {strides = array<i32>} : memref<16x768xf32, #tpu.memory_space<vmem>>, vector<16xf32>,
        %parallel_loop3A_1351 = arith.mulf %parallel_loop3A_1350, %gather3A_498 : vector<16xf32>
        %parallel_loop3A_1352 = arith.addf %parallel_loop3A_1351, %gather3A_578 : vector<16xf32>
        %parallel_loop3A_1353 = arith.mulf %parallel_loop3A_1352, %parallel_loop3A_1176 : vector<16xf32>
        %parallel_loop3A_1354 = arith.addf %parallel_loop3A_1353, %parallel_loop3A_1178 : vector<16xf32>
        %parallel_loop3A_1355 = arith.constant 14 : i32
        %parallel_loop3A_1356 = arith.index_cast %parallel_loop3A_1355 : i32 to index
        %parallel_loop3A_1357 = arith.index_cast %parallel_loop3A_1174 : i32 to index
        %parallel_loop3A_1358 = tpu.vector_load %arg17[%parallel_loop3A_1356, %parallel_loop3A_1357] {strides = array<i32>} : memref<16x768xf32, #tpu.memory_space<vmem>>, vector<16xf32>,
        tpu.vector_store %arg17[%parallel_loop3A_1356, %parallel_loop3A_1357], %parallel_loop3A_1354 {strides = array<i32>} : memref<16x768xf32, #tpu.memory_space<vmem>>, vector<16xf32>,
        %parallel_loop3A_1359 = arith.constant 15 : i32
        %parallel_loop3A_1360 = arith.index_cast %parallel_loop3A_1359 : i32 to index
        %parallel_loop3A_1361 = arith.index_cast %parallel_loop3A_1174 : i32 to index
        %parallel_loop3A_1362 = tpu.vector_load %arg17[%parallel_loop3A_1360, %parallel_loop3A_1361] {strides = array<i32>} : memref<16x768xf32, #tpu.memory_space<vmem>>, vector<16xf32>,
        %parallel_loop3A_1363 = arith.mulf %parallel_loop3A_1362, %gather3A_503 : vector<16xf32>
        %parallel_loop3A_1364 = arith.addf %parallel_loop3A_1363, %gather3A_583 : vector<16xf32>
        %parallel_loop3A_1365 = arith.mulf %parallel_loop3A_1364, %parallel_loop3A_1176 : vector<16xf32>
        %parallel_loop3A_1366 = arith.addf %parallel_loop3A_1365, %parallel_loop3A_1178 : vector<16xf32>
        %parallel_loop3A_1367 = arith.constant 15 : i32
        %parallel_loop3A_1368 = arith.index_cast %parallel_loop3A_1367 : i32 to index
        %parallel_loop3A_1369 = arith.index_cast %parallel_loop3A_1174 : i32 to index
        %parallel_loop3A_1370 = tpu.vector_load %arg17[%parallel_loop3A_1368, %parallel_loop3A_1369] {strides = array<i32>} : memref<16x768xf32, #tpu.memory_space<vmem>>, vector<16xf32>,
        tpu.vector_store %arg17[%parallel_loop3A_1368, %parallel_loop3A_1369], %parallel_loop3A_1366 {strides = array<i32>} : memref<16x768xf32, #tpu.memory_space<vmem>>, vector<16xf32>,
      } {sc.loop_unroll_factor = 1 : i64, sc.parallel_access}
      %mul3A_587 = arith.constant 16 : i32
      %mul3A_588 = arith.muli %add3A_45, %mul3A_587 : i32
      %add3A_589 = arith.addi %mul3A_2, %mul3A_588 : i32
      %dma_start3A_590 = arith.constant 0 : i32
      %dma_start3A_591 = tpu.memref_slice %arg9[%add3A_589, %dma_start3A_590] : memref<8192x768xf32, #tpu.memory_space<hbm>> -> memref<16x768xf32, #tpu.memory_space<hbm>>
      %dma_start3A_592 = arith.constant 0 : i32
      %dma_start3A_593 = tpu.memref_slice %arg9[%add3A_589, %dma_start3A_592] : memref<8192x768xf32, #tpu.memory_space<hbm>> -> memref<16x768xf32, #tpu.memory_space<hbm>>
      tpu.enqueue_dma source(%arg17 : memref<16x768xf32, #tpu.memory_space<vmem>>) target(%dma_start3A_593 : memref<16x768xf32, #tpu.memory_space<hbm>>) target_semaphore(%arg25 : memref<!tpu.dma_semaphore, #tpu.memory_space<semaphore_mem>>)
      %add3A_594 = arith.constant 2 : i32
      %add3A_595 = arith.addi %add3A_45, %add3A_594 : i32
      %lt3A = arith.constant 16 : i32
      %lt3A_596 = arith.cmpi slt, %add3A_595, %lt3A : i32
      %convert_element_type3A_597 = arith.extui %lt3A_596 : i1 to i32
      %cond3A_598 = arith.constant 0 : i32
      %cond3A_599 = arith.cmpi ne, %convert_element_type3A_597, %cond3A_598 : i32
      scf.if %cond3A_599 {
        %add3A_1172 = arith.constant 2 : i32
        %add3A_1173 = arith.addi %add3A_45, %add3A_1172 : i32
        %mul3A_1174 = arith.constant 16 : i32
        %mul3A_1175 = arith.muli %add3A_1173, %mul3A_1174 : i32
        %add3A_1176 = arith.addi %rem3A_3, %mul3A_1175 : i32
        %mul3A_1177 = arith.constant 16 : i32
        %mul3A_1178 = arith.muli %add3A_1173, %mul3A_1177 : i32
        %dma_start3A_1179 = tpu.memref_slice %arg10[%mul3A_1178] : memref<256xi32, #tpu.memory_space<vmem>> -> memref<16xi32, #tpu.memory_space<vmem>>
        %dma_start3A_1180 = arith.constant 0 : i32
        %dma_start3A_1181 = arith.constant 0 : i32
        %dma_start3A_1182 = tpu.memref_slice %arg4[%dma_start3A_1180, %dma_start3A_1181] : memref<100000x768xf32, #tpu.memory_space<hbm>> -> memref<100000x768xf32, #tpu.memory_space<hbm>>
        tpu.enqueue_indirect_dma source(%dma_start3A_1182 : memref<100000x768xf32, #tpu.memory_space<hbm>>) target(%arg13 : memref<16x768xf32, #tpu.memory_space<vmem>>) offsets(%dma_start3A_1179 : memref<16xi32, #tpu.memory_space<vmem>>) semaphore(%arg23 : memref<!tpu.dma_semaphore, #tpu.memory_space<semaphore_mem>>)
        %dma_start3A_1183 = arith.constant 0 : i32
        %dma_start3A_1184 = tpu.memref_slice %arg5[%add3A_1176, %dma_start3A_1183] : memref<2048x768xf32, #tpu.memory_space<hbm>> -> memref<16x768xf32, #tpu.memory_space<hbm>>
        %dma_start3A_1185 = arith.constant 0 : i32
        %dma_start3A_1186 = tpu.memref_slice %arg5[%add3A_1176, %dma_start3A_1185] : memref<2048x768xf32, #tpu.memory_space<hbm>> -> memref<16x768xf32, #tpu.memory_space<hbm>>
        tpu.enqueue_dma source(%dma_start3A_1186 : memref<16x768xf32, #tpu.memory_space<hbm>>) target(%arg15 : memref<16x768xf32, #tpu.memory_space<vmem>>) target_semaphore(%arg23 : memref<!tpu.dma_semaphore, #tpu.memory_space<semaphore_mem>>)
      } else {
      }
      %mul3A_600 = arith.constant 2 : i32
      %mul3A_601 = arith.muli %mul3A_600, %scan3A_41 : i32
      %add3A_602 = arith.constant 1 : i32
      %add3A_603 = arith.addi %mul3A_601, %add3A_602 : i32
      %dma_wait3A_604 = arith.constant 0 : i32
      %dma_wait3A_605 = tpu.memref_slice %arg10[%dma_wait3A_604] : memref<256xi32, #tpu.memory_space<vmem>> -> memref<16xi32, #tpu.memory_space<vmem>>
      %dma_wait3A_606 = arith.constant 0 : i32
      %dma_wait3A_607 = arith.constant 0 : i32
      %dma_wait3A_608 = tpu.memref_slice %arg4[%dma_wait3A_606, %dma_wait3A_607] : memref<100000x768xf32, #tpu.memory_space<hbm>> -> memref<100000x768xf32, #tpu.memory_space<hbm>>
      tpu.wait_indirect_dma semaphore(%arg24 : memref<!tpu.dma_semaphore, #tpu.memory_space<semaphore_mem>>) src(%dma_wait3A_608 : memref<100000x768xf32, #tpu.memory_space<hbm>>) dst(%arg14 : memref<16x768xf32, #tpu.memory_space<vmem>>)
      %dma_wait3A_609 = arith.constant 0 : i32
      %dma_wait3A_610 = arith.constant 0 : i32
      %dma_wait3A_611 = tpu.memref_slice %arg5[%dma_wait3A_609, %dma_wait3A_610] : memref<2048x768xf32, #tpu.memory_space<hbm>> -> memref<16x768xf32, #tpu.memory_space<hbm>>
      %dma_wait3A_612 = arith.constant 0 : i32
      %dma_wait3A_613 = arith.constant 0 : i32
      %dma_wait3A_614 = tpu.memref_slice %arg5[%dma_wait3A_612, %dma_wait3A_613] : memref<2048x768xf32, #tpu.memory_space<hbm>> -> memref<16x768xf32, #tpu.memory_space<hbm>>
      tpu.wait_dma2 semaphore(%arg24 : memref<!tpu.dma_semaphore, #tpu.memory_space<semaphore_mem>>) src(%dma_wait3A_614 : memref<16x768xf32, #tpu.memory_space<hbm>>) dst(%arg16 : memref<16x768xf32, #tpu.memory_space<vmem>>)
      %ge3A_615 = arith.constant 2 : i32
      %ge3A_616 = arith.cmpi sge, %add3A_603, %ge3A_615 : i32
      %convert_element_type3A_617 = arith.extui %ge3A_616 : i1 to i32
      %cond3A_618 = arith.constant 0 : i32
      %cond3A_619 = arith.cmpi ne, %convert_element_type3A_617, %cond3A_618 : i32
      scf.if %cond3A_619 {
        %sub3A_1172 = arith.constant 2 : i32
        %sub3A_1173 = arith.subi %add3A_603, %sub3A_1172 : i32
        %mul3A_1174 = arith.constant 16 : i32
        %mul3A_1175 = arith.muli %sub3A_1173, %mul3A_1174 : i32
        %add3A_1176 = arith.addi %mul3A_2, %mul3A_1175 : i32
        %dma_wait3A_1177 = arith.constant 0 : i32
        %dma_wait3A_1178 = tpu.memref_slice %arg9[%add3A_1176, %dma_wait3A_1177] : memref<8192x768xf32, #tpu.memory_space<hbm>> -> memref<16x768xf32, #tpu.memory_space<hbm>>
        %dma_wait3A_1179 = arith.constant 0 : i32
        %dma_wait3A_1180 = tpu.memref_slice %arg9[%add3A_1176, %dma_wait3A_1179] : memref<8192x768xf32, #tpu.memory_space<hbm>> -> memref<16x768xf32, #tpu.memory_space<hbm>>
        tpu.wait_dma2 semaphore(%arg26 : memref<!tpu.dma_semaphore, #tpu.memory_space<semaphore_mem>>) src(%arg18 : memref<16x768xf32, #tpu.memory_space<vmem>>) dst(%dma_wait3A_1180 : memref<16x768xf32, #tpu.memory_space<hbm>>)
      } else {
      }
      %broadcast_in_dim3A_620 = arith.constant 0.000000e+00 : f32
      %broadcast_in_dim3A_621 = vector.broadcast %broadcast_in_dim3A_620 : f32 to vector<16xf32>
      %mul3A_622 = arith.constant 16 : i32
      %mul3A_623 = arith.muli %add3A_603, %mul3A_622 : i32
      %get3A_624 = arith.index_cast %mul3A_623 : i32 to index
      %get3A_625 = tpu.vector_load %arg11[%get3A_624] {strides = array<i32>} : memref<256xi32, #tpu.memory_space<vmem>>, vector<16xi32>,
      %broadcast_in_dim3A_626 = arith.constant 0 : i32
      %broadcast_in_dim3A_627 = vector.broadcast %broadcast_in_dim3A_626 : i32 to vector<16xi32>
      %broadcast_in_dim3A_628 = vector.shape_cast %broadcast_in_dim3A_627 : vector<16xi32> to vector<16x1xi32>
      %gather3A_629 = vector.shape_cast %broadcast_in_dim3A_628 : vector<16x1xi32> to vector<16xi32>
      %gather3A_630 = tpu.dynamic_gather %get3A_625[%gather3A_629] in [0] : vector<16xi32>, vector<16xi32> -> vector<16xi32>
      %broadcast_in_dim3A_631 = arith.constant 1 : i32
      %broadcast_in_dim3A_632 = vector.broadcast %broadcast_in_dim3A_631 : i32 to vector<16xi32>
      %broadcast_in_dim3A_633 = vector.shape_cast %broadcast_in_dim3A_632 : vector<16xi32> to vector<16x1xi32>
      %gather3A_634 = vector.shape_cast %broadcast_in_dim3A_633 : vector<16x1xi32> to vector<16xi32>
      %gather3A_635 = tpu.dynamic_gather %get3A_625[%gather3A_634] in [0] : vector<16xi32>, vector<16xi32> -> vector<16xi32>
      %broadcast_in_dim3A_636 = arith.constant 2 : i32
      %broadcast_in_dim3A_637 = vector.broadcast %broadcast_in_dim3A_636 : i32 to vector<16xi32>
      %broadcast_in_dim3A_638 = vector.shape_cast %broadcast_in_dim3A_637 : vector<16xi32> to vector<16x1xi32>
      %gather3A_639 = vector.shape_cast %broadcast_in_dim3A_638 : vector<16x1xi32> to vector<16xi32>
      %gather3A_640 = tpu.dynamic_gather %get3A_625[%gather3A_639] in [0] : vector<16xi32>, vector<16xi32> -> vector<16xi32>
      %broadcast_in_dim3A_641 = arith.constant 3 : i32
      %broadcast_in_dim3A_642 = vector.broadcast %broadcast_in_dim3A_641 : i32 to vector<16xi32>
      %broadcast_in_dim3A_643 = vector.shape_cast %broadcast_in_dim3A_642 : vector<16xi32> to vector<16x1xi32>
      %gather3A_644 = vector.shape_cast %broadcast_in_dim3A_643 : vector<16x1xi32> to vector<16xi32>
      %gather3A_645 = tpu.dynamic_gather %get3A_625[%gather3A_644] in [0] : vector<16xi32>, vector<16xi32> -> vector<16xi32>
      %broadcast_in_dim3A_646 = arith.constant 4 : i32
      %broadcast_in_dim3A_647 = vector.broadcast %broadcast_in_dim3A_646 : i32 to vector<16xi32>
      %broadcast_in_dim3A_648 = vector.shape_cast %broadcast_in_dim3A_647 : vector<16xi32> to vector<16x1xi32>
      %gather3A_649 = vector.shape_cast %broadcast_in_dim3A_648 : vector<16x1xi32> to vector<16xi32>
      %gather3A_650 = tpu.dynamic_gather %get3A_625[%gather3A_649] in [0] : vector<16xi32>, vector<16xi32> -> vector<16xi32>
      %broadcast_in_dim3A_651 = arith.constant 5 : i32
      %broadcast_in_dim3A_652 = vector.broadcast %broadcast_in_dim3A_651 : i32 to vector<16xi32>
      %broadcast_in_dim3A_653 = vector.shape_cast %broadcast_in_dim3A_652 : vector<16xi32> to vector<16x1xi32>
      %gather3A_654 = vector.shape_cast %broadcast_in_dim3A_653 : vector<16x1xi32> to vector<16xi32>
      %gather3A_655 = tpu.dynamic_gather %get3A_625[%gather3A_654] in [0] : vector<16xi32>, vector<16xi32> -> vector<16xi32>
      %broadcast_in_dim3A_656 = arith.constant 6 : i32
      %broadcast_in_dim3A_657 = vector.broadcast %broadcast_in_dim3A_656 : i32 to vector<16xi32>
      %broadcast_in_dim3A_658 = vector.shape_cast %broadcast_in_dim3A_657 : vector<16xi32> to vector<16x1xi32>
      %gather3A_659 = vector.shape_cast %broadcast_in_dim3A_658 : vector<16x1xi32> to vector<16xi32>
      %gather3A_660 = tpu.dynamic_gather %get3A_625[%gather3A_659] in [0] : vector<16xi32>, vector<16xi32> -> vector<16xi32>
      %broadcast_in_dim3A_661 = arith.constant 7 : i32
      %broadcast_in_dim3A_662 = vector.broadcast %broadcast_in_dim3A_661 : i32 to vector<16xi32>
      %broadcast_in_dim3A_663 = vector.shape_cast %broadcast_in_dim3A_662 : vector<16xi32> to vector<16x1xi32>
      %gather3A_664 = vector.shape_cast %broadcast_in_dim3A_663 : vector<16x1xi32> to vector<16xi32>
      %gather3A_665 = tpu.dynamic_gather %get3A_625[%gather3A_664] in [0] : vector<16xi32>, vector<16xi32> -> vector<16xi32>
      %broadcast_in_dim3A_666 = arith.constant 8 : i32
      %broadcast_in_dim3A_667 = vector.broadcast %broadcast_in_dim3A_666 : i32 to vector<16xi32>
      %broadcast_in_dim3A_668 = vector.shape_cast %broadcast_in_dim3A_667 : vector<16xi32> to vector<16x1xi32>
      %gather3A_669 = vector.shape_cast %broadcast_in_dim3A_668 : vector<16x1xi32> to vector<16xi32>
      %gather3A_670 = tpu.dynamic_gather %get3A_625[%gather3A_669] in [0] : vector<16xi32>, vector<16xi32> -> vector<16xi32>
      %broadcast_in_dim3A_671 = arith.constant 9 : i32
      %broadcast_in_dim3A_672 = vector.broadcast %broadcast_in_dim3A_671 : i32 to vector<16xi32>
      %broadcast_in_dim3A_673 = vector.shape_cast %broadcast_in_dim3A_672 : vector<16xi32> to vector<16x1xi32>
      %gather3A_674 = vector.shape_cast %broadcast_in_dim3A_673 : vector<16x1xi32> to vector<16xi32>
      %gather3A_675 = tpu.dynamic_gather %get3A_625[%gather3A_674] in [0] : vector<16xi32>, vector<16xi32> -> vector<16xi32>
      %broadcast_in_dim3A_676 = arith.constant 10 : i32
      %broadcast_in_dim3A_677 = vector.broadcast %broadcast_in_dim3A_676 : i32 to vector<16xi32>
      %broadcast_in_dim3A_678 = vector.shape_cast %broadcast_in_dim3A_677 : vector<16xi32> to vector<16x1xi32>
      %gather3A_679 = vector.shape_cast %broadcast_in_dim3A_678 : vector<16x1xi32> to vector<16xi32>
      %gather3A_680 = tpu.dynamic_gather %get3A_625[%gather3A_679] in [0] : vector<16xi32>, vector<16xi32> -> vector<16xi32>
      %broadcast_in_dim3A_681 = arith.constant 11 : i32
      %broadcast_in_dim3A_682 = vector.broadcast %broadcast_in_dim3A_681 : i32 to vector<16xi32>
      %broadcast_in_dim3A_683 = vector.shape_cast %broadcast_in_dim3A_682 : vector<16xi32> to vector<16x1xi32>
      %gather3A_684 = vector.shape_cast %broadcast_in_dim3A_683 : vector<16x1xi32> to vector<16xi32>
      %gather3A_685 = tpu.dynamic_gather %get3A_625[%gather3A_684] in [0] : vector<16xi32>, vector<16xi32> -> vector<16xi32>
      %broadcast_in_dim3A_686 = arith.constant 12 : i32
      %broadcast_in_dim3A_687 = vector.broadcast %broadcast_in_dim3A_686 : i32 to vector<16xi32>
      %broadcast_in_dim3A_688 = vector.shape_cast %broadcast_in_dim3A_687 : vector<16xi32> to vector<16x1xi32>
      %gather3A_689 = vector.shape_cast %broadcast_in_dim3A_688 : vector<16x1xi32> to vector<16xi32>
      %gather3A_690 = tpu.dynamic_gather %get3A_625[%gather3A_689] in [0] : vector<16xi32>, vector<16xi32> -> vector<16xi32>
      %broadcast_in_dim3A_691 = arith.constant 13 : i32
      %broadcast_in_dim3A_692 = vector.broadcast %broadcast_in_dim3A_691 : i32 to vector<16xi32>
      %broadcast_in_dim3A_693 = vector.shape_cast %broadcast_in_dim3A_692 : vector<16xi32> to vector<16x1xi32>
      %gather3A_694 = vector.shape_cast %broadcast_in_dim3A_693 : vector<16x1xi32> to vector<16xi32>
      %gather3A_695 = tpu.dynamic_gather %get3A_625[%gather3A_694] in [0] : vector<16xi32>, vector<16xi32> -> vector<16xi32>
      %broadcast_in_dim3A_696 = arith.constant 14 : i32
      %broadcast_in_dim3A_697 = vector.broadcast %broadcast_in_dim3A_696 : i32 to vector<16xi32>
      %broadcast_in_dim3A_698 = vector.shape_cast %broadcast_in_dim3A_697 : vector<16xi32> to vector<16x1xi32>
      %gather3A_699 = vector.shape_cast %broadcast_in_dim3A_698 : vector<16x1xi32> to vector<16xi32>
      %gather3A_700 = tpu.dynamic_gather %get3A_625[%gather3A_699] in [0] : vector<16xi32>, vector<16xi32> -> vector<16xi32>
      %broadcast_in_dim3A_701 = arith.constant 15 : i32
      %broadcast_in_dim3A_702 = vector.broadcast %broadcast_in_dim3A_701 : i32 to vector<16xi32>
      %broadcast_in_dim3A_703 = vector.shape_cast %broadcast_in_dim3A_702 : vector<16xi32> to vector<16x1xi32>
      %gather3A_704 = vector.shape_cast %broadcast_in_dim3A_703 : vector<16x1xi32> to vector<16xi32>
      %gather3A_705 = tpu.dynamic_gather %get3A_625[%gather3A_704] in [0] : vector<16xi32>, vector<16xi32> -> vector<16xi32>
      %iota3A_706 = tpu.iota {dimensions = array<i32: 0>} : vector<16xi32>
      %parallel_loop3A_707 = arith.constant 0 : i32
      %parallel_loop3A_708 = arith.constant 48 : i32
      %parallel_loop3A_709 = arith.constant 1 : i32
      %parallel_loop3A_710:32 = scf.for %parallel_loop3A_1172 = %parallel_loop3A_707 to %parallel_loop3A_708 step %parallel_loop3A_709 iter_args(%parallel_loop3A_1173 = %broadcast_in_dim3A_621, %parallel_loop3A_1174 = %broadcast_in_dim3A_621, %parallel_loop3A_1175 = %broadcast_in_dim3A_621, %parallel_loop3A_1176 = %broadcast_in_dim3A_621, %parallel_loop3A_1177 = %broadcast_in_dim3A_621, %parallel_loop3A_1178 = %broadcast_in_dim3A_621, %parallel_loop3A_1179 = %broadcast_in_dim3A_621, %parallel_loop3A_1180 = %broadcast_in_dim3A_621, %parallel_loop3A_1181 = %broadcast_in_dim3A_621, %parallel_loop3A_1182 = %broadcast_in_dim3A_621, %parallel_loop3A_1183 = %broadcast_in_dim3A_621, %parallel_loop3A_1184 = %broadcast_in_dim3A_621, %parallel_loop3A_1185 = %broadcast_in_dim3A_621, %parallel_loop3A_1186 = %broadcast_in_dim3A_621, %parallel_loop3A_1187 = %broadcast_in_dim3A_621, %parallel_loop3A_1188 = %broadcast_in_dim3A_621, %parallel_loop3A_1189 = %broadcast_in_dim3A_621, %parallel_loop3A_1190 = %broadcast_in_dim3A_621, %parallel_loop3A_1191 = %broadcast_in_dim3A_621, %parallel_loop3A_1192 = %broadcast_in_dim3A_621, %parallel_loop3A_1193 = %broadcast_in_dim3A_621, %parallel_loop3A_1194 = %broadcast_in_dim3A_621, %parallel_loop3A_1195 = %broadcast_in_dim3A_621, %parallel_loop3A_1196 = %broadcast_in_dim3A_621, %parallel_loop3A_1197 = %broadcast_in_dim3A_621, %parallel_loop3A_1198 = %broadcast_in_dim3A_621, %parallel_loop3A_1199 = %broadcast_in_dim3A_621, %parallel_loop3A_1200 = %broadcast_in_dim3A_621, %parallel_loop3A_1201 = %broadcast_in_dim3A_621, %parallel_loop3A_1202 = %broadcast_in_dim3A_621, %parallel_loop3A_1203 = %broadcast_in_dim3A_621, %parallel_loop3A_1204 = %broadcast_in_dim3A_621) -> (vector<16xf32>, vector<16xf32>, vector<16xf32>, vector<16xf32>, vector<16xf32>, vector<16xf32>, vector<16xf32>, vector<16xf32>, vector<16xf32>, vector<16xf32>, vector<16xf32>, vector<16xf32>, vector<16xf32>, vector<16xf32>, vector<16xf32>, vector<16xf32>, vector<16xf32>, vector<16xf32>, vector<16xf32>, vector<16xf32>, vector<16xf32>, vector<16xf32>, vector<16xf32>, vector<16xf32>, vector<16xf32>, vector<16xf32>, vector<16xf32>, vector<16xf32>, vector<16xf32>, vector<16xf32>, vector<16xf32>, vector<16xf32>)  : i32 {
        %parallel_loop3A_1205 = arith.constant 16 : i32
        %parallel_loop3A_1206 = arith.muli %parallel_loop3A_1172, %parallel_loop3A_1205 : i32
        %parallel_loop3A_1207 = arith.constant 16 : i32
        %parallel_loop3A_1208 = arith.muli %parallel_loop3A_1172, %parallel_loop3A_1207 : i32
        %parallel_loop3A_1209 = vector.broadcast %parallel_loop3A_1208 : i32 to vector<16xi32>
        %parallel_loop3A_1210 = arith.addi %iota3A_706, %parallel_loop3A_1209 : vector<16xi32>
        %parallel_loop3A_1211 = tpu.vector_load_idx %arg12[%gather3A_630, %parallel_loop3A_1210] : memref<2x768xf32, #tpu.memory_space<vmem>>[vector<16xi32>, vector<16xi32>], vector<16xf32>,
        %parallel_loop3A_1212 = arith.constant 0 : i32
        %parallel_loop3A_1213 = arith.index_cast %parallel_loop3A_1212 : i32 to index
        %parallel_loop3A_1214 = arith.index_cast %parallel_loop3A_1206 : i32 to index
        %parallel_loop3A_1215 = tpu.vector_load %arg14[%parallel_loop3A_1213, %parallel_loop3A_1214] {strides = array<i32>} : memref<16x768xf32, #tpu.memory_space<vmem>>, vector<16xf32>,
        %parallel_loop3A_1216 = arith.constant 0 : i32
        %parallel_loop3A_1217 = arith.index_cast %parallel_loop3A_1216 : i32 to index
        %parallel_loop3A_1218 = arith.index_cast %parallel_loop3A_1206 : i32 to index
        %parallel_loop3A_1219 = tpu.vector_load %arg16[%parallel_loop3A_1217, %parallel_loop3A_1218] {strides = array<i32>} : memref<16x768xf32, #tpu.memory_space<vmem>>, vector<16xf32>,
        %parallel_loop3A_1220 = arith.addf %parallel_loop3A_1215, %parallel_loop3A_1219 : vector<16xf32>
        %parallel_loop3A_1221 = arith.addf %parallel_loop3A_1220, %parallel_loop3A_1211 : vector<16xf32>
        %parallel_loop3A_1222 = arith.constant 0 : i32
        %parallel_loop3A_1223 = arith.index_cast %parallel_loop3A_1222 : i32 to index
        %parallel_loop3A_1224 = arith.index_cast %parallel_loop3A_1206 : i32 to index
        %parallel_loop3A_1225 = tpu.vector_load %arg18[%parallel_loop3A_1223, %parallel_loop3A_1224] {strides = array<i32>} : memref<16x768xf32, #tpu.memory_space<vmem>>, vector<16xf32>,
        tpu.vector_store %arg18[%parallel_loop3A_1223, %parallel_loop3A_1224], %parallel_loop3A_1221 {strides = array<i32>} : memref<16x768xf32, #tpu.memory_space<vmem>>, vector<16xf32>,
        %parallel_loop3A_1226 = arith.addf %parallel_loop3A_1173, %parallel_loop3A_1221 : vector<16xf32>
        %parallel_loop3A_1227 = arith.mulf %parallel_loop3A_1221, %parallel_loop3A_1221 : vector<16xf32>
        %parallel_loop3A_1228 = arith.addf %parallel_loop3A_1189, %parallel_loop3A_1227 : vector<16xf32>
        %parallel_loop3A_1229 = tpu.vector_load_idx %arg12[%gather3A_635, %parallel_loop3A_1210] : memref<2x768xf32, #tpu.memory_space<vmem>>[vector<16xi32>, vector<16xi32>], vector<16xf32>,
        %parallel_loop3A_1230 = arith.constant 1 : i32
        %parallel_loop3A_1231 = arith.index_cast %parallel_loop3A_1230 : i32 to index
        %parallel_loop3A_1232 = arith.index_cast %parallel_loop3A_1206 : i32 to index
        %parallel_loop3A_1233 = tpu.vector_load %arg14[%parallel_loop3A_1231, %parallel_loop3A_1232] {strides = array<i32>} : memref<16x768xf32, #tpu.memory_space<vmem>>, vector<16xf32>,
        %parallel_loop3A_1234 = arith.constant 1 : i32
        %parallel_loop3A_1235 = arith.index_cast %parallel_loop3A_1234 : i32 to index
        %parallel_loop3A_1236 = arith.index_cast %parallel_loop3A_1206 : i32 to index
        %parallel_loop3A_1237 = tpu.vector_load %arg16[%parallel_loop3A_1235, %parallel_loop3A_1236] {strides = array<i32>} : memref<16x768xf32, #tpu.memory_space<vmem>>, vector<16xf32>,
        %parallel_loop3A_1238 = arith.addf %parallel_loop3A_1233, %parallel_loop3A_1237 : vector<16xf32>
        %parallel_loop3A_1239 = arith.addf %parallel_loop3A_1238, %parallel_loop3A_1229 : vector<16xf32>
        %parallel_loop3A_1240 = arith.constant 1 : i32
        %parallel_loop3A_1241 = arith.index_cast %parallel_loop3A_1240 : i32 to index
        %parallel_loop3A_1242 = arith.index_cast %parallel_loop3A_1206 : i32 to index
        %parallel_loop3A_1243 = tpu.vector_load %arg18[%parallel_loop3A_1241, %parallel_loop3A_1242] {strides = array<i32>} : memref<16x768xf32, #tpu.memory_space<vmem>>, vector<16xf32>,
        tpu.vector_store %arg18[%parallel_loop3A_1241, %parallel_loop3A_1242], %parallel_loop3A_1239 {strides = array<i32>} : memref<16x768xf32, #tpu.memory_space<vmem>>, vector<16xf32>,
        %parallel_loop3A_1244 = arith.addf %parallel_loop3A_1174, %parallel_loop3A_1239 : vector<16xf32>
        %parallel_loop3A_1245 = arith.mulf %parallel_loop3A_1239, %parallel_loop3A_1239 : vector<16xf32>
        %parallel_loop3A_1246 = arith.addf %parallel_loop3A_1190, %parallel_loop3A_1245 : vector<16xf32>
        %parallel_loop3A_1247 = tpu.vector_load_idx %arg12[%gather3A_640, %parallel_loop3A_1210] : memref<2x768xf32, #tpu.memory_space<vmem>>[vector<16xi32>, vector<16xi32>], vector<16xf32>,
        %parallel_loop3A_1248 = arith.constant 2 : i32
        %parallel_loop3A_1249 = arith.index_cast %parallel_loop3A_1248 : i32 to index
        %parallel_loop3A_1250 = arith.index_cast %parallel_loop3A_1206 : i32 to index
        %parallel_loop3A_1251 = tpu.vector_load %arg14[%parallel_loop3A_1249, %parallel_loop3A_1250] {strides = array<i32>} : memref<16x768xf32, #tpu.memory_space<vmem>>, vector<16xf32>,
        %parallel_loop3A_1252 = arith.constant 2 : i32
        %parallel_loop3A_1253 = arith.index_cast %parallel_loop3A_1252 : i32 to index
        %parallel_loop3A_1254 = arith.index_cast %parallel_loop3A_1206 : i32 to index
        %parallel_loop3A_1255 = tpu.vector_load %arg16[%parallel_loop3A_1253, %parallel_loop3A_1254] {strides = array<i32>} : memref<16x768xf32, #tpu.memory_space<vmem>>, vector<16xf32>,
        %parallel_loop3A_1256 = arith.addf %parallel_loop3A_1251, %parallel_loop3A_1255 : vector<16xf32>
        %parallel_loop3A_1257 = arith.addf %parallel_loop3A_1256, %parallel_loop3A_1247 : vector<16xf32>
        %parallel_loop3A_1258 = arith.constant 2 : i32
        %parallel_loop3A_1259 = arith.index_cast %parallel_loop3A_1258 : i32 to index
        %parallel_loop3A_1260 = arith.index_cast %parallel_loop3A_1206 : i32 to index
        %parallel_loop3A_1261 = tpu.vector_load %arg18[%parallel_loop3A_1259, %parallel_loop3A_1260] {strides = array<i32>} : memref<16x768xf32, #tpu.memory_space<vmem>>, vector<16xf32>,
        tpu.vector_store %arg18[%parallel_loop3A_1259, %parallel_loop3A_1260], %parallel_loop3A_1257 {strides = array<i32>} : memref<16x768xf32, #tpu.memory_space<vmem>>, vector<16xf32>,
        %parallel_loop3A_1262 = arith.addf %parallel_loop3A_1175, %parallel_loop3A_1257 : vector<16xf32>
        %parallel_loop3A_1263 = arith.mulf %parallel_loop3A_1257, %parallel_loop3A_1257 : vector<16xf32>
        %parallel_loop3A_1264 = arith.addf %parallel_loop3A_1191, %parallel_loop3A_1263 : vector<16xf32>
        %parallel_loop3A_1265 = tpu.vector_load_idx %arg12[%gather3A_645, %parallel_loop3A_1210] : memref<2x768xf32, #tpu.memory_space<vmem>>[vector<16xi32>, vector<16xi32>], vector<16xf32>,
        %parallel_loop3A_1266 = arith.constant 3 : i32
        %parallel_loop3A_1267 = arith.index_cast %parallel_loop3A_1266 : i32 to index
        %parallel_loop3A_1268 = arith.index_cast %parallel_loop3A_1206 : i32 to index
        %parallel_loop3A_1269 = tpu.vector_load %arg14[%parallel_loop3A_1267, %parallel_loop3A_1268] {strides = array<i32>} : memref<16x768xf32, #tpu.memory_space<vmem>>, vector<16xf32>,
        %parallel_loop3A_1270 = arith.constant 3 : i32
        %parallel_loop3A_1271 = arith.index_cast %parallel_loop3A_1270 : i32 to index
        %parallel_loop3A_1272 = arith.index_cast %parallel_loop3A_1206 : i32 to index
        %parallel_loop3A_1273 = tpu.vector_load %arg16[%parallel_loop3A_1271, %parallel_loop3A_1272] {strides = array<i32>} : memref<16x768xf32, #tpu.memory_space<vmem>>, vector<16xf32>,
        %parallel_loop3A_1274 = arith.addf %parallel_loop3A_1269, %parallel_loop3A_1273 : vector<16xf32>
        %parallel_loop3A_1275 = arith.addf %parallel_loop3A_1274, %parallel_loop3A_1265 : vector<16xf32>
        %parallel_loop3A_1276 = arith.constant 3 : i32
        %parallel_loop3A_1277 = arith.index_cast %parallel_loop3A_1276 : i32 to index
        %parallel_loop3A_1278 = arith.index_cast %parallel_loop3A_1206 : i32 to index
        %parallel_loop3A_1279 = tpu.vector_load %arg18[%parallel_loop3A_1277, %parallel_loop3A_1278] {strides = array<i32>} : memref<16x768xf32, #tpu.memory_space<vmem>>, vector<16xf32>,
        tpu.vector_store %arg18[%parallel_loop3A_1277, %parallel_loop3A_1278], %parallel_loop3A_1275 {strides = array<i32>} : memref<16x768xf32, #tpu.memory_space<vmem>>, vector<16xf32>,
        %parallel_loop3A_1280 = arith.addf %parallel_loop3A_1176, %parallel_loop3A_1275 : vector<16xf32>
        %parallel_loop3A_1281 = arith.mulf %parallel_loop3A_1275, %parallel_loop3A_1275 : vector<16xf32>
        %parallel_loop3A_1282 = arith.addf %parallel_loop3A_1192, %parallel_loop3A_1281 : vector<16xf32>
        %parallel_loop3A_1283 = tpu.vector_load_idx %arg12[%gather3A_650, %parallel_loop3A_1210] : memref<2x768xf32, #tpu.memory_space<vmem>>[vector<16xi32>, vector<16xi32>], vector<16xf32>,
        %parallel_loop3A_1284 = arith.constant 4 : i32
        %parallel_loop3A_1285 = arith.index_cast %parallel_loop3A_1284 : i32 to index
        %parallel_loop3A_1286 = arith.index_cast %parallel_loop3A_1206 : i32 to index
        %parallel_loop3A_1287 = tpu.vector_load %arg14[%parallel_loop3A_1285, %parallel_loop3A_1286] {strides = array<i32>} : memref<16x768xf32, #tpu.memory_space<vmem>>, vector<16xf32>,
        %parallel_loop3A_1288 = arith.constant 4 : i32
        %parallel_loop3A_1289 = arith.index_cast %parallel_loop3A_1288 : i32 to index
        %parallel_loop3A_1290 = arith.index_cast %parallel_loop3A_1206 : i32 to index
        %parallel_loop3A_1291 = tpu.vector_load %arg16[%parallel_loop3A_1289, %parallel_loop3A_1290] {strides = array<i32>} : memref<16x768xf32, #tpu.memory_space<vmem>>, vector<16xf32>,
        %parallel_loop3A_1292 = arith.addf %parallel_loop3A_1287, %parallel_loop3A_1291 : vector<16xf32>
        %parallel_loop3A_1293 = arith.addf %parallel_loop3A_1292, %parallel_loop3A_1283 : vector<16xf32>
        %parallel_loop3A_1294 = arith.constant 4 : i32
        %parallel_loop3A_1295 = arith.index_cast %parallel_loop3A_1294 : i32 to index
        %parallel_loop3A_1296 = arith.index_cast %parallel_loop3A_1206 : i32 to index
        %parallel_loop3A_1297 = tpu.vector_load %arg18[%parallel_loop3A_1295, %parallel_loop3A_1296] {strides = array<i32>} : memref<16x768xf32, #tpu.memory_space<vmem>>, vector<16xf32>,
        tpu.vector_store %arg18[%parallel_loop3A_1295, %parallel_loop3A_1296], %parallel_loop3A_1293 {strides = array<i32>} : memref<16x768xf32, #tpu.memory_space<vmem>>, vector<16xf32>,
        %parallel_loop3A_1298 = arith.addf %parallel_loop3A_1177, %parallel_loop3A_1293 : vector<16xf32>
        %parallel_loop3A_1299 = arith.mulf %parallel_loop3A_1293, %parallel_loop3A_1293 : vector<16xf32>
        %parallel_loop3A_1300 = arith.addf %parallel_loop3A_1193, %parallel_loop3A_1299 : vector<16xf32>
        %parallel_loop3A_1301 = tpu.vector_load_idx %arg12[%gather3A_655, %parallel_loop3A_1210] : memref<2x768xf32, #tpu.memory_space<vmem>>[vector<16xi32>, vector<16xi32>], vector<16xf32>,
        %parallel_loop3A_1302 = arith.constant 5 : i32
        %parallel_loop3A_1303 = arith.index_cast %parallel_loop3A_1302 : i32 to index
        %parallel_loop3A_1304 = arith.index_cast %parallel_loop3A_1206 : i32 to index
        %parallel_loop3A_1305 = tpu.vector_load %arg14[%parallel_loop3A_1303, %parallel_loop3A_1304] {strides = array<i32>} : memref<16x768xf32, #tpu.memory_space<vmem>>, vector<16xf32>,
        %parallel_loop3A_1306 = arith.constant 5 : i32
        %parallel_loop3A_1307 = arith.index_cast %parallel_loop3A_1306 : i32 to index
        %parallel_loop3A_1308 = arith.index_cast %parallel_loop3A_1206 : i32 to index
        %parallel_loop3A_1309 = tpu.vector_load %arg16[%parallel_loop3A_1307, %parallel_loop3A_1308] {strides = array<i32>} : memref<16x768xf32, #tpu.memory_space<vmem>>, vector<16xf32>,
        %parallel_loop3A_1310 = arith.addf %parallel_loop3A_1305, %parallel_loop3A_1309 : vector<16xf32>
        %parallel_loop3A_1311 = arith.addf %parallel_loop3A_1310, %parallel_loop3A_1301 : vector<16xf32>
        %parallel_loop3A_1312 = arith.constant 5 : i32
        %parallel_loop3A_1313 = arith.index_cast %parallel_loop3A_1312 : i32 to index
        %parallel_loop3A_1314 = arith.index_cast %parallel_loop3A_1206 : i32 to index
        %parallel_loop3A_1315 = tpu.vector_load %arg18[%parallel_loop3A_1313, %parallel_loop3A_1314] {strides = array<i32>} : memref<16x768xf32, #tpu.memory_space<vmem>>, vector<16xf32>,
        tpu.vector_store %arg18[%parallel_loop3A_1313, %parallel_loop3A_1314], %parallel_loop3A_1311 {strides = array<i32>} : memref<16x768xf32, #tpu.memory_space<vmem>>, vector<16xf32>,
        %parallel_loop3A_1316 = arith.addf %parallel_loop3A_1178, %parallel_loop3A_1311 : vector<16xf32>
        %parallel_loop3A_1317 = arith.mulf %parallel_loop3A_1311, %parallel_loop3A_1311 : vector<16xf32>
        %parallel_loop3A_1318 = arith.addf %parallel_loop3A_1194, %parallel_loop3A_1317 : vector<16xf32>
        %parallel_loop3A_1319 = tpu.vector_load_idx %arg12[%gather3A_660, %parallel_loop3A_1210] : memref<2x768xf32, #tpu.memory_space<vmem>>[vector<16xi32>, vector<16xi32>], vector<16xf32>,
        %parallel_loop3A_1320 = arith.constant 6 : i32
        %parallel_loop3A_1321 = arith.index_cast %parallel_loop3A_1320 : i32 to index
        %parallel_loop3A_1322 = arith.index_cast %parallel_loop3A_1206 : i32 to index
        %parallel_loop3A_1323 = tpu.vector_load %arg14[%parallel_loop3A_1321, %parallel_loop3A_1322] {strides = array<i32>} : memref<16x768xf32, #tpu.memory_space<vmem>>, vector<16xf32>,
        %parallel_loop3A_1324 = arith.constant 6 : i32
        %parallel_loop3A_1325 = arith.index_cast %parallel_loop3A_1324 : i32 to index
        %parallel_loop3A_1326 = arith.index_cast %parallel_loop3A_1206 : i32 to index
        %parallel_loop3A_1327 = tpu.vector_load %arg16[%parallel_loop3A_1325, %parallel_loop3A_1326] {strides = array<i32>} : memref<16x768xf32, #tpu.memory_space<vmem>>, vector<16xf32>,
        %parallel_loop3A_1328 = arith.addf %parallel_loop3A_1323, %parallel_loop3A_1327 : vector<16xf32>
        %parallel_loop3A_1329 = arith.addf %parallel_loop3A_1328, %parallel_loop3A_1319 : vector<16xf32>
        %parallel_loop3A_1330 = arith.constant 6 : i32
        %parallel_loop3A_1331 = arith.index_cast %parallel_loop3A_1330 : i32 to index
        %parallel_loop3A_1332 = arith.index_cast %parallel_loop3A_1206 : i32 to index
        %parallel_loop3A_1333 = tpu.vector_load %arg18[%parallel_loop3A_1331, %parallel_loop3A_1332] {strides = array<i32>} : memref<16x768xf32, #tpu.memory_space<vmem>>, vector<16xf32>,
        tpu.vector_store %arg18[%parallel_loop3A_1331, %parallel_loop3A_1332], %parallel_loop3A_1329 {strides = array<i32>} : memref<16x768xf32, #tpu.memory_space<vmem>>, vector<16xf32>,
        %parallel_loop3A_1334 = arith.addf %parallel_loop3A_1179, %parallel_loop3A_1329 : vector<16xf32>
        %parallel_loop3A_1335 = arith.mulf %parallel_loop3A_1329, %parallel_loop3A_1329 : vector<16xf32>
        %parallel_loop3A_1336 = arith.addf %parallel_loop3A_1195, %parallel_loop3A_1335 : vector<16xf32>
        %parallel_loop3A_1337 = tpu.vector_load_idx %arg12[%gather3A_665, %parallel_loop3A_1210] : memref<2x768xf32, #tpu.memory_space<vmem>>[vector<16xi32>, vector<16xi32>], vector<16xf32>,
        %parallel_loop3A_1338 = arith.constant 7 : i32
        %parallel_loop3A_1339 = arith.index_cast %parallel_loop3A_1338 : i32 to index
        %parallel_loop3A_1340 = arith.index_cast %parallel_loop3A_1206 : i32 to index
        %parallel_loop3A_1341 = tpu.vector_load %arg14[%parallel_loop3A_1339, %parallel_loop3A_1340] {strides = array<i32>} : memref<16x768xf32, #tpu.memory_space<vmem>>, vector<16xf32>,
        %parallel_loop3A_1342 = arith.constant 7 : i32
        %parallel_loop3A_1343 = arith.index_cast %parallel_loop3A_1342 : i32 to index
        %parallel_loop3A_1344 = arith.index_cast %parallel_loop3A_1206 : i32 to index
        %parallel_loop3A_1345 = tpu.vector_load %arg16[%parallel_loop3A_1343, %parallel_loop3A_1344] {strides = array<i32>} : memref<16x768xf32, #tpu.memory_space<vmem>>, vector<16xf32>,
        %parallel_loop3A_1346 = arith.addf %parallel_loop3A_1341, %parallel_loop3A_1345 : vector<16xf32>
        %parallel_loop3A_1347 = arith.addf %parallel_loop3A_1346, %parallel_loop3A_1337 : vector<16xf32>
        %parallel_loop3A_1348 = arith.constant 7 : i32
        %parallel_loop3A_1349 = arith.index_cast %parallel_loop3A_1348 : i32 to index
        %parallel_loop3A_1350 = arith.index_cast %parallel_loop3A_1206 : i32 to index
        %parallel_loop3A_1351 = tpu.vector_load %arg18[%parallel_loop3A_1349, %parallel_loop3A_1350] {strides = array<i32>} : memref<16x768xf32, #tpu.memory_space<vmem>>, vector<16xf32>,
        tpu.vector_store %arg18[%parallel_loop3A_1349, %parallel_loop3A_1350], %parallel_loop3A_1347 {strides = array<i32>} : memref<16x768xf32, #tpu.memory_space<vmem>>, vector<16xf32>,
        %parallel_loop3A_1352 = arith.addf %parallel_loop3A_1180, %parallel_loop3A_1347 : vector<16xf32>
        %parallel_loop3A_1353 = arith.mulf %parallel_loop3A_1347, %parallel_loop3A_1347 : vector<16xf32>
        %parallel_loop3A_1354 = arith.addf %parallel_loop3A_1196, %parallel_loop3A_1353 : vector<16xf32>
        %parallel_loop3A_1355 = tpu.vector_load_idx %arg12[%gather3A_670, %parallel_loop3A_1210] : memref<2x768xf32, #tpu.memory_space<vmem>>[vector<16xi32>, vector<16xi32>], vector<16xf32>,
        %parallel_loop3A_1356 = arith.constant 8 : i32
        %parallel_loop3A_1357 = arith.index_cast %parallel_loop3A_1356 : i32 to index
        %parallel_loop3A_1358 = arith.index_cast %parallel_loop3A_1206 : i32 to index
        %parallel_loop3A_1359 = tpu.vector_load %arg14[%parallel_loop3A_1357, %parallel_loop3A_1358] {strides = array<i32>} : memref<16x768xf32, #tpu.memory_space<vmem>>, vector<16xf32>,
        %parallel_loop3A_1360 = arith.constant 8 : i32
        %parallel_loop3A_1361 = arith.index_cast %parallel_loop3A_1360 : i32 to index
        %parallel_loop3A_1362 = arith.index_cast %parallel_loop3A_1206 : i32 to index
        %parallel_loop3A_1363 = tpu.vector_load %arg16[%parallel_loop3A_1361, %parallel_loop3A_1362] {strides = array<i32>} : memref<16x768xf32, #tpu.memory_space<vmem>>, vector<16xf32>,
        %parallel_loop3A_1364 = arith.addf %parallel_loop3A_1359, %parallel_loop3A_1363 : vector<16xf32>
        %parallel_loop3A_1365 = arith.addf %parallel_loop3A_1364, %parallel_loop3A_1355 : vector<16xf32>
        %parallel_loop3A_1366 = arith.constant 8 : i32
        %parallel_loop3A_1367 = arith.index_cast %parallel_loop3A_1366 : i32 to index
        %parallel_loop3A_1368 = arith.index_cast %parallel_loop3A_1206 : i32 to index
        %parallel_loop3A_1369 = tpu.vector_load %arg18[%parallel_loop3A_1367, %parallel_loop3A_1368] {strides = array<i32>} : memref<16x768xf32, #tpu.memory_space<vmem>>, vector<16xf32>,
        tpu.vector_store %arg18[%parallel_loop3A_1367, %parallel_loop3A_1368], %parallel_loop3A_1365 {strides = array<i32>} : memref<16x768xf32, #tpu.memory_space<vmem>>, vector<16xf32>,
        %parallel_loop3A_1370 = arith.addf %parallel_loop3A_1181, %parallel_loop3A_1365 : vector<16xf32>
        %parallel_loop3A_1371 = arith.mulf %parallel_loop3A_1365, %parallel_loop3A_1365 : vector<16xf32>
        %parallel_loop3A_1372 = arith.addf %parallel_loop3A_1197, %parallel_loop3A_1371 : vector<16xf32>
        %parallel_loop3A_1373 = tpu.vector_load_idx %arg12[%gather3A_675, %parallel_loop3A_1210] : memref<2x768xf32, #tpu.memory_space<vmem>>[vector<16xi32>, vector<16xi32>], vector<16xf32>,
        %parallel_loop3A_1374 = arith.constant 9 : i32
        %parallel_loop3A_1375 = arith.index_cast %parallel_loop3A_1374 : i32 to index
        %parallel_loop3A_1376 = arith.index_cast %parallel_loop3A_1206 : i32 to index
        %parallel_loop3A_1377 = tpu.vector_load %arg14[%parallel_loop3A_1375, %parallel_loop3A_1376] {strides = array<i32>} : memref<16x768xf32, #tpu.memory_space<vmem>>, vector<16xf32>,
        %parallel_loop3A_1378 = arith.constant 9 : i32
        %parallel_loop3A_1379 = arith.index_cast %parallel_loop3A_1378 : i32 to index
        %parallel_loop3A_1380 = arith.index_cast %parallel_loop3A_1206 : i32 to index
        %parallel_loop3A_1381 = tpu.vector_load %arg16[%parallel_loop3A_1379, %parallel_loop3A_1380] {strides = array<i32>} : memref<16x768xf32, #tpu.memory_space<vmem>>, vector<16xf32>,
        %parallel_loop3A_1382 = arith.addf %parallel_loop3A_1377, %parallel_loop3A_1381 : vector<16xf32>
        %parallel_loop3A_1383 = arith.addf %parallel_loop3A_1382, %parallel_loop3A_1373 : vector<16xf32>
        %parallel_loop3A_1384 = arith.constant 9 : i32
        %parallel_loop3A_1385 = arith.index_cast %parallel_loop3A_1384 : i32 to index
        %parallel_loop3A_1386 = arith.index_cast %parallel_loop3A_1206 : i32 to index
        %parallel_loop3A_1387 = tpu.vector_load %arg18[%parallel_loop3A_1385, %parallel_loop3A_1386] {strides = array<i32>} : memref<16x768xf32, #tpu.memory_space<vmem>>, vector<16xf32>,
        tpu.vector_store %arg18[%parallel_loop3A_1385, %parallel_loop3A_1386], %parallel_loop3A_1383 {strides = array<i32>} : memref<16x768xf32, #tpu.memory_space<vmem>>, vector<16xf32>,
        %parallel_loop3A_1388 = arith.addf %parallel_loop3A_1182, %parallel_loop3A_1383 : vector<16xf32>
        %parallel_loop3A_1389 = arith.mulf %parallel_loop3A_1383, %parallel_loop3A_1383 : vector<16xf32>
        %parallel_loop3A_1390 = arith.addf %parallel_loop3A_1198, %parallel_loop3A_1389 : vector<16xf32>
        %parallel_loop3A_1391 = tpu.vector_load_idx %arg12[%gather3A_680, %parallel_loop3A_1210] : memref<2x768xf32, #tpu.memory_space<vmem>>[vector<16xi32>, vector<16xi32>], vector<16xf32>,
        %parallel_loop3A_1392 = arith.constant 10 : i32
        %parallel_loop3A_1393 = arith.index_cast %parallel_loop3A_1392 : i32 to index
        %parallel_loop3A_1394 = arith.index_cast %parallel_loop3A_1206 : i32 to index
        %parallel_loop3A_1395 = tpu.vector_load %arg14[%parallel_loop3A_1393, %parallel_loop3A_1394] {strides = array<i32>} : memref<16x768xf32, #tpu.memory_space<vmem>>, vector<16xf32>,
        %parallel_loop3A_1396 = arith.constant 10 : i32
        %parallel_loop3A_1397 = arith.index_cast %parallel_loop3A_1396 : i32 to index
        %parallel_loop3A_1398 = arith.index_cast %parallel_loop3A_1206 : i32 to index
        %parallel_loop3A_1399 = tpu.vector_load %arg16[%parallel_loop3A_1397, %parallel_loop3A_1398] {strides = array<i32>} : memref<16x768xf32, #tpu.memory_space<vmem>>, vector<16xf32>,
        %parallel_loop3A_1400 = arith.addf %parallel_loop3A_1395, %parallel_loop3A_1399 : vector<16xf32>
        %parallel_loop3A_1401 = arith.addf %parallel_loop3A_1400, %parallel_loop3A_1391 : vector<16xf32>
        %parallel_loop3A_1402 = arith.constant 10 : i32
        %parallel_loop3A_1403 = arith.index_cast %parallel_loop3A_1402 : i32 to index
        %parallel_loop3A_1404 = arith.index_cast %parallel_loop3A_1206 : i32 to index
        %parallel_loop3A_1405 = tpu.vector_load %arg18[%parallel_loop3A_1403, %parallel_loop3A_1404] {strides = array<i32>} : memref<16x768xf32, #tpu.memory_space<vmem>>, vector<16xf32>,
        tpu.vector_store %arg18[%parallel_loop3A_1403, %parallel_loop3A_1404], %parallel_loop3A_1401 {strides = array<i32>} : memref<16x768xf32, #tpu.memory_space<vmem>>, vector<16xf32>,
        %parallel_loop3A_1406 = arith.addf %parallel_loop3A_1183, %parallel_loop3A_1401 : vector<16xf32>
        %parallel_loop3A_1407 = arith.mulf %parallel_loop3A_1401, %parallel_loop3A_1401 : vector<16xf32>
        %parallel_loop3A_1408 = arith.addf %parallel_loop3A_1199, %parallel_loop3A_1407 : vector<16xf32>
        %parallel_loop3A_1409 = tpu.vector_load_idx %arg12[%gather3A_685, %parallel_loop3A_1210] : memref<2x768xf32, #tpu.memory_space<vmem>>[vector<16xi32>, vector<16xi32>], vector<16xf32>,
        %parallel_loop3A_1410 = arith.constant 11 : i32
        %parallel_loop3A_1411 = arith.index_cast %parallel_loop3A_1410 : i32 to index
        %parallel_loop3A_1412 = arith.index_cast %parallel_loop3A_1206 : i32 to index
        %parallel_loop3A_1413 = tpu.vector_load %arg14[%parallel_loop3A_1411, %parallel_loop3A_1412] {strides = array<i32>} : memref<16x768xf32, #tpu.memory_space<vmem>>, vector<16xf32>,
        %parallel_loop3A_1414 = arith.constant 11 : i32
        %parallel_loop3A_1415 = arith.index_cast %parallel_loop3A_1414 : i32 to index
        %parallel_loop3A_1416 = arith.index_cast %parallel_loop3A_1206 : i32 to index
        %parallel_loop3A_1417 = tpu.vector_load %arg16[%parallel_loop3A_1415, %parallel_loop3A_1416] {strides = array<i32>} : memref<16x768xf32, #tpu.memory_space<vmem>>, vector<16xf32>,
        %parallel_loop3A_1418 = arith.addf %parallel_loop3A_1413, %parallel_loop3A_1417 : vector<16xf32>
        %parallel_loop3A_1419 = arith.addf %parallel_loop3A_1418, %parallel_loop3A_1409 : vector<16xf32>
        %parallel_loop3A_1420 = arith.constant 11 : i32
        %parallel_loop3A_1421 = arith.index_cast %parallel_loop3A_1420 : i32 to index
        %parallel_loop3A_1422 = arith.index_cast %parallel_loop3A_1206 : i32 to index
        %parallel_loop3A_1423 = tpu.vector_load %arg18[%parallel_loop3A_1421, %parallel_loop3A_1422] {strides = array<i32>} : memref<16x768xf32, #tpu.memory_space<vmem>>, vector<16xf32>,
        tpu.vector_store %arg18[%parallel_loop3A_1421, %parallel_loop3A_1422], %parallel_loop3A_1419 {strides = array<i32>} : memref<16x768xf32, #tpu.memory_space<vmem>>, vector<16xf32>,
        %parallel_loop3A_1424 = arith.addf %parallel_loop3A_1184, %parallel_loop3A_1419 : vector<16xf32>
        %parallel_loop3A_1425 = arith.mulf %parallel_loop3A_1419, %parallel_loop3A_1419 : vector<16xf32>
        %parallel_loop3A_1426 = arith.addf %parallel_loop3A_1200, %parallel_loop3A_1425 : vector<16xf32>
        %parallel_loop3A_1427 = tpu.vector_load_idx %arg12[%gather3A_690, %parallel_loop3A_1210] : memref<2x768xf32, #tpu.memory_space<vmem>>[vector<16xi32>, vector<16xi32>], vector<16xf32>,
        %parallel_loop3A_1428 = arith.constant 12 : i32
        %parallel_loop3A_1429 = arith.index_cast %parallel_loop3A_1428 : i32 to index
        %parallel_loop3A_1430 = arith.index_cast %parallel_loop3A_1206 : i32 to index
        %parallel_loop3A_1431 = tpu.vector_load %arg14[%parallel_loop3A_1429, %parallel_loop3A_1430] {strides = array<i32>} : memref<16x768xf32, #tpu.memory_space<vmem>>, vector<16xf32>,
        %parallel_loop3A_1432 = arith.constant 12 : i32
        %parallel_loop3A_1433 = arith.index_cast %parallel_loop3A_1432 : i32 to index
        %parallel_loop3A_1434 = arith.index_cast %parallel_loop3A_1206 : i32 to index
        %parallel_loop3A_1435 = tpu.vector_load %arg16[%parallel_loop3A_1433, %parallel_loop3A_1434] {strides = array<i32>} : memref<16x768xf32, #tpu.memory_space<vmem>>, vector<16xf32>,
        %parallel_loop3A_1436 = arith.addf %parallel_loop3A_1431, %parallel_loop3A_1435 : vector<16xf32>
        %parallel_loop3A_1437 = arith.addf %parallel_loop3A_1436, %parallel_loop3A_1427 : vector<16xf32>
        %parallel_loop3A_1438 = arith.constant 12 : i32
        %parallel_loop3A_1439 = arith.index_cast %parallel_loop3A_1438 : i32 to index
        %parallel_loop3A_1440 = arith.index_cast %parallel_loop3A_1206 : i32 to index
        %parallel_loop3A_1441 = tpu.vector_load %arg18[%parallel_loop3A_1439, %parallel_loop3A_1440] {strides = array<i32>} : memref<16x768xf32, #tpu.memory_space<vmem>>, vector<16xf32>,
        tpu.vector_store %arg18[%parallel_loop3A_1439, %parallel_loop3A_1440], %parallel_loop3A_1437 {strides = array<i32>} : memref<16x768xf32, #tpu.memory_space<vmem>>, vector<16xf32>,
        %parallel_loop3A_1442 = arith.addf %parallel_loop3A_1185, %parallel_loop3A_1437 : vector<16xf32>
        %parallel_loop3A_1443 = arith.mulf %parallel_loop3A_1437, %parallel_loop3A_1437 : vector<16xf32>
        %parallel_loop3A_1444 = arith.addf %parallel_loop3A_1201, %parallel_loop3A_1443 : vector<16xf32>
        %parallel_loop3A_1445 = tpu.vector_load_idx %arg12[%gather3A_695, %parallel_loop3A_1210] : memref<2x768xf32, #tpu.memory_space<vmem>>[vector<16xi32>, vector<16xi32>], vector<16xf32>,
        %parallel_loop3A_1446 = arith.constant 13 : i32
        %parallel_loop3A_1447 = arith.index_cast %parallel_loop3A_1446 : i32 to index
        %parallel_loop3A_1448 = arith.index_cast %parallel_loop3A_1206 : i32 to index
        %parallel_loop3A_1449 = tpu.vector_load %arg14[%parallel_loop3A_1447, %parallel_loop3A_1448] {strides = array<i32>} : memref<16x768xf32, #tpu.memory_space<vmem>>, vector<16xf32>,
        %parallel_loop3A_1450 = arith.constant 13 : i32
        %parallel_loop3A_1451 = arith.index_cast %parallel_loop3A_1450 : i32 to index
        %parallel_loop3A_1452 = arith.index_cast %parallel_loop3A_1206 : i32 to index
        %parallel_loop3A_1453 = tpu.vector_load %arg16[%parallel_loop3A_1451, %parallel_loop3A_1452] {strides = array<i32>} : memref<16x768xf32, #tpu.memory_space<vmem>>, vector<16xf32>,
        %parallel_loop3A_1454 = arith.addf %parallel_loop3A_1449, %parallel_loop3A_1453 : vector<16xf32>
        %parallel_loop3A_1455 = arith.addf %parallel_loop3A_1454, %parallel_loop3A_1445 : vector<16xf32>
        %parallel_loop3A_1456 = arith.constant 13 : i32
        %parallel_loop3A_1457 = arith.index_cast %parallel_loop3A_1456 : i32 to index
        %parallel_loop3A_1458 = arith.index_cast %parallel_loop3A_1206 : i32 to index
        %parallel_loop3A_1459 = tpu.vector_load %arg18[%parallel_loop3A_1457, %parallel_loop3A_1458] {strides = array<i32>} : memref<16x768xf32, #tpu.memory_space<vmem>>, vector<16xf32>,
        tpu.vector_store %arg18[%parallel_loop3A_1457, %parallel_loop3A_1458], %parallel_loop3A_1455 {strides = array<i32>} : memref<16x768xf32, #tpu.memory_space<vmem>>, vector<16xf32>,
        %parallel_loop3A_1460 = arith.addf %parallel_loop3A_1186, %parallel_loop3A_1455 : vector<16xf32>
        %parallel_loop3A_1461 = arith.mulf %parallel_loop3A_1455, %parallel_loop3A_1455 : vector<16xf32>
        %parallel_loop3A_1462 = arith.addf %parallel_loop3A_1202, %parallel_loop3A_1461 : vector<16xf32>
        %parallel_loop3A_1463 = tpu.vector_load_idx %arg12[%gather3A_700, %parallel_loop3A_1210] : memref<2x768xf32, #tpu.memory_space<vmem>>[vector<16xi32>, vector<16xi32>], vector<16xf32>,
        %parallel_loop3A_1464 = arith.constant 14 : i32
        %parallel_loop3A_1465 = arith.index_cast %parallel_loop3A_1464 : i32 to index
        %parallel_loop3A_1466 = arith.index_cast %parallel_loop3A_1206 : i32 to index
        %parallel_loop3A_1467 = tpu.vector_load %arg14[%parallel_loop3A_1465, %parallel_loop3A_1466] {strides = array<i32>} : memref<16x768xf32, #tpu.memory_space<vmem>>, vector<16xf32>,
        %parallel_loop3A_1468 = arith.constant 14 : i32
        %parallel_loop3A_1469 = arith.index_cast %parallel_loop3A_1468 : i32 to index
        %parallel_loop3A_1470 = arith.index_cast %parallel_loop3A_1206 : i32 to index
        %parallel_loop3A_1471 = tpu.vector_load %arg16[%parallel_loop3A_1469, %parallel_loop3A_1470] {strides = array<i32>} : memref<16x768xf32, #tpu.memory_space<vmem>>, vector<16xf32>,
        %parallel_loop3A_1472 = arith.addf %parallel_loop3A_1467, %parallel_loop3A_1471 : vector<16xf32>
        %parallel_loop3A_1473 = arith.addf %parallel_loop3A_1472, %parallel_loop3A_1463 : vector<16xf32>
        %parallel_loop3A_1474 = arith.constant 14 : i32
        %parallel_loop3A_1475 = arith.index_cast %parallel_loop3A_1474 : i32 to index
        %parallel_loop3A_1476 = arith.index_cast %parallel_loop3A_1206 : i32 to index
        %parallel_loop3A_1477 = tpu.vector_load %arg18[%parallel_loop3A_1475, %parallel_loop3A_1476] {strides = array<i32>} : memref<16x768xf32, #tpu.memory_space<vmem>>, vector<16xf32>,
        tpu.vector_store %arg18[%parallel_loop3A_1475, %parallel_loop3A_1476], %parallel_loop3A_1473 {strides = array<i32>} : memref<16x768xf32, #tpu.memory_space<vmem>>, vector<16xf32>,
        %parallel_loop3A_1478 = arith.addf %parallel_loop3A_1187, %parallel_loop3A_1473 : vector<16xf32>
        %parallel_loop3A_1479 = arith.mulf %parallel_loop3A_1473, %parallel_loop3A_1473 : vector<16xf32>
        %parallel_loop3A_1480 = arith.addf %parallel_loop3A_1203, %parallel_loop3A_1479 : vector<16xf32>
        %parallel_loop3A_1481 = tpu.vector_load_idx %arg12[%gather3A_705, %parallel_loop3A_1210] : memref<2x768xf32, #tpu.memory_space<vmem>>[vector<16xi32>, vector<16xi32>], vector<16xf32>,
        %parallel_loop3A_1482 = arith.constant 15 : i32
        %parallel_loop3A_1483 = arith.index_cast %parallel_loop3A_1482 : i32 to index
        %parallel_loop3A_1484 = arith.index_cast %parallel_loop3A_1206 : i32 to index
        %parallel_loop3A_1485 = tpu.vector_load %arg14[%parallel_loop3A_1483, %parallel_loop3A_1484] {strides = array<i32>} : memref<16x768xf32, #tpu.memory_space<vmem>>, vector<16xf32>,
        %parallel_loop3A_1486 = arith.constant 15 : i32
        %parallel_loop3A_1487 = arith.index_cast %parallel_loop3A_1486 : i32 to index
        %parallel_loop3A_1488 = arith.index_cast %parallel_loop3A_1206 : i32 to index
        %parallel_loop3A_1489 = tpu.vector_load %arg16[%parallel_loop3A_1487, %parallel_loop3A_1488] {strides = array<i32>} : memref<16x768xf32, #tpu.memory_space<vmem>>, vector<16xf32>,
        %parallel_loop3A_1490 = arith.addf %parallel_loop3A_1485, %parallel_loop3A_1489 : vector<16xf32>
        %parallel_loop3A_1491 = arith.addf %parallel_loop3A_1490, %parallel_loop3A_1481 : vector<16xf32>
        %parallel_loop3A_1492 = arith.constant 15 : i32
        %parallel_loop3A_1493 = arith.index_cast %parallel_loop3A_1492 : i32 to index
        %parallel_loop3A_1494 = arith.index_cast %parallel_loop3A_1206 : i32 to index
        %parallel_loop3A_1495 = tpu.vector_load %arg18[%parallel_loop3A_1493, %parallel_loop3A_1494] {strides = array<i32>} : memref<16x768xf32, #tpu.memory_space<vmem>>, vector<16xf32>,
        tpu.vector_store %arg18[%parallel_loop3A_1493, %parallel_loop3A_1494], %parallel_loop3A_1491 {strides = array<i32>} : memref<16x768xf32, #tpu.memory_space<vmem>>, vector<16xf32>,
        %parallel_loop3A_1496 = arith.addf %parallel_loop3A_1188, %parallel_loop3A_1491 : vector<16xf32>
        %parallel_loop3A_1497 = arith.mulf %parallel_loop3A_1491, %parallel_loop3A_1491 : vector<16xf32>
        %parallel_loop3A_1498 = arith.addf %parallel_loop3A_1204, %parallel_loop3A_1497 : vector<16xf32>
        scf.yield %parallel_loop3A_1226, %parallel_loop3A_1244, %parallel_loop3A_1262, %parallel_loop3A_1280, %parallel_loop3A_1298, %parallel_loop3A_1316, %parallel_loop3A_1334, %parallel_loop3A_1352, %parallel_loop3A_1370, %parallel_loop3A_1388, %parallel_loop3A_1406, %parallel_loop3A_1424, %parallel_loop3A_1442, %parallel_loop3A_1460, %parallel_loop3A_1478, %parallel_loop3A_1496, %parallel_loop3A_1228, %parallel_loop3A_1246, %parallel_loop3A_1264, %parallel_loop3A_1282, %parallel_loop3A_1300, %parallel_loop3A_1318, %parallel_loop3A_1336, %parallel_loop3A_1354, %parallel_loop3A_1372, %parallel_loop3A_1390, %parallel_loop3A_1408, %parallel_loop3A_1426, %parallel_loop3A_1444, %parallel_loop3A_1462, %parallel_loop3A_1480, %parallel_loop3A_1498 : vector<16xf32>, vector<16xf32>, vector<16xf32>, vector<16xf32>, vector<16xf32>, vector<16xf32>, vector<16xf32>, vector<16xf32>, vector<16xf32>, vector<16xf32>, vector<16xf32>, vector<16xf32>, vector<16xf32>, vector<16xf32>, vector<16xf32>, vector<16xf32>, vector<16xf32>, vector<16xf32>, vector<16xf32>, vector<16xf32>, vector<16xf32>, vector<16xf32>, vector<16xf32>, vector<16xf32>, vector<16xf32>, vector<16xf32>, vector<16xf32>, vector<16xf32>, vector<16xf32>, vector<16xf32>, vector<16xf32>, vector<16xf32>
      } {sc.loop_unroll_factor = 1 : i64, sc.parallel_access}
      %swap3A_711 = arith.constant 0 : i32
      %swap3A_712 = arith.index_cast %swap3A_711 : i32 to index
      %swap3A_713 = arith.constant 0 : index
      %swap3A_714 = tpu.vector_load %arg21[%swap3A_712, %swap3A_713] {strides = array<i32>} : memref<16x16xf32, #tpu.memory_space<vmem>>, vector<16xf32>,
      tpu.vector_store %arg21[%swap3A_712, %swap3A_713], %parallel_loop3A_710#0 {strides = array<i32>} : memref<16x16xf32, #tpu.memory_space<vmem>>, vector<16xf32>,
      %swap3A_715 = arith.constant 0 : i32
      %swap3A_716 = arith.index_cast %swap3A_715 : i32 to index
      %swap3A_717 = arith.constant 0 : index
      %swap3A_718 = tpu.vector_load %arg22[%swap3A_716, %swap3A_717] {strides = array<i32>} : memref<16x16xf32, #tpu.memory_space<vmem>>, vector<16xf32>,
      tpu.vector_store %arg22[%swap3A_716, %swap3A_717], %parallel_loop3A_710#16 {strides = array<i32>} : memref<16x16xf32, #tpu.memory_space<vmem>>, vector<16xf32>,
      %swap3A_719 = arith.constant 1 : i32
      %swap3A_720 = arith.index_cast %swap3A_719 : i32 to index
      %swap3A_721 = arith.constant 0 : index
      %swap3A_722 = tpu.vector_load %arg21[%swap3A_720, %swap3A_721] {strides = array<i32>} : memref<16x16xf32, #tpu.memory_space<vmem>>, vector<16xf32>,
      tpu.vector_store %arg21[%swap3A_720, %swap3A_721], %parallel_loop3A_710#1 {strides = array<i32>} : memref<16x16xf32, #tpu.memory_space<vmem>>, vector<16xf32>,
      %swap3A_723 = arith.constant 1 : i32
      %swap3A_724 = arith.index_cast %swap3A_723 : i32 to index
      %swap3A_725 = arith.constant 0 : index
      %swap3A_726 = tpu.vector_load %arg22[%swap3A_724, %swap3A_725] {strides = array<i32>} : memref<16x16xf32, #tpu.memory_space<vmem>>, vector<16xf32>,
      tpu.vector_store %arg22[%swap3A_724, %swap3A_725], %parallel_loop3A_710#17 {strides = array<i32>} : memref<16x16xf32, #tpu.memory_space<vmem>>, vector<16xf32>,
      %swap3A_727 = arith.constant 2 : i32
      %swap3A_728 = arith.index_cast %swap3A_727 : i32 to index
      %swap3A_729 = arith.constant 0 : index
      %swap3A_730 = tpu.vector_load %arg21[%swap3A_728, %swap3A_729] {strides = array<i32>} : memref<16x16xf32, #tpu.memory_space<vmem>>, vector<16xf32>,
      tpu.vector_store %arg21[%swap3A_728, %swap3A_729], %parallel_loop3A_710#2 {strides = array<i32>} : memref<16x16xf32, #tpu.memory_space<vmem>>, vector<16xf32>,
      %swap3A_731 = arith.constant 2 : i32
      %swap3A_732 = arith.index_cast %swap3A_731 : i32 to index
      %swap3A_733 = arith.constant 0 : index
      %swap3A_734 = tpu.vector_load %arg22[%swap3A_732, %swap3A_733] {strides = array<i32>} : memref<16x16xf32, #tpu.memory_space<vmem>>, vector<16xf32>,
      tpu.vector_store %arg22[%swap3A_732, %swap3A_733], %parallel_loop3A_710#18 {strides = array<i32>} : memref<16x16xf32, #tpu.memory_space<vmem>>, vector<16xf32>,
      %swap3A_735 = arith.constant 3 : i32
      %swap3A_736 = arith.index_cast %swap3A_735 : i32 to index
      %swap3A_737 = arith.constant 0 : index
      %swap3A_738 = tpu.vector_load %arg21[%swap3A_736, %swap3A_737] {strides = array<i32>} : memref<16x16xf32, #tpu.memory_space<vmem>>, vector<16xf32>,
      tpu.vector_store %arg21[%swap3A_736, %swap3A_737], %parallel_loop3A_710#3 {strides = array<i32>} : memref<16x16xf32, #tpu.memory_space<vmem>>, vector<16xf32>,
      %swap3A_739 = arith.constant 3 : i32
      %swap3A_740 = arith.index_cast %swap3A_739 : i32 to index
      %swap3A_741 = arith.constant 0 : index
      %swap3A_742 = tpu.vector_load %arg22[%swap3A_740, %swap3A_741] {strides = array<i32>} : memref<16x16xf32, #tpu.memory_space<vmem>>, vector<16xf32>,
      tpu.vector_store %arg22[%swap3A_740, %swap3A_741], %parallel_loop3A_710#19 {strides = array<i32>} : memref<16x16xf32, #tpu.memory_space<vmem>>, vector<16xf32>,
      %swap3A_743 = arith.constant 4 : i32
      %swap3A_744 = arith.index_cast %swap3A_743 : i32 to index
      %swap3A_745 = arith.constant 0 : index
      %swap3A_746 = tpu.vector_load %arg21[%swap3A_744, %swap3A_745] {strides = array<i32>} : memref<16x16xf32, #tpu.memory_space<vmem>>, vector<16xf32>,
      tpu.vector_store %arg21[%swap3A_744, %swap3A_745], %parallel_loop3A_710#4 {strides = array<i32>} : memref<16x16xf32, #tpu.memory_space<vmem>>, vector<16xf32>,
      %swap3A_747 = arith.constant 4 : i32
      %swap3A_748 = arith.index_cast %swap3A_747 : i32 to index
      %swap3A_749 = arith.constant 0 : index
      %swap3A_750 = tpu.vector_load %arg22[%swap3A_748, %swap3A_749] {strides = array<i32>} : memref<16x16xf32, #tpu.memory_space<vmem>>, vector<16xf32>,
      tpu.vector_store %arg22[%swap3A_748, %swap3A_749], %parallel_loop3A_710#20 {strides = array<i32>} : memref<16x16xf32, #tpu.memory_space<vmem>>, vector<16xf32>,
      %swap3A_751 = arith.constant 5 : i32
      %swap3A_752 = arith.index_cast %swap3A_751 : i32 to index
      %swap3A_753 = arith.constant 0 : index
      %swap3A_754 = tpu.vector_load %arg21[%swap3A_752, %swap3A_753] {strides = array<i32>} : memref<16x16xf32, #tpu.memory_space<vmem>>, vector<16xf32>,
      tpu.vector_store %arg21[%swap3A_752, %swap3A_753], %parallel_loop3A_710#5 {strides = array<i32>} : memref<16x16xf32, #tpu.memory_space<vmem>>, vector<16xf32>,
      %swap3A_755 = arith.constant 5 : i32
      %swap3A_756 = arith.index_cast %swap3A_755 : i32 to index
      %swap3A_757 = arith.constant 0 : index
      %swap3A_758 = tpu.vector_load %arg22[%swap3A_756, %swap3A_757] {strides = array<i32>} : memref<16x16xf32, #tpu.memory_space<vmem>>, vector<16xf32>,
      tpu.vector_store %arg22[%swap3A_756, %swap3A_757], %parallel_loop3A_710#21 {strides = array<i32>} : memref<16x16xf32, #tpu.memory_space<vmem>>, vector<16xf32>,
      %swap3A_759 = arith.constant 6 : i32
      %swap3A_760 = arith.index_cast %swap3A_759 : i32 to index
      %swap3A_761 = arith.constant 0 : index
      %swap3A_762 = tpu.vector_load %arg21[%swap3A_760, %swap3A_761] {strides = array<i32>} : memref<16x16xf32, #tpu.memory_space<vmem>>, vector<16xf32>,
      tpu.vector_store %arg21[%swap3A_760, %swap3A_761], %parallel_loop3A_710#6 {strides = array<i32>} : memref<16x16xf32, #tpu.memory_space<vmem>>, vector<16xf32>,
      %swap3A_763 = arith.constant 6 : i32
      %swap3A_764 = arith.index_cast %swap3A_763 : i32 to index
      %swap3A_765 = arith.constant 0 : index
      %swap3A_766 = tpu.vector_load %arg22[%swap3A_764, %swap3A_765] {strides = array<i32>} : memref<16x16xf32, #tpu.memory_space<vmem>>, vector<16xf32>,
      tpu.vector_store %arg22[%swap3A_764, %swap3A_765], %parallel_loop3A_710#22 {strides = array<i32>} : memref<16x16xf32, #tpu.memory_space<vmem>>, vector<16xf32>,
      %swap3A_767 = arith.constant 7 : i32
      %swap3A_768 = arith.index_cast %swap3A_767 : i32 to index
      %swap3A_769 = arith.constant 0 : index
      %swap3A_770 = tpu.vector_load %arg21[%swap3A_768, %swap3A_769] {strides = array<i32>} : memref<16x16xf32, #tpu.memory_space<vmem>>, vector<16xf32>,
      tpu.vector_store %arg21[%swap3A_768, %swap3A_769], %parallel_loop3A_710#7 {strides = array<i32>} : memref<16x16xf32, #tpu.memory_space<vmem>>, vector<16xf32>,
      %swap3A_771 = arith.constant 7 : i32
      %swap3A_772 = arith.index_cast %swap3A_771 : i32 to index
      %swap3A_773 = arith.constant 0 : index
      %swap3A_774 = tpu.vector_load %arg22[%swap3A_772, %swap3A_773] {strides = array<i32>} : memref<16x16xf32, #tpu.memory_space<vmem>>, vector<16xf32>,
      tpu.vector_store %arg22[%swap3A_772, %swap3A_773], %parallel_loop3A_710#23 {strides = array<i32>} : memref<16x16xf32, #tpu.memory_space<vmem>>, vector<16xf32>,
      %swap3A_775 = arith.constant 8 : i32
      %swap3A_776 = arith.index_cast %swap3A_775 : i32 to index
      %swap3A_777 = arith.constant 0 : index
      %swap3A_778 = tpu.vector_load %arg21[%swap3A_776, %swap3A_777] {strides = array<i32>} : memref<16x16xf32, #tpu.memory_space<vmem>>, vector<16xf32>,
      tpu.vector_store %arg21[%swap3A_776, %swap3A_777], %parallel_loop3A_710#8 {strides = array<i32>} : memref<16x16xf32, #tpu.memory_space<vmem>>, vector<16xf32>,
      %swap3A_779 = arith.constant 8 : i32
      %swap3A_780 = arith.index_cast %swap3A_779 : i32 to index
      %swap3A_781 = arith.constant 0 : index
      %swap3A_782 = tpu.vector_load %arg22[%swap3A_780, %swap3A_781] {strides = array<i32>} : memref<16x16xf32, #tpu.memory_space<vmem>>, vector<16xf32>,
      tpu.vector_store %arg22[%swap3A_780, %swap3A_781], %parallel_loop3A_710#24 {strides = array<i32>} : memref<16x16xf32, #tpu.memory_space<vmem>>, vector<16xf32>,
      %swap3A_783 = arith.constant 9 : i32
      %swap3A_784 = arith.index_cast %swap3A_783 : i32 to index
      %swap3A_785 = arith.constant 0 : index
      %swap3A_786 = tpu.vector_load %arg21[%swap3A_784, %swap3A_785] {strides = array<i32>} : memref<16x16xf32, #tpu.memory_space<vmem>>, vector<16xf32>,
      tpu.vector_store %arg21[%swap3A_784, %swap3A_785], %parallel_loop3A_710#9 {strides = array<i32>} : memref<16x16xf32, #tpu.memory_space<vmem>>, vector<16xf32>,
      %swap3A_787 = arith.constant 9 : i32
      %swap3A_788 = arith.index_cast %swap3A_787 : i32 to index
      %swap3A_789 = arith.constant 0 : index
      %swap3A_790 = tpu.vector_load %arg22[%swap3A_788, %swap3A_789] {strides = array<i32>} : memref<16x16xf32, #tpu.memory_space<vmem>>, vector<16xf32>,
      tpu.vector_store %arg22[%swap3A_788, %swap3A_789], %parallel_loop3A_710#25 {strides = array<i32>} : memref<16x16xf32, #tpu.memory_space<vmem>>, vector<16xf32>,
      %swap3A_791 = arith.constant 10 : i32
      %swap3A_792 = arith.index_cast %swap3A_791 : i32 to index
      %swap3A_793 = arith.constant 0 : index
      %swap3A_794 = tpu.vector_load %arg21[%swap3A_792, %swap3A_793] {strides = array<i32>} : memref<16x16xf32, #tpu.memory_space<vmem>>, vector<16xf32>,
      tpu.vector_store %arg21[%swap3A_792, %swap3A_793], %parallel_loop3A_710#10 {strides = array<i32>} : memref<16x16xf32, #tpu.memory_space<vmem>>, vector<16xf32>,
      %swap3A_795 = arith.constant 10 : i32
      %swap3A_796 = arith.index_cast %swap3A_795 : i32 to index
      %swap3A_797 = arith.constant 0 : index
      %swap3A_798 = tpu.vector_load %arg22[%swap3A_796, %swap3A_797] {strides = array<i32>} : memref<16x16xf32, #tpu.memory_space<vmem>>, vector<16xf32>,
      tpu.vector_store %arg22[%swap3A_796, %swap3A_797], %parallel_loop3A_710#26 {strides = array<i32>} : memref<16x16xf32, #tpu.memory_space<vmem>>, vector<16xf32>,
      %swap3A_799 = arith.constant 11 : i32
      %swap3A_800 = arith.index_cast %swap3A_799 : i32 to index
      %swap3A_801 = arith.constant 0 : index
      %swap3A_802 = tpu.vector_load %arg21[%swap3A_800, %swap3A_801] {strides = array<i32>} : memref<16x16xf32, #tpu.memory_space<vmem>>, vector<16xf32>,
      tpu.vector_store %arg21[%swap3A_800, %swap3A_801], %parallel_loop3A_710#11 {strides = array<i32>} : memref<16x16xf32, #tpu.memory_space<vmem>>, vector<16xf32>,
      %swap3A_803 = arith.constant 11 : i32
      %swap3A_804 = arith.index_cast %swap3A_803 : i32 to index
      %swap3A_805 = arith.constant 0 : index
      %swap3A_806 = tpu.vector_load %arg22[%swap3A_804, %swap3A_805] {strides = array<i32>} : memref<16x16xf32, #tpu.memory_space<vmem>>, vector<16xf32>,
      tpu.vector_store %arg22[%swap3A_804, %swap3A_805], %parallel_loop3A_710#27 {strides = array<i32>} : memref<16x16xf32, #tpu.memory_space<vmem>>, vector<16xf32>,
      %swap3A_807 = arith.constant 12 : i32
      %swap3A_808 = arith.index_cast %swap3A_807 : i32 to index
      %swap3A_809 = arith.constant 0 : index
      %swap3A_810 = tpu.vector_load %arg21[%swap3A_808, %swap3A_809] {strides = array<i32>} : memref<16x16xf32, #tpu.memory_space<vmem>>, vector<16xf32>,
      tpu.vector_store %arg21[%swap3A_808, %swap3A_809], %parallel_loop3A_710#12 {strides = array<i32>} : memref<16x16xf32, #tpu.memory_space<vmem>>, vector<16xf32>,
      %swap3A_811 = arith.constant 12 : i32
      %swap3A_812 = arith.index_cast %swap3A_811 : i32 to index
      %swap3A_813 = arith.constant 0 : index
      %swap3A_814 = tpu.vector_load %arg22[%swap3A_812, %swap3A_813] {strides = array<i32>} : memref<16x16xf32, #tpu.memory_space<vmem>>, vector<16xf32>,
      tpu.vector_store %arg22[%swap3A_812, %swap3A_813], %parallel_loop3A_710#28 {strides = array<i32>} : memref<16x16xf32, #tpu.memory_space<vmem>>, vector<16xf32>,
      %swap3A_815 = arith.constant 13 : i32
      %swap3A_816 = arith.index_cast %swap3A_815 : i32 to index
      %swap3A_817 = arith.constant 0 : index
      %swap3A_818 = tpu.vector_load %arg21[%swap3A_816, %swap3A_817] {strides = array<i32>} : memref<16x16xf32, #tpu.memory_space<vmem>>, vector<16xf32>,
      tpu.vector_store %arg21[%swap3A_816, %swap3A_817], %parallel_loop3A_710#13 {strides = array<i32>} : memref<16x16xf32, #tpu.memory_space<vmem>>, vector<16xf32>,
      %swap3A_819 = arith.constant 13 : i32
      %swap3A_820 = arith.index_cast %swap3A_819 : i32 to index
      %swap3A_821 = arith.constant 0 : index
      %swap3A_822 = tpu.vector_load %arg22[%swap3A_820, %swap3A_821] {strides = array<i32>} : memref<16x16xf32, #tpu.memory_space<vmem>>, vector<16xf32>,
      tpu.vector_store %arg22[%swap3A_820, %swap3A_821], %parallel_loop3A_710#29 {strides = array<i32>} : memref<16x16xf32, #tpu.memory_space<vmem>>, vector<16xf32>,
      %swap3A_823 = arith.constant 14 : i32
      %swap3A_824 = arith.index_cast %swap3A_823 : i32 to index
      %swap3A_825 = arith.constant 0 : index
      %swap3A_826 = tpu.vector_load %arg21[%swap3A_824, %swap3A_825] {strides = array<i32>} : memref<16x16xf32, #tpu.memory_space<vmem>>, vector<16xf32>,
      tpu.vector_store %arg21[%swap3A_824, %swap3A_825], %parallel_loop3A_710#14 {strides = array<i32>} : memref<16x16xf32, #tpu.memory_space<vmem>>, vector<16xf32>,
      %swap3A_827 = arith.constant 14 : i32
      %swap3A_828 = arith.index_cast %swap3A_827 : i32 to index
      %swap3A_829 = arith.constant 0 : index
      %swap3A_830 = tpu.vector_load %arg22[%swap3A_828, %swap3A_829] {strides = array<i32>} : memref<16x16xf32, #tpu.memory_space<vmem>>, vector<16xf32>,
      tpu.vector_store %arg22[%swap3A_828, %swap3A_829], %parallel_loop3A_710#30 {strides = array<i32>} : memref<16x16xf32, #tpu.memory_space<vmem>>, vector<16xf32>,
      %swap3A_831 = arith.constant 15 : i32
      %swap3A_832 = arith.index_cast %swap3A_831 : i32 to index
      %swap3A_833 = arith.constant 0 : index
      %swap3A_834 = tpu.vector_load %arg21[%swap3A_832, %swap3A_833] {strides = array<i32>} : memref<16x16xf32, #tpu.memory_space<vmem>>, vector<16xf32>,
      tpu.vector_store %arg21[%swap3A_832, %swap3A_833], %parallel_loop3A_710#15 {strides = array<i32>} : memref<16x16xf32, #tpu.memory_space<vmem>>, vector<16xf32>,
      %swap3A_835 = arith.constant 15 : i32
      %swap3A_836 = arith.index_cast %swap3A_835 : i32 to index
      %swap3A_837 = arith.constant 0 : index
      %swap3A_838 = tpu.vector_load %arg22[%swap3A_836, %swap3A_837] {strides = array<i32>} : memref<16x16xf32, #tpu.memory_space<vmem>>, vector<16xf32>,
      tpu.vector_store %arg22[%swap3A_836, %swap3A_837], %parallel_loop3A_710#31 {strides = array<i32>} : memref<16x16xf32, #tpu.memory_space<vmem>>, vector<16xf32>,
      %iota3A_839 = tpu.iota {dimensions = array<i32: 0>} : vector<16xi32>
      %broadcast_in_dim3A_840 = arith.constant 0 : i32
      %broadcast_in_dim3A_841 = vector.broadcast %broadcast_in_dim3A_840 : i32 to vector<16xi32>
      %gather3A_842 = tpu.vector_load_idx %arg21[%iota3A_839, %broadcast_in_dim3A_841] : memref<16x16xf32, #tpu.memory_space<vmem>>[vector<16xi32>, vector<16xi32>], vector<16xf32>,
      %add3A_843 = arith.addf %broadcast_in_dim3A_621, %gather3A_842 : vector<16xf32>
      %gather3A_844 = tpu.vector_load_idx %arg22[%iota3A_839, %broadcast_in_dim3A_841] : memref<16x16xf32, #tpu.memory_space<vmem>>[vector<16xi32>, vector<16xi32>], vector<16xf32>,
      %add3A_845 = arith.addf %broadcast_in_dim3A_621, %gather3A_844 : vector<16xf32>
      %broadcast_in_dim3A_846 = arith.constant 1 : i32
      %broadcast_in_dim3A_847 = vector.broadcast %broadcast_in_dim3A_846 : i32 to vector<16xi32>
      %gather3A_848 = tpu.vector_load_idx %arg21[%iota3A_839, %broadcast_in_dim3A_847] : memref<16x16xf32, #tpu.memory_space<vmem>>[vector<16xi32>, vector<16xi32>], vector<16xf32>,
      %add3A_849 = arith.addf %add3A_843, %gather3A_848 : vector<16xf32>
      %gather3A_850 = tpu.vector_load_idx %arg22[%iota3A_839, %broadcast_in_dim3A_847] : memref<16x16xf32, #tpu.memory_space<vmem>>[vector<16xi32>, vector<16xi32>], vector<16xf32>,
      %add3A_851 = arith.addf %add3A_845, %gather3A_850 : vector<16xf32>
      %broadcast_in_dim3A_852 = arith.constant 2 : i32
      %broadcast_in_dim3A_853 = vector.broadcast %broadcast_in_dim3A_852 : i32 to vector<16xi32>
      %gather3A_854 = tpu.vector_load_idx %arg21[%iota3A_839, %broadcast_in_dim3A_853] : memref<16x16xf32, #tpu.memory_space<vmem>>[vector<16xi32>, vector<16xi32>], vector<16xf32>,
      %add3A_855 = arith.addf %add3A_849, %gather3A_854 : vector<16xf32>
      %gather3A_856 = tpu.vector_load_idx %arg22[%iota3A_839, %broadcast_in_dim3A_853] : memref<16x16xf32, #tpu.memory_space<vmem>>[vector<16xi32>, vector<16xi32>], vector<16xf32>,
      %add3A_857 = arith.addf %add3A_851, %gather3A_856 : vector<16xf32>
      %broadcast_in_dim3A_858 = arith.constant 3 : i32
      %broadcast_in_dim3A_859 = vector.broadcast %broadcast_in_dim3A_858 : i32 to vector<16xi32>
      %gather3A_860 = tpu.vector_load_idx %arg21[%iota3A_839, %broadcast_in_dim3A_859] : memref<16x16xf32, #tpu.memory_space<vmem>>[vector<16xi32>, vector<16xi32>], vector<16xf32>,
      %add3A_861 = arith.addf %add3A_855, %gather3A_860 : vector<16xf32>
      %gather3A_862 = tpu.vector_load_idx %arg22[%iota3A_839, %broadcast_in_dim3A_859] : memref<16x16xf32, #tpu.memory_space<vmem>>[vector<16xi32>, vector<16xi32>], vector<16xf32>,
      %add3A_863 = arith.addf %add3A_857, %gather3A_862 : vector<16xf32>
      %broadcast_in_dim3A_864 = arith.constant 4 : i32
      %broadcast_in_dim3A_865 = vector.broadcast %broadcast_in_dim3A_864 : i32 to vector<16xi32>
      %gather3A_866 = tpu.vector_load_idx %arg21[%iota3A_839, %broadcast_in_dim3A_865] : memref<16x16xf32, #tpu.memory_space<vmem>>[vector<16xi32>, vector<16xi32>], vector<16xf32>,
      %add3A_867 = arith.addf %add3A_861, %gather3A_866 : vector<16xf32>
      %gather3A_868 = tpu.vector_load_idx %arg22[%iota3A_839, %broadcast_in_dim3A_865] : memref<16x16xf32, #tpu.memory_space<vmem>>[vector<16xi32>, vector<16xi32>], vector<16xf32>,
      %add3A_869 = arith.addf %add3A_863, %gather3A_868 : vector<16xf32>
      %broadcast_in_dim3A_870 = arith.constant 5 : i32
      %broadcast_in_dim3A_871 = vector.broadcast %broadcast_in_dim3A_870 : i32 to vector<16xi32>
      %gather3A_872 = tpu.vector_load_idx %arg21[%iota3A_839, %broadcast_in_dim3A_871] : memref<16x16xf32, #tpu.memory_space<vmem>>[vector<16xi32>, vector<16xi32>], vector<16xf32>,
      %add3A_873 = arith.addf %add3A_867, %gather3A_872 : vector<16xf32>
      %gather3A_874 = tpu.vector_load_idx %arg22[%iota3A_839, %broadcast_in_dim3A_871] : memref<16x16xf32, #tpu.memory_space<vmem>>[vector<16xi32>, vector<16xi32>], vector<16xf32>,
      %add3A_875 = arith.addf %add3A_869, %gather3A_874 : vector<16xf32>
      %broadcast_in_dim3A_876 = arith.constant 6 : i32
      %broadcast_in_dim3A_877 = vector.broadcast %broadcast_in_dim3A_876 : i32 to vector<16xi32>
      %gather3A_878 = tpu.vector_load_idx %arg21[%iota3A_839, %broadcast_in_dim3A_877] : memref<16x16xf32, #tpu.memory_space<vmem>>[vector<16xi32>, vector<16xi32>], vector<16xf32>,
      %add3A_879 = arith.addf %add3A_873, %gather3A_878 : vector<16xf32>
      %gather3A_880 = tpu.vector_load_idx %arg22[%iota3A_839, %broadcast_in_dim3A_877] : memref<16x16xf32, #tpu.memory_space<vmem>>[vector<16xi32>, vector<16xi32>], vector<16xf32>,
      %add3A_881 = arith.addf %add3A_875, %gather3A_880 : vector<16xf32>
      %broadcast_in_dim3A_882 = arith.constant 7 : i32
      %broadcast_in_dim3A_883 = vector.broadcast %broadcast_in_dim3A_882 : i32 to vector<16xi32>
      %gather3A_884 = tpu.vector_load_idx %arg21[%iota3A_839, %broadcast_in_dim3A_883] : memref<16x16xf32, #tpu.memory_space<vmem>>[vector<16xi32>, vector<16xi32>], vector<16xf32>,
      %add3A_885 = arith.addf %add3A_879, %gather3A_884 : vector<16xf32>
      %gather3A_886 = tpu.vector_load_idx %arg22[%iota3A_839, %broadcast_in_dim3A_883] : memref<16x16xf32, #tpu.memory_space<vmem>>[vector<16xi32>, vector<16xi32>], vector<16xf32>,
      %add3A_887 = arith.addf %add3A_881, %gather3A_886 : vector<16xf32>
      %broadcast_in_dim3A_888 = arith.constant 8 : i32
      %broadcast_in_dim3A_889 = vector.broadcast %broadcast_in_dim3A_888 : i32 to vector<16xi32>
      %gather3A_890 = tpu.vector_load_idx %arg21[%iota3A_839, %broadcast_in_dim3A_889] : memref<16x16xf32, #tpu.memory_space<vmem>>[vector<16xi32>, vector<16xi32>], vector<16xf32>,
      %add3A_891 = arith.addf %add3A_885, %gather3A_890 : vector<16xf32>
      %gather3A_892 = tpu.vector_load_idx %arg22[%iota3A_839, %broadcast_in_dim3A_889] : memref<16x16xf32, #tpu.memory_space<vmem>>[vector<16xi32>, vector<16xi32>], vector<16xf32>,
      %add3A_893 = arith.addf %add3A_887, %gather3A_892 : vector<16xf32>
      %broadcast_in_dim3A_894 = arith.constant 9 : i32
      %broadcast_in_dim3A_895 = vector.broadcast %broadcast_in_dim3A_894 : i32 to vector<16xi32>
      %gather3A_896 = tpu.vector_load_idx %arg21[%iota3A_839, %broadcast_in_dim3A_895] : memref<16x16xf32, #tpu.memory_space<vmem>>[vector<16xi32>, vector<16xi32>], vector<16xf32>,
      %add3A_897 = arith.addf %add3A_891, %gather3A_896 : vector<16xf32>
      %gather3A_898 = tpu.vector_load_idx %arg22[%iota3A_839, %broadcast_in_dim3A_895] : memref<16x16xf32, #tpu.memory_space<vmem>>[vector<16xi32>, vector<16xi32>], vector<16xf32>,
      %add3A_899 = arith.addf %add3A_893, %gather3A_898 : vector<16xf32>
      %broadcast_in_dim3A_900 = arith.constant 10 : i32
      %broadcast_in_dim3A_901 = vector.broadcast %broadcast_in_dim3A_900 : i32 to vector<16xi32>
      %gather3A_902 = tpu.vector_load_idx %arg21[%iota3A_839, %broadcast_in_dim3A_901] : memref<16x16xf32, #tpu.memory_space<vmem>>[vector<16xi32>, vector<16xi32>], vector<16xf32>,
      %add3A_903 = arith.addf %add3A_897, %gather3A_902 : vector<16xf32>
      %gather3A_904 = tpu.vector_load_idx %arg22[%iota3A_839, %broadcast_in_dim3A_901] : memref<16x16xf32, #tpu.memory_space<vmem>>[vector<16xi32>, vector<16xi32>], vector<16xf32>,
      %add3A_905 = arith.addf %add3A_899, %gather3A_904 : vector<16xf32>
      %broadcast_in_dim3A_906 = arith.constant 11 : i32
      %broadcast_in_dim3A_907 = vector.broadcast %broadcast_in_dim3A_906 : i32 to vector<16xi32>
      %gather3A_908 = tpu.vector_load_idx %arg21[%iota3A_839, %broadcast_in_dim3A_907] : memref<16x16xf32, #tpu.memory_space<vmem>>[vector<16xi32>, vector<16xi32>], vector<16xf32>,
      %add3A_909 = arith.addf %add3A_903, %gather3A_908 : vector<16xf32>
      %gather3A_910 = tpu.vector_load_idx %arg22[%iota3A_839, %broadcast_in_dim3A_907] : memref<16x16xf32, #tpu.memory_space<vmem>>[vector<16xi32>, vector<16xi32>], vector<16xf32>,
      %add3A_911 = arith.addf %add3A_905, %gather3A_910 : vector<16xf32>
      %broadcast_in_dim3A_912 = arith.constant 12 : i32
      %broadcast_in_dim3A_913 = vector.broadcast %broadcast_in_dim3A_912 : i32 to vector<16xi32>
      %gather3A_914 = tpu.vector_load_idx %arg21[%iota3A_839, %broadcast_in_dim3A_913] : memref<16x16xf32, #tpu.memory_space<vmem>>[vector<16xi32>, vector<16xi32>], vector<16xf32>,
      %add3A_915 = arith.addf %add3A_909, %gather3A_914 : vector<16xf32>
      %gather3A_916 = tpu.vector_load_idx %arg22[%iota3A_839, %broadcast_in_dim3A_913] : memref<16x16xf32, #tpu.memory_space<vmem>>[vector<16xi32>, vector<16xi32>], vector<16xf32>,
      %add3A_917 = arith.addf %add3A_911, %gather3A_916 : vector<16xf32>
      %broadcast_in_dim3A_918 = arith.constant 13 : i32
      %broadcast_in_dim3A_919 = vector.broadcast %broadcast_in_dim3A_918 : i32 to vector<16xi32>
      %gather3A_920 = tpu.vector_load_idx %arg21[%iota3A_839, %broadcast_in_dim3A_919] : memref<16x16xf32, #tpu.memory_space<vmem>>[vector<16xi32>, vector<16xi32>], vector<16xf32>,
      %add3A_921 = arith.addf %add3A_915, %gather3A_920 : vector<16xf32>
      %gather3A_922 = tpu.vector_load_idx %arg22[%iota3A_839, %broadcast_in_dim3A_919] : memref<16x16xf32, #tpu.memory_space<vmem>>[vector<16xi32>, vector<16xi32>], vector<16xf32>,
      %add3A_923 = arith.addf %add3A_917, %gather3A_922 : vector<16xf32>
      %broadcast_in_dim3A_924 = arith.constant 14 : i32
      %broadcast_in_dim3A_925 = vector.broadcast %broadcast_in_dim3A_924 : i32 to vector<16xi32>
      %gather3A_926 = tpu.vector_load_idx %arg21[%iota3A_839, %broadcast_in_dim3A_925] : memref<16x16xf32, #tpu.memory_space<vmem>>[vector<16xi32>, vector<16xi32>], vector<16xf32>,
      %add3A_927 = arith.addf %add3A_921, %gather3A_926 : vector<16xf32>
      %gather3A_928 = tpu.vector_load_idx %arg22[%iota3A_839, %broadcast_in_dim3A_925] : memref<16x16xf32, #tpu.memory_space<vmem>>[vector<16xi32>, vector<16xi32>], vector<16xf32>,
      %add3A_929 = arith.addf %add3A_923, %gather3A_928 : vector<16xf32>
      %broadcast_in_dim3A_930 = arith.constant 15 : i32
      %broadcast_in_dim3A_931 = vector.broadcast %broadcast_in_dim3A_930 : i32 to vector<16xi32>
      %gather3A_932 = tpu.vector_load_idx %arg21[%iota3A_839, %broadcast_in_dim3A_931] : memref<16x16xf32, #tpu.memory_space<vmem>>[vector<16xi32>, vector<16xi32>], vector<16xf32>,
      %add3A_933 = arith.addf %add3A_927, %gather3A_932 : vector<16xf32>
      %gather3A_934 = tpu.vector_load_idx %arg22[%iota3A_839, %broadcast_in_dim3A_931] : memref<16x16xf32, #tpu.memory_space<vmem>>[vector<16xi32>, vector<16xi32>], vector<16xf32>,
      %add3A_935 = arith.addf %add3A_929, %gather3A_934 : vector<16xf32>
      %mul3A_936 = arith.constant 0.00130208337 : f32
      %mul3A_937 = vector.broadcast %mul3A_936 : f32 to vector<16xf32>
      %mul3A_938 = arith.mulf %add3A_933, %mul3A_937 : vector<16xf32>
      %mul3A_939 = arith.constant 0.00130208337 : f32
      %mul3A_940 = vector.broadcast %mul3A_939 : f32 to vector<16xf32>
      %mul3A_941 = arith.mulf %add3A_935, %mul3A_940 : vector<16xf32>
      %mul3A_942 = arith.mulf %mul3A_938, %mul3A_938 : vector<16xf32>
      %sub3A_943 = arith.subf %mul3A_941, %mul3A_942 : vector<16xf32>
      %add3A_944 = arith.constant 9.99999996E-13 : f32
      %add3A_945 = vector.broadcast %add3A_944 : f32 to vector<16xf32>
      %add3A_946 = arith.addf %sub3A_943, %add3A_945 : vector<16xf32>
      %bitcast_convert_type3A_947 = tpu.bitcast %add3A_946 : vector<16xf32> -> vector<16xi32>
      %shift_right_logical3A_948 = arith.constant 1 : i32
      %shift_right_logical3A_949 = vector.broadcast %shift_right_logical3A_948 : i32 to vector<16xi32>
      %shift_right_logical3A_950 = arith.shrui %bitcast_convert_type3A_947, %shift_right_logical3A_949 : vector<16xi32>
      %sub3A_951 = arith.constant 1597463007 : i32
      %sub3A_952 = vector.broadcast %sub3A_951 : i32 to vector<16xi32>
      %sub3A_953 = arith.subi %sub3A_952, %shift_right_logical3A_950 : vector<16xi32>
      %bitcast_convert_type3A_954 = tpu.bitcast %sub3A_953 : vector<16xi32> -> vector<16xf32>
      %mul3A_955 = arith.constant 5.000000e-01 : f32
      %mul3A_956 = vector.broadcast %mul3A_955 : f32 to vector<16xf32>
      %mul3A_957 = arith.mulf %mul3A_956, %add3A_946 : vector<16xf32>
      %mul3A_958 = arith.mulf %mul3A_957, %bitcast_convert_type3A_954 : vector<16xf32>
      %mul3A_959 = arith.mulf %mul3A_958, %bitcast_convert_type3A_954 : vector<16xf32>
      %sub3A_960 = arith.constant 1.500000e+00 : f32
      %sub3A_961 = vector.broadcast %sub3A_960 : f32 to vector<16xf32>
      %sub3A_962 = arith.subf %sub3A_961, %mul3A_959 : vector<16xf32>
      %mul3A_963 = arith.mulf %bitcast_convert_type3A_954, %sub3A_962 : vector<16xf32>
      %mul3A_964 = arith.constant 5.000000e-01 : f32
      %mul3A_965 = vector.broadcast %mul3A_964 : f32 to vector<16xf32>
      %mul3A_966 = arith.mulf %mul3A_965, %add3A_946 : vector<16xf32>
      %mul3A_967 = arith.mulf %mul3A_966, %mul3A_963 : vector<16xf32>
      %mul3A_968 = arith.mulf %mul3A_967, %mul3A_963 : vector<16xf32>
      %sub3A_969 = arith.constant 1.500000e+00 : f32
      %sub3A_970 = vector.broadcast %sub3A_969 : f32 to vector<16xf32>
      %sub3A_971 = arith.subf %sub3A_970, %mul3A_968 : vector<16xf32>
      %mul3A_972 = arith.mulf %mul3A_963, %sub3A_971 : vector<16xf32>
      %mul3A_973 = arith.constant 5.000000e-01 : f32
      %mul3A_974 = vector.broadcast %mul3A_973 : f32 to vector<16xf32>
      %mul3A_975 = arith.mulf %mul3A_974, %add3A_946 : vector<16xf32>
      %mul3A_976 = arith.mulf %mul3A_975, %mul3A_972 : vector<16xf32>
      %mul3A_977 = arith.mulf %mul3A_976, %mul3A_972 : vector<16xf32>
      %sub3A_978 = arith.constant 1.500000e+00 : f32
      %sub3A_979 = vector.broadcast %sub3A_978 : f32 to vector<16xf32>
      %sub3A_980 = arith.subf %sub3A_979, %mul3A_977 : vector<16xf32>
      %mul3A_981 = arith.mulf %mul3A_972, %sub3A_980 : vector<16xf32>
      %mul3A_982 = arith.constant 5.000000e-01 : f32
      %mul3A_983 = vector.broadcast %mul3A_982 : f32 to vector<16xf32>
      %mul3A_984 = arith.mulf %mul3A_983, %add3A_946 : vector<16xf32>
      %mul3A_985 = arith.mulf %mul3A_984, %mul3A_981 : vector<16xf32>
      %mul3A_986 = arith.mulf %mul3A_985, %mul3A_981 : vector<16xf32>
      %sub3A_987 = arith.constant 1.500000e+00 : f32
      %sub3A_988 = vector.broadcast %sub3A_987 : f32 to vector<16xf32>
      %sub3A_989 = arith.subf %sub3A_988, %mul3A_986 : vector<16xf32>
      %mul3A_990 = arith.mulf %mul3A_981, %sub3A_989 : vector<16xf32>
      %neg3A_991 = arith.constant 0.000000e+00 : f32
      %neg3A_992 = vector.broadcast %neg3A_991 : f32 to vector<16xf32>
      %neg3A_993 = arith.subf %neg3A_992, %mul3A_938 : vector<16xf32>
      %mul3A_994 = arith.mulf %neg3A_993, %mul3A_990 : vector<16xf32>
      %broadcast_in_dim3A_995 = arith.constant 0 : i32
      %broadcast_in_dim3A_996 = vector.broadcast %broadcast_in_dim3A_995 : i32 to vector<16xi32>
      %broadcast_in_dim3A_997 = vector.shape_cast %broadcast_in_dim3A_996 : vector<16xi32> to vector<16x1xi32>
      %gather3A_998 = vector.shape_cast %broadcast_in_dim3A_997 : vector<16x1xi32> to vector<16xi32>
      %gather3A_999 = tpu.dynamic_gather %mul3A_990[%gather3A_998] in [0] : vector<16xf32>, vector<16xi32> -> vector<16xf32>
      %broadcast_in_dim3A_1000 = arith.constant 1 : i32
      %broadcast_in_dim3A_1001 = vector.broadcast %broadcast_in_dim3A_1000 : i32 to vector<16xi32>
      %broadcast_in_dim3A_1002 = vector.shape_cast %broadcast_in_dim3A_1001 : vector<16xi32> to vector<16x1xi32>
      %gather3A_1003 = vector.shape_cast %broadcast_in_dim3A_1002 : vector<16x1xi32> to vector<16xi32>
      %gather3A_1004 = tpu.dynamic_gather %mul3A_990[%gather3A_1003] in [0] : vector<16xf32>, vector<16xi32> -> vector<16xf32>
      %broadcast_in_dim3A_1005 = arith.constant 2 : i32
      %broadcast_in_dim3A_1006 = vector.broadcast %broadcast_in_dim3A_1005 : i32 to vector<16xi32>
      %broadcast_in_dim3A_1007 = vector.shape_cast %broadcast_in_dim3A_1006 : vector<16xi32> to vector<16x1xi32>
      %gather3A_1008 = vector.shape_cast %broadcast_in_dim3A_1007 : vector<16x1xi32> to vector<16xi32>
      %gather3A_1009 = tpu.dynamic_gather %mul3A_990[%gather3A_1008] in [0] : vector<16xf32>, vector<16xi32> -> vector<16xf32>
      %broadcast_in_dim3A_1010 = arith.constant 3 : i32
      %broadcast_in_dim3A_1011 = vector.broadcast %broadcast_in_dim3A_1010 : i32 to vector<16xi32>
      %broadcast_in_dim3A_1012 = vector.shape_cast %broadcast_in_dim3A_1011 : vector<16xi32> to vector<16x1xi32>
      %gather3A_1013 = vector.shape_cast %broadcast_in_dim3A_1012 : vector<16x1xi32> to vector<16xi32>
      %gather3A_1014 = tpu.dynamic_gather %mul3A_990[%gather3A_1013] in [0] : vector<16xf32>, vector<16xi32> -> vector<16xf32>
      %broadcast_in_dim3A_1015 = arith.constant 4 : i32
      %broadcast_in_dim3A_1016 = vector.broadcast %broadcast_in_dim3A_1015 : i32 to vector<16xi32>
      %broadcast_in_dim3A_1017 = vector.shape_cast %broadcast_in_dim3A_1016 : vector<16xi32> to vector<16x1xi32>
      %gather3A_1018 = vector.shape_cast %broadcast_in_dim3A_1017 : vector<16x1xi32> to vector<16xi32>
      %gather3A_1019 = tpu.dynamic_gather %mul3A_990[%gather3A_1018] in [0] : vector<16xf32>, vector<16xi32> -> vector<16xf32>
      %broadcast_in_dim3A_1020 = arith.constant 5 : i32
      %broadcast_in_dim3A_1021 = vector.broadcast %broadcast_in_dim3A_1020 : i32 to vector<16xi32>
      %broadcast_in_dim3A_1022 = vector.shape_cast %broadcast_in_dim3A_1021 : vector<16xi32> to vector<16x1xi32>
      %gather3A_1023 = vector.shape_cast %broadcast_in_dim3A_1022 : vector<16x1xi32> to vector<16xi32>
      %gather3A_1024 = tpu.dynamic_gather %mul3A_990[%gather3A_1023] in [0] : vector<16xf32>, vector<16xi32> -> vector<16xf32>
      %broadcast_in_dim3A_1025 = arith.constant 6 : i32
      %broadcast_in_dim3A_1026 = vector.broadcast %broadcast_in_dim3A_1025 : i32 to vector<16xi32>
      %broadcast_in_dim3A_1027 = vector.shape_cast %broadcast_in_dim3A_1026 : vector<16xi32> to vector<16x1xi32>
      %gather3A_1028 = vector.shape_cast %broadcast_in_dim3A_1027 : vector<16x1xi32> to vector<16xi32>
      %gather3A_1029 = tpu.dynamic_gather %mul3A_990[%gather3A_1028] in [0] : vector<16xf32>, vector<16xi32> -> vector<16xf32>
      %broadcast_in_dim3A_1030 = arith.constant 7 : i32
      %broadcast_in_dim3A_1031 = vector.broadcast %broadcast_in_dim3A_1030 : i32 to vector<16xi32>
      %broadcast_in_dim3A_1032 = vector.shape_cast %broadcast_in_dim3A_1031 : vector<16xi32> to vector<16x1xi32>
      %gather3A_1033 = vector.shape_cast %broadcast_in_dim3A_1032 : vector<16x1xi32> to vector<16xi32>
      %gather3A_1034 = tpu.dynamic_gather %mul3A_990[%gather3A_1033] in [0] : vector<16xf32>, vector<16xi32> -> vector<16xf32>
      %broadcast_in_dim3A_1035 = arith.constant 8 : i32
      %broadcast_in_dim3A_1036 = vector.broadcast %broadcast_in_dim3A_1035 : i32 to vector<16xi32>
      %broadcast_in_dim3A_1037 = vector.shape_cast %broadcast_in_dim3A_1036 : vector<16xi32> to vector<16x1xi32>
      %gather3A_1038 = vector.shape_cast %broadcast_in_dim3A_1037 : vector<16x1xi32> to vector<16xi32>
      %gather3A_1039 = tpu.dynamic_gather %mul3A_990[%gather3A_1038] in [0] : vector<16xf32>, vector<16xi32> -> vector<16xf32>
      %broadcast_in_dim3A_1040 = arith.constant 9 : i32
      %broadcast_in_dim3A_1041 = vector.broadcast %broadcast_in_dim3A_1040 : i32 to vector<16xi32>
      %broadcast_in_dim3A_1042 = vector.shape_cast %broadcast_in_dim3A_1041 : vector<16xi32> to vector<16x1xi32>
      %gather3A_1043 = vector.shape_cast %broadcast_in_dim3A_1042 : vector<16x1xi32> to vector<16xi32>
      %gather3A_1044 = tpu.dynamic_gather %mul3A_990[%gather3A_1043] in [0] : vector<16xf32>, vector<16xi32> -> vector<16xf32>
      %broadcast_in_dim3A_1045 = arith.constant 10 : i32
      %broadcast_in_dim3A_1046 = vector.broadcast %broadcast_in_dim3A_1045 : i32 to vector<16xi32>
      %broadcast_in_dim3A_1047 = vector.shape_cast %broadcast_in_dim3A_1046 : vector<16xi32> to vector<16x1xi32>
      %gather3A_1048 = vector.shape_cast %broadcast_in_dim3A_1047 : vector<16x1xi32> to vector<16xi32>
      %gather3A_1049 = tpu.dynamic_gather %mul3A_990[%gather3A_1048] in [0] : vector<16xf32>, vector<16xi32> -> vector<16xf32>
      %broadcast_in_dim3A_1050 = arith.constant 11 : i32
      %broadcast_in_dim3A_1051 = vector.broadcast %broadcast_in_dim3A_1050 : i32 to vector<16xi32>
      %broadcast_in_dim3A_1052 = vector.shape_cast %broadcast_in_dim3A_1051 : vector<16xi32> to vector<16x1xi32>
      %gather3A_1053 = vector.shape_cast %broadcast_in_dim3A_1052 : vector<16x1xi32> to vector<16xi32>
      %gather3A_1054 = tpu.dynamic_gather %mul3A_990[%gather3A_1053] in [0] : vector<16xf32>, vector<16xi32> -> vector<16xf32>
      %broadcast_in_dim3A_1055 = arith.constant 12 : i32
      %broadcast_in_dim3A_1056 = vector.broadcast %broadcast_in_dim3A_1055 : i32 to vector<16xi32>
      %broadcast_in_dim3A_1057 = vector.shape_cast %broadcast_in_dim3A_1056 : vector<16xi32> to vector<16x1xi32>
      %gather3A_1058 = vector.shape_cast %broadcast_in_dim3A_1057 : vector<16x1xi32> to vector<16xi32>
      %gather3A_1059 = tpu.dynamic_gather %mul3A_990[%gather3A_1058] in [0] : vector<16xf32>, vector<16xi32> -> vector<16xf32>
      %broadcast_in_dim3A_1060 = arith.constant 13 : i32
      %broadcast_in_dim3A_1061 = vector.broadcast %broadcast_in_dim3A_1060 : i32 to vector<16xi32>
      %broadcast_in_dim3A_1062 = vector.shape_cast %broadcast_in_dim3A_1061 : vector<16xi32> to vector<16x1xi32>
      %gather3A_1063 = vector.shape_cast %broadcast_in_dim3A_1062 : vector<16x1xi32> to vector<16xi32>
      %gather3A_1064 = tpu.dynamic_gather %mul3A_990[%gather3A_1063] in [0] : vector<16xf32>, vector<16xi32> -> vector<16xf32>
      %broadcast_in_dim3A_1065 = arith.constant 14 : i32
      %broadcast_in_dim3A_1066 = vector.broadcast %broadcast_in_dim3A_1065 : i32 to vector<16xi32>
      %broadcast_in_dim3A_1067 = vector.shape_cast %broadcast_in_dim3A_1066 : vector<16xi32> to vector<16x1xi32>
      %gather3A_1068 = vector.shape_cast %broadcast_in_dim3A_1067 : vector<16x1xi32> to vector<16xi32>
      %gather3A_1069 = tpu.dynamic_gather %mul3A_990[%gather3A_1068] in [0] : vector<16xf32>, vector<16xi32> -> vector<16xf32>
      %broadcast_in_dim3A_1070 = arith.constant 15 : i32
      %broadcast_in_dim3A_1071 = vector.broadcast %broadcast_in_dim3A_1070 : i32 to vector<16xi32>
      %broadcast_in_dim3A_1072 = vector.shape_cast %broadcast_in_dim3A_1071 : vector<16xi32> to vector<16x1xi32>
      %gather3A_1073 = vector.shape_cast %broadcast_in_dim3A_1072 : vector<16x1xi32> to vector<16xi32>
      %gather3A_1074 = tpu.dynamic_gather %mul3A_990[%gather3A_1073] in [0] : vector<16xf32>, vector<16xi32> -> vector<16xf32>
      %broadcast_in_dim3A_1075 = arith.constant 0 : i32
      %broadcast_in_dim3A_1076 = vector.broadcast %broadcast_in_dim3A_1075 : i32 to vector<16xi32>
      %broadcast_in_dim3A_1077 = vector.shape_cast %broadcast_in_dim3A_1076 : vector<16xi32> to vector<16x1xi32>
      %gather3A_1078 = vector.shape_cast %broadcast_in_dim3A_1077 : vector<16x1xi32> to vector<16xi32>
      %gather3A_1079 = tpu.dynamic_gather %mul3A_994[%gather3A_1078] in [0] : vector<16xf32>, vector<16xi32> -> vector<16xf32>
      %broadcast_in_dim3A_1080 = arith.constant 1 : i32
      %broadcast_in_dim3A_1081 = vector.broadcast %broadcast_in_dim3A_1080 : i32 to vector<16xi32>
      %broadcast_in_dim3A_1082 = vector.shape_cast %broadcast_in_dim3A_1081 : vector<16xi32> to vector<16x1xi32>
      %gather3A_1083 = vector.shape_cast %broadcast_in_dim3A_1082 : vector<16x1xi32> to vector<16xi32>
      %gather3A_1084 = tpu.dynamic_gather %mul3A_994[%gather3A_1083] in [0] : vector<16xf32>, vector<16xi32> -> vector<16xf32>
      %broadcast_in_dim3A_1085 = arith.constant 2 : i32
      %broadcast_in_dim3A_1086 = vector.broadcast %broadcast_in_dim3A_1085 : i32 to vector<16xi32>
      %broadcast_in_dim3A_1087 = vector.shape_cast %broadcast_in_dim3A_1086 : vector<16xi32> to vector<16x1xi32>
      %gather3A_1088 = vector.shape_cast %broadcast_in_dim3A_1087 : vector<16x1xi32> to vector<16xi32>
      %gather3A_1089 = tpu.dynamic_gather %mul3A_994[%gather3A_1088] in [0] : vector<16xf32>, vector<16xi32> -> vector<16xf32>
      %broadcast_in_dim3A_1090 = arith.constant 3 : i32
      %broadcast_in_dim3A_1091 = vector.broadcast %broadcast_in_dim3A_1090 : i32 to vector<16xi32>
      %broadcast_in_dim3A_1092 = vector.shape_cast %broadcast_in_dim3A_1091 : vector<16xi32> to vector<16x1xi32>
      %gather3A_1093 = vector.shape_cast %broadcast_in_dim3A_1092 : vector<16x1xi32> to vector<16xi32>
      %gather3A_1094 = tpu.dynamic_gather %mul3A_994[%gather3A_1093] in [0] : vector<16xf32>, vector<16xi32> -> vector<16xf32>
      %broadcast_in_dim3A_1095 = arith.constant 4 : i32
      %broadcast_in_dim3A_1096 = vector.broadcast %broadcast_in_dim3A_1095 : i32 to vector<16xi32>
      %broadcast_in_dim3A_1097 = vector.shape_cast %broadcast_in_dim3A_1096 : vector<16xi32> to vector<16x1xi32>
      %gather3A_1098 = vector.shape_cast %broadcast_in_dim3A_1097 : vector<16x1xi32> to vector<16xi32>
      %gather3A_1099 = tpu.dynamic_gather %mul3A_994[%gather3A_1098] in [0] : vector<16xf32>, vector<16xi32> -> vector<16xf32>
      %broadcast_in_dim3A_1100 = arith.constant 5 : i32
      %broadcast_in_dim3A_1101 = vector.broadcast %broadcast_in_dim3A_1100 : i32 to vector<16xi32>
      %broadcast_in_dim3A_1102 = vector.shape_cast %broadcast_in_dim3A_1101 : vector<16xi32> to vector<16x1xi32>
      %gather3A_1103 = vector.shape_cast %broadcast_in_dim3A_1102 : vector<16x1xi32> to vector<16xi32>
      %gather3A_1104 = tpu.dynamic_gather %mul3A_994[%gather3A_1103] in [0] : vector<16xf32>, vector<16xi32> -> vector<16xf32>
      %broadcast_in_dim3A_1105 = arith.constant 6 : i32
      %broadcast_in_dim3A_1106 = vector.broadcast %broadcast_in_dim3A_1105 : i32 to vector<16xi32>
      %broadcast_in_dim3A_1107 = vector.shape_cast %broadcast_in_dim3A_1106 : vector<16xi32> to vector<16x1xi32>
      %gather3A_1108 = vector.shape_cast %broadcast_in_dim3A_1107 : vector<16x1xi32> to vector<16xi32>
      %gather3A_1109 = tpu.dynamic_gather %mul3A_994[%gather3A_1108] in [0] : vector<16xf32>, vector<16xi32> -> vector<16xf32>
      %broadcast_in_dim3A_1110 = arith.constant 7 : i32
      %broadcast_in_dim3A_1111 = vector.broadcast %broadcast_in_dim3A_1110 : i32 to vector<16xi32>
      %broadcast_in_dim3A_1112 = vector.shape_cast %broadcast_in_dim3A_1111 : vector<16xi32> to vector<16x1xi32>
      %gather3A_1113 = vector.shape_cast %broadcast_in_dim3A_1112 : vector<16x1xi32> to vector<16xi32>
      %gather3A_1114 = tpu.dynamic_gather %mul3A_994[%gather3A_1113] in [0] : vector<16xf32>, vector<16xi32> -> vector<16xf32>
      %broadcast_in_dim3A_1115 = arith.constant 8 : i32
      %broadcast_in_dim3A_1116 = vector.broadcast %broadcast_in_dim3A_1115 : i32 to vector<16xi32>
      %broadcast_in_dim3A_1117 = vector.shape_cast %broadcast_in_dim3A_1116 : vector<16xi32> to vector<16x1xi32>
      %gather3A_1118 = vector.shape_cast %broadcast_in_dim3A_1117 : vector<16x1xi32> to vector<16xi32>
      %gather3A_1119 = tpu.dynamic_gather %mul3A_994[%gather3A_1118] in [0] : vector<16xf32>, vector<16xi32> -> vector<16xf32>
      %broadcast_in_dim3A_1120 = arith.constant 9 : i32
      %broadcast_in_dim3A_1121 = vector.broadcast %broadcast_in_dim3A_1120 : i32 to vector<16xi32>
      %broadcast_in_dim3A_1122 = vector.shape_cast %broadcast_in_dim3A_1121 : vector<16xi32> to vector<16x1xi32>
      %gather3A_1123 = vector.shape_cast %broadcast_in_dim3A_1122 : vector<16x1xi32> to vector<16xi32>
      %gather3A_1124 = tpu.dynamic_gather %mul3A_994[%gather3A_1123] in [0] : vector<16xf32>, vector<16xi32> -> vector<16xf32>
      %broadcast_in_dim3A_1125 = arith.constant 10 : i32
      %broadcast_in_dim3A_1126 = vector.broadcast %broadcast_in_dim3A_1125 : i32 to vector<16xi32>
      %broadcast_in_dim3A_1127 = vector.shape_cast %broadcast_in_dim3A_1126 : vector<16xi32> to vector<16x1xi32>
      %gather3A_1128 = vector.shape_cast %broadcast_in_dim3A_1127 : vector<16x1xi32> to vector<16xi32>
      %gather3A_1129 = tpu.dynamic_gather %mul3A_994[%gather3A_1128] in [0] : vector<16xf32>, vector<16xi32> -> vector<16xf32>
      %broadcast_in_dim3A_1130 = arith.constant 11 : i32
      %broadcast_in_dim3A_1131 = vector.broadcast %broadcast_in_dim3A_1130 : i32 to vector<16xi32>
      %broadcast_in_dim3A_1132 = vector.shape_cast %broadcast_in_dim3A_1131 : vector<16xi32> to vector<16x1xi32>
      %gather3A_1133 = vector.shape_cast %broadcast_in_dim3A_1132 : vector<16x1xi32> to vector<16xi32>
      %gather3A_1134 = tpu.dynamic_gather %mul3A_994[%gather3A_1133] in [0] : vector<16xf32>, vector<16xi32> -> vector<16xf32>
      %broadcast_in_dim3A_1135 = arith.constant 12 : i32
      %broadcast_in_dim3A_1136 = vector.broadcast %broadcast_in_dim3A_1135 : i32 to vector<16xi32>
      %broadcast_in_dim3A_1137 = vector.shape_cast %broadcast_in_dim3A_1136 : vector<16xi32> to vector<16x1xi32>
      %gather3A_1138 = vector.shape_cast %broadcast_in_dim3A_1137 : vector<16x1xi32> to vector<16xi32>
      %gather3A_1139 = tpu.dynamic_gather %mul3A_994[%gather3A_1138] in [0] : vector<16xf32>, vector<16xi32> -> vector<16xf32>
      %broadcast_in_dim3A_1140 = arith.constant 13 : i32
      %broadcast_in_dim3A_1141 = vector.broadcast %broadcast_in_dim3A_1140 : i32 to vector<16xi32>
      %broadcast_in_dim3A_1142 = vector.shape_cast %broadcast_in_dim3A_1141 : vector<16xi32> to vector<16x1xi32>
      %gather3A_1143 = vector.shape_cast %broadcast_in_dim3A_1142 : vector<16x1xi32> to vector<16xi32>
      %gather3A_1144 = tpu.dynamic_gather %mul3A_994[%gather3A_1143] in [0] : vector<16xf32>, vector<16xi32> -> vector<16xf32>
      %broadcast_in_dim3A_1145 = arith.constant 14 : i32
      %broadcast_in_dim3A_1146 = vector.broadcast %broadcast_in_dim3A_1145 : i32 to vector<16xi32>
      %broadcast_in_dim3A_1147 = vector.shape_cast %broadcast_in_dim3A_1146 : vector<16xi32> to vector<16x1xi32>
      %gather3A_1148 = vector.shape_cast %broadcast_in_dim3A_1147 : vector<16x1xi32> to vector<16xi32>
      %gather3A_1149 = tpu.dynamic_gather %mul3A_994[%gather3A_1148] in [0] : vector<16xf32>, vector<16xi32> -> vector<16xf32>
      %broadcast_in_dim3A_1150 = arith.constant 15 : i32
      %broadcast_in_dim3A_1151 = vector.broadcast %broadcast_in_dim3A_1150 : i32 to vector<16xi32>
      %broadcast_in_dim3A_1152 = vector.shape_cast %broadcast_in_dim3A_1151 : vector<16xi32> to vector<16x1xi32>
      %gather3A_1153 = vector.shape_cast %broadcast_in_dim3A_1152 : vector<16x1xi32> to vector<16xi32>
      %gather3A_1154 = tpu.dynamic_gather %mul3A_994[%gather3A_1153] in [0] : vector<16xf32>, vector<16xi32> -> vector<16xf32>
      %parallel_loop3A_1155 = arith.constant 0 : i32
      %parallel_loop3A_1156 = arith.constant 48 : i32
      %parallel_loop3A_1157 = arith.constant 1 : i32
      scf.for %parallel_loop3A_1172 = %parallel_loop3A_1155 to %parallel_loop3A_1156 step %parallel_loop3A_1157  : i32 {
        %parallel_loop3A_1173 = arith.constant 16 : i32
        %parallel_loop3A_1174 = arith.muli %parallel_loop3A_1172, %parallel_loop3A_1173 : i32
        %parallel_loop3A_1175 = arith.index_cast %parallel_loop3A_1174 : i32 to index
        %parallel_loop3A_1176 = tpu.vector_load %arg19[%parallel_loop3A_1175] {strides = array<i32>} : memref<768xf32, #tpu.memory_space<vmem>>, vector<16xf32>,
        %parallel_loop3A_1177 = arith.index_cast %parallel_loop3A_1174 : i32 to index
        %parallel_loop3A_1178 = tpu.vector_load %arg20[%parallel_loop3A_1177] {strides = array<i32>} : memref<768xf32, #tpu.memory_space<vmem>>, vector<16xf32>,
        %parallel_loop3A_1179 = arith.constant 0 : i32
        %parallel_loop3A_1180 = arith.index_cast %parallel_loop3A_1179 : i32 to index
        %parallel_loop3A_1181 = arith.index_cast %parallel_loop3A_1174 : i32 to index
        %parallel_loop3A_1182 = tpu.vector_load %arg18[%parallel_loop3A_1180, %parallel_loop3A_1181] {strides = array<i32>} : memref<16x768xf32, #tpu.memory_space<vmem>>, vector<16xf32>,
        %parallel_loop3A_1183 = arith.mulf %parallel_loop3A_1182, %gather3A_999 : vector<16xf32>
        %parallel_loop3A_1184 = arith.addf %parallel_loop3A_1183, %gather3A_1079 : vector<16xf32>
        %parallel_loop3A_1185 = arith.mulf %parallel_loop3A_1184, %parallel_loop3A_1176 : vector<16xf32>
        %parallel_loop3A_1186 = arith.addf %parallel_loop3A_1185, %parallel_loop3A_1178 : vector<16xf32>
        %parallel_loop3A_1187 = arith.constant 0 : i32
        %parallel_loop3A_1188 = arith.index_cast %parallel_loop3A_1187 : i32 to index
        %parallel_loop3A_1189 = arith.index_cast %parallel_loop3A_1174 : i32 to index
        %parallel_loop3A_1190 = tpu.vector_load %arg18[%parallel_loop3A_1188, %parallel_loop3A_1189] {strides = array<i32>} : memref<16x768xf32, #tpu.memory_space<vmem>>, vector<16xf32>,
        tpu.vector_store %arg18[%parallel_loop3A_1188, %parallel_loop3A_1189], %parallel_loop3A_1186 {strides = array<i32>} : memref<16x768xf32, #tpu.memory_space<vmem>>, vector<16xf32>,
        %parallel_loop3A_1191 = arith.constant 1 : i32
        %parallel_loop3A_1192 = arith.index_cast %parallel_loop3A_1191 : i32 to index
        %parallel_loop3A_1193 = arith.index_cast %parallel_loop3A_1174 : i32 to index
        %parallel_loop3A_1194 = tpu.vector_load %arg18[%parallel_loop3A_1192, %parallel_loop3A_1193] {strides = array<i32>} : memref<16x768xf32, #tpu.memory_space<vmem>>, vector<16xf32>,
        %parallel_loop3A_1195 = arith.mulf %parallel_loop3A_1194, %gather3A_1004 : vector<16xf32>
        %parallel_loop3A_1196 = arith.addf %parallel_loop3A_1195, %gather3A_1084 : vector<16xf32>
        %parallel_loop3A_1197 = arith.mulf %parallel_loop3A_1196, %parallel_loop3A_1176 : vector<16xf32>
        %parallel_loop3A_1198 = arith.addf %parallel_loop3A_1197, %parallel_loop3A_1178 : vector<16xf32>
        %parallel_loop3A_1199 = arith.constant 1 : i32
        %parallel_loop3A_1200 = arith.index_cast %parallel_loop3A_1199 : i32 to index
        %parallel_loop3A_1201 = arith.index_cast %parallel_loop3A_1174 : i32 to index
        %parallel_loop3A_1202 = tpu.vector_load %arg18[%parallel_loop3A_1200, %parallel_loop3A_1201] {strides = array<i32>} : memref<16x768xf32, #tpu.memory_space<vmem>>, vector<16xf32>,
        tpu.vector_store %arg18[%parallel_loop3A_1200, %parallel_loop3A_1201], %parallel_loop3A_1198 {strides = array<i32>} : memref<16x768xf32, #tpu.memory_space<vmem>>, vector<16xf32>,
        %parallel_loop3A_1203 = arith.constant 2 : i32
        %parallel_loop3A_1204 = arith.index_cast %parallel_loop3A_1203 : i32 to index
        %parallel_loop3A_1205 = arith.index_cast %parallel_loop3A_1174 : i32 to index
        %parallel_loop3A_1206 = tpu.vector_load %arg18[%parallel_loop3A_1204, %parallel_loop3A_1205] {strides = array<i32>} : memref<16x768xf32, #tpu.memory_space<vmem>>, vector<16xf32>,
        %parallel_loop3A_1207 = arith.mulf %parallel_loop3A_1206, %gather3A_1009 : vector<16xf32>
        %parallel_loop3A_1208 = arith.addf %parallel_loop3A_1207, %gather3A_1089 : vector<16xf32>
        %parallel_loop3A_1209 = arith.mulf %parallel_loop3A_1208, %parallel_loop3A_1176 : vector<16xf32>
        %parallel_loop3A_1210 = arith.addf %parallel_loop3A_1209, %parallel_loop3A_1178 : vector<16xf32>
        %parallel_loop3A_1211 = arith.constant 2 : i32
        %parallel_loop3A_1212 = arith.index_cast %parallel_loop3A_1211 : i32 to index
        %parallel_loop3A_1213 = arith.index_cast %parallel_loop3A_1174 : i32 to index
        %parallel_loop3A_1214 = tpu.vector_load %arg18[%parallel_loop3A_1212, %parallel_loop3A_1213] {strides = array<i32>} : memref<16x768xf32, #tpu.memory_space<vmem>>, vector<16xf32>,
        tpu.vector_store %arg18[%parallel_loop3A_1212, %parallel_loop3A_1213], %parallel_loop3A_1210 {strides = array<i32>} : memref<16x768xf32, #tpu.memory_space<vmem>>, vector<16xf32>,
        %parallel_loop3A_1215 = arith.constant 3 : i32
        %parallel_loop3A_1216 = arith.index_cast %parallel_loop3A_1215 : i32 to index
        %parallel_loop3A_1217 = arith.index_cast %parallel_loop3A_1174 : i32 to index
        %parallel_loop3A_1218 = tpu.vector_load %arg18[%parallel_loop3A_1216, %parallel_loop3A_1217] {strides = array<i32>} : memref<16x768xf32, #tpu.memory_space<vmem>>, vector<16xf32>,
        %parallel_loop3A_1219 = arith.mulf %parallel_loop3A_1218, %gather3A_1014 : vector<16xf32>
        %parallel_loop3A_1220 = arith.addf %parallel_loop3A_1219, %gather3A_1094 : vector<16xf32>
        %parallel_loop3A_1221 = arith.mulf %parallel_loop3A_1220, %parallel_loop3A_1176 : vector<16xf32>
        %parallel_loop3A_1222 = arith.addf %parallel_loop3A_1221, %parallel_loop3A_1178 : vector<16xf32>
        %parallel_loop3A_1223 = arith.constant 3 : i32
        %parallel_loop3A_1224 = arith.index_cast %parallel_loop3A_1223 : i32 to index
        %parallel_loop3A_1225 = arith.index_cast %parallel_loop3A_1174 : i32 to index
        %parallel_loop3A_1226 = tpu.vector_load %arg18[%parallel_loop3A_1224, %parallel_loop3A_1225] {strides = array<i32>} : memref<16x768xf32, #tpu.memory_space<vmem>>, vector<16xf32>,
        tpu.vector_store %arg18[%parallel_loop3A_1224, %parallel_loop3A_1225], %parallel_loop3A_1222 {strides = array<i32>} : memref<16x768xf32, #tpu.memory_space<vmem>>, vector<16xf32>,
        %parallel_loop3A_1227 = arith.constant 4 : i32
        %parallel_loop3A_1228 = arith.index_cast %parallel_loop3A_1227 : i32 to index
        %parallel_loop3A_1229 = arith.index_cast %parallel_loop3A_1174 : i32 to index
        %parallel_loop3A_1230 = tpu.vector_load %arg18[%parallel_loop3A_1228, %parallel_loop3A_1229] {strides = array<i32>} : memref<16x768xf32, #tpu.memory_space<vmem>>, vector<16xf32>,
        %parallel_loop3A_1231 = arith.mulf %parallel_loop3A_1230, %gather3A_1019 : vector<16xf32>
        %parallel_loop3A_1232 = arith.addf %parallel_loop3A_1231, %gather3A_1099 : vector<16xf32>
        %parallel_loop3A_1233 = arith.mulf %parallel_loop3A_1232, %parallel_loop3A_1176 : vector<16xf32>
        %parallel_loop3A_1234 = arith.addf %parallel_loop3A_1233, %parallel_loop3A_1178 : vector<16xf32>
        %parallel_loop3A_1235 = arith.constant 4 : i32
        %parallel_loop3A_1236 = arith.index_cast %parallel_loop3A_1235 : i32 to index
        %parallel_loop3A_1237 = arith.index_cast %parallel_loop3A_1174 : i32 to index
        %parallel_loop3A_1238 = tpu.vector_load %arg18[%parallel_loop3A_1236, %parallel_loop3A_1237] {strides = array<i32>} : memref<16x768xf32, #tpu.memory_space<vmem>>, vector<16xf32>,
        tpu.vector_store %arg18[%parallel_loop3A_1236, %parallel_loop3A_1237], %parallel_loop3A_1234 {strides = array<i32>} : memref<16x768xf32, #tpu.memory_space<vmem>>, vector<16xf32>,
        %parallel_loop3A_1239 = arith.constant 5 : i32
        %parallel_loop3A_1240 = arith.index_cast %parallel_loop3A_1239 : i32 to index
        %parallel_loop3A_1241 = arith.index_cast %parallel_loop3A_1174 : i32 to index
        %parallel_loop3A_1242 = tpu.vector_load %arg18[%parallel_loop3A_1240, %parallel_loop3A_1241] {strides = array<i32>} : memref<16x768xf32, #tpu.memory_space<vmem>>, vector<16xf32>,
        %parallel_loop3A_1243 = arith.mulf %parallel_loop3A_1242, %gather3A_1024 : vector<16xf32>
        %parallel_loop3A_1244 = arith.addf %parallel_loop3A_1243, %gather3A_1104 : vector<16xf32>
        %parallel_loop3A_1245 = arith.mulf %parallel_loop3A_1244, %parallel_loop3A_1176 : vector<16xf32>
        %parallel_loop3A_1246 = arith.addf %parallel_loop3A_1245, %parallel_loop3A_1178 : vector<16xf32>
        %parallel_loop3A_1247 = arith.constant 5 : i32
        %parallel_loop3A_1248 = arith.index_cast %parallel_loop3A_1247 : i32 to index
        %parallel_loop3A_1249 = arith.index_cast %parallel_loop3A_1174 : i32 to index
        %parallel_loop3A_1250 = tpu.vector_load %arg18[%parallel_loop3A_1248, %parallel_loop3A_1249] {strides = array<i32>} : memref<16x768xf32, #tpu.memory_space<vmem>>, vector<16xf32>,
        tpu.vector_store %arg18[%parallel_loop3A_1248, %parallel_loop3A_1249], %parallel_loop3A_1246 {strides = array<i32>} : memref<16x768xf32, #tpu.memory_space<vmem>>, vector<16xf32>,
        %parallel_loop3A_1251 = arith.constant 6 : i32
        %parallel_loop3A_1252 = arith.index_cast %parallel_loop3A_1251 : i32 to index
        %parallel_loop3A_1253 = arith.index_cast %parallel_loop3A_1174 : i32 to index
        %parallel_loop3A_1254 = tpu.vector_load %arg18[%parallel_loop3A_1252, %parallel_loop3A_1253] {strides = array<i32>} : memref<16x768xf32, #tpu.memory_space<vmem>>, vector<16xf32>,
        %parallel_loop3A_1255 = arith.mulf %parallel_loop3A_1254, %gather3A_1029 : vector<16xf32>
        %parallel_loop3A_1256 = arith.addf %parallel_loop3A_1255, %gather3A_1109 : vector<16xf32>
        %parallel_loop3A_1257 = arith.mulf %parallel_loop3A_1256, %parallel_loop3A_1176 : vector<16xf32>
        %parallel_loop3A_1258 = arith.addf %parallel_loop3A_1257, %parallel_loop3A_1178 : vector<16xf32>
        %parallel_loop3A_1259 = arith.constant 6 : i32
        %parallel_loop3A_1260 = arith.index_cast %parallel_loop3A_1259 : i32 to index
        %parallel_loop3A_1261 = arith.index_cast %parallel_loop3A_1174 : i32 to index
        %parallel_loop3A_1262 = tpu.vector_load %arg18[%parallel_loop3A_1260, %parallel_loop3A_1261] {strides = array<i32>} : memref<16x768xf32, #tpu.memory_space<vmem>>, vector<16xf32>,
        tpu.vector_store %arg18[%parallel_loop3A_1260, %parallel_loop3A_1261], %parallel_loop3A_1258 {strides = array<i32>} : memref<16x768xf32, #tpu.memory_space<vmem>>, vector<16xf32>,
        %parallel_loop3A_1263 = arith.constant 7 : i32
        %parallel_loop3A_1264 = arith.index_cast %parallel_loop3A_1263 : i32 to index
        %parallel_loop3A_1265 = arith.index_cast %parallel_loop3A_1174 : i32 to index
        %parallel_loop3A_1266 = tpu.vector_load %arg18[%parallel_loop3A_1264, %parallel_loop3A_1265] {strides = array<i32>} : memref<16x768xf32, #tpu.memory_space<vmem>>, vector<16xf32>,
        %parallel_loop3A_1267 = arith.mulf %parallel_loop3A_1266, %gather3A_1034 : vector<16xf32>
        %parallel_loop3A_1268 = arith.addf %parallel_loop3A_1267, %gather3A_1114 : vector<16xf32>
        %parallel_loop3A_1269 = arith.mulf %parallel_loop3A_1268, %parallel_loop3A_1176 : vector<16xf32>
        %parallel_loop3A_1270 = arith.addf %parallel_loop3A_1269, %parallel_loop3A_1178 : vector<16xf32>
        %parallel_loop3A_1271 = arith.constant 7 : i32
        %parallel_loop3A_1272 = arith.index_cast %parallel_loop3A_1271 : i32 to index
        %parallel_loop3A_1273 = arith.index_cast %parallel_loop3A_1174 : i32 to index
        %parallel_loop3A_1274 = tpu.vector_load %arg18[%parallel_loop3A_1272, %parallel_loop3A_1273] {strides = array<i32>} : memref<16x768xf32, #tpu.memory_space<vmem>>, vector<16xf32>,
        tpu.vector_store %arg18[%parallel_loop3A_1272, %parallel_loop3A_1273], %parallel_loop3A_1270 {strides = array<i32>} : memref<16x768xf32, #tpu.memory_space<vmem>>, vector<16xf32>,
        %parallel_loop3A_1275 = arith.constant 8 : i32
        %parallel_loop3A_1276 = arith.index_cast %parallel_loop3A_1275 : i32 to index
        %parallel_loop3A_1277 = arith.index_cast %parallel_loop3A_1174 : i32 to index
        %parallel_loop3A_1278 = tpu.vector_load %arg18[%parallel_loop3A_1276, %parallel_loop3A_1277] {strides = array<i32>} : memref<16x768xf32, #tpu.memory_space<vmem>>, vector<16xf32>,
        %parallel_loop3A_1279 = arith.mulf %parallel_loop3A_1278, %gather3A_1039 : vector<16xf32>
        %parallel_loop3A_1280 = arith.addf %parallel_loop3A_1279, %gather3A_1119 : vector<16xf32>
        %parallel_loop3A_1281 = arith.mulf %parallel_loop3A_1280, %parallel_loop3A_1176 : vector<16xf32>
        %parallel_loop3A_1282 = arith.addf %parallel_loop3A_1281, %parallel_loop3A_1178 : vector<16xf32>
        %parallel_loop3A_1283 = arith.constant 8 : i32
        %parallel_loop3A_1284 = arith.index_cast %parallel_loop3A_1283 : i32 to index
        %parallel_loop3A_1285 = arith.index_cast %parallel_loop3A_1174 : i32 to index
        %parallel_loop3A_1286 = tpu.vector_load %arg18[%parallel_loop3A_1284, %parallel_loop3A_1285] {strides = array<i32>} : memref<16x768xf32, #tpu.memory_space<vmem>>, vector<16xf32>,
        tpu.vector_store %arg18[%parallel_loop3A_1284, %parallel_loop3A_1285], %parallel_loop3A_1282 {strides = array<i32>} : memref<16x768xf32, #tpu.memory_space<vmem>>, vector<16xf32>,
        %parallel_loop3A_1287 = arith.constant 9 : i32
        %parallel_loop3A_1288 = arith.index_cast %parallel_loop3A_1287 : i32 to index
        %parallel_loop3A_1289 = arith.index_cast %parallel_loop3A_1174 : i32 to index
        %parallel_loop3A_1290 = tpu.vector_load %arg18[%parallel_loop3A_1288, %parallel_loop3A_1289] {strides = array<i32>} : memref<16x768xf32, #tpu.memory_space<vmem>>, vector<16xf32>,
        %parallel_loop3A_1291 = arith.mulf %parallel_loop3A_1290, %gather3A_1044 : vector<16xf32>
        %parallel_loop3A_1292 = arith.addf %parallel_loop3A_1291, %gather3A_1124 : vector<16xf32>
        %parallel_loop3A_1293 = arith.mulf %parallel_loop3A_1292, %parallel_loop3A_1176 : vector<16xf32>
        %parallel_loop3A_1294 = arith.addf %parallel_loop3A_1293, %parallel_loop3A_1178 : vector<16xf32>
        %parallel_loop3A_1295 = arith.constant 9 : i32
        %parallel_loop3A_1296 = arith.index_cast %parallel_loop3A_1295 : i32 to index
        %parallel_loop3A_1297 = arith.index_cast %parallel_loop3A_1174 : i32 to index
        %parallel_loop3A_1298 = tpu.vector_load %arg18[%parallel_loop3A_1296, %parallel_loop3A_1297] {strides = array<i32>} : memref<16x768xf32, #tpu.memory_space<vmem>>, vector<16xf32>,
        tpu.vector_store %arg18[%parallel_loop3A_1296, %parallel_loop3A_1297], %parallel_loop3A_1294 {strides = array<i32>} : memref<16x768xf32, #tpu.memory_space<vmem>>, vector<16xf32>,
        %parallel_loop3A_1299 = arith.constant 10 : i32
        %parallel_loop3A_1300 = arith.index_cast %parallel_loop3A_1299 : i32 to index
        %parallel_loop3A_1301 = arith.index_cast %parallel_loop3A_1174 : i32 to index
        %parallel_loop3A_1302 = tpu.vector_load %arg18[%parallel_loop3A_1300, %parallel_loop3A_1301] {strides = array<i32>} : memref<16x768xf32, #tpu.memory_space<vmem>>, vector<16xf32>,
        %parallel_loop3A_1303 = arith.mulf %parallel_loop3A_1302, %gather3A_1049 : vector<16xf32>
        %parallel_loop3A_1304 = arith.addf %parallel_loop3A_1303, %gather3A_1129 : vector<16xf32>
        %parallel_loop3A_1305 = arith.mulf %parallel_loop3A_1304, %parallel_loop3A_1176 : vector<16xf32>
        %parallel_loop3A_1306 = arith.addf %parallel_loop3A_1305, %parallel_loop3A_1178 : vector<16xf32>
        %parallel_loop3A_1307 = arith.constant 10 : i32
        %parallel_loop3A_1308 = arith.index_cast %parallel_loop3A_1307 : i32 to index
        %parallel_loop3A_1309 = arith.index_cast %parallel_loop3A_1174 : i32 to index
        %parallel_loop3A_1310 = tpu.vector_load %arg18[%parallel_loop3A_1308, %parallel_loop3A_1309] {strides = array<i32>} : memref<16x768xf32, #tpu.memory_space<vmem>>, vector<16xf32>,
        tpu.vector_store %arg18[%parallel_loop3A_1308, %parallel_loop3A_1309], %parallel_loop3A_1306 {strides = array<i32>} : memref<16x768xf32, #tpu.memory_space<vmem>>, vector<16xf32>,
        %parallel_loop3A_1311 = arith.constant 11 : i32
        %parallel_loop3A_1312 = arith.index_cast %parallel_loop3A_1311 : i32 to index
        %parallel_loop3A_1313 = arith.index_cast %parallel_loop3A_1174 : i32 to index
        %parallel_loop3A_1314 = tpu.vector_load %arg18[%parallel_loop3A_1312, %parallel_loop3A_1313] {strides = array<i32>} : memref<16x768xf32, #tpu.memory_space<vmem>>, vector<16xf32>,
        %parallel_loop3A_1315 = arith.mulf %parallel_loop3A_1314, %gather3A_1054 : vector<16xf32>
        %parallel_loop3A_1316 = arith.addf %parallel_loop3A_1315, %gather3A_1134 : vector<16xf32>
        %parallel_loop3A_1317 = arith.mulf %parallel_loop3A_1316, %parallel_loop3A_1176 : vector<16xf32>
        %parallel_loop3A_1318 = arith.addf %parallel_loop3A_1317, %parallel_loop3A_1178 : vector<16xf32>
        %parallel_loop3A_1319 = arith.constant 11 : i32
        %parallel_loop3A_1320 = arith.index_cast %parallel_loop3A_1319 : i32 to index
        %parallel_loop3A_1321 = arith.index_cast %parallel_loop3A_1174 : i32 to index
        %parallel_loop3A_1322 = tpu.vector_load %arg18[%parallel_loop3A_1320, %parallel_loop3A_1321] {strides = array<i32>} : memref<16x768xf32, #tpu.memory_space<vmem>>, vector<16xf32>,
        tpu.vector_store %arg18[%parallel_loop3A_1320, %parallel_loop3A_1321], %parallel_loop3A_1318 {strides = array<i32>} : memref<16x768xf32, #tpu.memory_space<vmem>>, vector<16xf32>,
        %parallel_loop3A_1323 = arith.constant 12 : i32
        %parallel_loop3A_1324 = arith.index_cast %parallel_loop3A_1323 : i32 to index
        %parallel_loop3A_1325 = arith.index_cast %parallel_loop3A_1174 : i32 to index
        %parallel_loop3A_1326 = tpu.vector_load %arg18[%parallel_loop3A_1324, %parallel_loop3A_1325] {strides = array<i32>} : memref<16x768xf32, #tpu.memory_space<vmem>>, vector<16xf32>,
        %parallel_loop3A_1327 = arith.mulf %parallel_loop3A_1326, %gather3A_1059 : vector<16xf32>
        %parallel_loop3A_1328 = arith.addf %parallel_loop3A_1327, %gather3A_1139 : vector<16xf32>
        %parallel_loop3A_1329 = arith.mulf %parallel_loop3A_1328, %parallel_loop3A_1176 : vector<16xf32>
        %parallel_loop3A_1330 = arith.addf %parallel_loop3A_1329, %parallel_loop3A_1178 : vector<16xf32>
        %parallel_loop3A_1331 = arith.constant 12 : i32
        %parallel_loop3A_1332 = arith.index_cast %parallel_loop3A_1331 : i32 to index
        %parallel_loop3A_1333 = arith.index_cast %parallel_loop3A_1174 : i32 to index
        %parallel_loop3A_1334 = tpu.vector_load %arg18[%parallel_loop3A_1332, %parallel_loop3A_1333] {strides = array<i32>} : memref<16x768xf32, #tpu.memory_space<vmem>>, vector<16xf32>,
        tpu.vector_store %arg18[%parallel_loop3A_1332, %parallel_loop3A_1333], %parallel_loop3A_1330 {strides = array<i32>} : memref<16x768xf32, #tpu.memory_space<vmem>>, vector<16xf32>,
        %parallel_loop3A_1335 = arith.constant 13 : i32
        %parallel_loop3A_1336 = arith.index_cast %parallel_loop3A_1335 : i32 to index
        %parallel_loop3A_1337 = arith.index_cast %parallel_loop3A_1174 : i32 to index
        %parallel_loop3A_1338 = tpu.vector_load %arg18[%parallel_loop3A_1336, %parallel_loop3A_1337] {strides = array<i32>} : memref<16x768xf32, #tpu.memory_space<vmem>>, vector<16xf32>,
        %parallel_loop3A_1339 = arith.mulf %parallel_loop3A_1338, %gather3A_1064 : vector<16xf32>
        %parallel_loop3A_1340 = arith.addf %parallel_loop3A_1339, %gather3A_1144 : vector<16xf32>
        %parallel_loop3A_1341 = arith.mulf %parallel_loop3A_1340, %parallel_loop3A_1176 : vector<16xf32>
        %parallel_loop3A_1342 = arith.addf %parallel_loop3A_1341, %parallel_loop3A_1178 : vector<16xf32>
        %parallel_loop3A_1343 = arith.constant 13 : i32
        %parallel_loop3A_1344 = arith.index_cast %parallel_loop3A_1343 : i32 to index
        %parallel_loop3A_1345 = arith.index_cast %parallel_loop3A_1174 : i32 to index
        %parallel_loop3A_1346 = tpu.vector_load %arg18[%parallel_loop3A_1344, %parallel_loop3A_1345] {strides = array<i32>} : memref<16x768xf32, #tpu.memory_space<vmem>>, vector<16xf32>,
        tpu.vector_store %arg18[%parallel_loop3A_1344, %parallel_loop3A_1345], %parallel_loop3A_1342 {strides = array<i32>} : memref<16x768xf32, #tpu.memory_space<vmem>>, vector<16xf32>,
        %parallel_loop3A_1347 = arith.constant 14 : i32
        %parallel_loop3A_1348 = arith.index_cast %parallel_loop3A_1347 : i32 to index
        %parallel_loop3A_1349 = arith.index_cast %parallel_loop3A_1174 : i32 to index
        %parallel_loop3A_1350 = tpu.vector_load %arg18[%parallel_loop3A_1348, %parallel_loop3A_1349] {strides = array<i32>} : memref<16x768xf32, #tpu.memory_space<vmem>>, vector<16xf32>,
        %parallel_loop3A_1351 = arith.mulf %parallel_loop3A_1350, %gather3A_1069 : vector<16xf32>
        %parallel_loop3A_1352 = arith.addf %parallel_loop3A_1351, %gather3A_1149 : vector<16xf32>
        %parallel_loop3A_1353 = arith.mulf %parallel_loop3A_1352, %parallel_loop3A_1176 : vector<16xf32>
        %parallel_loop3A_1354 = arith.addf %parallel_loop3A_1353, %parallel_loop3A_1178 : vector<16xf32>
        %parallel_loop3A_1355 = arith.constant 14 : i32
        %parallel_loop3A_1356 = arith.index_cast %parallel_loop3A_1355 : i32 to index
        %parallel_loop3A_1357 = arith.index_cast %parallel_loop3A_1174 : i32 to index
        %parallel_loop3A_1358 = tpu.vector_load %arg18[%parallel_loop3A_1356, %parallel_loop3A_1357] {strides = array<i32>} : memref<16x768xf32, #tpu.memory_space<vmem>>, vector<16xf32>,
        tpu.vector_store %arg18[%parallel_loop3A_1356, %parallel_loop3A_1357], %parallel_loop3A_1354 {strides = array<i32>} : memref<16x768xf32, #tpu.memory_space<vmem>>, vector<16xf32>,
        %parallel_loop3A_1359 = arith.constant 15 : i32
        %parallel_loop3A_1360 = arith.index_cast %parallel_loop3A_1359 : i32 to index
        %parallel_loop3A_1361 = arith.index_cast %parallel_loop3A_1174 : i32 to index
        %parallel_loop3A_1362 = tpu.vector_load %arg18[%parallel_loop3A_1360, %parallel_loop3A_1361] {strides = array<i32>} : memref<16x768xf32, #tpu.memory_space<vmem>>, vector<16xf32>,
        %parallel_loop3A_1363 = arith.mulf %parallel_loop3A_1362, %gather3A_1074 : vector<16xf32>
        %parallel_loop3A_1364 = arith.addf %parallel_loop3A_1363, %gather3A_1154 : vector<16xf32>
        %parallel_loop3A_1365 = arith.mulf %parallel_loop3A_1364, %parallel_loop3A_1176 : vector<16xf32>
        %parallel_loop3A_1366 = arith.addf %parallel_loop3A_1365, %parallel_loop3A_1178 : vector<16xf32>
        %parallel_loop3A_1367 = arith.constant 15 : i32
        %parallel_loop3A_1368 = arith.index_cast %parallel_loop3A_1367 : i32 to index
        %parallel_loop3A_1369 = arith.index_cast %parallel_loop3A_1174 : i32 to index
        %parallel_loop3A_1370 = tpu.vector_load %arg18[%parallel_loop3A_1368, %parallel_loop3A_1369] {strides = array<i32>} : memref<16x768xf32, #tpu.memory_space<vmem>>, vector<16xf32>,
        tpu.vector_store %arg18[%parallel_loop3A_1368, %parallel_loop3A_1369], %parallel_loop3A_1366 {strides = array<i32>} : memref<16x768xf32, #tpu.memory_space<vmem>>, vector<16xf32>,
      } {sc.loop_unroll_factor = 1 : i64, sc.parallel_access}
      %mul3A_1158 = arith.constant 16 : i32
      %mul3A_1159 = arith.muli %add3A_603, %mul3A_1158 : i32
      %add3A_1160 = arith.addi %mul3A_2, %mul3A_1159 : i32
      %dma_start3A_1161 = arith.constant 0 : i32
      %dma_start3A_1162 = tpu.memref_slice %arg9[%add3A_1160, %dma_start3A_1161] : memref<8192x768xf32, #tpu.memory_space<hbm>> -> memref<16x768xf32, #tpu.memory_space<hbm>>
      %dma_start3A_1163 = arith.constant 0 : i32
      %dma_start3A_1164 = tpu.memref_slice %arg9[%add3A_1160, %dma_start3A_1163] : memref<8192x768xf32, #tpu.memory_space<hbm>> -> memref<16x768xf32, #tpu.memory_space<hbm>>
      tpu.enqueue_dma source(%arg18 : memref<16x768xf32, #tpu.memory_space<vmem>>) target(%dma_start3A_1164 : memref<16x768xf32, #tpu.memory_space<hbm>>) target_semaphore(%arg26 : memref<!tpu.dma_semaphore, #tpu.memory_space<semaphore_mem>>)
      %add3A_1165 = arith.constant 2 : i32
      %add3A_1166 = arith.addi %add3A_603, %add3A_1165 : i32
      %lt3A_1167 = arith.constant 16 : i32
      %lt3A_1168 = arith.cmpi slt, %add3A_1166, %lt3A_1167 : i32
      %convert_element_type3A_1169 = arith.extui %lt3A_1168 : i1 to i32
      %cond3A_1170 = arith.constant 0 : i32
      %cond3A_1171 = arith.cmpi ne, %convert_element_type3A_1169, %cond3A_1170 : i32
      scf.if %cond3A_1171 {
        %add3A_1172 = arith.constant 2 : i32
        %add3A_1173 = arith.addi %add3A_603, %add3A_1172 : i32
        %mul3A_1174 = arith.constant 16 : i32
        %mul3A_1175 = arith.muli %add3A_1173, %mul3A_1174 : i32
        %add3A_1176 = arith.addi %rem3A_3, %mul3A_1175 : i32
        %mul3A_1177 = arith.constant 16 : i32
        %mul3A_1178 = arith.muli %add3A_1173, %mul3A_1177 : i32
        %dma_start3A_1179 = tpu.memref_slice %arg10[%mul3A_1178] : memref<256xi32, #tpu.memory_space<vmem>> -> memref<16xi32, #tpu.memory_space<vmem>>
        %dma_start3A_1180 = arith.constant 0 : i32
        %dma_start3A_1181 = arith.constant 0 : i32
        %dma_start3A_1182 = tpu.memref_slice %arg4[%dma_start3A_1180, %dma_start3A_1181] : memref<100000x768xf32, #tpu.memory_space<hbm>> -> memref<100000x768xf32, #tpu.memory_space<hbm>>
        tpu.enqueue_indirect_dma source(%dma_start3A_1182 : memref<100000x768xf32, #tpu.memory_space<hbm>>) target(%arg14 : memref<16x768xf32, #tpu.memory_space<vmem>>) offsets(%dma_start3A_1179 : memref<16xi32, #tpu.memory_space<vmem>>) semaphore(%arg24 : memref<!tpu.dma_semaphore, #tpu.memory_space<semaphore_mem>>)
        %dma_start3A_1183 = arith.constant 0 : i32
        %dma_start3A_1184 = tpu.memref_slice %arg5[%add3A_1176, %dma_start3A_1183] : memref<2048x768xf32, #tpu.memory_space<hbm>> -> memref<16x768xf32, #tpu.memory_space<hbm>>
        %dma_start3A_1185 = arith.constant 0 : i32
        %dma_start3A_1186 = tpu.memref_slice %arg5[%add3A_1176, %dma_start3A_1185] : memref<2048x768xf32, #tpu.memory_space<hbm>> -> memref<16x768xf32, #tpu.memory_space<hbm>>
        tpu.enqueue_dma source(%dma_start3A_1186 : memref<16x768xf32, #tpu.memory_space<hbm>>) target(%arg16 : memref<16x768xf32, #tpu.memory_space<vmem>>) target_semaphore(%arg24 : memref<!tpu.dma_semaphore, #tpu.memory_space<semaphore_mem>>)
      } else {
      }
    }
    %scan3A_29 = arith.constant 8 : i32
    %add3A_30 = arith.constant 224 : i32
    %add3A_31 = arith.addi %mul3A_2, %add3A_30 : i32
    %dma_wait3A = arith.constant 0 : i32
    %dma_wait3A_32 = tpu.memref_slice %arg9[%add3A_31, %dma_wait3A] : memref<8192x768xf32, #tpu.memory_space<hbm>> -> memref<16x768xf32, #tpu.memory_space<hbm>>
    %dma_wait3A_33 = arith.constant 0 : i32
    %dma_wait3A_34 = tpu.memref_slice %arg9[%add3A_31, %dma_wait3A_33] : memref<8192x768xf32, #tpu.memory_space<hbm>> -> memref<16x768xf32, #tpu.memory_space<hbm>>
    tpu.wait_dma2 semaphore(%arg25 : memref<!tpu.dma_semaphore, #tpu.memory_space<semaphore_mem>>) src(%arg17 : memref<16x768xf32, #tpu.memory_space<vmem>>) dst(%dma_wait3A_34 : memref<16x768xf32, #tpu.memory_space<hbm>>)
    %add3A_35 = arith.constant 240 : i32
    %add3A_36 = arith.addi %mul3A_2, %add3A_35 : i32
    %dma_wait3A_37 = arith.constant 0 : i32
    %dma_wait3A_38 = tpu.memref_slice %arg9[%add3A_36, %dma_wait3A_37] : memref<8192x768xf32, #tpu.memory_space<hbm>> -> memref<16x768xf32, #tpu.memory_space<hbm>>
    %dma_wait3A_39 = arith.constant 0 : i32
    %dma_wait3A_40 = tpu.memref_slice %arg9[%add3A_36, %dma_wait3A_39] : memref<8192x768xf32, #tpu.memory_space<hbm>> -> memref<16x768xf32, #tpu.memory_space<hbm>>
    tpu.wait_dma2 semaphore(%arg26 : memref<!tpu.dma_semaphore, #tpu.memory_space<semaphore_mem>>) src(%arg18 : memref<16x768xf32, #tpu.memory_space<vmem>>) dst(%dma_wait3A_40 : memref<16x768xf32, #tpu.memory_space<hbm>>)
    return
  }
}

</mosaic_0001>

<sc_bundles>
// kernel: kernel.3.cloned.1.call-start
scs
__scs_entry_jumppad:
0x0: {  	(pc) =	sbr.rel $0x88, $3  }
0x1: {  	(tag) =	ssettag $0x0;
	lr =	simm.s32 $0x1  }
0x2: {  	[smem:$0x3F9A] =	sst lr;
	_ =	strace $0xD0000000  }
0x3: {  	_ = 	snop  }
0x4: {  	_ = 	snop  }
0x5: {  	_ = 	snop  }
0x6: {  	_ = 	snop  }
0x7: {  	_ = 	snop  }
__scs_overlays_trampoline_lowered:
0x8: {  	[smem:$0x3FA9] =	sst s0  }
0x9: {  	[smem:$0x3FAA] =	sst s1  }
0xa: {  	[smem:$0x3FAB] =	sst s2  }
0xb: {  	[smem:$0x3FAC] =	sst s3  }
0xc: {  	[smem:$0x3FAD] =	sst s4  }
0xd: {  	[smem:$0x3FAE] =	sst s5  }
0xe: {  	[smem:$0x3FAF] =	sst s6  }
0xf: {  	[smem:$0x3FB0] =	sst s7  }
0x10: {  	[smem:$0x3FB1] =	sst s8  }
0x11: {  	[smem:$0x3FB2] =	sst s9;
	s0 =	simm.s32 @!p0 $0x0  }
0x12: {  	s1 =	sld [smem:$0x3F98];
	s0 =	simm.s32 @p0 $0x1  }
0x13: {  	[smem:$0x3FB3] =	sst s0;
	s0 =	simm.s32 @!p1 $0x0  }
0x14: {  	s2 =	sld [smem:$0x3F97];
	s0 =	simm.s32 @p1 $0x1  }
0x15: {  	[smem:$0x3FB4] =	sst s0;
	s0 =	simm.s32 @!p2 $0x0  }
0x16: {  	s3 =	sld [smem:$0x3FDB];
	s0 =	simm.s32 @p2 $0x1  }
0x17: {  	s4 =	simm.s32 $0x1BF5;
	[smem:$0x3FB6] =	sst s0  }
0x18: {  	s0 =	sld [smem:$0x3F99];
	_ =	swait.ge [sflag:s4], $0x0  }
0x19: {  	s7 =	sld [smem:$0x3F9A]  }
0x1a: {  	s8 =	sadd.s32 $0xFFFFE003, lr  }
0x1b: {  	s9 =	sadd.s32 $0xFFFFFEF7, lr;
	s5 =	simm.s32 $0xFFFFFFFF;
	p2 =	slt.u32 s8, $0xFFFFF086  }
0x1c: {  	p1 =	slt.u32 s9, $0xF7A;
	s5 =	simm.s32 @!p2 $0x0  }
0x1d: {  	s5 =	simm.s32 @p1 $0x1;
	p0 =	seq.s32 s7, s2  }
0x1e: {  	s7 =	smul.u32 @!p0 $0xF7A, s2;
	p2 =	seq.s32 @!p0 s5, $0x0  }
0x1f: {  	s9 =	smul.u32 $0xF7A, s1;
	s8 =	simm.s32 @!p0 $0x1BF5;
	p2 =	por !p2, p0  }
0x20: {  	[sflag:s8] =	ssyncset.s32 @!p0 $0xFFFFF086;
	s6 =	sadd.s32 @!p0 s3, s7;
	s7 =	simm.s32 @!p0 $0x108  }
0x21: {  	s3 =	sadd.s32 s3, s9;
	s6 =	sadd.s32 @!p0 $0x88, s6;
	s7 =	simm.s32 @p2 $0x1082  }
0x22: {  	[simem:s7], [sflag:s8] =	dma.local @!p0 [hbm:s6], $0xF7A  }
0x23: {  	s9 =	sor.u32 $0xD0000000, s2;
	s6 =	simm.s32 $0x108;
	_ =	swait.ge @!p0 [sflag:s8], $0x0  }
0x24: {  	s3 =	sadd.s32 $0x88, s3;
	s6 =	simm.s32 @!p1 $0x1082;
	[sflag:s4] =	ssyncset.s32 $0xFFFFF086  }
0x25: {  	[simem:s6], [sflag:s4] =	dma.local [hbm:s3], $0xF7A  }
0x26: {  	[smem:$0x3F9A] =	sst s1;
	(tag) =	ssettag s2;
	_ =	strace s9  }
0x27: {  	s1 =	sld [smem:$0x3FAA]  }
0x28: {  	s2 =	sld [smem:$0x3FAB]  }
0x29: {  	s4 =	sld [smem:$0x3FAD]  }
0x2a: {  	p0 =	seq.s32 s5, $0x0;
	s5 =	sld [smem:$0x3FAE]  }
0x2b: {  	s6 =	sld [smem:$0x3FAF]  }
0x2c: {  	s7 =	sld [smem:$0x3FB0]  }
0x2d: {  	s3 =	simm.s32 $0x108;
	s8 =	sld [smem:$0x3FB1]  }
0x2e: {  	s3 =	simm.s32 @!p0 $0x1082;
	s9 =	sld [smem:$0x3FB2]  }
0x2f: {  	lr =	sadd.s32 s0, s3;
	s0 =	sld [smem:$0x3FA9]  }
0x30: {  	s3 =	sld [smem:$0x3FAC]  }
0x31: {  	[smem:$0x3FB5] =	sst s10  }
0x32: {  	s10 =	sld [smem:$0x3FB3];
	_ =	sdelay $0x3  }
0x33: {  	p0 =	seq.s32 s10, $0x1;
	s10 =	sld [smem:$0x3FB5];
	_ =	sdelay $0x3  }
0x34: {  	[smem:$0x3FB5] =	sst s10  }
0x35: {  	s10 =	sld [smem:$0x3FB4];
	_ =	sdelay $0x3  }
0x36: {  	p1 =	seq.s32 s10, $0x1;
	s10 =	sld [smem:$0x3FB5];
	_ =	sdelay $0x3  }
0x37: {  	[smem:$0x3FB5] =	sst s10  }
0x38: {  	s10 =	sld [smem:$0x3FB6]  }
0x39: {  	_ = 	snop;
	(pc) =	sbr.ind lr, $3  }
0x3a: {  	_ = 	snop  }
0x3b: {  	_ = 	snop  }
0x3c: {  	p2 =	seq.s32 s10, $0x1;
	s10 =	sld [smem:$0x3FB5]  }
0x3d: {  	_ =	shalt  }
0x3e: {  	_ =	shalt  }
0x3f: {  	_ =	shalt  }
0x40: {  	_ =	shalt  }
0x41: {  	_ =	shalt  }
0x42: {  	_ =	shalt  }
0x43: {  	_ =	shalt  }
0x44: {  	_ =	shalt  }
0x45: {  	_ =	shalt  }
0x46: {  	_ =	shalt  }
0x47: {  	_ =	shalt  }
0x48: {  	_ =	shalt  }
0x49: {  	_ =	shalt  }
0x4a: {  	_ =	shalt  }
0x4b: {  	_ =	shalt  }
0x4c: {  	_ =	shalt  }
0x4d: {  	_ =	shalt  }
0x4e: {  	_ =	shalt  }
0x4f: {  	_ =	shalt  }
0x50: {  	_ =	shalt  }
0x51: {  	_ =	shalt  }
0x52: {  	_ =	shalt  }
0x53: {  	_ =	shalt  }
0x54: {  	_ =	shalt  }
0x55: {  	_ =	shalt  }
0x56: {  	_ =	shalt  }
0x57: {  	_ =	shalt  }
0x58: {  	_ =	shalt  }
0x59: {  	_ =	shalt  }
0x5a: {  	_ =	shalt  }
0x5b: {  	_ =	shalt  }
0x5c: {  	_ =	shalt  }
0x5d: {  	_ =	shalt  }
0x5e: {  	_ =	shalt  }
0x5f: {  	_ =	shalt  }
0x60: {  	_ =	shalt  }
0x61: {  	_ =	shalt  }
0x62: {  	_ =	shalt  }
0x63: {  	_ =	shalt  }
0x64: {  	_ =	shalt  }
0x65: {  	_ =	shalt  }
0x66: {  	_ =	shalt  }
0x67: {  	_ =	shalt  }
0x68: {  	_ =	shalt  }
0x69: {  	_ =	shalt  }
0x6a: {  	_ =	shalt  }
0x6b: {  	_ =	shalt  }
0x6c: {  	_ =	shalt  }
0x6d: {  	_ =	shalt  }
0x6e: {  	_ =	shalt  }
0x6f: {  	_ =	shalt  }
0x70: {  	_ =	shalt  }
0x71: {  	_ =	shalt  }
0x72: {  	_ =	shalt  }
0x73: {  	_ =	shalt  }
0x74: {  	_ =	shalt  }
0x75: {  	_ =	shalt  }
0x76: {  	_ =	shalt  }
0x77: {  	_ =	shalt  }
0x78: {  	_ =	shalt  }
0x79: {  	_ =	shalt  }
0x7a: {  	_ =	shalt  }
0x7b: {  	_ =	shalt  }
0x7c: {  	_ =	shalt  }
0x7d: {  	_ =	shalt  }
0x7e: {  	_ =	shalt  }
0x7f: {  	_ =	shalt  }
0x80: {  	_ =	shalt  }
0x81: {  	_ =	shalt  }
0x82: {  	_ =	shalt  }
0x83: {  	_ =	shalt  }
0x84: {  	_ =	shalt  }
0x85: {  	_ =	shalt  }
0x86: {  	_ =	shalt  }
0x87: {  	_ =	shalt  }
.Lfunc_end0:
.L_simem_size_0:
called_computation_lowered:
.L_overlay_start_0:
0x88: {  	s2 =	sld [smem:$0x3FD9]  }
0x89: {  	s3 =	sld [smem:$0x3FFE];
	_ =	sdelay $0x1  }
0x8a: {  	s1 =	srdreg.scid  }
0x8b: {  	s0 =	sand.u32 $0x1, s1  }
0x8c: {  	s17 =	sshll.u32 s0, $0xA;
	s2 =	sadd.s32 s3, s2  }
0x8d: {  	s2 =	sadd.s32 s2, s17  }
0x8e: {  	[smem:$0x3FC1] =	sst s2  }
0x8f: {  	_ = 	snop  }
0x90: {  	s2 =	sld [smem:$0x3FC7]  }
0x91: {  	s18 =	sld [smem:$0x3FC6]  }
0x92: {  	s4 =	sld [smem:$0x3FC5]  }
0x93: {  	s5 =	sld [smem:$0x3FC4]  }
0x94: {  	s6 =	sld [smem:$0x3FC3]  }
0x95: {  	s7 =	sld [smem:$0x3FD0];
	(tm) =	ssettm $0x1  }
0x96: {  	s8 =	sld [smem:$0x3FFB];
	_ =	sdelay $0x3  }
0x97: {  	_ =	strace s8  }
0x98: {  	s8 =	sld [smem:$0x3FFC];
	_ =	sdelay $0x3  }
0x99: {  	_ =	strace s8  }
0x9a: {  	s8 =	sld [smem:$0x3FFD];
	_ =	sdelay $0x3  }
0x9b: {  	_ =	strace s8  }
0x9c: {  	_ =	strace $0x8FFFFFFF  }
0x9d: {  	s19 =	sld [smem:$0x3FDB];
	_ =	sdelay $0x1  }
0x9e: {  	s9 =	simm.s32 $_scs_section_size  }
0x9f: {  	s10 =	simm.s32 $_size__tile_overlayer_lowered;
	s11 =	simm.s32 $_tile_overlayer_lowered  }
0xa0: {  	s22 =	simm.s32 $0x1BFF;
	s21 =	sshll.u32 s11, $0x1;
	s8 =	sadd.s32 s9, s19  }
0xa1: {  	s12 =	simm.s32 $0x0;
	s20 =	sshll.u32 s10, $0x1;
	s10 =	sadd.s32 s21, s8  }
0xa2: {  	[timem:s12], [sflag:s22] =	dma.local [hbm:s10], s20  }
0xa3: {  	_ =	swait.ge [sflag:s22], s20  }
0xa4: {  	s9 =	ssub.s32 $0x0, s20;
	[sflag:s22] =	ssyncset.done $0x0  }
0xa5: {  	[sflag:s22] =	ssyncadd.s32 s9;
	_ =	sdelay $0x1  }
0xa6: {  	s23 =	simm.s32 $0x1B8B  }
0xa7: {  	_ =	swait.ge [sflag:s23], $0x1  }
0xa8: {  	[sflag:s23] =	ssyncset.done $0x0  }
0xa9: {  	s25 =	simm.s32 $0x1B8E;
	s24 =	sld [smem:$0x3FFE];
	[sflag:s23] =	ssyncadd.s32 $0xFFFFFFFF  }
0xaa: {  	s26 =	simm.s32 $execute0_lowered;
	[smem:$0x3FD2] =	sst s25  }
0xab: {  	s10 =	sshll.u32 s26, $0x1;
	_ =	strace $0x80000046;
	[dreg:$0x1] =	wrdreg $0xFFFFFFFF  }
0xac: {  	s28 =	simm.s32 $_size_execute0_lowered;
	s8 =	sadd.s32 s8, s10;
	[dreg:$0x0] =	wrdreg $0x0  }
0xad: {  	s10 =	sshll.u32 s28, $0x1;
	[dreg:$0x2] =	wrdreg s8  }
0xae: {  	[dreg:$0x3] =	wrdreg s10  }
0xaf: {  	[dreg:$0x4] =	wrdreg $0xC0  }
0xb0: {  	_ =	task [dreg:s12], $0x5FFFF  }
0xb1: {  	[dreg:$0x1] =	wrdreg $0xFFFFFFFF  }
0xb2: {  	[dreg:$0x0] =	wrdreg $0x60  }
0xb3: {  	[dreg:$0x2] =	wrdreg s24  }
0xb4: {  	[dreg:$0x3] =	wrdreg s2  }
0xb5: {  	[dreg:$0x4] =	wrdreg s18  }
0xb6: {  	[dreg:$0x5] =	wrdreg s4  }
0xb7: {  	[dreg:$0x6] =	wrdreg s5  }
0xb8: {  	[dreg:$0x7] =	wrdreg s6  }
0xb9: {  	[dreg:$0x8] =	wrdreg s7  }
0xba: {  	[dreg:$0x9] =	wrdreg $0x9  }
0xbb: {  	_ =	task.clear_ibuf [dreg:s12], $0xAFFFF;
	_ =	strace $0x90000046  }
0xbc: {  	s29 =	simm.s32 $0x9;
	_ =	strace $0x80000048  }
0xbd: {  	_ =	swait.ge [sflag:s29], $0x1  }
0xbe: {  	[sflag:s29] =	ssyncadd.s32 $0xFFFFFFFF  }
0xbf: {  	_ =	strace $0x90000048  }
0xc0: {  	_ =	sfence  }
0xc1: {  	s30 =	sld [smem:$0x0];
	_ =	sdelay $0x2  }
0xc2: {  	s31 =	sshll.u32 s1, $0xD;
	s1 =	sshrl.u32 s1, $0x2  }
0xc3: {  	s3 =	sand.u32 $0x4000, s31;
	s1 =	sadd.s32 s1, s30  }
0xc4: {  	s0 =	sor.u32 s3, s0;
	s1 =	sshll.u32 s1, $0x11  }
0xc5: {  	s0 =	sor.u32 s1, s0  }
0xc6: {  	s0 =	sadd.s32 $0x8F2B, s0  }
0xc7: {  	[sflag:s0] =	ssyncadd.remote.s32 $0x1  }
0xc8: {  	_ =	sfence.sel $0xFFFF  }
0xc9: {  	[dreg:$0x0] =	wrdreg $0xFFFFFFFF;
	(pc) =	sbr.abs _section_cstart, $3  }
0xca: {  	[dreg:$0x1] =	wrdreg $0xFFFFFFFF  }
0xcb: {  	_ =	task.clear_ibuf [dreg:s12], $0x2FFFF;
	_ =	strace $0x9FFFFFFF  }
0xcc: {  	(tm) =	ssettm $0x7FFFFFFF  }
0xcd: {  	_ =	shalt  }
tec
execute0_lowered:
.L_overlay_start_1:
0x0: {  	(tag) =	ssettag $0x1  }
0x1: {  	s1 =	rddreg [dreg:$0x0]  }
0x2: {  	s0 =	rddreg [dreg:$0x1]  }
0x3: {  	s2 =	rddreg [dreg:$0x2]  }
0x4: {  	s7 =	rddreg [dreg:$0x6];
	s3 =	srdreg.scid  }
0x5: {  	s4 =	stileid.u32;
	s8 =	simm.s32 $0x0;
	s21 =	simm.s32 $0x200  }
0x6: {  	s6 =	simm.s32 $0x6000;
	s18 =	simm.s32 $0x9800;
	s20 =	simm.s32 $0x1  }
0x7: {  	s22 =	simm.s32 $0x12E00;
	s23 =	simm.s32 $0x13600;
	s3 =	sand.u32 $0x1, s3  }
0x8: {  	s24 =	simm.s32 $0xC800;
	s4 =	sshll.u32 s4, $0x9;
	s5 =	sshll.u32 s3, $0x8  }
0x9: {  	[smem:$0x7FF] =	sst s8;
	s3 =	ssub.s32 $0x2, s3;
	s9 =	sor.u32 s5, s4  }
0xa: {  	_ =	strace $0x80000047;
	s28 =	sshrl.u32 s3, $0x1;
	s10 =	sand.u32 $0x700, s9  }
0xb: {  	s4 =	sshrl.u32 s9, $0x3;
	s3 =	ssub.s32 s3, s28;
	s26 =	sshrl.u32 s10, $0x3  }
0xc: {  	v5 =	vlaneseq.u32;
	vm0 =	vmmov $0xffff;
	s1 =	sadd.s32 s4, s1;
	s31 =	smax.u32 s3, $0x1;
	s5 =	smul.u32 $0x300, s26  }
.Ltmp0:
0xd: {  	v53 =	vimm.s32 $0x0;
	v54 =	vimm.s32 $0x1;
	v55 =	vimm.s32 $0x2;
	s29 =	sadd.s32 $0x400, s1;
	[dreg:$0xc] =	wrdreg s31;
	(pc) =	sbr.rel .LBB2_1-.Ltmp0, $4  }
0xe: {  	v56 =	vimm.s32 $0x3;
	s25 =	simm.s32 $0x2;
	v0 =	vshrl.u32 v5, $0x3;
	v1 =	vand.u32 $0x7, v5;
	s1 =	sadd.s32 $0x800, s1;
	[dreg:$0x8] =	wrdreg s29  }
0xf: {  	v57 =	vimm.s32 $0x4;
	s13 =	sadd.s32 $0x100, s0;
	v63 =	vor.u32 $0x8, v5;
	[tilespmem:$0x1FFD0] =	vst v1;
	v0 =	vmul.u32 $0x8, v0;
	[dreg:$0x9] =	wrdreg s1;
	s30 =	sadd.s32 s2, s5  }
0x10: {  	v58 =	vimm.s32 $0x5;
	v59 =	vimm.s32 $0x6;
	v60 =	vimm.s32 $0x7;
	s14 =	sadd.s32 $0x200, s0;
	[tilespmem:$0x1FFF0] =	vst v63;
	[dreg:$0xa] =	wrdreg s30;
	s1 =	sadd.s32 $0x600, s30  }
0x11: {  	v61 =	vimm.s32 $0x8;
	v10 =	vimm.s32 $0x9;
	v63 =	vimm.s32 $0xA;
	[tilespmem:$0x1FFE0] =	vst v0;
	s4 =	simm.s32 $0x0;
	s26 =	simm.s32 $0xF800;
	[dreg:$0xb] =	wrdreg s1  }
.LBB2_12:
0x12: {  	s1 =	simm.s32 $0x3  }
0x13: {  	_ =	swait.ge [sflag:s1], $0x3000  }
0x14: {  	[sflag:s1] =	ssyncset.done $0x0  }
0x15: {  	s3 =	simm.s32 $0x4;
	[sflag:s1] =	ssyncadd.s32 $0xFFFFD000  }
0x16: {  	_ =	swait.ge [sflag:s3], $0x3000  }
0x17: {  	s4 =	rddreg [dreg:$0xd]  }
0x18: {  	s31 =	rddreg [dreg:$0xc];
	s4 =	sadd.s32 $0x1, s4  }
0x19: {  	p0 =	sne.s32 s4, s31  }
.Ltmp1:
0x1a: {  	_ = 	snop;
	(pc) =	sbr.rel @!p0 .LBB2_13-.Ltmp1, $3  }
0x1b: {  	_ =	sdelay $0x1  }
0x1c: {  	[sflag:s3] =	ssyncset.done $0x0  }
0x1d: {  	v5 =	vlaneseq.u32;
	v10 =	vimm.s32 $0x9;
	[sflag:s3] =	ssyncadd.s32 $0xFFFFD000  }
.LBB2_1:
0x1e: {  	[dreg:$0xd] =	wrdreg s4  }
0x1f: {  	s1 =	rddreg [dreg:$0x4];
	s3 =	simm.s32 $0x12800;
	s15 =	simm.s32 $0x5  }
0x20: {  	[tilespmem:s3], [sflag:$0x5] =	stream.linear.gather [hbm4b:s1+s8], $0x300, $0x38;
	[tilespmem:$0x13E00] =	vst v63  }
0x21: {  	_ =	swait.ge [sflag:s15], $0x300  }
0x22: {  	[sflag:s15] =	ssyncset.done $0x0  }
0x23: {  	[sflag:s15] =	ssyncadd.s32 $0xFFFFFD00  }
0x24: {  	s17 =	simm.s32 $0x12B00;
	s16 =	rddreg [dreg:$0x5]  }
0x25: {  	[tilespmem:s17], [sflag:$0x5] =	stream.linear.gather [hbm4b:s16+s8], $0x300, $0x38;
	[tilespmem:$0x13E00] =	vst v63  }
0x26: {  	_ =	swait.ge [sflag:s15], $0x300  }
0x27: {  	[sflag:s15] =	ssyncset.done $0x0  }
0x28: {  	[sflag:s15] =	ssyncadd.s32 $0xFFFFFD00  }
0x29: {  	s19 =	rddreg [dreg:$0x3]  }
0x2a: {  	[tilespmem:s21], [sflag:$0x5] =	stream.linear.gather [hbm4b:s19+s8], $0x600, $0x38;
	[tilespmem:$0x13E00] =	vst v63  }
0x2b: {  	_ =	swait.ge [sflag:s15], $0x600  }
0x2c: {  	[sflag:s15] =	ssyncset.done $0x0  }
0x2d: {  	s28 =	rddreg [dreg:$0x8];
	[sflag:s15] =	ssyncadd.s32 $0xFFFFFA00  }
0x2e: {  	[tilespmem:s8], [sflag:$0x5] =	stream.linear.gather [hbm4b:s28+s8], $0x100, $0x38;
	[tilespmem:$0x13E00] =	vst v63  }
0x2f: {  	_ =	swait.ge [sflag:s15], $0x100  }
0x30: {  	[sflag:s15] =	ssyncset.done $0x0  }
0x31: {  	s30 =	simm.s32 $0x100;
	s29 =	rddreg [dreg:$0x9];
	[sflag:s15] =	ssyncadd.s32 $0xFFFFFF00  }
0x32: {  	[tilespmem:s30], [sflag:$0x5] =	stream.linear.gather [hbm4b:s29+s8], $0x100, $0x38;
	[tilespmem:$0x13E00] =	vst v63  }
0x33: {  	_ =	swait.ge [sflag:s15], $0x100  }
0x34: {  	[sflag:s15] =	ssyncset.done $0x0  }
0x35: {  	[sflag:s15] =	ssyncadd.s32 $0xFFFFFF00  }
0x36: {  	v0 =	vld [tilespmem:$0x0];
	_ =	sdelay $0x3  }
0x37: {  	v2 =	vld [tilespmem:$0x1FFD0]  }
0x38: {  	v1 =	vshrl.u32 v0, $0x3  }
0x39: {  	v3 =	vld [tilespmem:$0x1FFE0];
	v1 =	vmul.u32 $0x30, v1  }
0x3a: {  	v0 =	vand.u32 $0x7, v0  }
0x3b: {  	v0 =	vor.u32 v0, v1  }
0x3c: {  	v1 =	vperm.xlane v0, v2  }
0x3d: {  	v4 =	vld [tilespmem:$0x1FFF0]  }
0x3e: {  	v1 =	vadd.s32 v3, v1;
	_ =	sdelay $0x3  }
0x3f: {  	s31 =	simm.s32 $0x800;
	v0 =	vperm.xlane v0, v4  }
0x40: {  	[tilespmem:s31], [sflag:$0x1] =	stream.indirect_vreg.gather [hbm4b:s0+s8], $0x80, v1, vm0, $0xb8;
	[tilespmem:$0x13E00] =	vst v63  }
0x41: {  	s3 =	simm.s32 $0x1000;
	v0 =	vadd.s32 v3, v0  }
0x42: {  	[tilespmem:s3], [sflag:$0x1] =	stream.indirect_vreg.gather [hbm4b:s13+s8], $0x80, v1, vm0, $0xb8;
	[tilespmem:$0x13E00] =	vst v63  }
0x43: {  	s4 =	simm.s32 $0x1800  }
0x44: {  	[tilespmem:s4], [sflag:$0x1] =	stream.indirect_vreg.gather [hbm4b:s14+s8], $0x80, v1, vm0, $0xb8;
	[tilespmem:$0x13E00] =	vst v63  }
0x45: {  	s5 =	simm.s32 $0x2000  }
0x46: {  	[tilespmem:s5], [sflag:$0x1] =	stream.indirect_vreg.gather [hbm4b:s0+s8], $0x80, v0, vm0, $0xb8;
	[tilespmem:$0x13E00] =	vst v63  }
0x47: {  	s11 =	simm.s32 $0x2800  }
0x48: {  	[tilespmem:s11], [sflag:$0x1] =	stream.indirect_vreg.gather [hbm4b:s13+s8], $0x80, v0, vm0, $0xb8;
	[tilespmem:$0x13E00] =	vst v63  }
0x49: {  	s12 =	simm.s32 $0x3000  }
0x4a: {  	[tilespmem:s12], [sflag:$0x1] =	stream.indirect_vreg.gather [hbm4b:s14+s8], $0x80, v0, vm0, $0xb8;
	[tilespmem:$0x13E00] =	vst v63  }
0x4b: {  	s16 =	simm.s32 $0x6800;
	s15 =	rddreg [dreg:$0xa]  }
0x4c: {  	[tilespmem:s16], [sflag:$0x1] =	stream.linear.gather [hbm4b:s15+s8], $0x3000, $0x38;
	[tilespmem:$0x13E00] =	vst v63  }
0x4d: {  	v0 =	vld [tilespmem:$0x10];
	_ =	sdelay $0x4  }
0x4e: {  	v62 =	vshrl.u32 v0, $0x3  }
0x4f: {  	v1 =	vmul.u32 $0x30, v62  }
0x50: {  	v0 =	vand.u32 $0x7, v0  }
0x51: {  	v0 =	vor.u32 v0, v1  }
0x52: {  	v1 =	vperm.xlane v0, v2;
	_ =	sdelay $0x1  }
0x53: {  	v1 =	vadd.s32 v3, v1;
	_ =	sdelay $0x3  }
0x54: {  	s17 =	simm.s32 $0x3800;
	v0 =	vperm.xlane v0, v4  }
0x55: {  	[tilespmem:s17], [sflag:$0x2] =	stream.indirect_vreg.gather [hbm4b:s0+s8], $0x80, v1, vm0, $0xb8;
	[tilespmem:$0x13E00] =	vst v63  }
0x56: {  	s19 =	simm.s32 $0x4000;
	v0 =	vadd.s32 v3, v0  }
0x57: {  	[tilespmem:s19], [sflag:$0x2] =	stream.indirect_vreg.gather [hbm4b:s13+s8], $0x80, v1, vm0, $0xb8;
	[tilespmem:$0x13E00] =	vst v63  }
0x58: {  	s28 =	simm.s32 $0x4800  }
0x59: {  	[tilespmem:s28], [sflag:$0x2] =	stream.indirect_vreg.gather [hbm4b:s14+s8], $0x80, v1, vm0, $0xb8;
	[tilespmem:$0x13E00] =	vst v63  }
0x5a: {  	s29 =	simm.s32 $0x5000  }
0x5b: {  	[tilespmem:s29], [sflag:$0x2] =	stream.indirect_vreg.gather [hbm4b:s0+s8], $0x80, v0, vm0, $0xb8;
	[tilespmem:$0x13E00] =	vst v63  }
0x5c: {  	s30 =	simm.s32 $0x5800  }
0x5d: {  	[tilespmem:s30], [sflag:$0x2] =	stream.indirect_vreg.gather [hbm4b:s13+s8], $0x80, v0, vm0, $0xb8;
	[tilespmem:$0x13E00] =	vst v63  }
0x5e: {  	_ = 	snop  }
0x5f: {  	[tilespmem:s6], [sflag:$0x2] =	stream.indirect_vreg.gather [hbm4b:s14+s8], $0x80, v0, vm0, $0xb8;
	[tilespmem:$0x13E00] =	vst v63  }
0x60: {  	s31 =	rddreg [dreg:$0xb];
	s11 =	simm.s32 $0x0  }
0x61: {  	[tilespmem:s18], [sflag:$0x2] =	stream.linear.gather [hbm4b:s31+s8], $0x3000, $0x38;
	[tilespmem:$0x13E00] =	vst v63  }
.LBB2_2:
0x62: {  	_ =	swait.ge [sflag:s20], $0x3000  }
0x63: {  	[sflag:s20] =	ssyncset.done $0x0  }
0x64: {  	[sflag:s20] =	ssyncadd.s32 $0xFFFFD000  }
0x65: {  	_ =	swait.ge [sflag:s20], $0x3000  }
0x66: {  	p0 =	seq.s32 s11, $0x0;
	[sflag:s20] =	ssyncset.done $0x0  }
0x67: {  	s1 =	simm.s32 @!p0 $0x3;
	[sflag:s20] =	ssyncadd.s32 $0xFFFFD000  }
0x68: {  	_ =	swait.ge @!p0 [sflag:s1], $0x3000  }
0x69: {  	[sflag:s1] =	ssyncset.done @!p0 $0x0  }
0x6a: {  	s12 =	sshll.u32 s11, $0x5;
	[sflag:s1] =	ssyncadd.s32 @!p0 $0xFFFFD000  }
0x6b: {  	v4 =	vld [tilespmem:s12+$0x100];
	_ =	sdelay $0x4  }
0x6c: {  	v0 =	vperm.xlane v4, v53;
	_ =	sdelay $0x1  }
0x6d: {  	s3 =	simm.s32 $0x0;
	v1 =	vshrl.u32 v0, $0x1  }
0x6e: {  	v2 =	vmov s3;
	v0 =	vshll.u32 v0, $0x7;
	v1 =	vmul.u32 $0x600, v1  }
0x6f: {  	v2 =	vshll.u32 v2, $0x1;
	v0 =	vand.u32 $0x80, v0  }
0x70: {  	v15 =	vand.u32 $0x700, v2;
	v43 =	vor.u32 v0, v1;
	v0 =	vor.u32 s3, v5  }
0x71: {  	v29 =	vand.u32 $0x7F, v0;
	v0 =	vadd.s32 v43, v15  }
0x72: {  	s17 =	sand.u32 $0x70, s3;
	s5 =	sand.u32 $0x1C00, s3;
	v0 =	vor.u32 v29, v0  }
0x73: {  	s16 =	sor.u32 s17, s5;
	v2 =	vperm.xlane v4, v54  }
0x74: {  	v3 =	vld [tilespmem:s16+$0x6800]  }
0x75: {  	v1 =	vld [tilespmem:s16+$0x800];
	v5 =	vshrl.u32 v2, $0x1  }
0x76: {  	v2 =	vshll.u32 v2, $0x7;
	v5 =	vmul.u32 $0x600, v5  }
0x77: {  	v2 =	vand.u32 $0x80, v2;
	v0 =	vld.idx.msk [tilespmem:v0+s21+$0x0], $0xffff  }
0x78: {  	v30 =	vor.u32 v2, v5  }
0x79: {  	v2 =	vadd.s32 v30, v15  }
0x7a: {  	v1 =	vadd.f32 v3, v1;
	v2 =	vor.u32 v29, v2  }
0x7b: {  	v3 =	vperm.xlane v4, v55  }
0x7c: {  	v5 =	vld [tilespmem:s16+$0x6880];
	v1 =	vadd.f32 v1, v0  }
0x7d: {  	v6 =	vshrl.u32 v3, $0x1;
	v0 =	vld [tilespmem:s16+$0x880]  }
0x7e: {  	v3 =	vshll.u32 v3, $0x7;
	v6 =	vmul.u32 $0x600, v6;
	[tilespmem:s16+$0xC800] =	vst v1  }
0x7f: {  	v3 =	vand.u32 $0x80, v3;
	v2 =	vld.idx.msk [tilespmem:v2+s21+$0x0], $0xffff  }
0x80: {  	v33 =	vor.u32 v3, v6  }
0x81: {  	v3 =	vadd.s32 v33, v15  }
0x82: {  	v3 =	vor.u32 v29, v3;
	v0 =	vadd.f32 v5, v0;
	_ =	sdelay $0x1  }
0x83: {  	v7 =	vld [tilespmem:s16+$0x6900];
	v6 =	vperm.xlane v4, v56;
	v2 =	vadd.f32 v0, v2  }
0x84: {  	v5 =	vld [tilespmem:s16+$0x900]  }
0x85: {  	v9 =	vshrl.u32 v6, $0x1;
	[tilespmem:s16+$0xC880] =	vst v2  }
0x86: {  	v6 =	vshll.u32 v6, $0x7;
	v9 =	vmul.u32 $0x600, v9;
	v3 =	vld.idx.msk [tilespmem:v3+s21+$0x0], $0xffff  }
0x87: {  	v6 =	vand.u32 $0x80, v6  }
0x88: {  	v62 =	vor.u32 v6, v9  }
0x89: {  	v6 =	vadd.s32 v62, v15;
	v5 =	vadd.f32 v7, v5  }
0x8a: {  	v6 =	vor.u32 v29, v6  }
0x8b: {  	v5 =	vadd.f32 v5, v3;
	v3 =	vperm.xlane v4, v57  }
0x8c: {  	v11 =	vld [tilespmem:s16+$0x980]  }
0x8d: {  	v13 =	vld [tilespmem:s16+$0x6980];
	v12 =	vshrl.u32 v3, $0x1  }
0x8e: {  	[tilespmem:s16+$0xC900] =	vst v5;
	v3 =	vshll.u32 v3, $0x7;
	v12 =	vmul.u32 $0x600, v12  }
0x8f: {  	v3 =	vand.u32 $0x80, v3;
	v6 =	vld.idx.msk [tilespmem:v6+s21+$0x0], $0xffff  }
0x90: {  	v36 =	vor.u32 v3, v12  }
0x91: {  	v3 =	vadd.s32 v36, v15  }
0x92: {  	v11 =	vadd.f32 v13, v11;
	v12 =	vor.u32 v29, v3  }
0x93: {  	v13 =	vperm.xlane v4, v58  }
0x94: {  	s1 =	simm.s32 $0x10;
	v9 =	vld [tilespmem:s16+$0xA00];
	v3 =	vadd.f32 v11, v6  }
0x95: {  	v16 =	vlaneseq.u32;
	v14 =	vmov s1;
	v6 =	vshrl.u32 v13, $0x1;
	v11 =	vld [tilespmem:s16+$0x6A00]  }
0x96: {  	v14 =	vshll.u32 v14, $0x1;
	v13 =	vshll.u32 v13, $0x7;
	v6 =	vmul.u32 $0x600, v6;
	[tilespmem:s16+$0xC980] =	vst v3  }
0x97: {  	s5 =	simm.s32 $0x80;
	v16 =	vor.u32 s1, v16;
	v21 =	vand.u32 $0x700, v14;
	v13 =	vand.u32 $0x80, v13;
	v12 =	vld.idx.msk [tilespmem:v12+s21+$0x0], $0xffff  }
0x98: {  	s17 =	sand.u32 $0x1C00, s5;
	s15 =	sand.u32 $0x70, s1;
	v20 =	vand.u32 $0x7F, v16;
	v44 =	vor.u32 v13, v6;
	v6 =	vadd.s32 v43, v21  }
0x99: {  	s15 =	sor.u32 s15, s17;
	v6 =	vor.u32 v20, v6;
	v13 =	vadd.s32 v44, v15  }
0x9a: {  	v14 =	vld [tilespmem:s15+$0x800];
	v9 =	vadd.f32 v11, v9;
	v11 =	vor.u32 v29, v13  }
0x9b: {  	v0 =	vld [tilespmem:s16+$0xA80];
	v13 =	vperm.xlane v4, v59  }
0x9c: {  	v7 =	vld [tilespmem:s16+$0x6A80];
	v9 =	vadd.f32 v9, v12  }
0x9d: {  	v16 =	vshrl.u32 v13, $0x1;
	v12 =	vld [tilespmem:s15+$0x6800]  }
0x9e: {  	v13 =	vshll.u32 v13, $0x7;
	v16 =	vmul.u32 $0x600, v16;
	v6 =	vld.idx.msk [tilespmem:v6+s21+$0x0], $0xffff;
	[tilespmem:s16+$0xCA00] =	vst v9  }
0x9f: {  	v13 =	vand.u32 $0x80, v13;
	v11 =	vld.idx.msk [tilespmem:v11+s21+$0x0], $0xffff  }
0xa0: {  	v38 =	vor.u32 v13, v16  }
0xa1: {  	v13 =	vadd.s32 v38, v15  }
0xa2: {  	v0 =	vadd.f32 v7, v0;
	v13 =	vor.u32 v29, v13;
	v12 =	vadd.f32 v12, v14  }
0xa3: {  	v8 =	vld [tilespmem:s16+$0xB00];
	v7 =	vadd.s32 v30, v21  }
0xa4: {  	v16 =	vld [tilespmem:s15+$0x6880];
	v6 =	vadd.f32 v12, v6;
	v12 =	vor.u32 v20, v7;
	v7 =	vadd.f32 v0, v11  }
0xa5: {  	v0 =	vld [tilespmem:s16+$0x6B00]  }
0xa6: {  	v14 =	vld [tilespmem:s15+$0x880];
	v11 =	vperm.xlane v4, v60;
	[tilespmem:s16+$0xCA80] =	vst v7  }
0xa7: {  	v13 =	vld.idx.msk [tilespmem:v13+s21+$0x0], $0xffff  }
0xa8: {  	v17 =	vshrl.u32 v11, $0x1  }
0xa9: {  	v11 =	vshll.u32 v11, $0x7;
	v17 =	vmul.u32 $0x600, v17  }
0xaa: {  	v11 =	vand.u32 $0x80, v11;
	v0 =	vadd.f32 v0, v8  }
0xab: {  	[tilespmem:s15+$0xC800] =	vst v6;
	v59 =	vor.u32 v11, v17  }
0xac: {  	v12 =	vld.idx.msk [tilespmem:v12+s21+$0x0], $0xffff;
	v11 =	vadd.f32 v16, v14;
	v14 =	vadd.s32 v59, v15;
	v13 =	vadd.f32 v0, v13  }
0xad: {  	s3 =	sor.u32 s3, s3;
	v14 =	vor.u32 v29, v14  }
0xae: {  	v22 =	vld [tilespmem:s15+$0x6900];
	v19 =	vperm.xlane v4, v61;
	s3 =	sor.u32 $0x380, s3;
	v16 =	vadd.s32 v33, v21;
	[tilespmem:s16+$0xCB00] =	vst v13  }
0xaf: {  	v16 =	vor.u32 v20, v16;
	v17 =	vld [tilespmem:s3+$0x800]  }
0xb0: {  	v23 =	vshrl.u32 v19, $0x1;
	v18 =	vld [tilespmem:s3+$0x6800]  }
0xb1: {  	v19 =	vshll.u32 v19, $0x7;
	v23 =	vmul.u32 $0x600, v23;
	v12 =	vadd.f32 v11, v12;
	v11 =	vld [tilespmem:s15+$0x900]  }
0xb2: {  	v19 =	vand.u32 $0x80, v19;
	v14 =	vld.idx.msk [tilespmem:v14+s21+$0x0], $0xffff  }
0xb3: {  	v28 =	vor.u32 v19, v23;
	v23 =	vperm.xlane v4, v63;
	[tilespmem:s15+$0xC880] =	vst v12  }
0xb4: {  	v16 =	vld.idx.msk [tilespmem:v16+s21+$0x0], $0xffff  }
0xb5: {  	v37 =	vshrl.u32 v23, $0x1;
	v23 =	vshll.u32 v23, $0x7;
	v17 =	vadd.f32 v18, v17  }
0xb6: {  	v37 =	vmul.u32 $0x600, v37;
	v18 =	vadd.f32 v22, v11;
	v22 =	vadd.s32 v28, v15  }
0xb7: {  	v22 =	vor.u32 v29, v22;
	v11 =	vadd.f32 v17, v14;
	v14 =	vadd.s32 v62, v21  }
0xb8: {  	v24 =	vld [tilespmem:s15+$0xA00];
	v17 =	vperm.xlane v4, v10;
	v10 =	vimm.s32 $0xB;
	v25 =	vor.u32 v20, v14  }
0xb9: {  	v40 =	vld [tilespmem:s15+$0x6980];
	v14 =	vadd.f32 v18, v16;
	v18 =	vperm.xlane v4, v10;
	v10 =	vimm.s32 $0xC;
	[tilespmem:s3+$0xC800] =	vst v11  }
0xba: {  	v23 =	vand.u32 $0x80, v23;
	v26 =	vperm.xlane v4, v10;
	v10 =	vimm.s32 $0xD;
	v27 =	vld [tilespmem:s16+$0x2000]  }
0xbb: {  	v31 =	vshrl.u32 v17, $0x1;
	v17 =	vshll.u32 v17, $0x7;
	v32 =	vperm.xlane v4, v10;
	v35 =	vld [tilespmem:s16+$0x8000]  }
0xbc: {  	v16 =	vld [tilespmem:s15+$0x980];
	v10 =	vimm.s32 $0xE;
	v31 =	vmul.u32 $0x600, v31;
	v17 =	vand.u32 $0x80, v17  }
0xbd: {  	[tilespmem:s15+$0xC900] =	vst v14;
	v41 =	vshrl.u32 v18, $0x1;
	v39 =	vperm.xlane v4, v10;
	v10 =	vimm.s32 $0xF;
	v22 =	vld.idx.msk [tilespmem:v22+s21+$0x0], $0xffff  }
0xbe: {  	v61 =	vperm.xlane v4, v10;
	v34 =	vor.u32 v17, v31;
	v10 =	vor.u32 v23, v37;
	v25 =	vld.idx.msk [tilespmem:v25+s21+$0x0], $0xffff  }
0xbf: {  	v19 =	vld [tilespmem:s15+$0x6A80];
	v23 =	vmul.u32 $0x600, v41;
	v17 =	vshll.u32 v18, $0x7;
	v31 =	vadd.s32 v34, v15  }
0xc0: {  	v8 =	vld [tilespmem:s15+$0xB00];
	v18 =	vadd.s32 v36, v21;
	v49 =	vor.u32 v29, v31;
	v27 =	vadd.f32 v35, v27  }
0xc1: {  	v0 =	vld [tilespmem:s15+$0xA80];
	[tilespmem:$0x1FFC0] =	vst v10;
	v16 =	vadd.f32 v40, v16;
	v18 =	vor.u32 v20, v18;
	v48 =	vand.u32 $0x80, v17  }
0xc2: {  	v4 =	vor.u32 v48, v23;
	v17 =	vadd.f32 v27, v22;
	v27 =	vld [tilespmem:s16+$0x2080]  }
0xc3: {  	s28 =	simm.s32 $0x20;
	v23 =	vshll.u32 v26, $0x7;
	v22 =	vshrl.u32 v26, $0x1;
	v26 =	vld [tilespmem:s16+$0x8080];
	v16 =	vadd.f32 v16, v25  }
0xc4: {  	v51 =	vld [tilespmem:s15+$0x6A00];
	v25 =	vmov s28;
	[tilespmem:s16+$0xE000] =	vst v17  }
0xc5: {  	v42 =	vlaneseq.u32;
	v50 =	vmul.u32 $0x600, v22;
	v22 =	vshll.u32 v25, $0x1;
	[tilespmem:s15+$0xC980] =	vst v16;
	v40 =	vld.idx.msk [tilespmem:v49+s21+$0x0], $0xffff  }
0xc6: {  	s29 =	simm.s32 $0x100;
	v25 =	vor.u32 s28, v42;
	v22 =	vand.u32 $0x700, v22;
	v18 =	vld.idx.msk [tilespmem:v18+s21+$0x0], $0xffff  }
0xc7: {  	s19 =	sand.u32 $0x70, s28;
	s4 =	sand.u32 $0x1C00, s29;
	v52 =	vand.u32 $0x80, v23;
	v23 =	vand.u32 $0x7F, v25;
	v25 =	vadd.s32 v43, v22  }
0xc8: {  	s17 =	sor.u32 s19, s4;
	v54 =	vadd.s32 v44, v21;
	v25 =	vor.u32 v23, v25;
	v26 =	vadd.f32 v26, v27  }
0xc9: {  	v37 =	vmov v43;
	v55 =	vld [tilespmem:s17+$0x800];
	v41 =	vadd.f32 v51, v24;
	v43 =	vor.u32 v20, v54  }
0xca: {  	v45 =	vmul.f32 v2, v2;
	v46 =	vld [tilespmem:s17+$0x6800];
	v26 =	vadd.f32 v26, v40  }
0xcb: {  	v0 =	vadd.f32 v19, v0;
	v56 =	vadd.s32 v10, v15;
	v18 =	vadd.f32 v41, v18  }
0xcc: {  	v53 =	vshrl.u32 v32, $0x1;
	v32 =	vshll.u32 v32, $0x7;
	v57 =	vld [tilespmem:s16+$0x2100];
	v41 =	vor.u32 v29, v56;
	[tilespmem:s16+$0xE080] =	vst v26  }
0xcd: {  	v32 =	vand.u32 $0x80, v32;
	v58 =	vshrl.u32 v39, $0x1;
	v39 =	vshll.u32 v39, $0x7;
	v25 =	vld.idx.msk [tilespmem:v25+s21+$0x0], $0xffff;
	[tilespmem:s15+$0xCA00] =	vst v18  }
0xce: {  	v10 =	vmul.u32 $0x600, v58;
	v39 =	vand.u32 $0x80, v39;
	v24 =	vimm.f32 $0.0e+00;
	v43 =	vld.idx.msk [tilespmem:v43+s21+$0x0], $0xffff;
	[tilespmem:$0x1FF00] =	vst v30  }
0xcf: {  	v35 =	vmovc v44;
	v44 =	vadd.f32 v46, v55;
	v31 =	vor.u32 v52, v50;
	v45 =	vadd.f32 v45, v24;
	v60 =	vld [tilespmem:s16+$0x8100]  }
0xd0: {  	v2 =	vadd.f32 v2, v24;
	v47 =	vadd.f32 v5, v24;
	v48 =	vadd.s32 v30, v22;
	[tilespmem:$0x1FF10] =	vst v38  }
0xd1: {  	v5 =	vmul.f32 v5, v5;
	v49 =	vmul.f32 v3, v3;
	v48 =	vor.u32 v23, v48;
	v41 =	vld.idx.msk [tilespmem:v41+s21+$0x0], $0xffff  }
0xd2: {  	v50 =	vadd.s32 v38, v21;
	v3 =	vadd.f32 v3, v24;
	v25 =	vadd.f32 v44, v25  }
0xd3: {  	v46 =	vadd.f32 v13, v24;
	v19 =	vor.u32 v20, v50;
	v50 =	vadd.f32 v9, v24;
	v63 =	vld [tilespmem:s17+$0x6880]  }
0xd4: {  	v52 =	vadd.s32 v4, v15;
	v44 =	vadd.f32 v49, v24;
	v49 =	vld [tilespmem:s17+$0x880];
	[tilespmem:s17+$0xC800] =	vst v25;
	v40 =	vadd.f32 v60, v57  }
0xd5: {  	v9 =	vmul.f32 v9, v9;
	v52 =	vor.u32 v29, v52;
	v51 =	vld [tilespmem:s15+$0x6B00];
	v0 =	vadd.f32 v0, v43;
	[tilespmem:$0x1FF20] =	vst v4  }
0xd6: {  	v27 =	vmul.f32 v1, v1;
	v1 =	vadd.f32 v1, v24;
	v48 =	vld.idx.msk [tilespmem:v48+s21+$0x0], $0xffff;
	v56 =	vadd.f32 v40, v41  }
0xd7: {  	v13 =	vmul.f32 v13, v13;
	v5 =	vadd.f32 v5, v24;
	v9 =	vadd.f32 v9, v24;
	[tilespmem:s15+$0xCA80] =	vst v0;
	v54 =	vld [tilespmem:s17+$0xB00]  }
0xd8: {  	v42 =	vmul.u32 $0x600, v53;
	v27 =	vadd.f32 v27, v24;
	v58 =	vadd.f32 v6, v1;
	v19 =	vld.idx.msk [tilespmem:v19+s21+$0x0], $0xffff;
	[tilespmem:s16+$0xE100] =	vst v56  }
0xd9: {  	v30 =	vmul.f32 v7, v7;
	v38 =	vmul.f32 v12, v12;
	v40 =	vld [tilespmem:s16+$0x2180];
	v43 =	vadd.f32 v63, v49;
	[tilespmem:$0x1FF30] =	vst v33  }
0xda: {  	v57 =	vmul.f32 v6, v6;
	v60 =	vadd.s32 v33, v22;
	v4 =	vadd.f32 v12, v2;
	v63 =	vld [tilespmem:s16+$0x8180]  }
0xdb: {  	v6 =	vor.u32 v23, v60;
	v8 =	vadd.f32 v51, v8;
	v12 =	vld.idx.msk [tilespmem:v52+s21+$0x0], $0xffff;
	v51 =	vadd.f32 v43, v48  }
0xdc: {  	v32 =	vor.u32 v32, v42;
	v7 =	vadd.f32 v7, v24;
	v45 =	vadd.f32 v38, v45;
	v55 =	vld [tilespmem:s17+$0xA80]  }
0xdd: {  	v38 =	vmul.f32 v26, v26;
	v60 =	vadd.s32 v59, v21;
	v41 =	vadd.f32 v30, v24;
	v43 =	vld [tilespmem:s17+$0x900];
	[tilespmem:s17+$0xC880] =	vst v51  }
0xde: {  	v30 =	vadd.f32 v13, v24;
	v13 =	vor.u32 v39, v10;
	v33 =	vmul.f32 v14, v14;
	v39 =	vld [tilespmem:s17+$0x6900];
	[tilespmem:$0x1FF40] =	vst v31  }
0xdf: {  	v27 =	vadd.f32 v57, v27;
	v57 =	vadd.s32 v31, v15;
	v14 =	vadd.f32 v14, v47;
	[tilespmem:$0x1FF50] =	vst v59  }
0xe0: {  	v48 =	vor.u32 v20, v60;
	v5 =	vadd.f32 v33, v5;
	v8 =	vadd.f32 v8, v19;
	v6 =	vld.idx.msk [tilespmem:v6+s21+$0x0], $0xffff  }
0xe1: {  	s1 =	sor.u32 s5, s1;
	v33 =	vmul.f32 v18, v18;
	v18 =	vadd.f32 v18, v50;
	v31 =	vmul.f32 v17, v17;
	v53 =	vld [tilespmem:s16+$0x2200]  }
0xe2: {  	s1 =	sor.u32 $0x380, s1;
	v47 =	vor.u32 v29, v57;
	v59 =	vadd.f32 v17, v24;
	[tilespmem:s15+$0xCB00] =	vst v8;
	v50 =	vld [tilespmem:s16+$0x8200];
	v40 =	vadd.f32 v63, v40  }
0xe3: {  	v33 =	vadd.f32 v33, v9;
	v63 =	vmul.f32 v16, v16;
	v52 =	vld [tilespmem:s1+$0x800];
	v60 =	vadd.f32 v31, v24  }
0xe4: {  	v19 =	vmul.f32 v11, v11;
	v49 =	vld [tilespmem:s1+$0x6800];
	v16 =	vadd.f32 v16, v3;
	v12 =	vadd.f32 v40, v12  }
0xe5: {  	v39 =	vadd.f32 v39, v43;
	v48 =	vld.idx.msk [tilespmem:v48+s21+$0x0], $0xffff;
	v43 =	vmul.f32 v0, v0;
	v17 =	vadd.f32 v63, v44  }
0xe6: {  	v31 =	vmovc v61;
	v63 =	vshrl.u32 v61, $0x1;
	v40 =	vadd.f32 v38, v24;
	v38 =	vadd.s32 v62, v22;
	[tilespmem:s16+$0xE180] =	vst v12  }
0xe7: {  	v44 =	vadd.f32 v26, v24;
	v9 =	vmul.u32 $0x600, v63;
	v26 =	vor.u32 v23, v38;
	v3 =	vld.idx.msk [tilespmem:v47+s21+$0x0], $0xffff;
	[tilespmem:$0x1FF60] =	vst v62  }
0xe8: {  	v31 =	vshll.u32 v31, $0x7;
	v50 =	vadd.f32 v50, v53;
	v62 =	vadd.f32 v39, v6;
	v57 =	vld [tilespmem:s17+$0x6A80]  }
0xe9: {  	v39 =	vadd.f32 v43, v41;
	v6 =	vadd.s32 v32, v15;
	v41 =	vadd.f32 v0, v7;
	v63 =	vld [tilespmem:s17+$0xA00];
	[tilespmem:$0x1FF70] =	vst v32  }
0xea: {  	v0 =	vmul.f32 v51, v51;
	v1 =	vor.u32 v29, v6;
	v6 =	vadd.f32 v49, v52;
	v53 =	vld [tilespmem:s17+$0x980]  }
0xeb: {  	v61 =	vmul.f32 v25, v25;
	v38 =	vand.u32 $0x80, v31;
	v43 =	vadd.f32 v8, v46;
	[tilespmem:s17+$0xC900] =	vst v62;
	v2 =	vld [tilespmem:s16+$0x2280]  }
0xec: {  	v8 =	vmul.f32 v8, v8;
	v47 =	vadd.f32 v0, v45;
	v26 =	vld.idx.msk [tilespmem:v26+s21+$0x0], $0xffff;
	v0 =	vadd.f32 v6, v48  }
0xed: {  	v7 =	vmul.f32 v56, v56;
	v32 =	vadd.s32 v28, v21;
	v10 =	vadd.f32 v50, v3;
	v3 =	vld [tilespmem:s17+$0x6980];
	[tilespmem:$0x1FF80] =	vst v28  }
0xee: {  	v6 =	vadd.f32 v56, v24;
	v48 =	vadd.f32 v8, v30;
	v8 =	vor.u32 v20, v32;
	v56 =	vld [tilespmem:s16+$0x8280];
	[tilespmem:s1+$0xC800] =	vst v0  }
0xef: {  	v11 =	vadd.f32 v11, v24;
	v19 =	vadd.f32 v19, v24;
	v28 =	vor.u32 v38, v9;
	[tilespmem:s16+$0xE200] =	vst v10;
	v9 =	vld [tilespmem:s15+$0x2000]  }
0xf0: {  	v46 =	vadd.f32 v61, v27;
	v27 =	vadd.s32 v13, v15;
	v49 =	vadd.f32 v25, v58;
	v42 =	vld.idx.msk [tilespmem:v1+s21+$0x0], $0xffff  }
0xf1: {  	v45 =	vadd.f32 v62, v14;
	v14 =	vadd.s32 v36, v22;
	v25 =	vld [tilespmem:s15+$0x8000];
	v1 =	vmul.f32 v62, v62  }
0xf2: {  	v14 =	vor.u32 v23, v14;
	v50 =	vadd.f32 v51, v4;
	v3 =	vadd.f32 v3, v53  }
0xf3: {  	v1 =	vadd.f32 v1, v5;
	v5 =	vld.idx.msk [tilespmem:v8+s21+$0x0], $0xffff;
	v8 =	vmul.f32 v0, v0;
	v2 =	vadd.f32 v56, v2  }
0xf4: {  	s30 =	simm.s32 $0x30;
	[tilespmem:$0x1FF90] =	vst v13;
	v26 =	vadd.f32 v3, v26;
	v3 =	vadd.f32 v0, v11;
	v0 =	vor.u32 v29, v27  }
0xf5: {  	v31 =	vld [tilespmem:s17+$0x6A00];
	v51 =	vadd.f32 v2, v42;
	v2 =	vadd.f32 v8, v19;
	v8 =	vmov s30  }
0xf6: {  	v13 =	vlaneseq.u32;
	v9 =	vadd.f32 v25, v9;
	[tilespmem:s17+$0xC980] =	vst v26;
	v8 =	vshll.u32 v8, $0x1  }
0xf7: {  	v25 =	vor.u32 s30, v13;
	v27 =	vmul.f32 v26, v26;
	v14 =	vld.idx.msk [tilespmem:v14+s21+$0x0], $0xffff;
	[tilespmem:s16+$0xE280] =	vst v51;
	v19 =	vand.u32 $0x700, v8  }
0xf8: {  	v11 =	vld [tilespmem:s16+$0x2300];
	v56 =	vand.u32 $0x7F, v25;
	v8 =	vadd.f32 v9, v5;
	[tilespmem:$0x1FFA0] =	vst v34;
	v9 =	vadd.s32 v37, v19  }
0xf9: {  	v32 =	vadd.s32 v34, v21;
	v5 =	vadd.f32 v27, v17;
	v34 =	vld [tilespmem:s16+$0x8300];
	v17 =	vor.u32 v56, v9  }
0xfa: {  	v38 =	vmov v36;
	s1 =	simm.s32 $0x180;
	v25 =	vadd.f32 v31, v63;
	v36 =	vld.idx.msk [tilespmem:v0+s21+$0x0], $0xffff  }
0xfb: {  	s5 =	sand.u32 $0x70, s30;
	v61 =	vor.u32 v20, v32;
	v4 =	vadd.f32 v12, v24;
	s19 =	sand.u32 $0x1C00, s1;
	v0 =	vmul.f32 v8, v8;
	v30 =	vld [tilespmem:s15+$0x2080]  }
0xfc: {  	v12 =	vmul.f32 v12, v12;
	s19 =	sor.u32 s5, s19;
	v27 =	vadd.s32 v35, v22;
	[tilespmem:s15+$0xE000] =	vst v8;
	v32 =	vld [tilespmem:s15+$0x8080];
	v25 =	vadd.f32 v25, v14  }
0xfd: {  	v9 =	vadd.f32 v8, v59;
	v31 =	vor.u32 v23, v27;
	v8 =	vadd.f32 v0, v60;
	v0 =	vld [tilespmem:s19+$0x800];
	[tilespmem:$0x1FFB0] =	vst v28  }
0xfe: {  	v27 =	vadd.f32 v34, v11;
	v11 =	vadd.f32 v26, v16;
	[tilespmem:s17+$0xCA00] =	vst v25;
	v26 =	vld.idx.msk [tilespmem:v17+s21+$0x0], $0xffff  }
0xff: {  	v52 =	vimm.f32 $0.0e+00;
	v15 =	vadd.s32 v28, v15;
	v17 =	vld [tilespmem:$0x1FFC0]  }
0x100: {  	v7 =	vadd.f32 v7, v24;
	v12 =	vadd.f32 v12, v24;
	v62 =	vor.u32 v29, v15  }
0x101: {  	v42 =	vmovc v35;
	v14 =	vadd.f32 v10, v24;
	v34 =	vmul.f32 v10, v10;
	v10 =	vadd.f32 v25, v18  }
0x102: {  	v59 =	vld.idx.msk [tilespmem:v61+s21+$0x0], $0xffff;
	v16 =	vmul.f32 v51, v51;
	v35 =	vmul.f32 v25, v25;
	v63 =	vadd.f32 v32, v30  }
0x103: {  	v53 =	vimm.f32 $0.0e+00;
	v60 =	vld [tilespmem:s16+$0x2380];
	v18 =	vadd.f32 v34, v24;
	v58 =	vadd.f32 v27, v36  }
0x104: {  	v25 =	vld.idx.msk [tilespmem:v31+s21+$0x0], $0xffff;
	v16 =	vadd.f32 v16, v24;
	v15 =	vadd.f32 v35, v33;
	v36 =	vadd.s32 v17, v21  }
0x105: {  	s31 =	simm.s32 $0x40;
	v27 =	vld [tilespmem:s19+$0x6800];
	v13 =	vmovc v17;
	v17 =	vadd.f32 v51, v24;
	v51 =	vimm.f32 $0.0e+00;
	v61 =	vor.u32 v20, v36  }
.LBB2_3:
0x106: {  	v29 =	vld [tilespmem:s16+$0x8380]  }
0x107: {  	v30 =	vld [tilespmem:$0x1FF00];
	v28 =	vmul.f32 v58, v58  }
0x108: {  	v36 =	vld [tilespmem:$0x1FF20]  }
0x109: {  	[tilespmem:s16+$0xE300] =	vst v58;
	v53 =	vadd.f32 v28, v53;
	v28 =	vld [tilespmem:$0x1FF10]  }
0x10a: {  	v59 =	vadd.f32 v63, v59;
	v62 =	vld.idx.msk [tilespmem:v62+s21+$0x0], $0xffff  }
0x10b: {  	v63 =	vld [tilespmem:s15+$0x2100]  }
0x10c: {  	v24 =	vadd.f32 v58, v24;
	v0 =	vadd.f32 v27, v0;
	v33 =	vld [tilespmem:s15+$0x8100];
	[tilespmem:s15+$0xE080] =	vst v59  }
0x10d: {  	v58 =	vmovc v20;
	v20 =	vmov v23;
	v23 =	vmov v56;
	v32 =	vadd.s32 v30, v19;
	v61 =	vld.idx.msk [tilespmem:v61+s21+$0x0], $0xffff  }
0x10e: {  	v0 =	vadd.f32 v0, v26;
	v26 =	vld [tilespmem:s17+$0x6B00];
	v27 =	vor.u32 v23, v32;
	v28 =	vadd.s32 v28, v22  }
0x10f: {  	v55 =	vadd.f32 v57, v55;
	v29 =	vadd.f32 v29, v60;
	v60 =	vld [tilespmem:s19+$0x880];
	v28 =	vor.u32 v20, v28  }
0x110: {  	v35 =	vld [tilespmem:s19+$0x6880]  }
0x111: {  	v25 =	vadd.f32 v55, v25;
	v32 =	vld [tilespmem:$0x1FF50]  }
0x112: {  	v34 =	vmul.f32 v59, v59;
	[tilespmem:s19+$0xC800] =	vst v0;
	v56 =	vadd.f32 v33, v63;
	v63 =	vld [tilespmem:$0x1FF40]  }
0x113: {  	v29 =	vadd.f32 v29, v62;
	v27 =	vld.idx.msk [tilespmem:v27+s21+$0x0], $0xffff;
	[tilespmem:s17+$0xCA80] =	vst v25  }
0x114: {  	v30 =	vadd.s32 v36, v21;
	v40 =	vadd.f32 v34, v40;
	v28 =	vld.idx.msk [tilespmem:v28+s21+$0x0], $0xffff  }
0x115: {  	v33 =	vmul.f32 v25, v25;
	v34 =	vmul.f32 v29, v29;
	v51 =	vadd.f32 v29, v51;
	[tilespmem:s16+$0xE380] =	vst v29;
	v29 =	vld [tilespmem:$0x1FF30]  }
0x116: {  	v57 =	vmul.f32 v0, v0;
	v30 =	vor.u32 v58, v30;
	v49 =	vadd.f32 v0, v49;
	v0 =	vld [tilespmem:$0x1FF60]  }
0x117: {  	v39 =	vadd.f32 v33, v39;
	v33 =	vadd.s32 v63, v21;
	v63 =	vld [tilespmem:$0x1FF80];
	s16 =	smov.u32 s15;
	s15 =	smov.u32 s17;
	s17 =	smov.u32 s19  }
0x118: {  	v56 =	vadd.f32 v56, v61;
	v31 =	vld [tilespmem:s17+$0xB00]  }
0x119: {  	v44 =	vadd.f32 v59, v44;
	v59 =	vld [tilespmem:s16+$0x2180]  }
0x11a: {  	v55 =	vadd.f32 v35, v60;
	[tilespmem:s16+$0xE100] =	vst v56;
	v61 =	vld [tilespmem:s16+$0x8180];
	v29 =	vadd.s32 v29, v19  }
0x11b: {  	v30 =	vld.idx.msk [tilespmem:v30+s21+$0x0], $0xffff;
	v29 =	vor.u32 v23, v29  }
0x11c: {  	v26 =	vadd.f32 v26, v54;
	v27 =	vadd.f32 v55, v27;
	v55 =	vld [tilespmem:s17+$0xA80]  }
0x11d: {  	v35 =	vmul.f32 v56, v56;
	v6 =	vadd.f32 v56, v6;
	v56 =	vld [tilespmem:s17+$0x900]  }
0x11e: {  	v52 =	vadd.f32 v34, v52;
	v26 =	vadd.f32 v26, v28;
	v54 =	vmov v31;
	v31 =	vld [tilespmem:s17+$0x6900]  }
0x11f: {  	v34 =	vor.u32 v58, v33;
	[tilespmem:s17+$0xC880] =	vst v27;
	v28 =	vmul.f32 v27, v27;
	v59 =	vadd.f32 v61, v59;
	v61 =	vld [tilespmem:$0x1FF70]  }
0x120: {  	v43 =	vadd.f32 v26, v43;
	v29 =	vld.idx.msk [tilespmem:v29+s21+$0x0], $0xffff;
	[tilespmem:s15+$0xCB00] =	vst v26;
	v26 =	vmul.f32 v26, v26  }
0x121: {  	s3 =	sor.u32 s29, s28;
	v41 =	vadd.f32 v25, v41;
	v36 =	vadd.s32 v32, v22;
	v47 =	vadd.f32 v28, v47;
	v28 =	vld [tilespmem:s16+$0x8200]  }
0x122: {  	s3 =	sor.u32 $0x380, s3;
	v0 =	vadd.s32 v0, v19;
	v30 =	vadd.f32 v59, v30;
	v48 =	vadd.f32 v26, v48;
	v26 =	vld [tilespmem:s16+$0x2200]  }
0x123: {  	v60 =	vor.u32 v20, v36;
	v0 =	vor.u32 v23, v0;
	v7 =	vadd.f32 v35, v7;
	v35 =	vld [tilespmem:s3+$0x800]  }
0x124: {  	v50 =	vadd.f32 v27, v50;
	v27 =	vmul.f32 v30, v30;
	v31 =	vadd.f32 v31, v56;
	v25 =	vld [tilespmem:s3+$0x6800];
	[tilespmem:s16+$0xE180] =	vst v30  }
0x125: {  	v4 =	vadd.f32 v30, v4;
	v30 =	vld.idx.msk [tilespmem:v34+s21+$0x0], $0xffff  }
0x126: {  	v12 =	vadd.f32 v27, v12;
	v59 =	vld [tilespmem:s17+$0x980];
	v27 =	vadd.f32 v31, v29;
	v31 =	vadd.s32 v61, v21  }
0x127: {  	v26 =	vadd.f32 v28, v26;
	v28 =	vor.u32 v58, v31;
	v31 =	vld [tilespmem:s17+$0x6980]  }
0x128: {  	v36 =	vld.idx.msk [tilespmem:v60+s21+$0x0], $0xffff;
	[tilespmem:s17+$0xC900] =	vst v27  }
0x129: {  	v0 =	vld.idx.msk [tilespmem:v0+s21+$0x0], $0xffff  }
0x12a: {  	v46 =	vadd.f32 v57, v46;
	v57 =	vld [tilespmem:s17+$0x6A80]  }
0x12b: {  	v29 =	vld [tilespmem:s17+$0xA00];
	v25 =	vadd.f32 v25, v35;
	v45 =	vadd.f32 v27, v45  }
0x12c: {  	v27 =	vmul.f32 v27, v27;
	v35 =	vld [tilespmem:s16+$0x8280];
	v26 =	vadd.f32 v26, v30;
	v31 =	vadd.f32 v31, v59  }
0x12d: {  	v34 =	vadd.s32 v63, v22;
	v25 =	vadd.f32 v25, v36;
	v36 =	vadd.s32 v38, v19;
	v30 =	vld [tilespmem:s16+$0x2280]  }
0x12e: {  	v1 =	vadd.f32 v27, v1;
	v27 =	vor.u32 v20, v34;
	[tilespmem:s16+$0xE200] =	vst v26;
	v31 =	vadd.f32 v31, v0;
	v0 =	vld [tilespmem:$0x1FF90]  }
0x12f: {  	v34 =	vor.u32 v23, v36;
	v36 =	vld [tilespmem:$0x1FFA0];
	[tilespmem:s3+$0xC800] =	vst v25  }
0x130: {  	v28 =	vld.idx.msk [tilespmem:v28+s21+$0x0], $0xffff  }
0x131: {  	v14 =	vadd.f32 v26, v14;
	v26 =	vmul.f32 v26, v26;
	v60 =	vld [tilespmem:s15+$0x2000]  }
0x132: {  	s29 =	smov.u32 s1;
	s1 =	sadd.s32 $0x80, s1;
	v33 =	vmul.f32 v25, v25;
	v3 =	vadd.f32 v25, v3;
	v25 =	vld [tilespmem:s15+$0x8000]  }
0x133: {  	s5 =	sand.u32 $0x1C00, s1;
	s19 =	sand.u32 $0x70, s31;
	v18 =	vadd.f32 v26, v18;
	v26 =	vld.idx.msk [tilespmem:v27+s21+$0x0], $0xffff;
	v0 =	vadd.s32 v0, v21  }
0x134: {  	s19 =	sor.u32 s19, s5;
	v27 =	vld [tilespmem:s17+$0x6A00];
	v30 =	vadd.f32 v35, v30;
	v61 =	vor.u32 v58, v0;
	v0 =	vlaneseq.u32  }
0x135: {  	v62 =	vor.u32 s31, v0;
	v0 =	vld [tilespmem:s19+$0x800];
	[tilespmem:s17+$0xC980] =	vst v31  }
0x136: {  	v2 =	vadd.f32 v33, v2;
	v35 =	vmov s31;
	v28 =	vadd.f32 v30, v28;
	v59 =	vld.idx.msk [tilespmem:v34+s21+$0x0], $0xffff  }
0x137: {  	v32 =	vadd.s32 v36, v22;
	v56 =	vshll.u32 v35, $0x1;
	v25 =	vadd.f32 v25, v60  }
0x138: {  	v32 =	vor.u32 v20, v32;
	v30 =	vand.u32 $0x700, v56;
	v33 =	vmul.f32 v28, v28;
	v60 =	vld [tilespmem:s16+$0x2300]  }
0x139: {  	v36 =	vadd.s32 v37, v30;
	v25 =	vadd.f32 v25, v26;
	v26 =	vadd.f32 v27, v29;
	[tilespmem:s16+$0xE280] =	vst v28;
	v34 =	vld [tilespmem:s16+$0x8300]  }
0x13a: {  	v17 =	vadd.f32 v28, v17;
	v56 =	vand.u32 $0x7F, v62;
	v16 =	vadd.f32 v33, v16;
	v33 =	vld [tilespmem:s15+$0x8080]  }
0x13b: {  	v35 =	vor.u32 v56, v36;
	v36 =	vadd.s32 v42, v19;
	v28 =	vadd.f32 v26, v59;
	v26 =	vld [tilespmem:$0x1FFB0]  }
0x13c: {  	v63 =	vmul.f32 v31, v31;
	v29 =	vor.u32 v23, v36;
	v36 =	vld [tilespmem:s15+$0x2080]  }
0x13d: {  	v9 =	vadd.f32 v25, v9;
	v61 =	vld.idx.msk [tilespmem:v61+s21+$0x0], $0xffff;
	[tilespmem:s15+$0xE000] =	vst v25;
	v25 =	vmul.f32 v25, v25  }
0x13e: {  	p1 =	sne.s32 s31, $0x2F0;
	v11 =	vadd.f32 v31, v11  }
.Ltmp2:
0x13f: {  	v5 =	vadd.f32 v63, v5;
	v27 =	vld [tilespmem:s19+$0x6800];
	v8 =	vadd.f32 v25, v8;
	(pc) =	sbr.rel @p1 .LBB2_3-.Ltmp2, $4  }
0x140: {  	v59 =	vld.idx.msk [tilespmem:v32+s21+$0x0], $0xffff;
	v32 =	vadd.f32 v34, v60;
	v10 =	vadd.f32 v28, v10;
	v26 =	vadd.s32 v26, v21  }
0x141: {  	v21 =	vmov v22;
	v62 =	vor.u32 v58, v26;
	v26 =	vld.idx.msk [tilespmem:v35+s21+$0x0], $0xffff;
	[tilespmem:s17+$0xCA00] =	vst v28;
	v28 =	vmul.f32 v28, v28  }
0x142: {  	v63 =	vadd.f32 v33, v36;
	v22 =	vmov v19;
	v25 =	vld.idx.msk [tilespmem:v29+s21+$0x0], $0xffff;
	v29 =	vadd.s32 v13, v21  }
0x143: {  	s28 =	smov.u32 s30;
	s30 =	smov.u32 s31;
	s31 =	sadd.s32 $0x10, s31;
	v19 =	vmovc v30;
	v58 =	vadd.f32 v32, v61;
	v60 =	vld [tilespmem:s16+$0x2380];
	v15 =	vadd.f32 v28, v15;
	v61 =	vor.u32 v20, v29  }
0x144: {  	v0 =	vadd.f32 v27, v0;
	v27 =	vld [tilespmem:$0x1FF00];
	_ =	sdelay $0x3  }
0x145: {  	v28 =	vadd.f32 v0, v26  }
0x146: {  	v27 =	vadd.s32 v27, v19  }
0x147: {  	[tilespmem:$0x1FD40] =	vst v28;
	v0 =	vor.u32 v56, v27  }
0x148: {  	v26 =	vld [tilespmem:s19+$0x880]  }
0x149: {  	v27 =	vld [tilespmem:s19+$0x6880];
	_ =	sdelay $0x1  }
0x14a: {  	[tilespmem:s19+$0xC800] =	vst v28  }
0x14b: {  	v0 =	vld.idx.msk [tilespmem:v0+s21+$0x0], $0xffff;
	_ =	sdelay $0x1  }
0x14c: {  	v26 =	vadd.f32 v27, v26;
	v27 =	vld [tilespmem:$0x1FF30];
	_ =	sdelay $0x2  }
0x14d: {  	v28 =	vadd.f32 v26, v0;
	_ =	sdelay $0x1  }
0x14e: {  	v29 =	vld [tilespmem:s19+$0xB00];
	v27 =	vadd.s32 v27, v19;
	[tilespmem:$0x1FD20] =	vst v28  }
0x14f: {  	v0 =	vor.u32 v56, v27;
	v27 =	vld [tilespmem:s19+$0x900]  }
0x150: {  	[tilespmem:s19+$0xC880] =	vst v28;
	v28 =	vld [tilespmem:s19+$0x6900];
	_ =	sdelay $0x3  }
0x151: {  	v0 =	vld.idx.msk [tilespmem:v0+s21+$0x0], $0xffff  }
0x152: {  	v27 =	vadd.f32 v28, v27;
	v28 =	vld [tilespmem:$0x1FF60];
	_ =	sdelay $0x4  }
0x153: {  	v30 =	vadd.s32 v28, v19;
	v28 =	vadd.f32 v27, v0  }
0x154: {  	v26 =	vld [tilespmem:s19+$0xA80];
	v0 =	vor.u32 v56, v30  }
0x155: {  	v31 =	vld [tilespmem:s19+$0x6A80];
	[tilespmem:$0x1FD50] =	vst v28  }
0x156: {  	v30 =	vld [tilespmem:s19+$0x980]  }
0x157: {  	v32 =	vld [tilespmem:s19+$0x6980]  }
0x158: {  	[tilespmem:s19+$0xC900] =	vst v28  }
0x159: {  	v0 =	vld.idx.msk [tilespmem:v0+s21+$0x0], $0xffff;
	_ =	sdelay $0x2  }
0x15a: {  	v30 =	vadd.f32 v32, v30  }
0x15b: {  	v33 =	vadd.s32 v38, v19  }
0x15c: {  	v38 =	vor.u32 v56, v33;
	v28 =	vadd.f32 v30, v0;
	_ =	sdelay $0x1  }
0x15d: {  	v27 =	vld [tilespmem:s19+$0xA00];
	[tilespmem:$0x1FD70] =	vst v28  }
0x15e: {  	v0 =	vld [tilespmem:s19+$0x6A00]  }
0x15f: {  	[tilespmem:s19+$0xC980] =	vst v28  }
0x160: {  	v30 =	vld.idx.msk [tilespmem:v38+s21+$0x0], $0xffff;
	_ =	sdelay $0x2  }
0x161: {  	v0 =	vadd.f32 v0, v27;
	_ =	sdelay $0x1  }
0x162: {  	v42 =	vadd.s32 v42, v19;
	v0 =	vadd.f32 v0, v30  }
0x163: {  	v27 =	vor.u32 v56, v42  }
0x164: {  	[tilespmem:$0x1FD90] =	vst v0  }
0x165: {  	[tilespmem:s19+$0xCA00] =	vst v0  }
0x166: {  	v28 =	vld [tilespmem:$0x1FF10];
	_ =	sdelay $0x1  }
0x167: {  	v27 =	vld.idx.msk [tilespmem:v27+s21+$0x0], $0xffff  }
0x168: {  	v30 =	vadd.f32 v57, v55;
	_ =	sdelay $0x1  }
0x169: {  	v26 =	vadd.f32 v31, v26;
	v36 =	vadd.f32 v30, v25;
	v0 =	vadd.s32 v28, v22  }
0x16a: {  	v0 =	vor.u32 v23, v0  }
0x16b: {  	[tilespmem:$0x1FD10] =	vst v36;
	v25 =	vadd.s32 v28, v19;
	v27 =	vadd.f32 v26, v27  }
0x16c: {  	[tilespmem:s17+$0xCA80] =	vst v36;
	v25 =	vor.u32 v56, v25  }
0x16d: {  	v30 =	vld [tilespmem:s17+$0x6B00];
	[tilespmem:$0x1FDB0] =	vst v27  }
0x16e: {  	v26 =	vld [tilespmem:s19+$0x6B00]  }
0x16f: {  	[tilespmem:s19+$0xCA80] =	vst v27;
	v0 =	vld.idx.msk [tilespmem:v0+s21+$0x0], $0xffff  }
0x170: {  	v28 =	vld [tilespmem:$0x1FF50]  }
0x171: {  	v25 =	vld.idx.msk [tilespmem:v25+s21+$0x0], $0xffff  }
0x172: {  	v27 =	vadd.f32 v30, v54;
	_ =	sdelay $0x1  }
0x173: {  	v26 =	vadd.f32 v26, v29;
	v27 =	vadd.f32 v27, v0  }
0x174: {  	v30 =	vadd.s32 v28, v22  }
0x175: {  	v0 =	vor.u32 v23, v30;
	v29 =	vadd.f32 v26, v25;
	[tilespmem:$0x1FD30] =	vst v27  }
0x176: {  	s3 =	sor.u32 s29, s28;
	[tilespmem:s17+$0xCB00] =	vst v27  }
0x177: {  	s3 =	sor.u32 $0x380, s3;
	v26 =	vadd.s32 v28, v19;
	[tilespmem:$0x1FDC0] =	vst v29  }
0x178: {  	v26 =	vor.u32 v56, v26;
	v25 =	vld [tilespmem:s3+$0x800]  }
0x179: {  	s1 =	sor.u32 s1, s30;
	v27 =	vld [tilespmem:s3+$0x6800]  }
0x17a: {  	s1 =	sor.u32 $0x380, s1;
	v0 =	vld.idx.msk [tilespmem:v0+s21+$0x0], $0xffff;
	[tilespmem:s19+$0xCB00] =	vst v29  }
0x17b: {  	v30 =	vld [tilespmem:s1+$0x800]  }
0x17c: {  	v31 =	vld [tilespmem:s1+$0x6800]  }
0x17d: {  	v26 =	vld.idx.msk [tilespmem:v26+s21+$0x0], $0xffff  }
0x17e: {  	v28 =	vld [tilespmem:$0x1FF80];
	v25 =	vadd.f32 v27, v25;
	_ =	sdelay $0x1  }
0x17f: {  	v29 =	vadd.f32 v25, v0  }
0x180: {  	v25 =	vadd.f32 v31, v30  }
0x181: {  	[tilespmem:$0x1FD60] =	vst v29  }
0x182: {  	v27 =	vadd.s32 v28, v22;
	[tilespmem:s3+$0xC800] =	vst v29;
	v29 =	vadd.f32 v25, v26  }
0x183: {  	v0 =	vor.u32 v23, v27  }
0x184: {  	[tilespmem:$0x1FDD0] =	vst v29  }
0x185: {  	v26 =	vld [tilespmem:s17+$0x2000]  }
0x186: {  	v25 =	vadd.s32 v28, v19;
	v27 =	vld [tilespmem:s17+$0x8000]  }
0x187: {  	v25 =	vor.u32 v56, v25  }
0x188: {  	v0 =	vld.idx.msk [tilespmem:v0+s21+$0x0], $0xffff;
	[tilespmem:s1+$0xC800] =	vst v29  }
0x189: {  	v31 =	vld [tilespmem:s19+$0x2000]  }
0x18a: {  	v37 =	vld [tilespmem:s19+$0x8000]  }
0x18b: {  	v26 =	vadd.f32 v27, v26;
	v27 =	vld [tilespmem:$0x1FFA0]  }
0x18c: {  	v25 =	vld.idx.msk [tilespmem:v25+s21+$0x0], $0xffff;
	_ =	sdelay $0x2  }
0x18d: {  	v28 =	vadd.f32 v26, v0;
	v26 =	vadd.f32 v37, v31  }
0x18e: {  	v38 =	vadd.s32 v27, v22  }
0x18f: {  	[tilespmem:$0x1FD80] =	vst v28;
	v31 =	vadd.s32 v27, v19;
	v27 =	vadd.f32 v26, v25;
	v0 =	vor.u32 v23, v38  }
0x190: {  	[tilespmem:s17+$0xE000] =	vst v28  }
0x191: {  	v42 =	vld [tilespmem:s17+$0x2080];
	[tilespmem:$0x1FDE0] =	vst v27  }
0x192: {  	v31 =	vor.u32 v56, v31;
	v25 =	vld [tilespmem:s17+$0x8080]  }
0x193: {  	v26 =	vld [tilespmem:s19+$0x2080]  }
0x194: {  	v0 =	vld.idx.msk [tilespmem:v0+s21+$0x0], $0xffff  }
0x195: {  	v35 =	vld [tilespmem:s19+$0x8080]  }
0x196: {  	[tilespmem:s19+$0xE000] =	vst v27  }
0x197: {  	v31 =	vld.idx.msk [tilespmem:v31+s21+$0x0], $0xffff;
	v25 =	vadd.f32 v25, v42  }
0x198: {  	v36 =	vadd.f32 v63, v59  }
0x199: {  	v27 =	vadd.f32 v25, v0  }
0x19a: {  	[tilespmem:s15+$0xE080] =	vst v36;
	v26 =	vadd.f32 v35, v26  }
0x19b: {  	v54 =	vld [tilespmem:s15+$0x2100];
	[tilespmem:$0x1FDA0] =	vst v27  }
0x19c: {  	v55 =	vadd.s32 v13, v22;
	v57 =	vadd.s32 v13, v19;
	v13 =	vadd.f32 v26, v31;
	v25 =	vld [tilespmem:s15+$0x8100]  }
0x19d: {  	v0 =	vor.u32 v23, v55;
	v37 =	vld [tilespmem:s17+$0x2100];
	[tilespmem:s17+$0xE080] =	vst v27  }
0x19e: {  	v59 =	vld.idx.msk [tilespmem:v61+s21+$0x0], $0xffff;
	[tilespmem:$0x1FDF0] =	vst v13  }
0x19f: {  	v26 =	vld [tilespmem:s17+$0x8100]  }
0x1a0: {  	v35 =	vor.u32 v56, v57;
	v31 =	vld [tilespmem:s19+$0x2100];
	[tilespmem:s19+$0xE080] =	vst v13  }
0x1a1: {  	v13 =	vld [tilespmem:$0x1FF20]  }
0x1a2: {  	v0 =	vld.idx.msk [tilespmem:v0+s21+$0x0], $0xffff  }
0x1a3: {  	v25 =	vadd.f32 v25, v54;
	v54 =	vld [tilespmem:s19+$0x8100];
	_ =	sdelay $0x1  }
0x1a4: {  	v32 =	vld.idx.msk [tilespmem:v35+s21+$0x0], $0xffff  }
0x1a5: {  	v55 =	vld [tilespmem:s15+$0x2180];
	v26 =	vadd.f32 v26, v37;
	v42 =	vadd.s32 v13, v21  }
0x1a6: {  	v28 =	vld [tilespmem:s19+$0x8180];
	v59 =	vadd.f32 v25, v59;
	v25 =	vor.u32 v20, v42  }
0x1a7: {  	v37 =	vadd.s32 v13, v22;
	v57 =	vadd.f32 v26, v0;
	v26 =	vld [tilespmem:s15+$0x8180];
	v31 =	vadd.f32 v54, v31  }
0x1a8: {  	v27 =	vor.u32 v23, v37;
	v42 =	vadd.s32 v13, v19;
	v54 =	vld [tilespmem:s17+$0x2180]  }
0x1a9: {  	[tilespmem:s15+$0xE100] =	vst v59;
	v0 =	vor.u32 v56, v42;
	v61 =	vadd.f32 v31, v32;
	v31 =	vld [tilespmem:s17+$0x8180]  }
0x1aa: {  	[tilespmem:s17+$0xE100] =	vst v57;
	v32 =	vld [tilespmem:s19+$0x2180]  }
0x1ab: {  	v25 =	vld.idx.msk [tilespmem:v25+s21+$0x0], $0xffff;
	[tilespmem:s19+$0xE100] =	vst v61  }
0x1ac: {  	v13 =	vld [tilespmem:$0x1FF40]  }
0x1ad: {  	v27 =	vld.idx.msk [tilespmem:v27+s21+$0x0], $0xffff  }
0x1ae: {  	v0 =	vld.idx.msk [tilespmem:v0+s21+$0x0], $0xffff  }
0x1af: {  	v26 =	vadd.f32 v26, v55  }
0x1b0: {  	v31 =	vadd.f32 v31, v54  }
0x1b1: {  	v28 =	vadd.f32 v28, v32;
	v34 =	vadd.f32 v26, v25;
	v55 =	vadd.s32 v13, v21  }
0x1b2: {  	v54 =	vadd.f32 v31, v27;
	v26 =	vor.u32 v20, v55;
	v55 =	vadd.s32 v13, v19  }
0x1b3: {  	v63 =	vld [tilespmem:s15+$0x2200];
	[tilespmem:s15+$0xE180] =	vst v34;
	v32 =	vor.u32 v56, v55;
	v55 =	vadd.f32 v28, v0  }
0x1b4: {  	v31 =	vld [tilespmem:s15+$0x8200];
	[tilespmem:s17+$0xE180] =	vst v54  }
0x1b5: {  	v25 =	vld [tilespmem:s17+$0x2200];
	[tilespmem:s19+$0xE180] =	vst v55  }
0x1b6: {  	v42 =	vadd.s32 v13, v22;
	v13 =	vld [tilespmem:$0x1FF70]  }
0x1b7: {  	v38 =	vor.u32 v23, v42;
	v26 =	vld.idx.msk [tilespmem:v26+s21+$0x0], $0xffff  }
0x1b8: {  	v28 =	vld [tilespmem:s17+$0x8200];
	_ =	sdelay $0x1  }
0x1b9: {  	v27 =	vld [tilespmem:s19+$0x2200];
	v31 =	vadd.f32 v31, v63  }
0x1ba: {  	v42 =	vld [tilespmem:s15+$0x8280]  }
0x1bb: {  	v38 =	vld.idx.msk [tilespmem:v38+s21+$0x0], $0xffff;
	v33 =	vadd.f32 v31, v26;
	v26 =	vadd.s32 v13, v22  }
0x1bc: {  	v25 =	vadd.f32 v28, v25;
	v37 =	vadd.s32 v13, v21;
	v28 =	vor.u32 v23, v26;
	v26 =	vld [tilespmem:s15+$0x2280]  }
0x1bd: {  	v0 =	vld [tilespmem:s19+$0x8200];
	v63 =	vor.u32 v20, v37;
	_ =	sdelay $0x1  }
0x1be: {  	v30 =	vld [tilespmem:s17+$0x2280]  }
0x1bf: {  	v32 =	vld.idx.msk [tilespmem:v32+s21+$0x0], $0xffff;
	v35 =	vadd.f32 v25, v38  }
0x1c0: {  	[tilespmem:s15+$0xE200] =	vst v33;
	v26 =	vadd.f32 v42, v26;
	v42 =	vld [tilespmem:s17+$0x8280]  }
0x1c1: {  	v0 =	vadd.f32 v0, v27;
	v27 =	vadd.s32 v13, v19;
	[tilespmem:s17+$0xE200] =	vst v35;
	v63 =	vld.idx.msk [tilespmem:v63+s21+$0x0], $0xffff  }
0x1c2: {  	v27 =	vor.u32 v56, v27;
	v29 =	vld.idx.msk [tilespmem:v28+s21+$0x0], $0xffff  }
0x1c3: {  	v13 =	vld [tilespmem:$0x1FF90]  }
0x1c4: {  	v25 =	vld [tilespmem:s19+$0x2280];
	v37 =	vadd.f32 v0, v32  }
0x1c5: {  	v0 =	vld [tilespmem:s19+$0x8280];
	v30 =	vadd.f32 v42, v30  }
0x1c6: {  	[tilespmem:s19+$0xE200] =	vst v37;
	v31 =	vadd.f32 v26, v63  }
0x1c7: {  	[tilespmem:s16+$0xE300] =	vst v58;
	v27 =	vld.idx.msk [tilespmem:v27+s21+$0x0], $0xffff;
	v29 =	vadd.f32 v30, v29  }
0x1c8: {  	v28 =	vadd.s32 v13, v21;
	[tilespmem:s15+$0xE280] =	vst v31  }
0x1c9: {  	v38 =	vld [tilespmem:s15+$0x8300];
	v28 =	vor.u32 v20, v28;
	[tilespmem:s17+$0xE280] =	vst v29  }
0x1ca: {  	v25 =	vadd.f32 v0, v25;
	v0 =	vadd.s32 v13, v22;
	v30 =	vadd.s32 v13, v19;
	v13 =	vld [tilespmem:$0x1FFB0]  }
0x1cb: {  	v63 =	vld [tilespmem:s15+$0x2300]  }
0x1cc: {  	v26 =	vor.u32 v23, v0;
	v32 =	vadd.f32 v25, v27;
	v25 =	vld [tilespmem:s19+$0x2300]  }
0x1cd: {  	v0 =	vld [tilespmem:s17+$0x8300];
	v27 =	vor.u32 v56, v30  }
0x1ce: {  	v28 =	vld.idx.msk [tilespmem:v28+s21+$0x0], $0xffff  }
0x1cf: {  	v30 =	vld [tilespmem:s17+$0x2300];
	v21 =	vadd.s32 v13, v21  }
0x1d0: {  	v20 =	vor.u32 v20, v21;
	v21 =	vld [tilespmem:s19+$0x8300]  }
0x1d1: {  	v38 =	vadd.f32 v38, v63;
	[tilespmem:s19+$0xE280] =	vst v32;
	v26 =	vld.idx.msk [tilespmem:v26+s21+$0x0], $0xffff  }
0x1d2: {  	v27 =	vld.idx.msk [tilespmem:v27+s21+$0x0], $0xffff  }
0x1d3: {  	v42 =	vld [tilespmem:s16+$0x8380];
	v28 =	vadd.f32 v38, v28  }
0x1d4: {  	v0 =	vadd.f32 v0, v30  }
0x1d5: {  	v62 =	vld.idx.msk [tilespmem:v62+s21+$0x0], $0xffff;
	[tilespmem:s15+$0xE300] =	vst v28;
	v22 =	vadd.s32 v13, v22;
	v21 =	vadd.f32 v21, v25  }
0x1d6: {  	v22 =	vor.u32 v23, v22;
	v23 =	vld.idx.msk [tilespmem:v20+s21+$0x0], $0xffff;
	v20 =	vadd.f32 v0, v26  }
0x1d7: {  	v0 =	vadd.s32 v13, v19;
	v13 =	vadd.f32 v21, v27  }
0x1d8: {  	v60 =	vadd.f32 v42, v60;
	v42 =	vld [tilespmem:s15+$0x2380];
	[tilespmem:s17+$0xE300] =	vst v20  }
0x1d9: {  	v38 =	vld [tilespmem:s19+$0x2380];
	[tilespmem:s19+$0xE300] =	vst v13  }
0x1da: {  	v30 =	vadd.f32 v60, v62;
	v62 =	vld [tilespmem:$0x1FD20]  }
0x1db: {  	v60 =	vld [tilespmem:s19+$0x8380];
	v0 =	vor.u32 v56, v0  }
0x1dc: {  	v25 =	vld [tilespmem:s15+$0x8380]  }
0x1dd: {  	v63 =	vmul.f32 v59, v59;
	v26 =	vld [tilespmem:s17+$0x2380]  }
0x1de: {  	v21 =	vmul.f32 v36, v36;
	v36 =	vadd.f32 v36, v44;
	v44 =	vld [tilespmem:s17+$0x8380]  }
0x1df: {  	v7 =	vadd.f32 v63, v7;
	v22 =	vld.idx.msk [tilespmem:v22+s21+$0x0], $0xffff;
	v63 =	vmul.f32 v62, v62  }
0x1e0: {  	v24 =	vadd.f32 v58, v24;
	v21 =	vadd.f32 v21, v40;
	v0 =	vld.idx.msk [tilespmem:v0+s21+$0x0], $0xffff  }
0x1e1: {  	v25 =	vadd.f32 v25, v42;
	v40 =	vadd.f32 v63, v47;
	v47 =	vld [tilespmem:$0x1FD30]  }
0x1e2: {  	v38 =	vadd.f32 v60, v38;
	v19 =	vmul.f32 v58, v58;
	v27 =	vmul.f32 v30, v30;
	v58 =	vld [tilespmem:$0x1FD10]  }
0x1e3: {  	v23 =	vadd.f32 v25, v23;
	v25 =	vadd.f32 v44, v26  }
0x1e4: {  	v27 =	vadd.f32 v27, v52  }
0x1e5: {  	v22 =	vadd.f32 v25, v22;
	v0 =	vadd.f32 v38, v0;
	[tilespmem:s16+$0xE380] =	vst v30  }
0x1e6: {  	v26 =	vadd.f32 v47, v43;
	v43 =	vadd.f32 v30, v51;
	v51 =	vld [tilespmem:$0x1FD40];
	[tilespmem:s15+$0xE380] =	vst v23  }
0x1e7: {  	v52 =	vmul.f32 v58, v58;
	v41 =	vadd.f32 v58, v41;
	v42 =	vmul.f32 v47, v47;
	v58 =	vld [tilespmem:$0x1FD50];
	[tilespmem:s17+$0xE380] =	vst v22  }
0x1e8: {  	[tilespmem:s19+$0xE380] =	vst v0  }
0x1e9: {  	v30 =	vadd.f32 v42, v48;
	v48 =	vld [tilespmem:$0x1FD90];
	_ =	sdelay $0x2  }
0x1ea: {  	v6 =	vadd.f32 v59, v6;
	v25 =	vmul.f32 v51, v51;
	v59 =	vmul.f32 v58, v58  }
0x1eb: {  	v17 =	vadd.f32 v31, v17;
	v44 =	vmul.f32 v31, v31  }
0x1ec: {  	v25 =	vadd.f32 v25, v46;
	v46 =	vld [tilespmem:$0x1FD70];
	v31 =	vmul.f32 v48, v48;
	v1 =	vadd.f32 v59, v1;
	_ =	sdelay $0x1  }
0x1ed: {  	[tilespmem:$0x13700] =	vst v1;
	v1 =	vadd.f32 v48, v10;
	v10 =	vadd.f32 v31, v15;
	v31 =	vld [tilespmem:$0x1FDA0];
	_ =	sdelay $0x2  }
0x1ee: {  	v11 =	vadd.f32 v46, v11;
	_ =	sdelay $0x1  }
0x1ef: {  	[tilespmem:$0x12F80] =	vst v11;
	v11 =	vadd.f32 v28, v24;
	v24 =	vmul.f32 v31, v31;
	_ =	sdelay $0x1  }
0x1f0: {  	[tilespmem:$0x13000] =	vst v1;
	v1 =	vadd.f32 v24, v21;
	v24 =	vld [tilespmem:$0x1FDC0]  }
0x1f1: {  	v6 =	vadd.f32 v57, v6  }
0x1f2: {  	v39 =	vadd.f32 v52, v39;
	v52 =	vadd.f32 v62, v50;
	v62 =	vld [tilespmem:$0x1FD60]  }
0x1f3: {  	v6 =	vadd.f32 v61, v6;
	v15 =	vmul.f32 v28, v28;
	v28 =	vld [tilespmem:$0x1FDB0]  }
0x1f4: {  	v4 =	vadd.f32 v34, v4;
	v60 =	vmul.f32 v33, v33;
	v19 =	vadd.f32 v19, v53  }
0x1f5: {  	v53 =	vmul.f32 v34, v34;
	[tilespmem:$0x12E80] =	vst v52;
	v21 =	vmul.f32 v24, v24;
	v24 =	vadd.f32 v24, v26;
	v26 =	vld [tilespmem:$0x1FDD0]  }
0x1f6: {  	v14 =	vadd.f32 v33, v14;
	v18 =	vadd.f32 v60, v18;
	[tilespmem:$0x13600] =	vst v25;
	v25 =	vmul.f32 v46, v46  }
0x1f7: {  	v12 =	vadd.f32 v53, v12;
	v47 =	vld [tilespmem:$0x1FD80];
	[tilespmem:$0x13680] =	vst v40;
	v56 =	vadd.f32 v51, v49;
	v63 =	vmul.f32 v62, v62  }
0x1f8: {  	v16 =	vadd.f32 v44, v16;
	[tilespmem:$0x13300] =	vst v6;
	v5 =	vadd.f32 v25, v5;
	v25 =	vmul.f32 v28, v28  }
0x1f9: {  	[tilespmem:$0x12E00] =	vst v56;
	v2 =	vadd.f32 v63, v2;
	v21 =	vadd.f32 v21, v30  }
0x1fa: {  	[tilespmem:$0x13780] =	vst v5;
	v5 =	vadd.f32 v15, v19;
	v19 =	vadd.f32 v25, v39;
	v25 =	vmul.f32 v26, v26  }
0x1fb: {  	v45 =	vadd.f32 v58, v45;
	v3 =	vadd.f32 v62, v3;
	[tilespmem:$0x13900] =	vst v21;
	v21 =	vld [tilespmem:$0x1FDF0]  }
0x1fc: {  	v33 =	vmul.f32 v47, v47;
	[tilespmem:$0x13800] =	vst v10;
	v15 =	vadd.f32 v28, v41;
	v2 =	vadd.f32 v25, v2;
	v25 =	vld [tilespmem:$0x1FDE0]  }
0x1fd: {  	v9 =	vadd.f32 v47, v9;
	[tilespmem:$0x13880] =	vst v19;
	v19 =	vmul.f32 v57, v57;
	v3 =	vadd.f32 v26, v3  }
0x1fe: {  	v8 =	vadd.f32 v33, v8;
	v10 =	vmul.f32 v23, v23;
	[tilespmem:$0x13080] =	vst v15;
	v15 =	vadd.f32 v31, v36  }
0x1ff: {  	v23 =	vadd.f32 v23, v43;
	v7 =	vadd.f32 v19, v7;
	[tilespmem:$0x13180] =	vst v3;
	v3 =	vmul.f32 v54, v54  }
0x200: {  	v19 =	vmul.f32 v21, v21;
	[tilespmem:$0x13980] =	vst v2;
	v2 =	vadd.f32 v54, v4;
	v4 =	vadd.f32 v21, v15  }
0x201: {  	v6 =	vmul.f32 v37, v37;
	[tilespmem:$0x13100] =	vst v24;
	v3 =	vadd.f32 v3, v12;
	v9 =	vadd.f32 v25, v9  }
0x202: {  	v12 =	vmul.f32 v35, v35;
	v1 =	vadd.f32 v19, v1;
	[tilespmem:$0x13280] =	vst v4;
	v4 =	vmul.f32 v29, v29  }
0x203: {  	v10 =	vadd.f32 v10, v27;
	v2 =	vadd.f32 v55, v2;
	[tilespmem:$0x13200] =	vst v9;
	v9 =	vmul.f32 v61, v61  }
0x204: {  	v24 =	vmul.f32 v25, v25;
	[tilespmem:$0x13A80] =	vst v1;
	v1 =	vadd.f32 v12, v18;
	v4 =	vadd.f32 v4, v16  }
0x205: {  	[tilespmem:$0x13380] =	vst v2;
	v2 =	vadd.f32 v20, v11;
	v7 =	vadd.f32 v9, v7;
	v9 =	vmul.f32 v55, v55  }
0x206: {  	[tilespmem:$0x12F00] =	vst v45;
	v8 =	vadd.f32 v24, v8;
	v1 =	vadd.f32 v6, v1  }
0x207: {  	v3 =	vadd.f32 v9, v3;
	[tilespmem:$0x13B00] =	vst v7;
	v7 =	vadd.f32 v29, v17;
	v9 =	vmul.f32 v20, v20  }
0x208: {  	v6 =	vmul.f32 v32, v32;
	v2 =	vadd.f32 v13, v2;
	[tilespmem:$0x13A00] =	vst v8;
	v8 =	vadd.f32 v35, v14  }
0x209: {  	[tilespmem:$0x13B80] =	vst v3;
	v3 =	vadd.f32 v9, v5;
	v5 =	vadd.f32 v32, v7  }
0x20a: {  	v4 =	vadd.f32 v6, v4;
	[tilespmem:$0x13C00] =	vst v1;
	v8 =	vadd.f32 v37, v8  }
0x20b: {  	v6 =	vmul.f32 v13, v13;
	v7 =	vmul.f32 v22, v22;
	[tilespmem:$0x13480] =	vst v5;
	v5 =	vlaneseq.u32  }
0x20c: {  	v1 =	vadd.f32 v22, v23;
	[tilespmem:$0x13400] =	vst v8;
	v8 =	vmul.u32 $0x80, v5  }
0x20d: {  	[tilespmem:$0x13500] =	vst v2;
	v3 =	vadd.f32 v6, v3;
	v6 =	vmul.f32 v0, v0;
	v5 =	vadd.f32 v7, v10  }
0x20e: {  	[tilespmem:$0x13C80] =	vst v4;
	v0 =	vadd.f32 v0, v1  }
0x20f: {  	[tilespmem:$0x13D00] =	vst v3;
	v1 =	vadd.f32 v6, v5;
	v3 =	vor.u32 $0x1, v8  }
0x210: {  	[tilespmem:$0x13580] =	vst v0  }
0x211: {  	v5 =	vor.u32 $0x2, v8;
	[tilespmem:$0x13D80] =	vst v1  }
0x212: {  	v0 =	vld.idx.msk [tilespmem:v8+s22+$0x0], $0xffff  }
0x213: {  	v7 =	vor.u32 $0x3, v8;
	v1 =	vld.idx.msk [tilespmem:v8+s23+$0x0], $0xffff  }
0x214: {  	v2 =	vld.idx.msk [tilespmem:v3+s22+$0x0], $0xffff  }
0x215: {  	v9 =	vor.u32 $0x4, v8;
	[tilespmem:$0x1FE00] =	vst v3;
	v3 =	vld.idx.msk [tilespmem:v3+s23+$0x0], $0xffff  }
0x216: {  	v4 =	vld.idx.msk [tilespmem:v5+s22+$0x0], $0xffff  }
0x217: {  	v10 =	vor.u32 $0x5, v8;
	[tilespmem:$0x1FE10] =	vst v5;
	v5 =	vld.idx.msk [tilespmem:v5+s23+$0x0], $0xffff;
	v0 =	vadd.f32 $0.0e+00, v0  }
0x218: {  	v6 =	vld.idx.msk [tilespmem:v7+s22+$0x0], $0xffff  }
0x219: {  	v11 =	vor.u32 $0x6, v8;
	v1 =	vadd.f32 $0.0e+00, v1;
	v0 =	vadd.f32 v2, v0;
	v2 =	vld.idx.msk [tilespmem:v7+s23+$0x0], $0xffff  }
0x21a: {  	[tilespmem:$0x1FE20] =	vst v7;
	v7 =	vld.idx.msk [tilespmem:v9+s22+$0x0], $0xffff  }
0x21b: {  	[tilespmem:$0x1FE30] =	vst v9;
	v1 =	vadd.f32 v3, v1;
	v3 =	vld.idx.msk [tilespmem:v9+s23+$0x0], $0xffff;
	v9 =	vor.u32 $0x7, v8;
	v0 =	vadd.f32 v4, v0  }
0x21c: {  	v4 =	vld.idx.msk [tilespmem:v10+s22+$0x0], $0xffff  }
0x21d: {  	[tilespmem:$0x1FE40] =	vst v10;
	v1 =	vadd.f32 v5, v1;
	v5 =	vld.idx.msk [tilespmem:v10+s23+$0x0], $0xffff;
	v10 =	vor.u32 $0x8, v8;
	v0 =	vadd.f32 v6, v0  }
0x21e: {  	v6 =	vld.idx.msk [tilespmem:v11+s22+$0x0], $0xffff  }
0x21f: {  	[tilespmem:$0x1FE50] =	vst v11;
	v1 =	vadd.f32 v2, v1;
	v2 =	vld.idx.msk [tilespmem:v11+s23+$0x0], $0xffff;
	v11 =	vor.u32 $0x9, v8;
	v0 =	vadd.f32 v7, v0  }
0x220: {  	v7 =	vld.idx.msk [tilespmem:v9+s22+$0x0], $0xffff  }
0x221: {  	[tilespmem:$0x1FE60] =	vst v9;
	v1 =	vadd.f32 v3, v1;
	v3 =	vld.idx.msk [tilespmem:v9+s23+$0x0], $0xffff;
	v9 =	vor.u32 $0xA, v8;
	v0 =	vadd.f32 v4, v0  }
0x222: {  	v4 =	vld.idx.msk [tilespmem:v10+s22+$0x0], $0xffff  }
0x223: {  	[tilespmem:$0x1FE70] =	vst v10;
	v1 =	vadd.f32 v5, v1;
	v5 =	vld.idx.msk [tilespmem:v10+s23+$0x0], $0xffff;
	v10 =	vor.u32 $0xB, v8;
	v0 =	vadd.f32 v6, v0  }
0x224: {  	v6 =	vld.idx.msk [tilespmem:v11+s22+$0x0], $0xffff  }
0x225: {  	[tilespmem:$0x1FE80] =	vst v11;
	v1 =	vadd.f32 v2, v1;
	v2 =	vld.idx.msk [tilespmem:v11+s23+$0x0], $0xffff;
	v11 =	vor.u32 $0xC, v8;
	v0 =	vadd.f32 v7, v0  }
0x226: {  	v7 =	vld.idx.msk [tilespmem:v9+s22+$0x0], $0xffff  }
0x227: {  	[tilespmem:$0x1FE90] =	vst v9;
	v1 =	vadd.f32 v3, v1;
	v3 =	vld.idx.msk [tilespmem:v9+s23+$0x0], $0xffff;
	v9 =	vor.u32 $0xD, v8;
	v0 =	vadd.f32 v4, v0  }
0x228: {  	v4 =	vld.idx.msk [tilespmem:v10+s22+$0x0], $0xffff  }
0x229: {  	[tilespmem:$0x1FEA0] =	vst v10;
	v1 =	vadd.f32 v5, v1;
	v5 =	vld.idx.msk [tilespmem:v10+s23+$0x0], $0xffff;
	v10 =	vor.u32 $0xE, v8;
	v0 =	vadd.f32 v6, v0  }
0x22a: {  	v6 =	vld.idx.msk [tilespmem:v11+s22+$0x0], $0xffff  }
0x22b: {  	[tilespmem:$0x1FEC0] =	vst v8;
	v8 =	vor.u32 $0xF, v8;
	v1 =	vadd.f32 v2, v1;
	v2 =	vld.idx.msk [tilespmem:v11+s23+$0x0], $0xffff;
	v0 =	vadd.f32 v7, v0  }
0x22c: {  	v7 =	vld.idx.msk [tilespmem:v9+s22+$0x0], $0xffff  }
0x22d: {  	v1 =	vadd.f32 v3, v1;
	v3 =	vld.idx.msk [tilespmem:v9+s23+$0x0], $0xffff;
	v0 =	vadd.f32 v4, v0  }
0x22e: {  	v4 =	vld.idx.msk [tilespmem:v10+s22+$0x0], $0xffff  }
0x22f: {  	v1 =	vadd.f32 v5, v1;
	v5 =	vld.idx.msk [tilespmem:v10+s23+$0x0], $0xffff;
	v0 =	vadd.f32 v6, v0  }
0x230: {  	v6 =	vld.idx.msk [tilespmem:v8+s22+$0x0], $0xffff  }
0x231: {  	v1 =	vadd.f32 v2, v1;
	v0 =	vadd.f32 v7, v0  }
0x232: {  	v2 =	vld.idx.msk [tilespmem:v8+s23+$0x0], $0xffff  }
0x233: {  	v1 =	vadd.f32 v3, v1;
	v0 =	vadd.f32 v4, v0;
	_ =	sdelay $0x1  }
0x234: {  	v1 =	vadd.f32 v5, v1;
	v0 =	vadd.f32 v6, v0;
	_ =	sdelay $0x1  }
0x235: {  	v1 =	vadd.f32 v2, v1;
	v0 =	vmul.f32 $1.302083370e-03, v0;
	_ =	sdelay $0x1  }
0x236: {  	v1 =	vmul.f32 $1.302083370e-03, v1;
	v2 =	vmul.f32 v0, v0;
	_ =	sdelay $0x1  }
0x237: {  	v1 =	vsub.f32 v1, v2;
	_ =	sdelay $0x1  }
0x238: {  	v1 =	vadd.f32 $9.999999960e-13, v1;
	_ =	sdelay $0x1  }
0x239: {  	v2 =	vshrl.u32 v1, $0x1;
	v1 =	vmul.f32 $5.000000000e-01, v1  }
0x23a: {  	v2 =	vsub.s32 $0x5F3759DF, v2  }
0x23b: {  	v3 =	vmul.f32 v2, v1;
	_ =	sdelay $0x1  }
0x23c: {  	v3 =	vmul.f32 v2, v3;
	_ =	sdelay $0x1  }
0x23d: {  	v3 =	vsub.f32 $1.500000000e+00, v3;
	_ =	sdelay $0x1  }
0x23e: {  	v2 =	vmul.f32 v2, v3;
	_ =	sdelay $0x1  }
0x23f: {  	v3 =	vmul.f32 v2, v1;
	_ =	sdelay $0x1  }
0x240: {  	v3 =	vmul.f32 v3, v2;
	_ =	sdelay $0x1  }
0x241: {  	v3 =	vsub.f32 $1.500000000e+00, v3;
	_ =	sdelay $0x1  }
0x242: {  	v2 =	vmul.f32 v3, v2;
	_ =	sdelay $0x1  }
0x243: {  	v3 =	vmul.f32 v2, v1;
	_ =	sdelay $0x1  }
0x244: {  	v3 =	vmul.f32 v3, v2;
	_ =	sdelay $0x1  }
0x245: {  	v3 =	vsub.f32 $1.500000000e+00, v3;
	_ =	sdelay $0x1  }
0x246: {  	v2 =	vmul.f32 v3, v2;
	_ =	sdelay $0x1  }
0x247: {  	v1 =	vmul.f32 v2, v1;
	_ =	sdelay $0x1  }
0x248: {  	v1 =	vmul.f32 v1, v2  }
0x249: {  	[tilespmem:$0x1FEB0] =	vst v11  }
0x24a: {  	s1 =	simm.s32 $0x0;
	[tilespmem:$0x1FED0] =	vst v9;
	v1 =	vsub.f32 $1.500000000e+00, v1  }
0x24b: {  	s5 =	sand.u32 $0x1C00, s1;
	s19 =	sand.u32 $0x70, s1;
	[tilespmem:$0x1FEE0] =	vst v10  }
0x24c: {  	v53 =	vimm.s32 $0x0;
	s15 =	sor.u32 s19, s5;
	[tilespmem:$0x1FEF0] =	vst v8;
	v0 =	vsub.f32 $0.0e+00, v0;
	v9 =	vmul.f32 v1, v2  }
0x24d: {  	v58 =	vimm.s32 $0x5;
	v63 =	vimm.s32 $0x3;
	v54 =	vimm.s32 $0x1;
	v4 =	vld [tilespmem:s15+$0xC980]  }
0x24e: {  	v55 =	vimm.s32 $0x2;
	v5 =	vld [tilespmem:s15+$0xCA00];
	v20 =	vmul.f32 v9, v0;
	v21 =	vperm.xlane v9, v53  }
0x24f: {  	v57 =	vimm.s32 $0x4;
	v2 =	vld [tilespmem:s15+$0xC800];
	v16 =	vperm.xlane v9, v54;
	v17 =	vperm.xlane v9, v55  }
0x250: {  	v59 =	vimm.s32 $0x6;
	v0 =	vld [tilespmem:s15+$0xC880];
	v18 =	vperm.xlane v9, v63;
	v15 =	vperm.xlane v9, v57  }
0x251: {  	v3 =	vld [tilespmem:s15+$0xC900];
	v19 =	vperm.xlane v9, v58;
	v13 =	vperm.xlane v9, v59  }
0x252: {  	s4 =	simm.s32 $0x12800;
	v6 =	vld [tilespmem:s15+$0xCA80];
	v37 =	vperm.xlane v20, v53;
	v29 =	vperm.xlane v20, v54  }
0x253: {  	v1 =	vld [tilespmem:s4+$0x0];
	v28 =	vperm.xlane v20, v55;
	v26 =	vperm.xlane v20, v63  }
0x254: {  	s5 =	simm.s32 $0x12B00;
	v8 =	vld [tilespmem:s15+$0xCB00];
	v22 =	vperm.xlane v20, v57;
	v7 =	vmul.f32 v2, v21  }
0x255: {  	v24 =	vperm.xlane v20, v58;
	v2 =	vld [tilespmem:s5+$0x0];
	v0 =	vmul.f32 v0, v16  }
0x256: {  	v23 =	vperm.xlane v20, v59;
	v3 =	vmul.f32 v3, v17;
	v7 =	vadd.f32 v7, v37  }
0x257: {  	v4 =	vmul.f32 v4, v18;
	v5 =	vmul.f32 v5, v15;
	v0 =	vadd.f32 v0, v29  }
0x258: {  	v6 =	vmul.f32 v6, v19;
	v3 =	vadd.f32 v3, v28;
	v7 =	vmul.f32 v7, v1  }
0x259: {  	v8 =	vmul.f32 v8, v13;
	v4 =	vadd.f32 v4, v26;
	v0 =	vmul.f32 v0, v1  }
0x25a: {  	v5 =	vadd.f32 v5, v22;
	v3 =	vmul.f32 v3, v1;
	v7 =	vadd.f32 v7, v2  }
0x25b: {  	v6 =	vadd.f32 v6, v24;
	v4 =	vmul.f32 v4, v1;
	v0 =	vadd.f32 v0, v2  }
0x25c: {  	v5 =	vmul.f32 v5, v1;
	v3 =	vadd.f32 v3, v2;
	[tilespmem:s15+$0xC800] =	vst v7;
	v7 =	vadd.f32 v8, v23  }
0x25d: {  	[tilespmem:s15+$0xC880] =	vst v0;
	v0 =	vadd.f32 v4, v2;
	v4 =	vmul.f32 v6, v1  }
0x25e: {  	[tilespmem:s15+$0xC900] =	vst v3;
	v3 =	vadd.f32 v5, v2;
	v5 =	vmul.f32 v7, v1  }
0x25f: {  	[tilespmem:s15+$0xC980] =	vst v0;
	v0 =	vadd.f32 v4, v2  }
0x260: {  	[tilespmem:s15+$0xCA00] =	vst v3;
	v3 =	vadd.f32 v5, v2  }
0x261: {  	s28 =	simm.s32 $0x80;
	s3 =	simm.s32 $0x10;
	s1 =	sor.u32 s1, s1;
	[tilespmem:s15+$0xCA80] =	vst v0  }
0x262: {  	s16 =	sand.u32 $0x70, s3;
	s17 =	sand.u32 $0x1C00, s28;
	s1 =	sor.u32 $0x380, s1;
	[tilespmem:s15+$0xCB00] =	vst v3  }
0x263: {  	s16 =	sor.u32 s16, s17;
	v3 =	vld [tilespmem:s1+$0xC800]  }
0x264: {  	v12 =	vld [tilespmem:s16+$0xC880]  }
0x265: {  	v60 =	vimm.s32 $0x7;
	v44 =	vimm.s32 $0xA;
	v14 =	vld [tilespmem:s16+$0xC900]  }
0x266: {  	v62 =	vimm.s32 $0x9;
	v61 =	vimm.s32 $0x8;
	v25 =	vld [tilespmem:s16+$0xC980];
	v30 =	vperm.xlane v9, v60  }
0x267: {  	v50 =	vimm.s32 $0xF;
	v11 =	vperm.xlane v9, v61;
	v10 =	vperm.xlane v9, v62;
	v0 =	vld [tilespmem:s16+$0xC800]  }
0x268: {  	v36 =	vimm.s32 $0xC;
	v27 =	vld [tilespmem:s16+$0xCA00];
	v39 =	vperm.xlane v20, v60;
	v49 =	vmul.f32 v3, v30  }
0x269: {  	v35 =	vimm.s32 $0xB;
	v31 =	vld [tilespmem:s16+$0xCA80];
	v38 =	vperm.xlane v9, v50;
	v12 =	vmul.f32 v12, v16  }
0x26a: {  	s19 =	simm.s32 $0x12810;
	v51 =	vld [tilespmem:s16+$0xCB00];
	v14 =	vmul.f32 v14, v17;
	v7 =	vperm.xlane v9, v44;
	v32 =	vadd.f32 v49, v39  }
0x26b: {  	v47 =	vimm.s32 $0xE;
	v8 =	vld [tilespmem:s19+$0x0];
	v6 =	vperm.xlane v9, v35;
	v4 =	vperm.xlane v9, v36  }
0x26c: {  	v45 =	vimm.s32 $0xD;
	s5 =	simm.s32 $0x12B10;
	v0 =	vmul.f32 v0, v21;
	v32 =	vmul.f32 v32, v1  }
0x26d: {  	v5 =	vperm.xlane v9, v45;
	v3 =	vperm.xlane v9, v47;
	v9 =	vld [tilespmem:s5+$0x0]  }
0x26e: {  	v25 =	vmul.f32 v25, v18;
	v0 =	vadd.f32 v0, v37;
	v32 =	vadd.f32 v32, v2  }
0x26f: {  	v27 =	vmul.f32 v27, v15;
	v31 =	vmul.f32 v31, v19;
	v12 =	vadd.f32 v12, v29  }
0x270: {  	v33 =	vmul.f32 v51, v13;
	v14 =	vadd.f32 v14, v28;
	v0 =	vmul.f32 v0, v8;
	[tilespmem:s1+$0xC800] =	vst v32  }
0x271: {  	v40 =	vperm.xlane v20, v61;
	v25 =	vadd.f32 v25, v26;
	v12 =	vmul.f32 v12, v8;
	v32 =	vld [tilespmem:s15+$0xE380]  }
0x272: {  	v27 =	vadd.f32 v27, v22;
	v14 =	vmul.f32 v14, v8;
	v0 =	vadd.f32 v0, v9;
	v52 =	vld [tilespmem:s15+$0xE000]  }
0x273: {  	v31 =	vadd.f32 v31, v24;
	v25 =	vmul.f32 v25, v8;
	v12 =	vadd.f32 v12, v9;
	v56 =	vld [tilespmem:s15+$0xE080]  }
0x274: {  	[tilespmem:s16+$0xC800] =	vst v0;
	v0 =	vadd.f32 v14, v9;
	v14 =	vmul.f32 v27, v8;
	v27 =	vadd.f32 v33, v23;
	v48 =	vld [tilespmem:s15+$0xE100]  }
0x275: {  	v41 =	vperm.xlane v20, v62;
	v31 =	vmul.f32 v31, v8;
	v25 =	vadd.f32 v25, v9;
	[tilespmem:s16+$0xC880] =	vst v12;
	v49 =	vld [tilespmem:s15+$0xE180]  }
0x276: {  	v42 =	vperm.xlane v20, v50;
	[tilespmem:s16+$0xC900] =	vst v0;
	v0 =	vadd.f32 v14, v9;
	v27 =	vmul.f32 v27, v8;
	v50 =	vld [tilespmem:s15+$0xE200]  }
0x277: {  	s17 =	simm.s32 $0x20;
	s19 =	simm.s32 $0x100;
	v31 =	vadd.f32 v31, v9;
	v12 =	vperm.xlane v20, v35;
	[tilespmem:s16+$0xC980] =	vst v25;
	v25 =	vperm.xlane v20, v36;
	v51 =	vld [tilespmem:s15+$0xE280]  }
0x278: {  	s4 =	sand.u32 $0x70, s17;
	s29 =	sand.u32 $0x1C00, s19;
	v36 =	vperm.xlane v20, v47;
	v14 =	vperm.xlane v20, v44;
	[tilespmem:s16+$0xCA00] =	vst v0;
	v0 =	vadd.f32 v27, v9  }
0x279: {  	s3 =	sor.u32 s28, s3;
	[tilespmem:s16+$0xCA80] =	vst v31;
	s1 =	sor.u32 s4, s29;
	v27 =	vperm.xlane v20, v45;
	v32 =	vmul.f32 v32, v38  }
0x27a: {  	s29 =	sor.u32 $0x380, s3;
	v35 =	vld [tilespmem:s1+$0xC800];
	[tilespmem:s16+$0xCB00] =	vst v0;
	v31 =	vmul.f32 v52, v11;
	v0 =	vmul.f32 v56, v10  }
0x27b: {  	v20 =	vld [tilespmem:s29+$0xC800];
	v52 =	vmul.f32 v48, v7;
	v44 =	vmul.f32 v49, v6;
	v32 =	vadd.f32 v32, v42  }
0x27c: {  	v43 =	vld [tilespmem:s1+$0xC880];
	v46 =	vmul.f32 v50, v4;
	v33 =	vmul.f32 v51, v5;
	v31 =	vadd.f32 v31, v40  }
0x27d: {  	v47 =	vld [tilespmem:s1+$0xC980];
	v0 =	vadd.f32 v0, v41;
	v34 =	vadd.f32 v52, v14;
	v32 =	vmul.f32 v32, v1  }
0x27e: {  	v45 =	vld [tilespmem:s1+$0xC900];
	v44 =	vadd.f32 v44, v12;
	v56 =	vadd.f32 v46, v25;
	v31 =	vmul.f32 v31, v1  }
0x27f: {  	v49 =	vld [tilespmem:s1+$0xCA00];
	v52 =	vmul.f32 v0, v1;
	v0 =	vmul.f32 v34, v1;
	v51 =	vadd.f32 v32, v2  }
0x280: {  	s30 =	simm.s32 $0x12820;
	v50 =	vld [tilespmem:s1+$0xCA80];
	v33 =	vadd.f32 v33, v27;
	v48 =	vmul.f32 v20, v30;
	v20 =	vmul.f32 v56, v1  }
0x281: {  	s31 =	simm.s32 $0x30;
	s28 =	simm.s32 $0x100;
	v32 =	vmul.f32 v44, v1;
	v46 =	vadd.f32 v31, v2;
	v44 =	vadd.f32 v52, v2;
	v31 =	vld [tilespmem:s30+$0x0];
	[tilespmem:s15+$0xE380] =	vst v51  }
.LBB2_5:
0x282: {  	p1 =	sne.s32 s31, $0x2F0;
	v35 =	vmul.f32 v35, v21;
	v51 =	vld [tilespmem:s1+$0xCB00];
	v48 =	vadd.f32 v48, v39;
	s5 =	sadd.s32 $0x10, s5;
	v33 =	vmul.f32 v33, v1  }
0x283: {  	v43 =	vmul.f32 v43, v16;
	v45 =	vmul.f32 v45, v17;
	v0 =	vadd.f32 v0, v2;
	v34 =	vld [tilespmem:s5+$0x0];
	[tilespmem:s15+$0xE000] =	vst v46  }
0x284: {  	v46 =	vmul.f32 v47, v18;
	v35 =	vadd.f32 v35, v37;
	v47 =	vmul.f32 v48, v8;
	[tilespmem:s15+$0xE080] =	vst v44;
	v44 =	vld [tilespmem:s15+$0xE300]  }
0x285: {  	v43 =	vadd.f32 v43, v29;
	v48 =	vmul.f32 v49, v15;
	v49 =	vmul.f32 v50, v19;
	[tilespmem:s15+$0xE100] =	vst v0  }
0x286: {  	v0 =	vmul.f32 v35, v31;
	v35 =	vadd.f32 v45, v28;
	v45 =	vadd.f32 v47, v9  }
0x287: {  	v46 =	vadd.f32 v46, v26;
	v43 =	vmul.f32 v43, v31;
	v47 =	vmul.f32 v51, v13  }
0x288: {  	v48 =	vadd.f32 v48, v22;
	v0 =	vadd.f32 v0, v34;
	v35 =	vmul.f32 v35, v31;
	[tilespmem:s29+$0xC800] =	vst v45  }
0x289: {  	v43 =	vadd.f32 v43, v34;
	v45 =	vmul.f32 v46, v31;
	v46 =	vadd.f32 v49, v24;
	v49 =	vld [tilespmem:s16+$0xE380]  }
0x28a: {  	v47 =	vadd.f32 v47, v23;
	[tilespmem:s1+$0xC800] =	vst v0;
	v0 =	vadd.f32 v35, v34;
	v35 =	vmul.f32 v48, v31;
	v48 =	vld [tilespmem:s16+$0xE000]  }
0x28b: {  	v44 =	vmul.f32 v44, v3;
	[tilespmem:s1+$0xC880] =	vst v43;
	v43 =	vadd.f32 v45, v34;
	v45 =	vmul.f32 v46, v31;
	v46 =	vld [tilespmem:s16+$0xE080]  }
0x28c: {  	v32 =	vadd.f32 v32, v2;
	[tilespmem:s1+$0xC900] =	vst v0;
	v0 =	vadd.f32 v35, v34;
	v35 =	vmul.f32 v47, v31;
	v47 =	vld [tilespmem:s16+$0xE100]  }
0x28d: {  	s19 =	sadd.s32 $0x80, s19;
	v44 =	vadd.f32 v44, v36;
	[tilespmem:s1+$0xC980] =	vst v43;
	v43 =	vadd.f32 v45, v34;
	v45 =	vld [tilespmem:s16+$0xE180]  }
0x28e: {  	s3 =	sand.u32 $0x70, s31;
	v20 =	vadd.f32 v20, v2;
	s29 =	sand.u32 $0x1C00, s19;
	[tilespmem:s1+$0xCA00] =	vst v0;
	v0 =	vadd.f32 v35, v34;
	v50 =	vld [tilespmem:s16+$0xE200];
	v49 =	vmul.f32 v49, v38  }
0x28f: {  	s17 =	sor.u32 s28, s17;
	s28 =	smov.u32 s19;
	v33 =	vadd.f32 v33, v2;
	s3 =	sor.u32 s3, s29;
	v44 =	vmul.f32 v44, v1;
	[tilespmem:s1+$0xCA80] =	vst v43;
	v43 =	vmul.f32 v48, v11;
	v48 =	vld [tilespmem:s16+$0xE280]  }
0x290: {  	s29 =	sor.u32 $0x380, s17;
	s17 =	smov.u32 s31;
	v1 =	vmovc v8;
	v8 =	vmov v31;
	v35 =	vld [tilespmem:s3+$0xC800];
	[tilespmem:s1+$0xCB00] =	vst v0;
	v0 =	vmul.f32 v46, v10;
	v46 =	vadd.f32 v49, v42  }
0x291: {  	v2 =	vadd.f32 v44, v2;
	v31 =	vld [tilespmem:s29+$0xC800];
	v49 =	vadd.f32 v43, v40;
	v47 =	vmul.f32 v47, v7;
	[tilespmem:s15+$0xE180] =	vst v32  }
0x292: {  	v43 =	vld [tilespmem:s3+$0xC880];
	v0 =	vadd.f32 v0, v41;
	v32 =	vmul.f32 v45, v6;
	v44 =	vmul.f32 v46, v1;
	[tilespmem:s15+$0xE200] =	vst v20  }
.Ltmp3:
0x293: {  	v45 =	vld [tilespmem:s3+$0xC900];
	v20 =	vmul.f32 v49, v1;
	v46 =	vadd.f32 v47, v14;
	v50 =	vmul.f32 v50, v4;
	[tilespmem:s15+$0xE280] =	vst v33;
	(pc) =	sbr.rel @p1 .LBB2_5-.Ltmp3, $4  }
0x294: {  	v47 =	vld [tilespmem:s3+$0xC980];
	v32 =	vadd.f32 v32, v12;
	v33 =	vmul.f32 v48, v5;
	v44 =	vadd.f32 v44, v9;
	[tilespmem:s15+$0xE300] =	vst v2;
	s15 =	smov.u32 s16;
	s16 =	smov.u32 s1;
	s1 =	smov.u32 s3  }
0x295: {  	v51 =	vmul.f32 v0, v1;
	v2 =	vmovc v9;
	v49 =	vld [tilespmem:s1+$0xCA00];
	v0 =	vmul.f32 v46, v1;
	v52 =	vadd.f32 v50, v25  }
0x296: {  	s30 =	sadd.s32 $0x10, s30;
	v50 =	vld [tilespmem:s1+$0xCA80];
	v48 =	vmul.f32 v31, v30;
	v32 =	vmul.f32 v32, v1;
	v33 =	vadd.f32 v33, v27;
	[tilespmem:s15+$0xE380] =	vst v44  }
0x297: {  	s31 =	sadd.s32 $0x10, s31;
	v9 =	vmovc v34;
	v46 =	vadd.f32 v20, v2;
	v44 =	vadd.f32 v51, v2;
	v31 =	vld [tilespmem:s30+$0x0];
	v20 =	vmul.f32 v52, v1  }
0x298: {  	v34 =	vmul.f32 v35, v21;
	v56 =	vld [tilespmem:s1+$0xCB00];
	s3 =	sadd.s32 $0x10, s5  }
0x299: {  	v16 =	vmul.f32 v43, v16;
	v17 =	vmul.f32 v45, v17;
	v21 =	vld [tilespmem:s3+$0x0]  }
0x29a: {  	v18 =	vmul.f32 v47, v18;
	v34 =	vadd.f32 v34, v37  }
0x29b: {  	v16 =	vadd.f32 v16, v29;
	v15 =	vmul.f32 v49, v15;
	v17 =	vadd.f32 v17, v28  }
0x29c: {  	v19 =	vmul.f32 v50, v19;
	v29 =	vmul.f32 v34, v31  }
0x29d: {  	v18 =	vadd.f32 v18, v26;
	v16 =	vmul.f32 v16, v31;
	v17 =	vmul.f32 v17, v31  }
0x29e: {  	v15 =	vadd.f32 v15, v22;
	v13 =	vmul.f32 v56, v13;
	v26 =	vadd.f32 v29, v21  }
0x29f: {  	v18 =	vmul.f32 v18, v31;
	v19 =	vadd.f32 v19, v24;
	v16 =	vadd.f32 v16, v21  }
0x2a0: {  	v17 =	vadd.f32 v17, v21;
	v15 =	vmul.f32 v15, v31;
	v13 =	vadd.f32 v13, v23;
	[tilespmem:s1+$0xC800] =	vst v26  }
0x2a1: {  	[tilespmem:s1+$0xC880] =	vst v16;
	v16 =	vadd.f32 v18, v21;
	v18 =	vmul.f32 v19, v31  }
0x2a2: {  	[tilespmem:s1+$0xC900] =	vst v17;
	v15 =	vadd.f32 v15, v21;
	v13 =	vmul.f32 v13, v31  }
0x2a3: {  	[tilespmem:s1+$0xC980] =	vst v16;
	v16 =	vadd.f32 v18, v21  }
0x2a4: {  	[tilespmem:s1+$0xCA00] =	vst v15;
	v13 =	vadd.f32 v13, v21  }
0x2a5: {  	s4 =	sor.u32 s28, s17;
	v15 =	vadd.f32 v48, v39;
	[tilespmem:s1+$0xCA80] =	vst v16  }
0x2a6: {  	s3 =	sor.u32 $0x380, s4;
	[tilespmem:s1+$0xCB00] =	vst v13  }
0x2a7: {  	v15 =	vmul.f32 v15, v8;
	v13 =	vld [tilespmem:s3+$0xC800];
	_ =	sdelay $0x1  }
0x2a8: {  	v15 =	vadd.f32 v15, v9;
	_ =	sdelay $0x1  }
0x2a9: {  	[tilespmem:s29+$0xC800] =	vst v15  }
0x2aa: {  	v15 =	vld [tilespmem:s16+$0xE380];
	v13 =	vmul.f32 v13, v30  }
0x2ab: {  	v16 =	vld [tilespmem:s16+$0xE000]  }
0x2ac: {  	v17 =	vld [tilespmem:s16+$0xE080];
	v13 =	vadd.f32 v13, v39  }
0x2ad: {  	v22 =	vld [tilespmem:s16+$0xE180]  }
0x2ae: {  	v13 =	vmul.f32 v13, v31  }
0x2af: {  	v15 =	vmul.f32 v15, v38  }
0x2b0: {  	v18 =	vld [tilespmem:s15+$0xE300];
	v13 =	vadd.f32 v13, v21  }
0x2b1: {  	v28 =	vld [tilespmem:s16+$0xE280];
	v16 =	vmul.f32 v16, v11;
	v17 =	vmul.f32 v17, v10;
	v15 =	vadd.f32 v15, v42  }
0x2b2: {  	v0 =	vadd.f32 v0, v2;
	v26 =	vld [tilespmem:s16+$0xE200];
	v22 =	vmul.f32 v22, v6;
	[tilespmem:s3+$0xC800] =	vst v13  }
0x2b3: {  	v17 =	vadd.f32 v17, v41;
	v15 =	vmul.f32 v15, v8;
	v13 =	vadd.f32 v16, v40;
	v16 =	vld [tilespmem:s1+$0xE380]  }
0x2b4: {  	v24 =	vld [tilespmem:s1+$0xE080]  }
0x2b5: {  	[tilespmem:s15+$0xE100] =	vst v0;
	v0 =	vadd.f32 v22, v12;
	v17 =	vmul.f32 v17, v8;
	v23 =	vld [tilespmem:s1+$0xE000];
	v15 =	vadd.f32 v15, v9  }
0x2b6: {  	v22 =	vmul.f32 v28, v5;
	v28 =	vld [tilespmem:s1+$0xE280];
	v13 =	vmul.f32 v13, v8  }
0x2b7: {  	v0 =	vmul.f32 v0, v8;
	[tilespmem:s16+$0xE380] =	vst v15;
	v15 =	vadd.f32 v17, v9  }
0x2b8: {  	v29 =	vmul.f32 v33, v1;
	v19 =	vld [tilespmem:s16+$0xE100];
	v13 =	vadd.f32 v13, v9;
	v16 =	vmul.f32 v16, v38  }
0x2b9: {  	v0 =	vadd.f32 v0, v9;
	v17 =	vmul.f32 v18, v3;
	[tilespmem:s16+$0xE080] =	vst v15;
	v10 =	vmul.f32 v24, v10  }
0x2ba: {  	[tilespmem:s16+$0xE000] =	vst v13;
	v11 =	vmul.f32 v23, v11;
	v13 =	vadd.f32 v32, v2;
	v15 =	vadd.f32 v16, v42  }
0x2bb: {  	v23 =	vld [tilespmem:s1+$0xE180];
	v24 =	vmul.f32 v26, v4;
	v5 =	vmul.f32 v28, v5;
	v10 =	vadd.f32 v10, v41  }
0x2bc: {  	[tilespmem:s15+$0xE000] =	vst v46;
	v18 =	vld [tilespmem:s16+$0xE300];
	v16 =	vadd.f32 v17, v36;
	v11 =	vadd.f32 v11, v40;
	v15 =	vmul.f32 v15, v31  }
0x2bd: {  	[tilespmem:s15+$0xE080] =	vst v44;
	v17 =	vmul.f32 v19, v7;
	v19 =	vadd.f32 v20, v2;
	v20 =	vld [tilespmem:s1+$0xE100];
	v10 =	vmul.f32 v10, v31  }
0x2be: {  	[tilespmem:s16+$0xE180] =	vst v0;
	v24 =	vadd.f32 v24, v25;
	v11 =	vmul.f32 v11, v31;
	v15 =	vadd.f32 v15, v21  }
0x2bf: {  	v26 =	vld [tilespmem:s1+$0xE200];
	[tilespmem:s15+$0xE180] =	vst v13;
	v17 =	vadd.f32 v17, v14;
	v1 =	vmul.f32 v16, v1;
	v10 =	vadd.f32 v10, v21  }
0x2c0: {  	v16 =	vadd.f32 v22, v27;
	v6 =	vmul.f32 v23, v6;
	v11 =	vadd.f32 v11, v21;
	[tilespmem:s1+$0xE380] =	vst v15  }
0x2c1: {  	v13 =	vld [tilespmem:s1+$0xE300];
	v1 =	vadd.f32 v1, v2;
	v15 =	vmul.f32 v17, v8;
	[tilespmem:s1+$0xE080] =	vst v10;
	v10 =	vmul.f32 v18, v3  }
0x2c2: {  	v7 =	vmul.f32 v20, v7;
	[tilespmem:s1+$0xE000] =	vst v11;
	v11 =	vadd.f32 v29, v2;
	v2 =	vmul.f32 v16, v8  }
0x2c3: {  	[tilespmem:s15+$0xE200] =	vst v19;
	v17 =	vmul.f32 v24, v8;
	v15 =	vadd.f32 v15, v9;
	v10 =	vadd.f32 v10, v36  }
0x2c4: {  	v4 =	vmul.f32 v26, v4;
	[tilespmem:s15+$0xE300] =	vst v1;
	v1 =	vadd.f32 v2, v9;
	v2 =	vadd.f32 v7, v14  }
0x2c5: {  	v6 =	vadd.f32 v6, v12;
	[tilespmem:s15+$0xE280] =	vst v11;
	v11 =	vadd.f32 v17, v9;
	v7 =	vmul.f32 v10, v8  }
0x2c6: {  	v3 =	vmul.f32 v13, v3;
	[tilespmem:s16+$0xE100] =	vst v15;
	v0 =	vmul.f32 v2, v31;
	v2 =	vadd.f32 v4, v25  }
0x2c7: {  	v5 =	vadd.f32 v5, v27;
	v6 =	vmul.f32 v6, v31;
	[tilespmem:s16+$0xE200] =	vst v11;
	v4 =	vadd.f32 v7, v9  }
0x2c8: {  	[tilespmem:s16+$0xE280] =	vst v1;
	v1 =	vmul.f32 v2, v31;
	v0 =	vadd.f32 v0, v21;
	v2 =	vadd.f32 v3, v36  }
0x2c9: {  	v3 =	vmul.f32 v5, v31;
	[tilespmem:s16+$0xE300] =	vst v4;
	v4 =	vadd.f32 v6, v21  }
0x2ca: {  	s5 =	sor.u32 s9, s12;
	[tilespmem:s1+$0xE100] =	vst v0;
	v0 =	vadd.f32 v1, v21;
	v1 =	vmul.f32 v2, v31  }
0x2cb: {  	s3 =	sshrl.u32 s5, $0x3;
	v2 =	vadd.f32 v3, v21;
	[tilespmem:s1+$0xE180] =	vst v4  }
0x2cc: {  	s3 =	smul.u32 $0x300, s3;
	v1 =	vadd.f32 v1, v21;
	[tilespmem:s1+$0xE200] =	vst v0  }
0x2cd: {  	[tilespmem:s1+$0xE280] =	vst v2  }
0x2ce: {  	p1 =	seq.s32 s11, $0x7;
	s15 =	sadd.s32 s7, s3;
	[tilespmem:s1+$0xE300] =	vst v1  }
0x2cf: {  	[hbm4b:s15+s8] =	stream.linear.scatter [tilespmem:s24], [sflag:$0x3], $0x3000, $0x38;
	[tilespmem:$0x13E00] =	vst v63  }
0x2d0: {  	v0 =	vld @!p1 [tilespmem:s12+$0x20];
	_ =	sdelay $0x4  }
0x2d1: {  	v1 =	vshrl.u32 @!p1 v0, $0x3  }
0x2d2: {  	v1 =	vmul.u32 @!p1 $0x30, v1  }
0x2d3: {  	v2 =	vlaneseq.u32 @!p1;
	v0 =	vand.u32 @!p1 $0x7, v0  }
0x2d4: {  	v3 =	vshrl.u32 @!p1 v2, $0x3;
	v0 =	vor.u32 @!p1 v0, v1;
	v1 =	vand.u32 @!p1 $0x7, v2  }
0x2d5: {  	v3 =	vmul.u32 @!p1 $0x8, v3;
	v1 =	vperm.xlane @!p1 v0, v1;
	_ =	sdelay $0x1  }
0x2d6: {  	v1 =	vadd.s32 @!p1 v3, v1;
	_ =	sdelay $0x2  }
0x2d7: {  	v2 =	vor.u32 @!p1 $0x8, v2  }
0x2d8: {  	vm1 =	vmmov @!p1 $0xffff;
	s3 =	simm.s32 @!p1 $0x800;
	s1 =	simm.s32 @!p1 $0x0;
	v0 =	vperm.xlane @!p1 v0, v2  }
0x2d9: {  	[tilespmem:s3], [sflag:$0x1] =	stream.indirect_vreg.gather @!p1 [hbm4b:s0+s1], $0x80, v1, vm1, $0xb8;
	[tilespmem:$0x13E00] =	vst v63  }
0x2da: {  	v0 =	vadd.s32 @!p1 v3, v0;
	s3 =	simm.s32 @!p1 $0x1000  }
0x2db: {  	[tilespmem:s3], [sflag:$0x1] =	stream.indirect_vreg.gather @!p1 [hbm4b:s13+s1], $0x80, v1, vm1, $0xb8;
	[tilespmem:$0x13E00] =	vst v63  }
0x2dc: {  	s3 =	simm.s32 @!p1 $0x1800  }
0x2dd: {  	[tilespmem:s3], [sflag:$0x1] =	stream.indirect_vreg.gather @!p1 [hbm4b:s14+s1], $0x80, v1, vm1, $0xb8;
	[tilespmem:$0x13E00] =	vst v63  }
0x2de: {  	s3 =	simm.s32 @!p1 $0x2000  }
0x2df: {  	[tilespmem:s3], [sflag:$0x1] =	stream.indirect_vreg.gather @!p1 [hbm4b:s0+s1], $0x80, v0, vm1, $0xb8;
	[tilespmem:$0x13E00] =	vst v63  }
0x2e0: {  	s3 =	sadd.s32 @!p1 $0x20, s12  }
0x2e1: {  	s5 =	simm.s32 @!p1 $0x2800;
	s3 =	sadd.s32 @!p1 s10, s3  }
0x2e2: {  	[tilespmem:s5], [sflag:$0x1] =	stream.indirect_vreg.gather @!p1 [hbm4b:s13+s1], $0x80, v0, vm1, $0xb8;
	[tilespmem:$0x13E00] =	vst v63  }
0x2e3: {  	s3 =	sshrl.u32 @!p1 s3, $0x3  }
0x2e4: {  	s5 =	simm.s32 @!p1 $0x3000;
	s3 =	smul.u32 @!p1 $0x300, s3  }
0x2e5: {  	[tilespmem:s5], [sflag:$0x1] =	stream.indirect_vreg.gather @!p1 [hbm4b:s14+s1], $0x80, v0, vm1, $0xb8;
	[tilespmem:$0x13E00] =	vst v63  }
0x2e6: {  	s5 =	simm.s32 @!p1 $0x6800;
	s3 =	sadd.s32 @!p1 s2, s3  }
0x2e7: {  	[tilespmem:s5], [sflag:$0x1] =	stream.linear.gather @!p1 [hbm4b:s3+s1], $0x3000, $0x38;
	[tilespmem:$0x13E00] =	vst v63  }
0x2e8: {  	_ =	swait.ge [sflag:s25], $0x3000  }
0x2e9: {  	[sflag:s25] =	ssyncset.done $0x0  }
0x2ea: {  	[sflag:s25] =	ssyncadd.s32 $0xFFFFD000  }
0x2eb: {  	_ =	swait.ge [sflag:s25], $0x3000  }
0x2ec: {  	[sflag:s25] =	ssyncset.done $0x0  }
0x2ed: {  	s1 =	simm.s32 @!p0 $0x4;
	[sflag:s25] =	ssyncadd.s32 $0xFFFFD000  }
0x2ee: {  	_ =	swait.ge @!p0 [sflag:s1], $0x3000  }
0x2ef: {  	[sflag:s1] =	ssyncset.done @!p0 $0x0  }
0x2f0: {  	[sflag:s1] =	ssyncadd.s32 @!p0 $0xFFFFD000  }
0x2f1: {  	v4 =	vld [tilespmem:s12+$0x110];
	_ =	sdelay $0x4  }
0x2f2: {  	v0 =	vperm.xlane v4, v53;
	_ =	sdelay $0x1  }
0x2f3: {  	v1 =	vshrl.u32 v0, $0x1  }
0x2f4: {  	s3 =	simm.s32 $0x0;
	v0 =	vshll.u32 v0, $0x7;
	v1 =	vmul.u32 $0x600, v1  }
0x2f5: {  	v2 =	vmov s3;
	v0 =	vand.u32 $0x80, v0  }
0x2f6: {  	v2 =	vshll.u32 v2, $0x1;
	v46 =	vor.u32 v0, v1;
	v0 =	vlaneseq.u32  }
0x2f7: {  	v13 =	vand.u32 $0x700, v2;
	v0 =	vor.u32 s3, v0  }
0x2f8: {  	v17 =	vand.u32 $0x7F, v0;
	v0 =	vadd.s32 v46, v13  }
0x2f9: {  	s16 =	sand.u32 $0x70, s3;
	s17 =	sand.u32 $0x1C00, s3;
	v0 =	vor.u32 v17, v0  }
0x2fa: {  	s17 =	sor.u32 s16, s17;
	v2 =	vperm.xlane v4, v54  }
0x2fb: {  	v3 =	vld [tilespmem:s17+$0x9800]  }
0x2fc: {  	v5 =	vshrl.u32 v2, $0x1;
	v1 =	vld [tilespmem:s17+$0x3800]  }
0x2fd: {  	v2 =	vshll.u32 v2, $0x7;
	v5 =	vmul.u32 $0x600, v5  }
0x2fe: {  	v2 =	vand.u32 $0x80, v2;
	v0 =	vld.idx.msk [tilespmem:v0+s21+$0x0], $0xffff  }
0x2ff: {  	v33 =	vor.u32 v2, v5  }
0x300: {  	v2 =	vadd.s32 v33, v13  }
0x301: {  	v2 =	vor.u32 v17, v2;
	v1 =	vadd.f32 v3, v1  }
0x302: {  	v3 =	vperm.xlane v4, v55  }
0x303: {  	v5 =	vld [tilespmem:s17+$0x9880];
	v1 =	vadd.f32 v1, v0  }
0x304: {  	v6 =	vshrl.u32 v3, $0x1;
	v0 =	vld [tilespmem:s17+$0x3880]  }
0x305: {  	v3 =	vshll.u32 v3, $0x7;
	v6 =	vmul.u32 $0x600, v6;
	[tilespmem:s17+$0xF800] =	vst v1  }
0x306: {  	v3 =	vand.u32 $0x80, v3;
	v2 =	vld.idx.msk [tilespmem:v2+s21+$0x0], $0xffff  }
0x307: {  	v47 =	vor.u32 v3, v6  }
0x308: {  	v3 =	vadd.s32 v47, v13  }
0x309: {  	v3 =	vor.u32 v17, v3;
	v0 =	vadd.f32 v5, v0;
	_ =	sdelay $0x1  }
0x30a: {  	v7 =	vld [tilespmem:s17+$0x9900];
	v6 =	vperm.xlane v4, v63;
	v2 =	vadd.f32 v0, v2  }
0x30b: {  	v5 =	vld [tilespmem:s17+$0x3900]  }
0x30c: {  	v9 =	vshrl.u32 v6, $0x1;
	[tilespmem:s17+$0xF880] =	vst v2  }
0x30d: {  	v6 =	vshll.u32 v6, $0x7;
	v9 =	vmul.u32 $0x600, v9;
	v3 =	vld.idx.msk [tilespmem:v3+s21+$0x0], $0xffff  }
0x30e: {  	v6 =	vand.u32 $0x80, v6  }
0x30f: {  	v63 =	vor.u32 v6, v9  }
0x310: {  	v6 =	vadd.s32 v63, v13;
	v5 =	vadd.f32 v7, v5  }
0x311: {  	v6 =	vor.u32 v17, v6  }
0x312: {  	v5 =	vadd.f32 v5, v3;
	v3 =	vperm.xlane v4, v57  }
0x313: {  	v10 =	vld [tilespmem:s17+$0x3980]  }
0x314: {  	v12 =	vld [tilespmem:s17+$0x9980];
	v11 =	vshrl.u32 v3, $0x1  }
0x315: {  	[tilespmem:s17+$0xF900] =	vst v5;
	v3 =	vshll.u32 v3, $0x7;
	v11 =	vmul.u32 $0x600, v11  }
0x316: {  	v3 =	vand.u32 $0x80, v3;
	v6 =	vld.idx.msk [tilespmem:v6+s21+$0x0], $0xffff  }
0x317: {  	v49 =	vor.u32 v3, v11  }
0x318: {  	v3 =	vadd.s32 v49, v13  }
0x319: {  	v10 =	vadd.f32 v12, v10;
	v11 =	vor.u32 v17, v3  }
0x31a: {  	v12 =	vperm.xlane v4, v58  }
0x31b: {  	s1 =	simm.s32 $0x10;
	v9 =	vld [tilespmem:s17+$0x3A00];
	v3 =	vadd.f32 v10, v6  }
0x31c: {  	v15 =	vlaneseq.u32;
	v14 =	vmov s1;
	v6 =	vshrl.u32 v12, $0x1;
	v10 =	vld [tilespmem:s17+$0x9A00]  }
0x31d: {  	v14 =	vshll.u32 v14, $0x1;
	v12 =	vshll.u32 v12, $0x7;
	v6 =	vmul.u32 $0x600, v6;
	[tilespmem:s17+$0xF980] =	vst v3  }
0x31e: {  	s5 =	simm.s32 $0x80;
	v15 =	vor.u32 s1, v15;
	v37 =	vand.u32 $0x700, v14;
	v12 =	vand.u32 $0x80, v12;
	v11 =	vld.idx.msk [tilespmem:v11+s21+$0x0], $0xffff  }
0x31f: {  	s4 =	sand.u32 $0x1C00, s5;
	s19 =	sand.u32 $0x70, s1;
	v36 =	vand.u32 $0x7F, v15;
	v56 =	vor.u32 v12, v6;
	v6 =	vadd.s32 v46, v37  }
0x320: {  	s15 =	sor.u32 s19, s4;
	v6 =	vor.u32 v36, v6;
	v12 =	vadd.s32 v56, v13  }
0x321: {  	v14 =	vld [tilespmem:s15+$0x3800];
	v9 =	vadd.f32 v10, v9;
	v10 =	vor.u32 v17, v12  }
0x322: {  	v0 =	vld [tilespmem:s17+$0x3A80];
	v12 =	vperm.xlane v4, v59  }
0x323: {  	v7 =	vld [tilespmem:s17+$0x9A80];
	v9 =	vadd.f32 v9, v11  }
0x324: {  	v15 =	vshrl.u32 v12, $0x1;
	v11 =	vld [tilespmem:s15+$0x9800]  }
0x325: {  	v12 =	vshll.u32 v12, $0x7;
	v15 =	vmul.u32 $0x600, v15;
	v6 =	vld.idx.msk [tilespmem:v6+s21+$0x0], $0xffff;
	[tilespmem:s17+$0xFA00] =	vst v9  }
0x326: {  	v12 =	vand.u32 $0x80, v12;
	v10 =	vld.idx.msk [tilespmem:v10+s21+$0x0], $0xffff  }
0x327: {  	v59 =	vor.u32 v12, v15  }
0x328: {  	v12 =	vadd.s32 v59, v13  }
0x329: {  	v0 =	vadd.f32 v7, v0;
	v12 =	vor.u32 v17, v12;
	v11 =	vadd.f32 v11, v14  }
0x32a: {  	v8 =	vld [tilespmem:s17+$0x3B00];
	v7 =	vadd.s32 v33, v37  }
0x32b: {  	v15 =	vld [tilespmem:s15+$0x9880];
	v6 =	vadd.f32 v11, v6;
	v11 =	vor.u32 v36, v7;
	v7 =	vadd.f32 v0, v10  }
0x32c: {  	v0 =	vld [tilespmem:s17+$0x9B00]  }
0x32d: {  	v14 =	vld [tilespmem:s15+$0x3880];
	v10 =	vperm.xlane v4, v60;
	[tilespmem:s17+$0xFA80] =	vst v7  }
0x32e: {  	v12 =	vld.idx.msk [tilespmem:v12+s21+$0x0], $0xffff  }
0x32f: {  	v16 =	vshrl.u32 v10, $0x1  }
0x330: {  	v10 =	vshll.u32 v10, $0x7;
	v16 =	vmul.u32 $0x600, v16  }
0x331: {  	v10 =	vand.u32 $0x80, v10;
	v0 =	vadd.f32 v0, v8  }
0x332: {  	[tilespmem:s15+$0xF800] =	vst v6;
	v53 =	vor.u32 v10, v16  }
0x333: {  	v11 =	vld.idx.msk [tilespmem:v11+s21+$0x0], $0xffff;
	v10 =	vadd.f32 v15, v14;
	v14 =	vadd.s32 v53, v13;
	v12 =	vadd.f32 v0, v12  }
0x334: {  	s3 =	sor.u32 s3, s3;
	v14 =	vor.u32 v17, v14  }
0x335: {  	v20 =	vld [tilespmem:s15+$0x9900];
	s3 =	sor.u32 $0x380, s3;
	v15 =	vadd.s32 v47, v37;
	[tilespmem:s17+$0xFB00] =	vst v12  }
0x336: {  	v15 =	vor.u32 v36, v15;
	v16 =	vld [tilespmem:s3+$0x3800]  }
0x337: {  	v18 =	vld [tilespmem:s3+$0x9800]  }
0x338: {  	v19 =	vperm.xlane v4, v61;
	v11 =	vadd.f32 v10, v11;
	v10 =	vld [tilespmem:s15+$0x3900]  }
0x339: {  	v30 =	vimm.s32 $0xF;
	v22 =	vimm.s32 $0xA;
	v14 =	vld.idx.msk [tilespmem:v14+s21+$0x0], $0xffff  }
0x33a: {  	v27 =	vimm.s32 $0xE;
	v26 =	vimm.s32 $0xD;
	v21 =	vshrl.u32 v19, $0x1;
	[tilespmem:s15+$0xF880] =	vst v11  }
0x33b: {  	v24 =	vimm.s32 $0xC;
	v19 =	vshll.u32 v19, $0x7;
	v21 =	vmul.u32 $0x600, v21;
	v15 =	vld.idx.msk [tilespmem:v15+s21+$0x0], $0xffff  }
0x33c: {  	v22 =	vperm.xlane v4, v22;
	v19 =	vand.u32 $0x80, v19;
	v16 =	vadd.f32 v18, v16  }
0x33d: {  	v24 =	vperm.xlane v4, v24;
	v26 =	vperm.xlane v4, v26;
	v54 =	vor.u32 v19, v21  }
0x33e: {  	v18 =	vadd.f32 v20, v10;
	v10 =	vadd.f32 v16, v14;
	v14 =	vadd.s32 v63, v37  }
0x33f: {  	v20 =	vadd.s32 v54, v13;
	v16 =	vperm.xlane v4, v62;
	v23 =	vor.u32 v36, v14  }
0x340: {  	v31 =	vld [tilespmem:s15+$0x9980];
	v20 =	vor.u32 v17, v20;
	v14 =	vadd.f32 v18, v15;
	v18 =	vimm.s32 $0xB  }
0x341: {  	v27 =	vperm.xlane v4, v27;
	v15 =	vld [tilespmem:s15+$0x3980];
	[tilespmem:s3+$0xF800] =	vst v10;
	v18 =	vperm.xlane v4, v18;
	v28 =	vshrl.u32 v16, $0x1  }
0x342: {  	v4 =	vperm.xlane v4, v30;
	v30 =	vshrl.u32 v22, $0x1;
	v16 =	vshll.u32 v16, $0x7;
	v25 =	vld [tilespmem:s17+$0x5000]  }
0x343: {  	v22 =	vshll.u32 v22, $0x7;
	[tilespmem:s15+$0xF900] =	vst v14;
	v29 =	vld [tilespmem:s17+$0xB000];
	v28 =	vmul.u32 $0x600, v28;
	v30 =	vmul.u32 $0x600, v30  }
0x344: {  	v16 =	vand.u32 $0x80, v16;
	v22 =	vand.u32 $0x80, v22;
	v23 =	vld.idx.msk [tilespmem:v23+s21+$0x0], $0xffff  }
0x345: {  	v20 =	vld.idx.msk [tilespmem:v20+s21+$0x0], $0xffff;
	v55 =	vshrl.u32 v18, $0x1;
	v45 =	vor.u32 v16, v28;
	v50 =	vor.u32 v22, v30  }
0x346: {  	v22 =	vmul.u32 $0x600, v55;
	v16 =	vshll.u32 v18, $0x7;
	v18 =	vadd.s32 v49, v37  }
0x347: {  	v15 =	vadd.f32 v31, v15;
	v18 =	vor.u32 v36, v18;
	v28 =	vadd.s32 v45, v13  }
0x348: {  	s29 =	simm.s32 $0x20;
	v21 =	vld [tilespmem:s15+$0x3A00];
	v28 =	vor.u32 v17, v28;
	v25 =	vadd.f32 v29, v25;
	v29 =	vand.u32 $0x80, v16  }
0x349: {  	v57 =	vor.u32 v29, v22;
	v22 =	vld [tilespmem:s15+$0x9A00];
	v15 =	vadd.f32 v15, v23;
	v23 =	vmov s29  }
0x34a: {  	v16 =	vadd.f32 v25, v20;
	v25 =	vld [tilespmem:s17+$0x5080];
	v23 =	vshll.u32 v23, $0x1  }
0x34b: {  	v20 =	vshrl.u32 v24, $0x1;
	[tilespmem:s15+$0xF980] =	vst v15;
	v39 =	vand.u32 $0x700, v23;
	v23 =	vld [tilespmem:s17+$0xB080]  }
0x34c: {  	v35 =	vlaneseq.u32;
	v24 =	vshll.u32 v24, $0x7;
	v20 =	vmul.u32 $0x600, v20;
	[tilespmem:s17+$0x11000] =	vst v16;
	v18 =	vld.idx.msk [tilespmem:v18+s21+$0x0], $0xffff  }
0x34d: {  	s30 =	simm.s32 $0x100;
	v29 =	vor.u32 s29, v35;
	v24 =	vand.u32 $0x80, v24;
	v28 =	vld.idx.msk [tilespmem:v28+s21+$0x0], $0xffff  }
0x34e: {  	s19 =	sand.u32 $0x70, s29;
	s4 =	sand.u32 $0x1C00, s30;
	v19 =	vld [tilespmem:s15+$0x9A80];
	v38 =	vand.u32 $0x7F, v29;
	v52 =	vor.u32 v24, v20;
	v29 =	vadd.s32 v46, v39  }
0x34f: {  	s28 =	sor.u32 s19, s4;
	v8 =	vld [tilespmem:s15+$0x3B00];
	v21 =	vadd.f32 v22, v21;
	v24 =	vor.u32 v38, v29;
	v29 =	vadd.s32 v56, v37  }
0x350: {  	v30 =	vld [tilespmem:s28+$0x3800];
	v20 =	vshrl.u32 v26, $0x1;
	v22 =	vor.u32 v36, v29;
	v23 =	vadd.f32 v23, v25  }
0x351: {  	v31 =	vld [tilespmem:s28+$0x9800];
	v26 =	vshll.u32 v26, $0x7;
	v20 =	vmul.u32 $0x600, v20;
	v18 =	vadd.f32 v21, v18  }
0x352: {  	v0 =	vld [tilespmem:s15+$0x3A80];
	v26 =	vand.u32 $0x80, v26;
	v21 =	vadd.s32 v50, v13;
	v23 =	vadd.f32 v23, v28  }
0x353: {  	v51 =	vor.u32 v26, v20;
	v20 =	vld [tilespmem:s17+$0x5100];
	v21 =	vor.u32 v17, v21;
	[tilespmem:s15+$0xFA00] =	vst v18  }
0x354: {  	v40 =	vimm.f32 $0.0e+00;
	v24 =	vld.idx.msk [tilespmem:v24+s21+$0x0], $0xffff;
	[tilespmem:s17+$0x11080] =	vst v23  }
0x355: {  	v32 =	vadd.f32 v5, v40;
	v5 =	vmul.f32 v5, v5;
	v22 =	vld.idx.msk [tilespmem:v22+s21+$0x0], $0xffff;
	[tilespmem:$0x1FC30] =	vst v33  }
0x356: {  	v30 =	vadd.f32 v31, v30;
	v31 =	vld [tilespmem:s17+$0xB100]  }
0x357: {  	v5 =	vadd.f32 v5, v40;
	v28 =	vadd.s32 v33, v39;
	[tilespmem:$0x1FC40] =	vst v59  }
0x358: {  	v58 =	vmul.f32 v3, v3;
	v3 =	vadd.f32 v3, v40;
	v28 =	vor.u32 v38, v28;
	v21 =	vld.idx.msk [tilespmem:v21+s21+$0x0], $0xffff  }
0x359: {  	v34 =	vadd.s32 v59, v37;
	v43 =	vadd.f32 v12, v40;
	v24 =	vadd.f32 v30, v24  }
0x35a: {  	v12 =	vmul.f32 v12, v12;
	v0 =	vadd.f32 v19, v0;
	v19 =	vor.u32 v36, v34;
	v59 =	vld [tilespmem:s28+$0x3880]  }
0x35b: {  	v48 =	vmul.f32 v6, v6;
	v61 =	vmul.f32 v11, v11;
	v60 =	vld [tilespmem:s15+$0x9B00];
	[tilespmem:s28+$0xF800] =	vst v24;
	v20 =	vadd.f32 v31, v20  }
0x35c: {  	v12 =	vadd.f32 v12, v40;
	v41 =	vadd.s32 v57, v13;
	v0 =	vadd.f32 v0, v22;
	v22 =	vld [tilespmem:s28+$0x9880];
	[tilespmem:$0x1FC50] =	vst v57  }
0x35d: {  	v34 =	vadd.f32 v9, v40;
	v41 =	vor.u32 v17, v41;
	v28 =	vld.idx.msk [tilespmem:v28+s21+$0x0], $0xffff;
	v20 =	vadd.f32 v20, v21  }
0x35e: {  	v26 =	vshrl.u32 v27, $0x1;
	v31 =	vshll.u32 v27, $0x7;
	v27 =	vmul.f32 v7, v7;
	[tilespmem:s15+$0xFA80] =	vst v0;
	v62 =	vld [tilespmem:s17+$0x5180]  }
0x35f: {  	v29 =	vmul.f32 v2, v2;
	v2 =	vadd.f32 v2, v40;
	v19 =	vld.idx.msk [tilespmem:v19+s21+$0x0], $0xffff;
	[tilespmem:s17+$0x11100] =	vst v20  }
0x360: {  	v25 =	vmul.f32 v1, v1;
	v1 =	vadd.f32 v1, v40;
	v21 =	vadd.f32 v27, v40;
	v27 =	vld [tilespmem:s28+$0x3B00];
	[tilespmem:$0x1FC60] =	vst v47  }
0x361: {  	v9 =	vmul.f32 v9, v9;
	v30 =	vadd.f32 v58, v40;
	v22 =	vadd.f32 v22, v59;
	v58 =	vld [tilespmem:s17+$0xB180]  }
0x362: {  	v44 =	vadd.f32 v10, v40;
	v2 =	vadd.f32 v11, v2;
	v57 =	vadd.s32 v47, v39  }
0x363: {  	v11 =	vadd.f32 v6, v1;
	v1 =	vor.u32 v38, v57;
	v22 =	vadd.f32 v22, v28;
	v6 =	vld.idx.msk [tilespmem:v41+s21+$0x0], $0xffff  }
0x364: {  	v32 =	vadd.f32 v14, v32;
	v26 =	vmul.u32 $0x600, v26;
	v25 =	vadd.f32 v25, v40;
	v28 =	vld [tilespmem:s28+$0x3A80]  }
0x365: {  	v8 =	vadd.f32 v60, v8;
	v31 =	vand.u32 $0x80, v31;
	v59 =	vmul.f32 v14, v14;
	v14 =	vld [tilespmem:s28+$0x3900];
	[tilespmem:s28+$0xF880] =	vst v22  }
0x366: {  	v25 =	vadd.f32 v48, v25;
	v48 =	vor.u32 v31, v26;
	v26 =	vld [tilespmem:s28+$0x9900];
	[tilespmem:$0x1FC70] =	vst v52;
	v33 =	vadd.f32 v58, v62  }
0x367: {  	v29 =	vadd.f32 v29, v40;
	v31 =	vadd.s32 v52, v13;
	v8 =	vadd.f32 v8, v19;
	[tilespmem:$0x1FC80] =	vst v53  }
0x368: {  	s1 =	sor.u32 s5, s1;
	v41 =	vld.idx.msk [tilespmem:v1+s21+$0x0], $0xffff;
	v33 =	vadd.f32 v33, v6;
	v6 =	vmul.f32 v16, v16;
	v16 =	vadd.f32 v16, v40  }
0x369: {  	s1 =	sor.u32 $0x380, s1;
	v60 =	vadd.s32 v53, v37;
	v19 =	vmul.f32 v10, v10;
	[tilespmem:s15+$0xFB00] =	vst v8;
	v1 =	vor.u32 v17, v31;
	v10 =	vld [tilespmem:s17+$0x5200]  }
0x36a: {  	v35 =	vor.u32 v36, v60;
	v31 =	vmul.f32 v15, v15;
	v42 =	vld [tilespmem:s1+$0x3800];
	[tilespmem:$0x1FCE0] =	vst v16;
	v6 =	vadd.f32 v6, v40  }
0x36b: {  	v9 =	vadd.f32 v9, v40;
	v7 =	vadd.f32 v7, v40;
	[tilespmem:s17+$0x11180] =	vst v33  }
0x36c: {  	v29 =	vadd.f32 v61, v29;
	v61 =	vshrl.u32 v4, $0x1;
	v16 =	vadd.f32 v31, v30;
	v31 =	vld [tilespmem:s1+$0x9800];
	[tilespmem:$0x1FCF0] =	vst v6  }
0x36d: {  	v34 =	vadd.f32 v18, v34;
	v57 =	vadd.f32 v0, v7;
	v30 =	vmul.f32 v18, v18;
	v18 =	vld [tilespmem:s17+$0xB200]  }
0x36e: {  	v5 =	vadd.f32 v59, v5;
	v15 =	vadd.f32 v15, v3;
	v6 =	vmul.f32 v23, v23;
	v3 =	vld.idx.msk [tilespmem:v1+s21+$0x0], $0xffff  }
0x36f: {  	v4 =	vshll.u32 v4, $0x7;
	v19 =	vadd.f32 v19, v40;
	v52 =	vadd.f32 v30, v9;
	v9 =	vld.idx.msk [tilespmem:v35+s21+$0x0], $0xffff  }
0x370: {  	[tilespmem:$0x1FC90] =	vst v63;
	v63 =	vadd.s32 v63, v39;
	v60 =	vadd.f32 v6, v40;
	v6 =	vadd.f32 v26, v14  }
0x371: {  	v62 =	vmul.f32 v0, v0;
	v1 =	vadd.f32 v23, v40;
	v30 =	vld [tilespmem:s28+$0x9A80];
	v23 =	vor.u32 v38, v63  }
0x372: {  	v0 =	vmul.f32 v22, v22;
	v35 =	vadd.f32 v6, v41;
	v41 =	vld [tilespmem:s28+$0x3A00];
	[tilespmem:$0x1FCA0] =	vst v51;
	v6 =	vadd.s32 v51, v13  }
0x373: {  	v55 =	vadd.f32 v62, v21;
	v7 =	vor.u32 v17, v6;
	v6 =	vadd.f32 v31, v42;
	v31 =	vld [tilespmem:s28+$0x9980]  }
0x374: {  	v4 =	vand.u32 $0x80, v4;
	v62 =	vadd.f32 v0, v29;
	v0 =	vld [tilespmem:s17+$0x5280];
	v10 =	vadd.f32 v18, v10  }
0x375: {  	v53 =	vmul.f32 v20, v20;
	v58 =	vadd.f32 v8, v43;
	v29 =	vadd.s32 v45, v37;
	v18 =	vld [tilespmem:s28+$0x3980];
	[tilespmem:s28+$0xF900] =	vst v35  }
0x376: {  	v59 =	vmul.u32 $0x600, v61;
	v21 =	vadd.f32 v10, v3;
	v3 =	vmul.f32 v8, v8;
	v8 =	vld.idx.msk [tilespmem:v23+s21+$0x0], $0xffff;
	[tilespmem:$0x1FCB0] =	vst v54  }
0x377: {  	v23 =	vadd.f32 v6, v9;
	v6 =	vadd.s32 v54, v37;
	v9 =	vadd.f32 v20, v40;
	v20 =	vld [tilespmem:s17+$0xB280]  }
0x378: {  	v26 =	vmul.f32 v24, v24;
	[tilespmem:s17+$0x11200] =	vst v21;
	v3 =	vadd.f32 v3, v12;
	v12 =	vor.u32 v36, v6  }
0x379: {  	v14 =	vor.u32 v4, v59;
	v6 =	vadd.f32 v22, v2;
	[tilespmem:s1+$0xF800] =	vst v23;
	v22 =	vld.idx.msk [tilespmem:v7+s21+$0x0], $0xffff  }
0x37a: {  	v63 =	vadd.f32 v24, v11;
	v4 =	vadd.s32 v49, v39;
	v11 =	vld [tilespmem:s15+$0x5000];
	v18 =	vadd.f32 v31, v18  }
0x37b: {  	v61 =	vadd.f32 v26, v25;
	v25 =	vor.u32 v38, v4;
	v2 =	vmul.f32 v35, v35;
	v24 =	vld [tilespmem:s15+$0xB000]  }
0x37c: {  	v0 =	vadd.f32 v20, v0;
	v20 =	vadd.f32 v18, v8;
	v8 =	vadd.s32 v48, v13  }
0x37d: {  	v2 =	vadd.f32 v2, v5;
	v5 =	vmul.f32 v23, v23;
	v12 =	vld.idx.msk [tilespmem:v12+s21+$0x0], $0xffff;
	v8 =	vor.u32 v17, v8  }
0x37e: {  	s31 =	simm.s32 $0x30;
	v26 =	vmul.f32 v33, v33;
	v4 =	vadd.f32 v23, v44;
	[tilespmem:$0x1FCC0] =	vst v48;
	v0 =	vadd.f32 v0, v22  }
0x37f: {  	v23 =	vlaneseq.u32;
	v5 =	vadd.f32 v5, v19;
	v19 =	vmov s31;
	v18 =	vld [tilespmem:s28+$0x9A00];
	[tilespmem:s28+$0xF980] =	vst v20  }
0x380: {  	v19 =	vshll.u32 v19, $0x1;
	v11 =	vadd.f32 v24, v11;
	v22 =	vld [tilespmem:s17+$0x5300];
	v24 =	vor.u32 s31, v23;
	[tilespmem:s17+$0x11280] =	vst v0  }
0x381: {  	v31 =	vmul.f32 v20, v20;
	v23 =	vand.u32 $0x700, v19;
	v25 =	vld.idx.msk [tilespmem:v25+s21+$0x0], $0xffff;
	[tilespmem:$0x1FCD0] =	vst v45;
	v45 =	vor.u32 v36, v29  }
0x382: {  	v29 =	vand.u32 $0x7F, v24;
	v11 =	vadd.f32 v11, v12;
	v12 =	vadd.s32 v46, v23;
	v47 =	vld.idx.msk [tilespmem:v8+s21+$0x0], $0xffff  }
0x383: {  	v8 =	vadd.f32 v31, v16;
	v16 =	vadd.f32 v26, v40;
	v26 =	vor.u32 v29, v12;
	v12 =	vld [tilespmem:$0x1FCE0];
	_ =	sdelay $0x3  }
0x384: {  	[tilespmem:s15+$0x11000] =	vst v11  }
0x385: {  	v31 =	vmul.f32 v11, v11;
	v12 =	vadd.f32 v11, v12;
	v11 =	vld [tilespmem:$0x1FCF0]  }
0x386: {  	v19 =	vld [tilespmem:s17+$0xB300]  }
0x387: {  	v59 =	vadd.f32 v35, v32;
	v10 =	vadd.f32 v53, v40  }
0x388: {  	s1 =	simm.s32 $0x180;
	v7 =	vadd.f32 v33, v40;
	v18 =	vadd.f32 v18, v41  }
0x389: {  	s16 =	sand.u32 $0x70, s31;
	v54 =	vmovc v49;
	s19 =	sand.u32 $0x1C00, s1;
	v48 =	vadd.s32 v56, v39;
	v15 =	vadd.f32 v20, v15;
	v49 =	vmul.f32 v0, v0;
	v35 =	vld [tilespmem:s15+$0x5080]  }
0x38a: {  	s19 =	sor.u32 s16, s19;
	v24 =	vld [tilespmem:s15+$0xB080];
	v25 =	vadd.f32 v18, v25;
	v11 =	vadd.f32 v31, v11;
	v31 =	vor.u32 v38, v48  }
0x38b: {  	v41 =	vld [tilespmem:s19+$0x3800];
	v18 =	vadd.f32 v21, v40;
	v21 =	vmul.f32 v21, v21;
	[tilespmem:$0x1FD00] =	vst v14;
	v19 =	vadd.f32 v19, v22  }
0x38c: {  	v20 =	vld.idx.msk [tilespmem:v45+s21+$0x0], $0xffff;
	v22 =	vadd.s32 v14, v13;
	v13 =	vadd.f32 v25, v34;
	v51 =	vmul.f32 v25, v25  }
0x38d: {  	v44 =	vld [tilespmem:s19+$0x9800];
	v34 =	vor.u32 v17, v22;
	[tilespmem:s28+$0xFA00] =	vst v25;
	v22 =	vadd.f32 v21, v40;
	v21 =	vadd.f32 v49, v40  }
0x38e: {  	v43 =	vld.idx.msk [tilespmem:v26+s21+$0x0], $0xffff;
	v25 =	vadd.s32 v50, v37;
	v33 =	vadd.f32 v19, v47;
	v17 =	vadd.f32 v51, v52  }
0x38f: {  	v26 =	vimm.f32 $0.0e+00;
	v19 =	vadd.f32 v0, v40;
	v0 =	vadd.f32 v24, v35;
	v42 =	vld.idx.msk [tilespmem:v31+s21+$0x0], $0xffff  }
0x390: {  	s5 =	simm.s32 $0x40;
	v53 =	vmovc v46;
	s16 =	sor.u32 $0x10, s12;
	v14 =	vmovc v50;
	v35 =	vor.u32 v36, v25;
	v24 =	vimm.f32 $0.0e+00;
	v25 =	vimm.f32 $0.0e+00;
	v31 =	vld [tilespmem:s17+$0x5380]  }
.LBB2_7:
0x391: {  	v32 =	vmov v36;
	v36 =	vmov v38;
	v38 =	vmov v29;
	v29 =	vld [tilespmem:$0x1FC30]  }
0x392: {  	v49 =	vld [tilespmem:$0x1FC40]  }
0x393: {  	v45 =	vld [tilespmem:s17+$0xB380]  }
0x394: {  	v46 =	vld [tilespmem:$0x1FC50];
	[tilespmem:s17+$0x11300] =	vst v33  }
0x395: {  	v0 =	vadd.f32 v0, v20;
	v20 =	vld.idx.msk [tilespmem:v34+s21+$0x0], $0xffff  }
0x396: {  	v52 =	vmul.f32 v33, v33;
	v34 =	vld [tilespmem:s15+$0x5100];
	v29 =	vadd.s32 v29, v23  }
0x397: {  	v48 =	vadd.f32 v44, v41;
	v50 =	vld [tilespmem:s15+$0xB100];
	[tilespmem:s15+$0x11080] =	vst v0;
	v41 =	vadd.s32 v49, v39;
	v29 =	vor.u32 v38, v29  }
0x398: {  	v28 =	vadd.f32 v30, v28;
	v40 =	vadd.f32 v33, v40;
	v35 =	vld.idx.msk [tilespmem:v35+s21+$0x0], $0xffff;
	v30 =	vor.u32 v36, v41  }
0x399: {  	v26 =	vadd.f32 v52, v26;
	v33 =	vadd.f32 v48, v43;
	v43 =	vld [tilespmem:s28+$0x9B00]  }
0x39a: {  	v42 =	vadd.f32 v28, v42;
	v31 =	vadd.f32 v45, v31;
	v52 =	vld [tilespmem:s19+$0x3880]  }
0x39b: {  	v28 =	vld [tilespmem:s19+$0x9880];
	[tilespmem:s19+$0xF800] =	vst v33  }
0x39c: {  	v46 =	vadd.s32 v46, v37;
	v20 =	vadd.f32 v31, v20;
	v29 =	vld.idx.msk [tilespmem:v29+s21+$0x0], $0xffff;
	[tilespmem:s28+$0xFA80] =	vst v42  }
0x39d: {  	v48 =	vor.u32 v32, v46;
	v30 =	vld.idx.msk [tilespmem:v30+s21+$0x0], $0xffff  }
0x39e: {  	v31 =	vadd.f32 v50, v34;
	v50 =	vmul.f32 v20, v20;
	v24 =	vadd.f32 v20, v24;
	[tilespmem:s17+$0x11380] =	vst v20;
	v20 =	vld [tilespmem:$0x1FC60];
	_ =	sdelay $0x1  }
0x39f: {  	v31 =	vadd.f32 v31, v35;
	v28 =	vadd.f32 v28, v52;
	v52 =	vld [tilespmem:$0x1FC80];
	s17 =	smov.u32 s15;
	s15 =	smov.u32 s28;
	s28 =	smov.u32 s19  }
0x3a0: {  	v47 =	vld [tilespmem:s28+$0x3B00]  }
0x3a1: {  	v51 =	vmul.f32 v0, v0;
	v1 =	vadd.f32 v0, v1;
	v0 =	vld [tilespmem:s17+$0x5180];
	[tilespmem:s17+$0x11100] =	vst v31  }
0x3a2: {  	v35 =	vmul.f32 v31, v31;
	v9 =	vadd.f32 v31, v9;
	v31 =	vld.idx.msk [tilespmem:v48+s21+$0x0], $0xffff;
	v20 =	vadd.s32 v20, v23  }
0x3a3: {  	v48 =	vld [tilespmem:$0x1FC70];
	v20 =	vor.u32 v38, v20  }
0x3a4: {  	v60 =	vadd.f32 v51, v60;
	v43 =	vadd.f32 v43, v27;
	v51 =	vld [tilespmem:s17+$0xB180]  }
0x3a5: {  	v49 =	vmul.f32 v42, v42;
	v34 =	vld [tilespmem:s28+$0x3900];
	v29 =	vadd.f32 v28, v29  }
0x3a6: {  	v28 =	vld [tilespmem:s28+$0x3A80];
	v30 =	vadd.f32 v43, v30  }
0x3a7: {  	s3 =	sor.u32 s30, s29;
	v55 =	vadd.f32 v49, v55;
	v43 =	vld [tilespmem:s28+$0x9900];
	[tilespmem:s28+$0xF880] =	vst v29  }
0x3a8: {  	s3 =	sor.u32 $0x380, s3;
	v25 =	vadd.f32 v50, v25;
	v46 =	vadd.s32 v48, v37;
	v20 =	vld.idx.msk [tilespmem:v20+s21+$0x0], $0xffff;
	[tilespmem:s15+$0xFB00] =	vst v30  }
0x3a9: {  	v44 =	vadd.s32 v52, v39;
	v0 =	vadd.f32 v51, v0;
	v49 =	vor.u32 v32, v46;
	v50 =	vld [tilespmem:s3+$0x3800]  }
0x3aa: {  	v44 =	vor.u32 v36, v44;
	v51 =	vld [tilespmem:s3+$0x9800]  }
0x3ab: {  	v58 =	vadd.f32 v30, v58;
	v0 =	vadd.f32 v0, v31;
	v30 =	vmul.f32 v30, v30;
	v31 =	vld [tilespmem:s17+$0x5200]  }
0x3ac: {  	v10 =	vadd.f32 v35, v10;
	v35 =	vmul.f32 v29, v29;
	v6 =	vadd.f32 v29, v6;
	v29 =	vld [tilespmem:s17+$0xB200]  }
0x3ad: {  	[tilespmem:s17+$0x11180] =	vst v0;
	v3 =	vadd.f32 v30, v3;
	v30 =	vld [tilespmem:$0x1FC90]  }
0x3ae: {  	v52 =	vld.idx.msk [tilespmem:v49+s21+$0x0], $0xffff  }
0x3af: {  	v49 =	vld [tilespmem:$0x1FCA0]  }
0x3b0: {  	v7 =	vadd.f32 v0, v7;
	v34 =	vadd.f32 v43, v34;
	v0 =	vmul.f32 v0, v0;
	v48 =	vld.idx.msk [tilespmem:v44+s21+$0x0], $0xffff  }
0x3b1: {  	v43 =	vld [tilespmem:s28+$0x3980]  }
0x3b2: {  	v16 =	vadd.f32 v0, v16;
	v0 =	vadd.f32 v34, v20;
	v20 =	vld [tilespmem:s28+$0x3A00];
	v30 =	vadd.s32 v30, v23  }
0x3b3: {  	v57 =	vadd.f32 v42, v57;
	v27 =	vmovc v47;
	v42 =	vadd.f32 v51, v50;
	v50 =	vld [tilespmem:$0x1FCB0];
	v47 =	vor.u32 v38, v30  }
0x3b4: {  	v29 =	vadd.f32 v29, v31;
	v34 =	vadd.s32 v49, v37;
	v30 =	vld [tilespmem:s28+$0x9A80]  }
0x3b5: {  	[tilespmem:s28+$0xF900] =	vst v0;
	v59 =	vadd.f32 v0, v59;
	v0 =	vmul.f32 v0, v0;
	v31 =	vor.u32 v32, v34;
	v34 =	vld [tilespmem:s28+$0x9980]  }
0x3b6: {  	v29 =	vadd.f32 v29, v52;
	v51 =	vld [tilespmem:s17+$0x5280]  }
0x3b7: {  	v41 =	vmul.f32 v33, v33;
	v52 =	vld [tilespmem:s17+$0xB280];
	v2 =	vadd.f32 v0, v2;
	v0 =	vadd.f32 v42, v48  }
0x3b8: {  	v62 =	vadd.f32 v35, v62;
	v48 =	vadd.s32 v54, v23;
	v35 =	vld.idx.msk [tilespmem:v47+s21+$0x0], $0xffff;
	[tilespmem:s17+$0x11200] =	vst v29  }
0x3b9: {  	v63 =	vadd.f32 v33, v63;
	v44 =	vadd.s32 v50, v39;
	v50 =	vor.u32 v38, v48;
	v48 =	vld [tilespmem:$0x1FCD0];
	[tilespmem:s3+$0xF800] =	vst v0  }
0x3ba: {  	v18 =	vadd.f32 v29, v18;
	v33 =	vor.u32 v36, v44;
	v29 =	vmul.f32 v29, v29;
	v31 =	vld.idx.msk [tilespmem:v31+s21+$0x0], $0xffff  }
0x3bb: {  	v44 =	vld [tilespmem:s15+$0x5000]  }
0x3bc: {  	v22 =	vadd.f32 v29, v22;
	v29 =	vld [tilespmem:$0x1FCC0]  }
0x3bd: {  	s30 =	smov.u32 s1;
	s1 =	sadd.s32 $0x80, s1;
	v49 =	vmul.f32 v0, v0;
	v4 =	vadd.f32 v0, v4;
	v34 =	vadd.f32 v34, v43;
	v0 =	vld [tilespmem:s15+$0xB000]  }
0x3be: {  	s4 =	sand.u32 $0x1C00, s1;
	s19 =	sand.u32 $0x70, s5  }
0x3bf: {  	s19 =	sor.u32 s19, s4;
	v42 =	vadd.f32 v52, v51;
	v51 =	vlaneseq.u32;
	v33 =	vld.idx.msk [tilespmem:v33+s21+$0x0], $0xffff;
	v35 =	vadd.f32 v34, v35  }
0x3c0: {  	v61 =	vadd.f32 v41, v61;
	v5 =	vadd.f32 v49, v5;
	v52 =	vor.u32 s5, v51;
	v41 =	vld [tilespmem:s19+$0x3800]  }
0x3c1: {  	v48 =	vadd.s32 v48, v39;
	v34 =	vld [tilespmem:s28+$0x9A00];
	v29 =	vadd.s32 v29, v37;
	[tilespmem:s28+$0xF980] =	vst v35;
	v31 =	vadd.f32 v42, v31  }
0x3c2: {  	v0 =	vadd.f32 v0, v44;
	v45 =	vor.u32 v32, v29;
	v29 =	vmov s5;
	v43 =	vld.idx.msk [tilespmem:v50+s21+$0x0], $0xffff  }
0x3c3: {  	v47 =	vmul.f32 v35, v35;
	v42 =	vor.u32 v36, v48;
	v48 =	vld [tilespmem:s17+$0x5300];
	v29 =	vshll.u32 v29, $0x1  }
0x3c4: {  	v50 =	vld [tilespmem:s17+$0xB300];
	v46 =	vmul.f32 v31, v31;
	v0 =	vadd.f32 v0, v33;
	v49 =	vand.u32 $0x700, v29  }
0x3c5: {  	[tilespmem:s17+$0x11280] =	vst v31;
	v8 =	vadd.f32 v47, v8;
	v47 =	vld [tilespmem:$0x1FD00];
	v29 =	vand.u32 $0x7F, v52;
	v52 =	vadd.s32 v53, v49  }
0x3c6: {  	v21 =	vadd.f32 v46, v21;
	v46 =	vld [tilespmem:s15+$0xB080];
	v51 =	vor.u32 v29, v52;
	v52 =	vadd.s32 v56, v23  }
0x3c7: {  	v20 =	vadd.f32 v34, v20;
	v33 =	vld.idx.msk [tilespmem:v45+s21+$0x0], $0xffff;
	v45 =	vor.u32 v38, v52  }
0x3c8: {  	p0 =	sne.s32 s5, $0x2F0;
	v15 =	vadd.f32 v35, v15;
	v12 =	vadd.f32 v0, v12;
	v52 =	vld [tilespmem:s15+$0x5080];
	[tilespmem:s15+$0x11000] =	vst v0;
	v0 =	vmul.f32 v0, v0  }
.Ltmp4:
0x3c9: {  	v19 =	vadd.f32 v31, v19;
	v31 =	vadd.f32 v20, v43;
	v20 =	vld.idx.msk [tilespmem:v42+s21+$0x0], $0xffff;
	(pc) =	sbr.rel @p0 .LBB2_7-.Ltmp4, $4  }
0x3ca: {  	v34 =	vadd.s32 v47, v37;
	v44 =	vld [tilespmem:s19+$0x9800];
	v37 =	vmovc v39;
	v11 =	vadd.f32 v0, v11;
	v0 =	vadd.f32 v50, v48  }
0x3cb: {  	v39 =	vmov v23;
	v13 =	vadd.f32 v31, v13;
	v43 =	vld.idx.msk [tilespmem:v51+s21+$0x0], $0xffff;
	[tilespmem:s28+$0xFA00] =	vst v31;
	v31 =	vmul.f32 v31, v31  }
0x3cc: {  	v34 =	vor.u32 v32, v34;
	v51 =	vadd.s32 v14, v37;
	v42 =	vld.idx.msk [tilespmem:v45+s21+$0x0], $0xffff;
	v33 =	vadd.f32 v0, v33  }
0x3cd: {  	s29 =	smov.u32 s31;
	s31 =	smov.u32 s5;
	s5 =	sadd.s32 $0x10, s5;
	v23 =	vmovc v49;
	v0 =	vadd.f32 v46, v52;
	v35 =	vor.u32 v36, v51;
	v17 =	vadd.f32 v31, v17;
	v31 =	vld [tilespmem:s17+$0x5380]  }
0x3ce: {  	_ = 	snop  }
0x3cf: {  	v32 =	vadd.f32 v44, v41;
	v44 =	vld [tilespmem:$0x1FC30];
	_ =	sdelay $0x4  }
0x3d0: {  	v43 =	vadd.f32 v32, v43;
	v41 =	vadd.s32 v44, v23  }
0x3d1: {  	v45 =	vor.u32 v29, v41  }
0x3d2: {  	[tilespmem:$0x1FB70] =	vst v43  }
0x3d3: {  	v46 =	vld [tilespmem:s19+$0x3880]  }
0x3d4: {  	[tilespmem:s19+$0xF800] =	vst v43;
	v47 =	vld [tilespmem:s19+$0x9880]  }
0x3d5: {  	v48 =	vld [tilespmem:$0x1FC60]  }
0x3d6: {  	v32 =	vld.idx.msk [tilespmem:v45+s21+$0x0], $0xffff;
	_ =	sdelay $0x2  }
0x3d7: {  	v41 =	vadd.f32 v47, v46  }
0x3d8: {  	v43 =	vadd.s32 v48, v23  }
0x3d9: {  	v49 =	vor.u32 v29, v43;
	v41 =	vadd.f32 v41, v32;
	_ =	sdelay $0x1  }
0x3da: {  	v45 =	vld [tilespmem:s19+$0x3B00];
	[tilespmem:$0x1FB50] =	vst v41  }
0x3db: {  	v50 =	vld [tilespmem:s19+$0x3900]  }
0x3dc: {  	[tilespmem:s19+$0xF880] =	vst v41;
	v46 =	vld [tilespmem:s19+$0x9900]  }
0x3dd: {  	v32 =	vld.idx.msk [tilespmem:v49+s21+$0x0], $0xffff  }
0x3de: {  	v41 =	vld [tilespmem:$0x1FC90];
	_ =	sdelay $0x2  }
0x3df: {  	v44 =	vadd.f32 v46, v50;
	_ =	sdelay $0x1  }
0x3e0: {  	v51 =	vadd.s32 v41, v23;
	v52 =	vadd.f32 v44, v32  }
0x3e1: {  	v43 =	vld [tilespmem:s19+$0x3A80];
	v53 =	vor.u32 v29, v51  }
0x3e2: {  	v47 =	vld [tilespmem:s19+$0x9A80];
	[tilespmem:$0x1FB80] =	vst v52  }
0x3e3: {  	v48 =	vld [tilespmem:s19+$0x3980]  }
0x3e4: {  	v49 =	vld [tilespmem:s19+$0x9980]  }
0x3e5: {  	[tilespmem:s19+$0xF900] =	vst v52  }
0x3e6: {  	v32 =	vld.idx.msk [tilespmem:v53+s21+$0x0], $0xffff;
	_ =	sdelay $0x2  }
0x3e7: {  	v48 =	vadd.f32 v49, v48  }
0x3e8: {  	v50 =	vadd.s32 v54, v23  }
0x3e9: {  	v44 =	vor.u32 v29, v50;
	v51 =	vadd.f32 v48, v32;
	_ =	sdelay $0x1  }
0x3ea: {  	v46 =	vld [tilespmem:s19+$0x3A00];
	[tilespmem:$0x1FBA0] =	vst v51  }
0x3eb: {  	v52 =	vld [tilespmem:s19+$0x9A00]  }
0x3ec: {  	[tilespmem:s19+$0xF980] =	vst v51  }
0x3ed: {  	v53 =	vld.idx.msk [tilespmem:v44+s21+$0x0], $0xffff;
	_ =	sdelay $0x2  }
0x3ee: {  	v32 =	vadd.f32 v52, v46;
	_ =	sdelay $0x1  }
0x3ef: {  	v54 =	vadd.s32 v56, v23;
	v32 =	vadd.f32 v32, v53  }
0x3f0: {  	v56 =	vor.u32 v29, v54  }
0x3f1: {  	[tilespmem:$0x1FBB0] =	vst v32  }
0x3f2: {  	[tilespmem:s19+$0xFA00] =	vst v32  }
0x3f3: {  	v41 =	vld [tilespmem:$0x1FC40];
	_ =	sdelay $0x1  }
0x3f4: {  	v28 =	vadd.f32 v30, v28;
	v46 =	vld.idx.msk [tilespmem:v56+s21+$0x0], $0xffff;
	_ =	sdelay $0x1  }
0x3f5: {  	v30 =	vadd.f32 v28, v42  }
0x3f6: {  	v48 =	vadd.f32 v47, v43;
	v44 =	vadd.s32 v41, v39  }
0x3f7: {  	[tilespmem:$0x1FB40] =	vst v30;
	v28 =	vadd.s32 v41, v23;
	v32 =	vor.u32 v38, v44  }
0x3f8: {  	[tilespmem:s28+$0xFA80] =	vst v30;
	v30 =	vadd.f32 v48, v46;
	v28 =	vor.u32 v29, v28;
	_ =	sdelay $0x1  }
0x3f9: {  	v49 =	vld [tilespmem:s28+$0x9B00];
	[tilespmem:$0x1FBD0] =	vst v30  }
0x3fa: {  	v50 =	vld [tilespmem:s19+$0x9B00]  }
0x3fb: {  	[tilespmem:s19+$0xFA80] =	vst v30;
	v32 =	vld.idx.msk [tilespmem:v32+s21+$0x0], $0xffff  }
0x3fc: {  	v51 =	vld.idx.msk [tilespmem:v28+s21+$0x0], $0xffff  }
0x3fd: {  	v28 =	vld [tilespmem:$0x1FC80]  }
0x3fe: {  	v27 =	vadd.f32 v49, v27;
	_ =	sdelay $0x1  }
0x3ff: {  	v30 =	vadd.f32 v27, v32  }
0x400: {  	v53 =	vadd.f32 v50, v45  }
0x401: {  	v52 =	vadd.s32 v28, v39;
	[tilespmem:$0x1FB60] =	vst v30  }
0x402: {  	v27 =	vor.u32 v38, v52;
	[tilespmem:s28+$0xFB00] =	vst v30;
	v30 =	vadd.f32 v53, v51  }
0x403: {  	s3 =	sor.u32 s30, s29  }
0x404: {  	s3 =	sor.u32 $0x380, s3;
	[tilespmem:$0x1FBE0] =	vst v30  }
0x405: {  	v54 =	vadd.s32 v28, v23;
	v56 =	vld [tilespmem:s3+$0x3800]  }
0x406: {  	s1 =	sor.u32 s1, s31;
	v32 =	vor.u32 v29, v54;
	v41 =	vld [tilespmem:s3+$0x9800]  }
0x407: {  	s1 =	sor.u32 $0x380, s1;
	v27 =	vld.idx.msk [tilespmem:v27+s21+$0x0], $0xffff;
	[tilespmem:s19+$0xFB00] =	vst v30  }
0x408: {  	v42 =	vld [tilespmem:s1+$0x3800]  }
0x409: {  	v43 =	vld [tilespmem:s1+$0x9800]  }
0x40a: {  	v28 =	vld [tilespmem:$0x1FCB0]  }
0x40b: {  	v32 =	vld.idx.msk [tilespmem:v32+s21+$0x0], $0xffff;
	v45 =	vadd.f32 v41, v56;
	_ =	sdelay $0x1  }
0x40c: {  	v30 =	vadd.f32 v45, v27  }
0x40d: {  	v51 =	vadd.f32 v43, v42  }
0x40e: {  	v50 =	vadd.s32 v28, v39;
	[tilespmem:$0x1FB90] =	vst v30  }
0x40f: {  	v27 =	vor.u32 v38, v50;
	[tilespmem:s3+$0xF800] =	vst v30;
	v30 =	vadd.f32 v51, v32;
	_ =	sdelay $0x1  }
0x410: {  	[tilespmem:$0x1FBF0] =	vst v30  }
0x411: {  	v52 =	vadd.s32 v28, v23;
	v53 =	vld [tilespmem:s28+$0x5000]  }
0x412: {  	v45 =	vor.u32 v29, v52;
	v54 =	vld [tilespmem:s28+$0xB000]  }
0x413: {  	v27 =	vld.idx.msk [tilespmem:v27+s21+$0x0], $0xffff;
	[tilespmem:s1+$0xF800] =	vst v30  }
0x414: {  	v56 =	vld [tilespmem:s19+$0x5000]  }
0x415: {  	v32 =	vld [tilespmem:s19+$0xB000]  }
0x416: {  	v28 =	vld [tilespmem:$0x1FCD0]  }
0x417: {  	v45 =	vld.idx.msk [tilespmem:v45+s21+$0x0], $0xffff;
	_ =	sdelay $0x1  }
0x418: {  	v46 =	vadd.f32 v54, v53  }
0x419: {  	v42 =	vadd.f32 v32, v56  }
0x41a: {  	v41 =	vadd.s32 v28, v39;
	v53 =	vadd.f32 v46, v27  }
0x41b: {  	v56 =	vadd.s32 v28, v23;
	v27 =	vor.u32 v38, v41;
	v28 =	vadd.f32 v42, v45  }
0x41c: {  	[tilespmem:s28+$0x11000] =	vst v53  }
0x41d: {  	v43 =	vld [tilespmem:s28+$0x5080];
	[tilespmem:$0x1FC00] =	vst v28  }
0x41e: {  	v48 =	vor.u32 v29, v56;
	v32 =	vld [tilespmem:s28+$0xB080]  }
0x41f: {  	v52 =	vld [tilespmem:s19+$0x5080]  }
0x420: {  	v27 =	vld.idx.msk [tilespmem:v27+s21+$0x0], $0xffff  }
0x421: {  	v46 =	vadd.f32 v0, v20;
	v0 =	vld [tilespmem:s19+$0xB080]  }
0x422: {  	[tilespmem:s19+$0x11000] =	vst v28  }
0x423: {  	v48 =	vld.idx.msk [tilespmem:v48+s21+$0x0], $0xffff;
	v47 =	vadd.f32 v32, v43;
	_ =	sdelay $0x1  }
0x424: {  	v28 =	vadd.f32 v47, v27  }
0x425: {  	v20 =	vld [tilespmem:s15+$0x5100];
	[tilespmem:s15+$0x11080] =	vst v46;
	v0 =	vadd.f32 v0, v52  }
0x426: {  	v42 =	vadd.s32 v14, v39;
	v41 =	vld [tilespmem:s15+$0xB100];
	[tilespmem:$0x1FBC0] =	vst v28  }
0x427: {  	v43 =	vor.u32 v38, v42;
	v27 =	vld.idx.msk [tilespmem:v35+s21+$0x0], $0xffff;
	[tilespmem:s28+$0x11080] =	vst v28;
	v28 =	vadd.f32 v0, v48  }
0x428: {  	v32 =	vadd.s32 v14, v23;
	v14 =	vld [tilespmem:$0x1FC50]  }
0x429: {  	v52 =	vld [tilespmem:s28+$0x5100];
	[tilespmem:$0x1FC10] =	vst v28  }
0x42a: {  	v48 =	vld [tilespmem:s28+$0xB100]  }
0x42b: {  	v0 =	vor.u32 v29, v32  }
0x42c: {  	v20 =	vadd.f32 v41, v20;
	v47 =	vld.idx.msk [tilespmem:v43+s21+$0x0], $0xffff  }
0x42d: {  	v41 =	vld [tilespmem:s19+$0x5100];
	v35 =	vadd.s32 v14, v37  }
0x42e: {  	v44 =	vadd.f32 v20, v27;
	v20 =	vld [tilespmem:s19+$0xB100];
	v50 =	vor.u32 v36, v35  }
0x42f: {  	[tilespmem:s19+$0x11080] =	vst v28;
	v48 =	vadd.f32 v48, v52  }
0x430: {  	v27 =	vld.idx.msk [tilespmem:v0+s21+$0x0], $0xffff  }
0x431: {  	v30 =	vld [tilespmem:s15+$0x5180];
	v52 =	vadd.f32 v48, v47  }
0x432: {  	v28 =	vld [tilespmem:s15+$0xB180];
	[tilespmem:s15+$0x11100] =	vst v44  }
0x433: {  	v20 =	vadd.f32 v20, v41;
	v43 =	vld.idx.msk [tilespmem:v50+s21+$0x0], $0xffff;
	[tilespmem:s28+$0x11100] =	vst v52  }
0x434: {  	v0 =	vadd.s32 v14, v39;
	v50 =	vadd.s32 v14, v23;
	v14 =	vld [tilespmem:$0x1FC70]  }
0x435: {  	v0 =	vor.u32 v38, v0;
	v51 =	vadd.f32 v20, v27;
	_ =	sdelay $0x1  }
0x436: {  	v48 =	vld [tilespmem:s28+$0x5180];
	[tilespmem:$0x1FC20] =	vst v51  }
0x437: {  	v27 =	vld [tilespmem:s28+$0xB180]  }
0x438: {  	v28 =	vadd.f32 v28, v30;
	v30 =	vadd.s32 v14, v37  }
0x439: {  	v20 =	vor.u32 v29, v50;
	v32 =	vor.u32 v36, v30;
	v30 =	vld.idx.msk [tilespmem:v0+s21+$0x0], $0xffff  }
0x43a: {  	v54 =	vld [tilespmem:s19+$0x5180]  }
0x43b: {  	v56 =	vld [tilespmem:s19+$0xB180]  }
0x43c: {  	v41 =	vld [tilespmem:s15+$0xB200];
	v27 =	vadd.f32 v27, v48  }
0x43d: {  	[tilespmem:s19+$0x11100] =	vst v51;
	v47 =	vld [tilespmem:s28+$0x5200];
	v43 =	vadd.f32 v28, v43;
	v0 =	vadd.s32 v14, v39  }
0x43e: {  	v20 =	vld.idx.msk [tilespmem:v20+s21+$0x0], $0xffff;
	v0 =	vor.u32 v38, v0;
	v50 =	vadd.f32 v27, v30  }
0x43f: {  	v28 =	vld [tilespmem:s15+$0x5200];
	[tilespmem:s15+$0x11180] =	vst v43  }
0x440: {  	v30 =	vadd.f32 v56, v54;
	v54 =	vld [tilespmem:s28+$0xB200];
	[tilespmem:s28+$0x11180] =	vst v50  }
0x441: {  	v42 =	vadd.s32 v14, v23;
	v14 =	vld [tilespmem:$0x1FCA0]  }
0x442: {  	v32 =	vld.idx.msk [tilespmem:v32+s21+$0x0], $0xffff  }
0x443: {  	v51 =	vadd.f32 v30, v20;
	v20 =	vor.u32 v29, v42;
	v42 =	vld.idx.msk [tilespmem:v0+s21+$0x0], $0xffff  }
0x444: {  	v49 =	vld [tilespmem:s19+$0xB200]  }
0x445: {  	v28 =	vadd.f32 v41, v28;
	v27 =	vld [tilespmem:s19+$0x5200]  }
0x446: {  	v30 =	vld [tilespmem:s15+$0x5280];
	v47 =	vadd.f32 v54, v47;
	v45 =	vadd.s32 v14, v37  }
0x447: {  	[tilespmem:s17+$0x11300] =	vst v33;
	v41 =	vadd.f32 v28, v32;
	v54 =	vld [tilespmem:s15+$0xB280];
	v0 =	vadd.s32 v14, v39;
	v48 =	vor.u32 v36, v45  }
0x448: {  	[tilespmem:s19+$0x11180] =	vst v51;
	v32 =	vld [tilespmem:s28+$0x5280];
	v45 =	vadd.f32 v47, v42;
	v28 =	vor.u32 v38, v0  }
0x449: {  	[tilespmem:s15+$0x11200] =	vst v41;
	v20 =	vld.idx.msk [tilespmem:v20+s21+$0x0], $0xffff  }
0x44a: {  	v0 =	vld [tilespmem:s28+$0xB280];
	[tilespmem:s28+$0x11200] =	vst v45  }
0x44b: {  	v56 =	vadd.s32 v14, v23;
	v14 =	vld [tilespmem:$0x1FCC0]  }
0x44c: {  	v27 =	vadd.f32 v49, v27;
	v47 =	vld.idx.msk [tilespmem:v48+s21+$0x0], $0xffff  }
0x44d: {  	v28 =	vld.idx.msk [tilespmem:v28+s21+$0x0], $0xffff  }
0x44e: {  	v49 =	vadd.f32 v27, v20;
	v20 =	vor.u32 v29, v56  }
0x44f: {  	v30 =	vadd.f32 v54, v30;
	v54 =	vld [tilespmem:s19+$0x5280]  }
0x450: {  	v56 =	vld [tilespmem:s19+$0xB280];
	v0 =	vadd.f32 v0, v32  }
0x451: {  	v27 =	vld [tilespmem:s15+$0x5300];
	v42 =	vadd.s32 v14, v37;
	v35 =	vadd.f32 v30, v47  }
0x452: {  	v48 =	vld.idx.msk [tilespmem:v34+s21+$0x0], $0xffff;
	[tilespmem:s19+$0x11200] =	vst v49;
	v34 =	vor.u32 v36, v42;
	v42 =	vadd.f32 v0, v28  }
0x453: {  	v32 =	vld.idx.msk [tilespmem:v20+s21+$0x0], $0xffff;
	[tilespmem:s15+$0x11280] =	vst v35  }
0x454: {  	v28 =	vld [tilespmem:s15+$0xB300];
	[tilespmem:s28+$0x11280] =	vst v42  }
0x455: {  	v20 =	vadd.s32 v14, v39;
	v47 =	vadd.f32 v56, v54;
	v54 =	vadd.s32 v14, v23;
	v14 =	vld [tilespmem:$0x1FD00]  }
0x456: {  	v56 =	vld [tilespmem:s28+$0x5300]  }
0x457: {  	v20 =	vor.u32 v38, v20;
	v0 =	vld [tilespmem:s17+$0xB380]  }
0x458: {  	v54 =	vor.u32 v29, v54;
	v34 =	vld.idx.msk [tilespmem:v34+s21+$0x0], $0xffff  }
0x459: {  	v30 =	vld [tilespmem:s19+$0x5300]  }
0x45a: {  	v47 =	vadd.f32 v47, v32;
	v32 =	vld [tilespmem:s28+$0xB300];
	v37 =	vadd.s32 v14, v37  }
0x45b: {  	v27 =	vadd.f32 v28, v27;
	v28 =	vor.u32 v36, v37;
	v36 =	vld [tilespmem:s19+$0xB300]  }
0x45c: {  	v20 =	vld.idx.msk [tilespmem:v20+s21+$0x0], $0xffff;
	[tilespmem:s19+$0x11280] =	vst v47  }
0x45d: {  	v27 =	vadd.f32 v27, v34;
	v34 =	vadd.f32 v33, v40;
	v40 =	vmul.f32 v33, v33;
	v37 =	vld.idx.msk [tilespmem:v54+s21+$0x0], $0xffff  }
0x45e: {  	v0 =	vadd.f32 v0, v31  }
0x45f: {  	v31 =	vadd.f32 v32, v56;
	v32 =	vld [tilespmem:s15+$0x5380];
	v33 =	vadd.f32 v40, v26;
	v26 =	vadd.s32 v14, v39  }
0x460: {  	v39 =	vld [tilespmem:s19+$0x5380];
	v56 =	vor.u32 v38, v26;
	v30 =	vadd.f32 v36, v30  }
0x461: {  	[tilespmem:s15+$0x11300] =	vst v27;
	v26 =	vadd.f32 v31, v20;
	v31 =	vld [tilespmem:s28+$0x5380];
	v36 =	vadd.f32 v46, v1;
	v1 =	vadd.s32 v14, v23  }
0x462: {  	v20 =	vld.idx.msk [tilespmem:v28+s21+$0x0], $0xffff;
	v29 =	vor.u32 v29, v1;
	v1 =	vadd.f32 v30, v37  }
0x463: {  	v54 =	vmul.f32 v46, v46;
	[tilespmem:s28+$0x11300] =	vst v26;
	v23 =	vld [tilespmem:s15+$0xB380]  }
0x464: {  	v46 =	vld [tilespmem:$0x1FB40];
	[tilespmem:s19+$0x11300] =	vst v1  }
0x465: {  	v28 =	vadd.f32 v54, v60;
	v30 =	vmul.f32 v44, v44;
	v60 =	vld [tilespmem:$0x1FB50]  }
0x466: {  	v37 =	vld [tilespmem:s28+$0xB380]  }
0x467: {  	v0 =	vadd.f32 v0, v48;
	v10 =	vadd.f32 v30, v10;
	v30 =	vld.idx.msk [tilespmem:v56+s21+$0x0], $0xffff  }
0x468: {  	v56 =	vld [tilespmem:s19+$0xB380]  }
0x469: {  	v40 =	vadd.f32 v46, v57;
	v57 =	vld [tilespmem:$0x1FB60];
	[tilespmem:s17+$0x11380] =	vst v0  }
0x46a: {  	v23 =	vadd.f32 v23, v32;
	v48 =	vmul.f32 v60, v60;
	v6 =	vadd.f32 v60, v6;
	v60 =	vld [tilespmem:$0x1FB70]  }
0x46b: {  	v29 =	vld.idx.msk [tilespmem:v29+s21+$0x0], $0xffff  }
0x46c: {  	v31 =	vadd.f32 v37, v31;
	v20 =	vadd.f32 v23, v20;
	_ =	sdelay $0x1  }
0x46d: {  	v23 =	vadd.f32 v31, v30;
	v30 =	vadd.f32 v56, v39;
	[tilespmem:s15+$0x11380] =	vst v20  }
0x46e: {  	v38 =	vadd.f32 v48, v62;
	v62 =	vld [tilespmem:$0x1FB80];
	v31 =	vmul.f32 v60, v60  }
0x46f: {  	v29 =	vadd.f32 v30, v29  }
0x470: {  	[tilespmem:s28+$0x11380] =	vst v23;
	v31 =	vadd.f32 v31, v61  }
0x471: {  	[tilespmem:s19+$0x11380] =	vst v29  }
0x472: {  	[tilespmem:$0x13600] =	vst v31;
	v31 =	vld [tilespmem:$0x1FBA0]  }
0x473: {  	v30 =	vmul.f32 v62, v62;
	_ =	sdelay $0x1  }
0x474: {  	v2 =	vadd.f32 v30, v2;
	v30 =	vmul.f32 v41, v41;
	_ =	sdelay $0x1  }
0x475: {  	v22 =	vadd.f32 v30, v22;
	v30 =	vmul.f32 v31, v31;
	v15 =	vadd.f32 v31, v15;
	v31 =	vld [tilespmem:$0x1FBB0];
	_ =	sdelay $0x2  }
0x476: {  	v24 =	vadd.f32 v0, v24  }
0x477: {  	v14 =	vmul.f32 v0, v0;
	v0 =	vadd.f32 v43, v7;
	v7 =	vmul.f32 v43, v43;
	[tilespmem:$0x13700] =	vst v2  }
0x478: {  	[tilespmem:$0x12F80] =	vst v15;
	v15 =	vadd.f32 v27, v34;
	v2 =	vadd.f32 v31, v13;
	v13 =	vmul.f32 v27, v27;
	v27 =	vld [tilespmem:$0x1FBC0]  }
0x479: {  	v7 =	vadd.f32 v7, v16;
	v16 =	vadd.f32 v62, v59  }
0x47a: {  	[tilespmem:$0x12E80] =	vst v6  }
0x47b: {  	v6 =	vadd.f32 v53, v12;
	v12 =	vmul.f32 v53, v53;
	[tilespmem:$0x12F00] =	vst v16;
	v16 =	vmul.f32 v31, v31;
	_ =	sdelay $0x1  }
0x47c: {  	v11 =	vadd.f32 v12, v11;
	v12 =	vadd.f32 v16, v17;
	v17 =	vld [tilespmem:$0x1FBD0];
	v16 =	vmul.f32 v27, v27;
	_ =	sdelay $0x1  }
0x47d: {  	v14 =	vadd.f32 v14, v25;
	v25 =	vmul.f32 v46, v46;
	[tilespmem:$0x13000] =	vst v2;
	v2 =	vadd.f32 v16, v28;
	v16 =	vld [tilespmem:$0x1FBE0]  }
0x47e: {  	v8 =	vadd.f32 v30, v8  }
0x47f: {  	v25 =	vadd.f32 v25, v55  }
0x480: {  	v58 =	vadd.f32 v57, v58;
	v32 =	vadd.f32 v60, v63;
	v63 =	vld [tilespmem:$0x1FB90];
	[tilespmem:$0x13780] =	vst v8;
	v8 =	vmul.f32 v17, v17;
	_ =	sdelay $0x1  }
0x481: {  	[tilespmem:$0x13800] =	vst v12;
	v8 =	vadd.f32 v8, v25;
	v25 =	vld [tilespmem:$0x1FBF0];
	v12 =	vmul.f32 v16, v16;
	v16 =	vadd.f32 v16, v58;
	_ =	sdelay $0x1  }
0x482: {  	[tilespmem:$0x13100] =	vst v16;
	v16 =	vld [tilespmem:$0x1FC00]  }
0x483: {  	v43 =	vmul.f32 v63, v63;
	_ =	sdelay $0x1  }
0x484: {  	v5 =	vadd.f32 v43, v5;
	[tilespmem:$0x13880] =	vst v8;
	v8 =	vmul.f32 v25, v25;
	_ =	sdelay $0x1  }
0x485: {  	v5 =	vadd.f32 v8, v5;
	v8 =	vmul.f32 v16, v16  }
0x486: {  	v48 =	vmul.f32 v57, v57;
	v17 =	vadd.f32 v17, v40  }
0x487: {  	v8 =	vadd.f32 v8, v11;
	v11 =	vld [tilespmem:$0x1FC10]  }
0x488: {  	v3 =	vadd.f32 v48, v3;
	[tilespmem:$0x13080] =	vst v17;
	v17 =	vadd.f32 v20, v24;
	v20 =	vmul.f32 v20, v20;
	_ =	sdelay $0x1  }
0x489: {  	v3 =	vadd.f32 v12, v3;
	v12 =	vadd.f32 v20, v14;
	v14 =	vmul.f32 v52, v52;
	_ =	sdelay $0x1  }
0x48a: {  	[tilespmem:$0x13900] =	vst v3;
	v3 =	vadd.f32 v14, v10;
	v10 =	vmul.f32 v11, v11  }
0x48b: {  	v4 =	vadd.f32 v63, v4  }
0x48c: {  	v0 =	vadd.f32 v50, v0;
	v2 =	vadd.f32 v10, v2;
	v10 =	vld [tilespmem:$0x1FC20]  }
0x48d: {  	v4 =	vadd.f32 v25, v4  }
0x48e: {  	v0 =	vadd.f32 v51, v0  }
0x48f: {  	v9 =	vadd.f32 v44, v9;
	[tilespmem:$0x13180] =	vst v4;
	v4 =	vmul.f32 v50, v50;
	v6 =	vadd.f32 v16, v6  }
0x490: {  	v18 =	vadd.f32 v41, v18;
	[tilespmem:$0x13380] =	vst v0;
	v24 =	vadd.f32 v27, v36  }
0x491: {  	v19 =	vadd.f32 v35, v19;
	v4 =	vadd.f32 v4, v7;
	[tilespmem:$0x13200] =	vst v6;
	v6 =	vmul.f32 v10, v10  }
0x492: {  	v44 =	vmul.f32 v35, v35;
	[tilespmem:$0x13980] =	vst v5;
	v7 =	vadd.f32 v45, v18;
	v5 =	vadd.f32 v11, v24  }
0x493: {  	[tilespmem:$0x13A00] =	vst v8;
	v8 =	vmul.f32 v45, v45;
	v3 =	vadd.f32 v6, v3;
	v6 =	vmul.f32 v51, v51  }
0x494: {  	v21 =	vadd.f32 v44, v21;
	v7 =	vadd.f32 v49, v7;
	[tilespmem:$0x13280] =	vst v5;
	v5 =	vmul.f32 v42, v42  }
0x495: {  	[tilespmem:$0x13A80] =	vst v2;
	v2 =	vadd.f32 v8, v22;
	v4 =	vadd.f32 v6, v4;
	v6 =	vmul.f32 v49, v49  }
0x496: {  	v13 =	vadd.f32 v13, v33;
	[tilespmem:$0x13400] =	vst v7;
	v5 =	vadd.f32 v5, v21;
	v8 =	vmul.f32 v26, v26  }
0x497: {  	[tilespmem:$0x13B00] =	vst v3;
	v3 =	vadd.f32 v42, v19;
	v2 =	vadd.f32 v6, v2;
	v6 =	vmul.f32 v47, v47  }
0x498: {  	v0 =	vadd.f32 v26, v15;
	v7 =	vmul.f32 v23, v23;
	[tilespmem:$0x13B80] =	vst v4;
	v4 =	vadd.f32 v8, v13  }
0x499: {  	v3 =	vadd.f32 v47, v3;
	v5 =	vadd.f32 v6, v5;
	v6 =	vmul.f32 v1, v1  }
0x49a: {  	v0 =	vadd.f32 v1, v0  }
0x49b: {  	[tilespmem:$0x13480] =	vst v3;
	v1 =	vadd.f32 v7, v12;
	v3 =	vadd.f32 v6, v4;
	v4 =	vmul.f32 v29, v29  }
0x49c: {  	[tilespmem:$0x13680] =	vst v38  }
0x49d: {  	v9 =	vadd.f32 v52, v9;
	[tilespmem:$0x13500] =	vst v0;
	v0 =	vadd.f32 v4, v1;
	v1 =	vld [tilespmem:$0x1FEC0]  }
0x49e: {  	[tilespmem:$0x13C00] =	vst v2  }
0x49f: {  	v9 =	vadd.f32 v10, v9;
	v2 =	vadd.f32 v23, v17;
	[tilespmem:$0x13D00] =	vst v3;
	v3 =	vld [tilespmem:$0x1FE00]  }
0x4a0: {  	[tilespmem:$0x12E00] =	vst v32  }
0x4a1: {  	[tilespmem:$0x13300] =	vst v9;
	v2 =	vadd.f32 v29, v2  }
0x4a2: {  	[tilespmem:$0x13C80] =	vst v5  }
0x4a3: {  	v7 =	vld [tilespmem:$0x1FE20];
	[tilespmem:$0x13580] =	vst v2  }
0x4a4: {  	v8 =	vld [tilespmem:$0x1FE30];
	[tilespmem:$0x13D80] =	vst v0  }
0x4a5: {  	v0 =	vld.idx.msk [tilespmem:v1+s22+$0x0], $0xffff  }
0x4a6: {  	v1 =	vld.idx.msk [tilespmem:v1+s23+$0x0], $0xffff  }
0x4a7: {  	v2 =	vld.idx.msk [tilespmem:v3+s22+$0x0], $0xffff;
	_ =	sdelay $0x1  }
0x4a8: {  	v3 =	vld.idx.msk [tilespmem:v3+s23+$0x0], $0xffff  }
0x4a9: {  	v5 =	vld [tilespmem:$0x1FE10];
	v0 =	vadd.f32 $0.0e+00, v0  }
0x4aa: {  	v6 =	vld.idx.msk [tilespmem:v7+s22+$0x0], $0xffff  }
0x4ab: {  	v1 =	vadd.f32 $0.0e+00, v1;
	v0 =	vadd.f32 v2, v0;
	v2 =	vld.idx.msk [tilespmem:v7+s23+$0x0], $0xffff  }
0x4ac: {  	v7 =	vld.idx.msk [tilespmem:v8+s22+$0x0], $0xffff  }
0x4ad: {  	v1 =	vadd.f32 v3, v1;
	v3 =	vld.idx.msk [tilespmem:v8+s23+$0x0], $0xffff  }
0x4ae: {  	v8 =	vld [tilespmem:$0x1FE40];
	_ =	sdelay $0x2  }
0x4af: {  	v4 =	vld.idx.msk [tilespmem:v5+s22+$0x0], $0xffff  }
0x4b0: {  	v5 =	vld.idx.msk [tilespmem:v5+s23+$0x0], $0xffff;
	_ =	sdelay $0x3  }
0x4b1: {  	v0 =	vadd.f32 v4, v0;
	v4 =	vld.idx.msk [tilespmem:v8+s22+$0x0], $0xffff  }
0x4b2: {  	v1 =	vadd.f32 v5, v1;
	v5 =	vld.idx.msk [tilespmem:v8+s23+$0x0], $0xffff  }
0x4b3: {  	v8 =	vld [tilespmem:$0x1FE50];
	_ =	sdelay $0x7  }
0x4b4: {  	v0 =	vadd.f32 v6, v0;
	v6 =	vld.idx.msk [tilespmem:v8+s22+$0x0], $0xffff  }
0x4b5: {  	v1 =	vadd.f32 v2, v1;
	v2 =	vld.idx.msk [tilespmem:v8+s23+$0x0], $0xffff  }
0x4b6: {  	v8 =	vld [tilespmem:$0x1FE60];
	_ =	sdelay $0x7  }
0x4b7: {  	v0 =	vadd.f32 v7, v0;
	v7 =	vld.idx.msk [tilespmem:v8+s22+$0x0], $0xffff  }
0x4b8: {  	v1 =	vadd.f32 v3, v1;
	v3 =	vld.idx.msk [tilespmem:v8+s23+$0x0], $0xffff  }
0x4b9: {  	v8 =	vld [tilespmem:$0x1FE70];
	_ =	sdelay $0x7  }
0x4ba: {  	v0 =	vadd.f32 v4, v0;
	v4 =	vld.idx.msk [tilespmem:v8+s22+$0x0], $0xffff  }
0x4bb: {  	v1 =	vadd.f32 v5, v1;
	v5 =	vld.idx.msk [tilespmem:v8+s23+$0x0], $0xffff  }
0x4bc: {  	v8 =	vld [tilespmem:$0x1FE80];
	_ =	sdelay $0x7  }
0x4bd: {  	v0 =	vadd.f32 v6, v0;
	v6 =	vld.idx.msk [tilespmem:v8+s22+$0x0], $0xffff  }
0x4be: {  	v1 =	vadd.f32 v2, v1;
	v2 =	vld.idx.msk [tilespmem:v8+s23+$0x0], $0xffff  }
0x4bf: {  	v8 =	vld [tilespmem:$0x1FE90];
	_ =	sdelay $0x7  }
0x4c0: {  	v0 =	vadd.f32 v7, v0;
	v7 =	vld.idx.msk [tilespmem:v8+s22+$0x0], $0xffff  }
0x4c1: {  	v1 =	vadd.f32 v3, v1;
	v3 =	vld.idx.msk [tilespmem:v8+s23+$0x0], $0xffff  }
0x4c2: {  	v8 =	vld [tilespmem:$0x1FEA0];
	_ =	sdelay $0x7  }
0x4c3: {  	v0 =	vadd.f32 v4, v0;
	v4 =	vld.idx.msk [tilespmem:v8+s22+$0x0], $0xffff  }
0x4c4: {  	v1 =	vadd.f32 v5, v1;
	v5 =	vld.idx.msk [tilespmem:v8+s23+$0x0], $0xffff  }
0x4c5: {  	v8 =	vld [tilespmem:$0x1FEB0];
	_ =	sdelay $0x7  }
0x4c6: {  	v0 =	vadd.f32 v6, v0;
	v6 =	vld.idx.msk [tilespmem:v8+s22+$0x0], $0xffff  }
0x4c7: {  	v1 =	vadd.f32 v2, v1;
	v2 =	vld.idx.msk [tilespmem:v8+s23+$0x0], $0xffff  }
0x4c8: {  	v8 =	vld [tilespmem:$0x1FED0];
	_ =	sdelay $0x7  }
0x4c9: {  	v0 =	vadd.f32 v7, v0;
	v7 =	vld.idx.msk [tilespmem:v8+s22+$0x0], $0xffff  }
0x4ca: {  	v1 =	vadd.f32 v3, v1;
	v3 =	vld.idx.msk [tilespmem:v8+s23+$0x0], $0xffff  }
0x4cb: {  	v8 =	vld [tilespmem:$0x1FEE0];
	_ =	sdelay $0x7  }
0x4cc: {  	v0 =	vadd.f32 v4, v0;
	v4 =	vld.idx.msk [tilespmem:v8+s22+$0x0], $0xffff  }
0x4cd: {  	v1 =	vadd.f32 v5, v1;
	v5 =	vld.idx.msk [tilespmem:v8+s23+$0x0], $0xffff  }
0x4ce: {  	v8 =	vld [tilespmem:$0x1FEF0];
	_ =	sdelay $0x6  }
0x4cf: {  	v0 =	vadd.f32 v6, v0  }
0x4d0: {  	v6 =	vld.idx.msk [tilespmem:v8+s22+$0x0], $0xffff  }
0x4d1: {  	v1 =	vadd.f32 v2, v1;
	v0 =	vadd.f32 v7, v0  }
0x4d2: {  	v2 =	vld.idx.msk [tilespmem:v8+s23+$0x0], $0xffff  }
0x4d3: {  	v1 =	vadd.f32 v3, v1;
	v0 =	vadd.f32 v4, v0;
	_ =	sdelay $0x1  }
0x4d4: {  	v1 =	vadd.f32 v5, v1;
	v0 =	vadd.f32 v6, v0;
	_ =	sdelay $0x1  }
0x4d5: {  	v1 =	vadd.f32 v2, v1;
	v0 =	vmul.f32 $1.302083370e-03, v0;
	_ =	sdelay $0x1  }
0x4d6: {  	v1 =	vmul.f32 $1.302083370e-03, v1;
	v2 =	vmul.f32 v0, v0;
	_ =	sdelay $0x1  }
0x4d7: {  	v1 =	vsub.f32 v1, v2;
	_ =	sdelay $0x1  }
0x4d8: {  	v1 =	vadd.f32 $9.999999960e-13, v1;
	_ =	sdelay $0x1  }
0x4d9: {  	v2 =	vshrl.u32 v1, $0x1;
	v1 =	vmul.f32 $5.000000000e-01, v1  }
0x4da: {  	v2 =	vsub.s32 $0x5F3759DF, v2  }
0x4db: {  	v3 =	vmul.f32 v2, v1;
	_ =	sdelay $0x1  }
0x4dc: {  	v3 =	vmul.f32 v2, v3;
	_ =	sdelay $0x1  }
0x4dd: {  	v3 =	vsub.f32 $1.500000000e+00, v3;
	_ =	sdelay $0x1  }
0x4de: {  	v2 =	vmul.f32 v2, v3;
	_ =	sdelay $0x1  }
0x4df: {  	v3 =	vmul.f32 v2, v1;
	_ =	sdelay $0x1  }
0x4e0: {  	v3 =	vmul.f32 v3, v2;
	_ =	sdelay $0x1  }
0x4e1: {  	v3 =	vsub.f32 $1.500000000e+00, v3;
	_ =	sdelay $0x1  }
0x4e2: {  	v2 =	vmul.f32 v3, v2;
	_ =	sdelay $0x1  }
0x4e3: {  	v3 =	vmul.f32 v2, v1;
	_ =	sdelay $0x1  }
0x4e4: {  	v3 =	vmul.f32 v3, v2;
	_ =	sdelay $0x1  }
0x4e5: {  	v3 =	vsub.f32 $1.500000000e+00, v3;
	_ =	sdelay $0x1  }
0x4e6: {  	v2 =	vmul.f32 v3, v2;
	_ =	sdelay $0x1  }
0x4e7: {  	v1 =	vmul.f32 v2, v1;
	_ =	sdelay $0x1  }
0x4e8: {  	v1 =	vmul.f32 v1, v2;
	_ =	sdelay $0x1  }
0x4e9: {  	s1 =	simm.s32 $0x0;
	v1 =	vsub.f32 $1.500000000e+00, v1  }
0x4ea: {  	s4 =	sand.u32 $0x70, s1;
	s5 =	sand.u32 $0x1C00, s1  }
0x4eb: {  	v54 =	vimm.s32 $0x1;
	s15 =	sor.u32 s4, s5;
	v0 =	vsub.f32 $0.0e+00, v0;
	v9 =	vmul.f32 v1, v2  }
0x4ec: {  	v55 =	vimm.s32 $0x2;
	v56 =	vimm.s32 $0x3;
	v53 =	vimm.s32 $0x0;
	v4 =	vld [tilespmem:s15+$0xF980]  }
0x4ed: {  	v57 =	vimm.s32 $0x4;
	v5 =	vld [tilespmem:s15+$0xFA00];
	v29 =	vmul.f32 v9, v0;
	v20 =	vperm.xlane v9, v53  }
0x4ee: {  	v59 =	vimm.s32 $0x6;
	v2 =	vld [tilespmem:s15+$0xF800];
	v16 =	vperm.xlane v9, v54;
	v17 =	vperm.xlane v9, v55  }
0x4ef: {  	v58 =	vimm.s32 $0x5;
	v0 =	vld [tilespmem:s15+$0xF880];
	v18 =	vperm.xlane v9, v56;
	v15 =	vperm.xlane v9, v57  }
0x4f0: {  	v3 =	vld [tilespmem:s15+$0xF900];
	v19 =	vperm.xlane v9, v58;
	v13 =	vperm.xlane v9, v59  }
0x4f1: {  	s5 =	simm.s32 $0x12800;
	v6 =	vld [tilespmem:s15+$0xFA80];
	v30 =	vperm.xlane v29, v53;
	v28 =	vperm.xlane v29, v54  }
0x4f2: {  	v1 =	vld [tilespmem:s5+$0x0];
	v27 =	vperm.xlane v29, v55;
	v25 =	vperm.xlane v29, v56  }
0x4f3: {  	s17 =	simm.s32 $0x12B00;
	v8 =	vld [tilespmem:s15+$0xFB00];
	v21 =	vperm.xlane v29, v57;
	v7 =	vmul.f32 v2, v20  }
0x4f4: {  	v23 =	vperm.xlane v29, v58;
	v2 =	vld [tilespmem:s17+$0x0];
	v0 =	vmul.f32 v0, v16  }
0x4f5: {  	v22 =	vperm.xlane v29, v59;
	v3 =	vmul.f32 v3, v17;
	v7 =	vadd.f32 v7, v30  }
0x4f6: {  	v4 =	vmul.f32 v4, v18;
	v5 =	vmul.f32 v5, v15;
	v0 =	vadd.f32 v0, v28  }
0x4f7: {  	v6 =	vmul.f32 v6, v19;
	v3 =	vadd.f32 v3, v27;
	v7 =	vmul.f32 v7, v1  }
0x4f8: {  	v8 =	vmul.f32 v8, v13;
	v4 =	vadd.f32 v4, v25;
	v0 =	vmul.f32 v0, v1  }
0x4f9: {  	v5 =	vadd.f32 v5, v21;
	v3 =	vmul.f32 v3, v1;
	v7 =	vadd.f32 v7, v2  }
0x4fa: {  	v6 =	vadd.f32 v6, v23;
	v4 =	vmul.f32 v4, v1;
	v0 =	vadd.f32 v0, v2  }
0x4fb: {  	v5 =	vmul.f32 v5, v1;
	v3 =	vadd.f32 v3, v2;
	[tilespmem:s15+$0xF800] =	vst v7;
	v7 =	vadd.f32 v8, v22  }
0x4fc: {  	[tilespmem:s15+$0xF880] =	vst v0;
	v0 =	vadd.f32 v4, v2;
	v4 =	vmul.f32 v6, v1  }
0x4fd: {  	[tilespmem:s15+$0xF900] =	vst v3;
	v3 =	vadd.f32 v5, v2;
	v5 =	vmul.f32 v7, v1  }
0x4fe: {  	[tilespmem:s15+$0xF980] =	vst v0;
	v0 =	vadd.f32 v4, v2  }
0x4ff: {  	[tilespmem:s15+$0xFA00] =	vst v3;
	v3 =	vadd.f32 v5, v2  }
0x500: {  	s29 =	simm.s32 $0x80;
	s3 =	simm.s32 $0x10;
	s1 =	sor.u32 s1, s1;
	[tilespmem:s15+$0xFA80] =	vst v0  }
0x501: {  	s1 =	sor.u32 $0x380, s1;
	s4 =	sand.u32 $0x1C00, s29;
	s19 =	sand.u32 $0x70, s3;
	[tilespmem:s15+$0xFB00] =	vst v3  }
0x502: {  	s17 =	sor.u32 s19, s4;
	v3 =	vld [tilespmem:s1+$0xF800]  }
0x503: {  	v12 =	vld [tilespmem:s17+$0xF880]  }
0x504: {  	v46 =	vimm.s32 $0xF;
	v60 =	vimm.s32 $0x7;
	v14 =	vld [tilespmem:s17+$0xF900]  }
0x505: {  	v61 =	vimm.s32 $0x8;
	v40 =	vimm.s32 $0x9;
	v32 =	vperm.xlane v9, v60;
	v24 =	vld [tilespmem:s17+$0xF980]  }
0x506: {  	v41 =	vimm.s32 $0xB;
	v11 =	vperm.xlane v9, v61;
	v10 =	vperm.xlane v9, v40;
	v0 =	vld [tilespmem:s17+$0xF800]  }
0x507: {  	v63 =	vimm.s32 $0xA;
	v33 =	vperm.xlane v29, v60;
	v26 =	vld [tilespmem:s17+$0xFA00];
	v49 =	vmul.f32 v3, v32  }
0x508: {  	v42 =	vimm.s32 $0xC;
	v31 =	vperm.xlane v9, v46;
	v48 =	vld [tilespmem:s17+$0xFA80];
	v12 =	vmul.f32 v12, v16  }
0x509: {  	s19 =	simm.s32 $0x12810;
	v50 =	vld [tilespmem:s17+$0xFB00];
	v14 =	vmul.f32 v14, v17;
	v7 =	vperm.xlane v9, v63;
	v35 =	vadd.f32 v49, v33  }
0x50a: {  	v43 =	vimm.s32 $0xD;
	v8 =	vld [tilespmem:s19+$0x0];
	v6 =	vperm.xlane v9, v41;
	v4 =	vperm.xlane v9, v42  }
0x50b: {  	v45 =	vimm.s32 $0xE;
	s5 =	simm.s32 $0x12B10;
	v0 =	vmul.f32 v0, v20;
	v35 =	vmul.f32 v35, v1  }
0x50c: {  	v5 =	vperm.xlane v9, v43;
	v3 =	vperm.xlane v9, v45;
	v9 =	vld [tilespmem:s5+$0x0]  }
0x50d: {  	v24 =	vmul.f32 v24, v18;
	v0 =	vadd.f32 v0, v30;
	v35 =	vadd.f32 v35, v2  }
0x50e: {  	v26 =	vmul.f32 v26, v15;
	v34 =	vmul.f32 v48, v19;
	v12 =	vadd.f32 v12, v28  }
0x50f: {  	v36 =	vmul.f32 v50, v13;
	v14 =	vadd.f32 v14, v27;
	v0 =	vmul.f32 v0, v8;
	[tilespmem:s1+$0xF800] =	vst v35  }
0x510: {  	v24 =	vadd.f32 v24, v25;
	v26 =	vadd.f32 v26, v21;
	v12 =	vmul.f32 v12, v8;
	v37 =	vld [tilespmem:s15+$0x11380]  }
0x511: {  	v51 =	vadd.f32 v34, v23;
	v14 =	vmul.f32 v14, v8;
	v0 =	vadd.f32 v0, v9;
	v38 =	vld [tilespmem:s15+$0x11000]  }
0x512: {  	v34 =	vperm.xlane v29, v61;
	v24 =	vmul.f32 v24, v8;
	v12 =	vadd.f32 v12, v9;
	v62 =	vld [tilespmem:s15+$0x11080]  }
0x513: {  	[tilespmem:s17+$0xF800] =	vst v0;
	v0 =	vadd.f32 v14, v9;
	v14 =	vmul.f32 v26, v8;
	v26 =	vadd.f32 v36, v22;
	v48 =	vld [tilespmem:s15+$0x11100]  }
0x514: {  	v52 =	vmul.f32 v51, v8;
	v24 =	vadd.f32 v24, v9;
	[tilespmem:s17+$0xF880] =	vst v12;
	v12 =	vperm.xlane v29, v41;
	v50 =	vld [tilespmem:s15+$0x11180]  }
0x515: {  	v36 =	vperm.xlane v29, v46;
	[tilespmem:s17+$0xF900] =	vst v0;
	v0 =	vadd.f32 v14, v9;
	v26 =	vmul.f32 v26, v8;
	v51 =	vld [tilespmem:s15+$0x11200]  }
0x516: {  	s28 =	simm.s32 $0x100;
	s19 =	simm.s32 $0x20;
	v49 =	vadd.f32 v52, v9;
	[tilespmem:s17+$0xF980] =	vst v24;
	v24 =	vperm.xlane v29, v42;
	v35 =	vperm.xlane v29, v40;
	v52 =	vld [tilespmem:s15+$0x11280]  }
0x517: {  	s30 =	sand.u32 $0x1C00, s28;
	s4 =	sand.u32 $0x70, s19;
	v14 =	vperm.xlane v29, v63;
	[tilespmem:s17+$0xFA00] =	vst v0;
	v0 =	vadd.f32 v26, v9;
	v26 =	vperm.xlane v29, v43  }
0x518: {  	s3 =	sor.u32 s29, s3;
	[tilespmem:s17+$0xFA80] =	vst v49;
	s1 =	sor.u32 s4, s30;
	v29 =	vperm.xlane v29, v45;
	v37 =	vmul.f32 v37, v31  }
0x519: {  	s30 =	sor.u32 $0x380, s3;
	v42 =	vld [tilespmem:s1+$0xF800];
	[tilespmem:s17+$0xFB00] =	vst v0;
	v38 =	vmul.f32 v38, v11;
	v0 =	vmul.f32 v62, v10  }
0x51a: {  	v39 =	vld [tilespmem:s30+$0xF800];
	v40 =	vmul.f32 v48, v7;
	v44 =	vmul.f32 v50, v6;
	v37 =	vadd.f32 v37, v36  }
0x51b: {  	v46 =	vld [tilespmem:s1+$0xF980];
	v62 =	vmul.f32 v51, v4;
	v41 =	vmul.f32 v52, v5;
	v38 =	vadd.f32 v38, v34  }
0x51c: {  	v43 =	vld [tilespmem:s1+$0xF880];
	v0 =	vadd.f32 v0, v35;
	v40 =	vadd.f32 v40, v14;
	v37 =	vmul.f32 v37, v1  }
0x51d: {  	v45 =	vld [tilespmem:s1+$0xF900];
	v44 =	vadd.f32 v44, v12;
	v62 =	vadd.f32 v62, v24;
	v38 =	vmul.f32 v38, v1  }
0x51e: {  	v49 =	vld [tilespmem:s1+$0xFA00];
	v51 =	vmul.f32 v0, v1;
	v0 =	vmul.f32 v40, v1;
	v37 =	vadd.f32 v37, v2  }
0x51f: {  	s31 =	simm.s32 $0x12820;
	v50 =	vld [tilespmem:s1+$0xFA80];
	v40 =	vadd.f32 v41, v26;
	v48 =	vmul.f32 v39, v32;
	v39 =	vmul.f32 v44, v1  }
0x520: {  	s29 =	simm.s32 $0x100;
	s3 =	simm.s32 $0x30;
	v47 =	vadd.f32 v38, v2;
	v44 =	vadd.f32 v51, v2;
	v38 =	vmul.f32 v62, v1;
	[tilespmem:s15+$0x11380] =	vst v37;
	v37 =	vld [tilespmem:s31+$0x0]  }
.LBB2_9:
0x521: {  	p0 =	sne.s32 s3, $0x2F0;
	v42 =	vmul.f32 v42, v20;
	v51 =	vld [tilespmem:s1+$0xFB00];
	v48 =	vadd.f32 v48, v33;
	s5 =	sadd.s32 $0x10, s5;
	v40 =	vmul.f32 v40, v1  }
0x522: {  	v43 =	vmul.f32 v43, v16;
	v45 =	vmul.f32 v45, v17;
	v0 =	vadd.f32 v0, v2;
	v41 =	vld [tilespmem:s5+$0x0];
	[tilespmem:s15+$0x11000] =	vst v47  }
0x523: {  	v46 =	vmul.f32 v46, v18;
	v42 =	vadd.f32 v42, v30;
	v47 =	vmul.f32 v48, v8;
	[tilespmem:s15+$0x11080] =	vst v44;
	v44 =	vld [tilespmem:s15+$0x11300]  }
0x524: {  	v43 =	vadd.f32 v43, v28;
	v48 =	vmul.f32 v49, v15;
	v49 =	vmul.f32 v50, v19;
	[tilespmem:s15+$0x11100] =	vst v0  }
0x525: {  	v0 =	vmul.f32 v42, v37;
	v42 =	vadd.f32 v45, v27;
	v45 =	vadd.f32 v47, v9  }
0x526: {  	v46 =	vadd.f32 v46, v25;
	v43 =	vmul.f32 v43, v37;
	v47 =	vmul.f32 v51, v13  }
0x527: {  	v48 =	vadd.f32 v48, v21;
	v0 =	vadd.f32 v0, v41;
	v42 =	vmul.f32 v42, v37;
	[tilespmem:s30+$0xF800] =	vst v45  }
0x528: {  	v43 =	vadd.f32 v43, v41;
	v45 =	vmul.f32 v46, v37;
	v46 =	vadd.f32 v49, v23;
	v49 =	vld [tilespmem:s17+$0x11380]  }
0x529: {  	v47 =	vadd.f32 v47, v22;
	[tilespmem:s1+$0xF800] =	vst v0;
	v0 =	vadd.f32 v42, v41;
	v42 =	vmul.f32 v48, v37;
	v48 =	vld [tilespmem:s17+$0x11000]  }
0x52a: {  	v44 =	vmul.f32 v44, v3;
	[tilespmem:s1+$0xF880] =	vst v43;
	v43 =	vadd.f32 v45, v41;
	v45 =	vmul.f32 v46, v37;
	v46 =	vld [tilespmem:s17+$0x11080]  }
0x52b: {  	v39 =	vadd.f32 v39, v2;
	[tilespmem:s1+$0xF900] =	vst v0;
	v0 =	vadd.f32 v42, v41;
	v42 =	vmul.f32 v47, v37;
	v47 =	vld [tilespmem:s17+$0x11100]  }
0x52c: {  	s28 =	sadd.s32 $0x80, s28;
	v44 =	vadd.f32 v44, v29;
	[tilespmem:s1+$0xF980] =	vst v43;
	v43 =	vadd.f32 v45, v41;
	v45 =	vld [tilespmem:s17+$0x11180]  }
0x52d: {  	s4 =	sand.u32 $0x1C00, s28;
	v38 =	vadd.f32 v38, v2;
	s30 =	sand.u32 $0x70, s3;
	[tilespmem:s1+$0xFA00] =	vst v0;
	v0 =	vadd.f32 v42, v41;
	v50 =	vld [tilespmem:s17+$0x11200];
	v49 =	vmul.f32 v49, v31  }
0x52e: {  	s19 =	sor.u32 s29, s19;
	s29 =	smov.u32 s28;
	v40 =	vadd.f32 v40, v2;
	s4 =	sor.u32 s30, s4;
	v44 =	vmul.f32 v44, v1;
	[tilespmem:s1+$0xFA80] =	vst v43;
	v43 =	vmul.f32 v48, v11;
	v48 =	vld [tilespmem:s17+$0x11280]  }
0x52f: {  	s30 =	sor.u32 $0x380, s19;
	s19 =	smov.u32 s3;
	v1 =	vmovc v8;
	v8 =	vmov v37;
	v42 =	vld [tilespmem:s4+$0xF800];
	[tilespmem:s1+$0xFB00] =	vst v0;
	v0 =	vmul.f32 v46, v10;
	v46 =	vadd.f32 v49, v36  }
0x530: {  	v2 =	vadd.f32 v44, v2;
	v37 =	vld [tilespmem:s30+$0xF800];
	v49 =	vadd.f32 v43, v34;
	v47 =	vmul.f32 v47, v7;
	[tilespmem:s15+$0x11180] =	vst v39  }
0x531: {  	v43 =	vld [tilespmem:s4+$0xF880];
	v0 =	vadd.f32 v0, v35;
	v39 =	vmul.f32 v45, v6;
	v44 =	vmul.f32 v46, v1;
	[tilespmem:s15+$0x11200] =	vst v38  }
.Ltmp5:
0x532: {  	v45 =	vld [tilespmem:s4+$0xF900];
	v38 =	vmul.f32 v49, v1;
	v47 =	vadd.f32 v47, v14;
	v50 =	vmul.f32 v50, v4;
	[tilespmem:s15+$0x11280] =	vst v40;
	(pc) =	sbr.rel @p0 .LBB2_9-.Ltmp5, $4  }
0x533: {  	v46 =	vld [tilespmem:s4+$0xF980];
	v39 =	vadd.f32 v39, v12;
	v40 =	vmul.f32 v48, v5;
	v44 =	vadd.f32 v44, v9;
	[tilespmem:s15+$0x11300] =	vst v2;
	s15 =	smov.u32 s17;
	s17 =	smov.u32 s1;
	s1 =	smov.u32 s4  }
0x534: {  	v51 =	vmul.f32 v0, v1;
	v2 =	vmovc v9;
	v49 =	vld [tilespmem:s1+$0xFA00];
	v0 =	vmul.f32 v47, v1;
	v52 =	vadd.f32 v50, v24  }
0x535: {  	s31 =	sadd.s32 $0x10, s31;
	v50 =	vld [tilespmem:s1+$0xFA80];
	v48 =	vmul.f32 v37, v32;
	v39 =	vmul.f32 v39, v1;
	v40 =	vadd.f32 v40, v26;
	[tilespmem:s15+$0x11380] =	vst v44  }
0x536: {  	s3 =	sadd.s32 $0x10, s3;
	v9 =	vmovc v41;
	v47 =	vadd.f32 v38, v2;
	v44 =	vadd.f32 v51, v2;
	v37 =	vld [tilespmem:s31+$0x0];
	v38 =	vmul.f32 v52, v1  }
0x537: {  	v41 =	vmul.f32 v42, v20;
	v51 =	vld [tilespmem:s1+$0xFB00];
	s3 =	sadd.s32 $0x10, s5  }
0x538: {  	v16 =	vmul.f32 v43, v16;
	v17 =	vmul.f32 v45, v17;
	v20 =	vld [tilespmem:s3+$0x0]  }
0x539: {  	v18 =	vmul.f32 v46, v18;
	v30 =	vadd.f32 v41, v30  }
0x53a: {  	v16 =	vadd.f32 v16, v28;
	v15 =	vmul.f32 v49, v15;
	v17 =	vadd.f32 v17, v27  }
0x53b: {  	v19 =	vmul.f32 v50, v19;
	v52 =	vmul.f32 v30, v37  }
0x53c: {  	v18 =	vadd.f32 v18, v25;
	v16 =	vmul.f32 v16, v37;
	v17 =	vmul.f32 v17, v37  }
0x53d: {  	v15 =	vadd.f32 v15, v21;
	v13 =	vmul.f32 v51, v13;
	v62 =	vadd.f32 v52, v20  }
0x53e: {  	v18 =	vmul.f32 v18, v37;
	v19 =	vadd.f32 v19, v23;
	v16 =	vadd.f32 v16, v20  }
0x53f: {  	v17 =	vadd.f32 v17, v20;
	v15 =	vmul.f32 v15, v37;
	v13 =	vadd.f32 v13, v22;
	[tilespmem:s1+$0xF800] =	vst v62  }
0x540: {  	v27 =	vadd.f32 v18, v20;
	v28 =	vmul.f32 v19, v37;
	[tilespmem:s1+$0xF880] =	vst v16  }
0x541: {  	[tilespmem:s1+$0xF900] =	vst v17;
	v15 =	vadd.f32 v15, v20;
	v13 =	vmul.f32 v13, v37  }
0x542: {  	[tilespmem:s1+$0xF980] =	vst v27;
	v30 =	vadd.f32 v28, v20  }
0x543: {  	v41 =	vadd.f32 v48, v33;
	[tilespmem:s1+$0xFA00] =	vst v15;
	v13 =	vadd.f32 v13, v20  }
0x544: {  	s29 =	sor.u32 s29, s19;
	[tilespmem:s1+$0xFA80] =	vst v30  }
0x545: {  	s3 =	sor.u32 $0x380, s29;
	v15 =	vmul.f32 v41, v8;
	[tilespmem:s1+$0xFB00] =	vst v13  }
0x546: {  	v13 =	vld [tilespmem:s3+$0xF800]  }
0x547: {  	v15 =	vadd.f32 v15, v9;
	_ =	sdelay $0x1  }
0x548: {  	[tilespmem:s30+$0xF800] =	vst v15  }
0x549: {  	v15 =	vld [tilespmem:s17+$0x11380]  }
0x54a: {  	v42 =	vld [tilespmem:s17+$0x11000];
	v13 =	vmul.f32 v13, v32  }
0x54b: {  	v43 =	vld [tilespmem:s17+$0x11080]  }
0x54c: {  	[tilespmem:s15+$0x11000] =	vst v47;
	v47 =	vld [tilespmem:s17+$0x11180];
	v13 =	vadd.f32 v13, v33  }
0x54d: {  	v46 =	vld [tilespmem:s17+$0x11100]  }
0x54e: {  	v52 =	vld [tilespmem:s17+$0x11200];
	v13 =	vmul.f32 v13, v37;
	_ =	sdelay $0x1  }
0x54f: {  	v17 =	vmul.f32 v43, v10;
	v13 =	vadd.f32 v13, v20  }
0x550: {  	v45 =	vld [tilespmem:s15+$0x11300];
	v0 =	vadd.f32 v0, v2;
	v15 =	vmul.f32 v15, v31;
	v21 =	vmul.f32 v47, v6  }
0x551: {  	v62 =	vld [tilespmem:s17+$0x11280];
	v16 =	vmul.f32 v42, v11;
	v41 =	vmul.f32 v46, v7;
	v17 =	vadd.f32 v17, v35;
	[tilespmem:s3+$0xF800] =	vst v13  }
0x552: {  	v25 =	vmul.f32 v52, v4;
	v15 =	vadd.f32 v15, v36;
	v47 =	vadd.f32 v21, v12;
	v49 =	vld [tilespmem:s1+$0x11380]  }
0x553: {  	v43 =	vadd.f32 v38, v2;
	v48 =	vadd.f32 v16, v34;
	v17 =	vmul.f32 v17, v8;
	v50 =	vld [tilespmem:s1+$0x11000]  }
0x554: {  	[tilespmem:s15+$0x11100] =	vst v0;
	v25 =	vadd.f32 v25, v24;
	v15 =	vmul.f32 v15, v8;
	v0 =	vmul.f32 v47, v8;
	v51 =	vld [tilespmem:s1+$0x11080]  }
0x555: {  	v30 =	vadd.f32 v17, v9;
	v17 =	vadd.f32 v41, v14;
	v13 =	vmul.f32 v48, v8  }
0x556: {  	v15 =	vadd.f32 v15, v9;
	v0 =	vadd.f32 v0, v9;
	v48 =	vmul.f32 v62, v5;
	v46 =	vld [tilespmem:s1+$0x11200]  }
0x557: {  	v42 =	vld [tilespmem:s17+$0x11300];
	[tilespmem:s17+$0x11080] =	vst v30;
	v52 =	vmul.f32 v17, v8;
	v30 =	vmul.f32 v25, v8;
	v13 =	vadd.f32 v13, v9  }
0x558: {  	[tilespmem:s15+$0x11080] =	vst v44;
	v44 =	vld [tilespmem:s1+$0x11100];
	v62 =	vadd.f32 v48, v26;
	v16 =	vmul.f32 v49, v31;
	v31 =	vmul.f32 v45, v3  }
0x559: {  	[tilespmem:s17+$0x11000] =	vst v13;
	v13 =	vadd.f32 v39, v2;
	v32 =	vmul.f32 v50, v11;
	v33 =	vmul.f32 v51, v10  }
0x55a: {  	[tilespmem:s15+$0x11200] =	vst v43;
	v50 =	vmul.f32 v40, v1;
	v36 =	vadd.f32 v16, v36;
	v39 =	vadd.f32 v31, v29  }
0x55b: {  	[tilespmem:s17+$0x11380] =	vst v15;
	v45 =	vld [tilespmem:s1+$0x11180];
	v40 =	vmul.f32 v46, v4;
	v11 =	vadd.f32 v32, v34;
	v10 =	vadd.f32 v33, v35  }
0x55c: {  	[tilespmem:s17+$0x11180] =	vst v0;
	v49 =	vld [tilespmem:s1+$0x11280];
	v21 =	vadd.f32 v50, v2;
	v31 =	vmul.f32 v62, v8;
	v32 =	vmul.f32 v42, v3  }
0x55d: {  	[tilespmem:s15+$0x11180] =	vst v13;
	v34 =	vmul.f32 v44, v7;
	v35 =	vadd.f32 v30, v9;
	v15 =	vmul.f32 v36, v37  }
0x55e: {  	v33 =	vld [tilespmem:s1+$0x11300];
	v44 =	vadd.f32 v40, v24;
	v11 =	vmul.f32 v11, v37;
	[tilespmem:s15+$0x11280] =	vst v21;
	v38 =	vadd.f32 v31, v9  }
0x55f: {  	v10 =	vmul.f32 v10, v37;
	v51 =	vmul.f32 v39, v1;
	[tilespmem:s17+$0x11200] =	vst v35;
	v15 =	vadd.f32 v15, v20  }
0x560: {  	v39 =	vadd.f32 v34, v14;
	v36 =	vmul.f32 v45, v6;
	v11 =	vadd.f32 v11, v20;
	[tilespmem:s17+$0x11280] =	vst v38  }
0x561: {  	v47 =	vmul.f32 v44, v37;
	v42 =	vmul.f32 v49, v5;
	v10 =	vadd.f32 v10, v20;
	[tilespmem:s1+$0x11380] =	vst v15  }
0x562: {  	v1 =	vadd.f32 v51, v2;
	v43 =	vmul.f32 v39, v37;
	v6 =	vadd.f32 v36, v12;
	[tilespmem:s1+$0x11000] =	vst v11  }
0x563: {  	v51 =	vadd.f32 v47, v20;
	v45 =	vmul.f32 v33, v3;
	v5 =	vadd.f32 v42, v26;
	[tilespmem:s1+$0x11080] =	vst v10  }
0x564: {  	v15 =	vadd.f32 v52, v9;
	v10 =	vadd.f32 v32, v29;
	[tilespmem:s15+$0x11300] =	vst v1;
	v6 =	vmul.f32 v6, v37  }
0x565: {  	v0 =	vadd.f32 v43, v20;
	[tilespmem:s1+$0x11200] =	vst v51;
	v48 =	vadd.f32 v45, v29;
	v49 =	vmul.f32 v5, v37  }
0x566: {  	[tilespmem:s17+$0x11100] =	vst v15;
	v41 =	vmul.f32 v10, v8;
	v50 =	vadd.f32 v6, v20  }
0x567: {  	s30 =	sor.u32 s9, s16;
	[tilespmem:s1+$0x11100] =	vst v0;
	v52 =	vmul.f32 v48, v37;
	v62 =	vadd.f32 v49, v20  }
.Ltmp6:
0x568: {  	s3 =	sshrl.u32 s30, $0x3;
	v46 =	vadd.f32 v41, v9;
	[tilespmem:s1+$0x11180] =	vst v50;
	(pc) =	sbr.rel @p1 .LBB2_12-.Ltmp6, $4  }
0x569: {  	s3 =	smul.u32 $0x300, s3;
	v1 =	vadd.f32 v52, v20;
	[tilespmem:s1+$0x11280] =	vst v62  }
0x56a: {  	[tilespmem:s17+$0x11300] =	vst v46  }
0x56b: {  	s31 =	sadd.s32 s7, s3;
	[tilespmem:s1+$0x11300] =	vst v1  }
0x56c: {  	[hbm4b:s31+s8] =	stream.linear.scatter [tilespmem:s26], [sflag:$0x4], $0x3000, $0x38;
	[tilespmem:$0x13E00] =	vst v63  }
0x56d: {  	v0 =	vld [tilespmem:s12+$0x30];
	_ =	sdelay $0x3  }
0x56e: {  	v62 =	vld [tilespmem:$0x1FFD0]  }
0x56f: {  	v1 =	vshrl.u32 v0, $0x3  }
0x570: {  	v2 =	vld [tilespmem:$0x1FFE0];
	v1 =	vmul.u32 $0x30, v1  }
0x571: {  	v0 =	vand.u32 $0x7, v0  }
0x572: {  	v0 =	vor.u32 v0, v1  }
0x573: {  	v1 =	vperm.xlane v0, v62  }
0x574: {  	v3 =	vld [tilespmem:$0x1FFF0]  }
0x575: {  	v1 =	vadd.s32 v2, v1;
	_ =	sdelay $0x3  }
0x576: {  	s1 =	simm.s32 $0x3800;
	v0 =	vperm.xlane v0, v3  }
0x577: {  	[tilespmem:s1], [sflag:$0x2] =	stream.indirect_vreg.gather [hbm4b:s0+s8], $0x80, v1, vm0, $0xb8;
	[tilespmem:$0x13E00] =	vst v63  }
0x578: {  	s28 =	simm.s32 $0x4000;
	v0 =	vadd.s32 v2, v0  }
0x579: {  	[tilespmem:s28], [sflag:$0x2] =	stream.indirect_vreg.gather [hbm4b:s13+s8], $0x80, v1, vm0, $0xb8;
	[tilespmem:$0x13E00] =	vst v63  }
0x57a: {  	s29 =	simm.s32 $0x4800  }
0x57b: {  	[tilespmem:s29], [sflag:$0x2] =	stream.indirect_vreg.gather [hbm4b:s14+s8], $0x80, v1, vm0, $0xb8;
	[tilespmem:$0x13E00] =	vst v63  }
0x57c: {  	s30 =	simm.s32 $0x5000;
	s31 =	sadd.s32 $0x30, s12  }
0x57d: {  	[tilespmem:s30], [sflag:$0x2] =	stream.indirect_vreg.gather [hbm4b:s0+s8], $0x80, v0, vm0, $0xb8;
	[tilespmem:$0x13E00] =	vst v63  }
0x57e: {  	s3 =	simm.s32 $0x5800;
	s1 =	sadd.s32 s10, s31  }
0x57f: {  	[tilespmem:s3], [sflag:$0x2] =	stream.indirect_vreg.gather [hbm4b:s13+s8], $0x80, v0, vm0, $0xb8;
	[tilespmem:$0x13E00] =	vst v63  }
.Ltmp7:
0x580: {  	s1 =	sshrl.u32 s1, $0x3;
	(pc) =	sbr.rel .LBB2_2-.Ltmp7, $4  }
0x581: {  	s1 =	smul.u32 $0x300, s1  }
0x582: {  	[tilespmem:s6], [sflag:$0x2] =	stream.indirect_vreg.gather [hbm4b:s14+s8], $0x80, v0, vm0, $0xb8;
	[tilespmem:$0x13E00] =	vst v63  }
0x583: {  	s11 =	sadd.s32 $0x1, s11;
	s1 =	sadd.s32 s2, s1  }
0x584: {  	v5 =	vlaneseq.u32;
	v10 =	vimm.s32 $0x9;
	[tilespmem:s18], [sflag:$0x2] =	stream.linear.gather [hbm4b:s1+s8], $0x3000, $0x38;
	[tilespmem:$0x13E00] =	vst v63  }
.LBB2_13:
0x585: {  	_ =	sfence.sel $0x180000  }
0x586: {  	[bflag:$0x0] =	sbarrier.arrive $0xFFFF  }
0x587: {  	_ =	strace $0x90000047  }
0x588: {  	s0 =	stileid.u32;
	[bflag:$0x2] =	sbarrier.arrive $0xFFFF  }
0x589: {  	p0 =	sne.s32 s0, $0x0;
	s0 =	rddreg [dreg:$0x7]  }
0x58a: {  	s0 =	sadd.s32 @!p0 $0x100000, s0  }
0x58b: {  	[sflag:s0] =	ssyncadd.tile.s32 @!p0 $0x1;
	_ =	shalt  }
.Lfunc_end2:
_tile_overlayer_lowered:
.L_overlay_start_2:
0x58c: {  	(tag) =	ssettag $0x2  }
0x58d: {  	s0 =	rddreg [dreg:$0x0];
	s2 =	stileid.u32  }
0x58e: {  	s1 =	rddreg [dreg:$0x1];
	p0 =	sne.s32 s2, $0x0  }
0x58f: {  	s3 =	rddreg [dreg:$0x2];
	[bflag:$0x3] =	sbarrier.arrive $0xFFFF;
	s2 =	simm.s32 @!p0 $0x1C05  }
0x590: {  	[timem:s3], [sflag:s2] =	dma.local @!p0 [hbm:s0], s1  }
0x591: {  	s0 =	simm.s32 @!p0 $0x5  }
0x592: {  	_ =	swait.ge @!p0 [sflag:s0], s1  }
0x593: {  	s1 =	ssub.s32 @!p0 $0x0, s1;
	[sflag:s0] =	ssyncset.done @!p0 $0x0  }
0x594: {  	[sflag:s0] =	ssyncadd.s32 @!p0 s1  }
0x595: {  	[bflag:$0x3] =	sbarrier.arrive $0xFFFF  }
0x596: {  	_ =	shalt  }

</sc_bundles>
